<compile_context>
chip_gen: v7x
topology: tpu7x:2x2x1
jax: 0.10.2.dev20260603
libtpu: 0.0.44.dev20260713+nightly
codegen_flags: <defaults>
</compile_context>

<pallas_src>
import functools

import jax
import jax.numpy as jnp
from jax import lax
from jax.experimental import pallas as pl
from jax.experimental.pallas import tpu as pltpu
from jax.experimental.pallas import tpu_sc as plsc

NC = 2
NS = 16
NW = NC * NS
LANES = 16
CH = 64
RING = 4

_SC_PARAMS = pltpu.CompilerParams(needs_layout_passes=False)


def _round_up(x, m):
    return (x + m - 1) // m * m


def _make_sc_deg(NP, EP, cpw):
    mesh = plsc.VectorSubcoreMesh(core_axis_name="c", subcore_axis_name="s",
                                  num_cores=NC, num_subcores=NS)
    epw = EP // NW
    rpt = NP // NS

    @functools.partial(
        pl.kernel,
        out_type=jax.ShapeDtypeStruct((NC, NP), jnp.float32),
        mesh=mesh,
        compiler_params=_SC_PARAMS,
        scratch_types=[
            pltpu.VMEM((epw,), jnp.int32),
            pltpu.VMEM((NP,), jnp.float32),
            pltpu.VMEM((NS, rpt), jnp.float32),
            pltpu.VMEM((rpt,), jnp.float32),
            pltpu.VMEM_SHARED((NS, NP), jnp.float32),
        ],
    )
    def k(col_hbm, out_hbm, idxb, degl, redb, accb, stage):
        cid = lax.axis_index("c")
        sid = lax.axis_index("s")
        wid = sid * NC + cid

        zero16 = jnp.zeros((LANES,), jnp.float32)
        @pl.loop(0, NP, step=LANES)
        def _(i):
            degl[pl.ds(i, LANES)] = zero16

        pltpu.sync_copy(col_hbm.at[pl.ds(wid * epw, epw)], idxb)

        ones16 = jnp.ones((LANES,), jnp.float32)
        @pl.loop(0, epw, step=LANES)
        def _(g):
            idx16 = idxb[pl.ds(g, LANES)]
            plsc.addupdate_scatter(degl, [idx16], ones16)

        pltpu.sync_copy(degl, stage.at[sid])
        plsc.subcore_barrier()

        r0 = sid * rpt
        pltpu.sync_copy(stage.at[:, pl.ds(r0, rpt)], redb)

        @pl.loop(0, rpt, step=LANES)
        def _(j):
            v = redb[0, pl.ds(j, LANES)]
            for s in range(1, NS):
                v = v + redb[s, pl.ds(j, LANES)]
            accb[pl.ds(j, LANES)] = v

        pltpu.sync_copy(accb, out_hbm.at[cid, pl.ds(r0, rpt)])

    return k


_PH0 = 7
_PH1 = 1
_NPH = _PH0 + _PH1


def _make_sc_agg(NP, D, cpp):
    mesh = plsc.VectorSubcoreMesh(core_axis_name="c", subcore_axis_name="s",
                                  num_cores=NC, num_subcores=NS)
    rpt = NP // NS
    PCH = cpp // _NPH

    @functools.partial(
        pl.kernel,
        out_type=jax.ShapeDtypeStruct((NC, NP, D), jnp.float32),
        mesh=mesh,
        compiler_params=_SC_PARAMS,
        scratch_types=[
            pltpu.VMEM((PCH, CH), jnp.int32),
            [pltpu.VMEM((CH,), jnp.int32) for _ in range(RING)],
            pltpu.VMEM((CH,), jnp.int32),
            [pltpu.VMEM((CH, D), jnp.float32) for _ in range(RING)],
            pltpu.VMEM_SHARED((NP, D), jnp.float32),
            [pltpu.SemaphoreType.DMA for _ in range(RING)],
        ],
    )
    def k(h_hbm, rc_hbm, out_hbm,
          rcb, ridx, cidx, rows, acc_sh, sems):
        cid = lax.axis_index("c")
        sid = lax.axis_index("s")

        zero16 = jnp.zeros((LANES,), jnp.float32)

        @pl.loop(0, CH)
        def _(r):
            @pl.loop(0, D, step=LANES)
            def _(j):
                rows[0][r, pl.ds(j, LANES)] = zero16

        r0 = sid * rpt
        n_zfull = rpt // CH
        zrem = rpt - n_zfull * CH
        for z in range(n_zfull):
            pltpu.sync_copy(rows[0], acc_sh.at[pl.ds(r0 + z * CH, CH)])
        if zrem:
            pltpu.sync_copy(rows[0].at[pl.ds(0, zrem)],
                            acc_sh.at[pl.ds(r0 + n_zfull * CH, zrem)])

        c0 = jnp.where(cid == 0, sid * (_PH0 * PCH),
                       NS * _PH0 * PCH + sid * (_PH1 * PCH))
        nph = jnp.where(cid == 0, _PH0, _PH1)
        plsc.subcore_barrier()

        mask = jnp.full((LANES,), 0xFFFF, jnp.int32)
        shift = jnp.full((LANES,), 16, jnp.int32)

        def unpack_rows(c, dst):
            @pl.loop(0, CH, step=LANES)
            def _(j):
                v = rcb[c, pl.ds(j, LANES)]
                dst[pl.ds(j, LANES)] = v & mask

        def unpack_cols(c, dst):
            @pl.loop(0, CH, step=LANES)
            def _(j):
                v = rcb[c, pl.ds(j, LANES)]
                dst[pl.ds(j, LANES)] = lax.shift_right_logical(v, shift)

        @pl.loop(0, nph)
        def _(p):
            pltpu.sync_copy(rc_hbm.at[pl.ds(c0 + p * PCH, PCH)], rcb)
            for i in range(RING):
                unpack_rows(i, ridx[i])
                pltpu.async_copy(h_hbm.at[ridx[i]], rows[i], sems[i])

            @pl.loop(0, PCH, step=RING)
            def _(c):
                for i in range(RING):
                    pltpu.make_async_copy(
                        h_hbm.at[ridx[i]], rows[i], sems[i]).wait()
                    unpack_cols(c + i, cidx)
                    pltpu.sync_copy(rows[i], acc_sh.at[cidx], add=True)

                    @pl.when(c + i + RING < PCH)
                    def _():
                        unpack_rows(c + i + RING, ridx[i])
                        pltpu.async_copy(h_hbm.at[ridx[i]], rows[i], sems[i])

        plsc.subcore_barrier()

        WB = 80
        n_wb = rpt // WB
        wrem = rpt - n_wb * WB
        spans = [(k_ * WB, WB) for k_ in range(n_wb)]
        if wrem:
            spans.append((n_wb * WB, wrem))
        for j, (off, ln) in enumerate(spans):
            pltpu.async_copy(acc_sh.at[pl.ds(r0 + off, ln)],
                             out_hbm.at[cid, pl.ds(r0 + off, ln)],
                             sems[j % RING])
        for j, (off, ln) in enumerate(spans):
            pltpu.make_async_copy(acc_sh.at[pl.ds(r0 + off, ln)],
                                  out_hbm.at[cid, pl.ds(r0 + off, ln)],
                                  sems[j % RING]).wait()

    return k


def _dot(a, b):
    return lax.dot_general(
        a, b, (((1,), (0,)), ((), ())),
        precision=lax.Precision.HIGHEST,
        preferred_element_type=jnp.float32,
    )


def _tc_scale_mm(x, w, d0, d1, BR):
    N, D = x.shape

    def body(x_ref, w_ref, d0_ref, d1_ref, h_ref, dv_ref):
        deg = d0_ref[...] + d1_ref[...] + 1.0
        dv = lax.rsqrt(deg)
        h_ref[...] = _dot(x_ref[...], w_ref[...]) * dv
        dv_ref[...] = dv

    return pl.pallas_call(
        body,
        grid=(N // BR,),
        in_specs=[
            pl.BlockSpec((BR, D), lambda i: (i, 0)),
            pl.BlockSpec((D, D), lambda i: (0, 0)),
            pl.BlockSpec((BR, 1), lambda i: (i, 0)),
            pl.BlockSpec((BR, 1), lambda i: (i, 0)),
        ],
        out_specs=[
            pl.BlockSpec((BR, D), lambda i: (i, 0)),
            pl.BlockSpec((BR, 1), lambda i: (i, 0)),
        ],
        out_shape=[
            jax.ShapeDtypeStruct((N, D), jnp.float32),
            jax.ShapeDtypeStruct((N, 1), jnp.float32),
        ],
    )(x, w, d0, d1)


def _tc_layer_mm(acc, hp, dinv, b, w, BR):
    N, D = hp.shape
    PA = acc.shape[0]

    def body(acc_ref, h_ref, dv_ref, b_ref, w_ref, o_ref):
        a = jnp.sum(acc_ref[...], axis=0)
        dv = dv_ref[...]
        s = dv * (a + h_ref[...]) + b_ref[...]
        x1 = jnp.where(s >= 0, s, 0.01 * s)
        o_ref[...] = _dot(x1, w_ref[...]) * dv

    return pl.pallas_call(
        body,
        grid=(N // BR,),
        in_specs=[
            pl.BlockSpec((PA, BR, D), lambda i: (0, i, 0)),
            pl.BlockSpec((BR, D), lambda i: (i, 0)),
            pl.BlockSpec((BR, 1), lambda i: (i, 0)),
            pl.BlockSpec((1, D), lambda i: (0, 0)),
            pl.BlockSpec((D, D), lambda i: (0, 0)),
        ],
        out_specs=pl.BlockSpec((BR, D), lambda i: (i, 0)),
        out_shape=jax.ShapeDtypeStruct((N, D), jnp.float32),
    )(acc, hp, dinv, b, w)


def _tc_out(acc, hp, dinv, b, BR):
    N, D = hp.shape
    PA = acc.shape[0]

    def body(acc_ref, h_ref, dv_ref, b_ref, o_ref):
        a = jnp.sum(acc_ref[...], axis=0)
        s = dv_ref[...] * (a + h_ref[...]) + b_ref[...]
        o_ref[...] = jnp.where(s >= 0, s, 0.01 * s)

    return pl.pallas_call(
        body,
        grid=(N // BR,),
        in_specs=[
            pl.BlockSpec((PA, BR, D), lambda i: (0, i, 0)),
            pl.BlockSpec((BR, D), lambda i: (i, 0)),
            pl.BlockSpec((BR, 1), lambda i: (i, 0)),
            pl.BlockSpec((1, D), lambda i: (0, 0)),
        ],
        out_specs=pl.BlockSpec((BR, D), lambda i: (i, 0)),
        out_shape=jax.ShapeDtypeStruct((N, D), jnp.float32),
    )(acc, hp, dinv, b)


def kernel(inputs, edge_index, W1, b1, W2, b2):
    N, D = inputs.shape
    E = edge_index.shape[1]

    cpp = _round_up(-(-E // (NS * CH)), _NPH * 8)
    EP = NS * cpp * CH
    pad = EP - E
    NP = _round_up(N + 1, NS * LANES)
    NPA = _round_up(N + 1, 128)
    BR = 1000 if N % 1000 == 0 else 8

    row = edge_index[0].astype(jnp.int32)
    col = edge_index[1].astype(jnp.int32)
    rowp = jnp.concatenate([row, jnp.zeros((pad,), jnp.int32)])
    colp = jnp.concatenate([col, jnp.full((pad,), N, jnp.int32)])
    rc = (rowp | (colp << 16)).reshape(-1, CH)

    sc_deg = _make_sc_deg(NP, EP, cpp)
    sc_agg = _make_sc_agg(NPA, D, cpp)

    degp = sc_deg(colp)
    d0 = degp[0, :N, None]
    d1 = degp[1, :N, None]

    h1p, dinv = _tc_scale_mm(inputs, W1, d0, d1, BR)
    acc1 = sc_agg(h1p, rc)
    h2p = _tc_layer_mm(acc1, h1p, dinv, b1.reshape(1, D), W2, BR)
    acc2 = sc_agg(h2p, rc)
    return _tc_out(acc2, h2p, dinv, b2.reshape(1, D), BR)

# --- scband reference (transcript-rebuilt; emitter-appended) ---
"""Pipeline reference for scband-gcnmodel-76510547411355 (READ-ONLY COPY).

The authoritative reference and input builder live on the scoring server;
editing this copy changes nothing except your own understanding.
"""

import jax, jax.numpy as jnp
import numpy as np

N = 10000
E = 320000
D_IN = 128
D_HID = 128
D_OUT = 128


def setup_inputs(seed: int = 0):
    key = jax.random.key(seed)
    k1, k2, k3, k4, k5, k6 = jax.random.split(key, 6)
    inputs = jax.random.normal(k1, (N, D_IN), dtype=jnp.float32)
    edge_index = jax.random.randint(k2, (2, E), 0, N)
    W1 = jax.random.normal(k3, (D_IN, D_HID), dtype=jnp.float32) * 0.05
    b1 = jnp.zeros((D_HID,), dtype=jnp.float32)
    W2 = jax.random.normal(k4, (D_HID, D_OUT), dtype=jnp.float32) * 0.05
    b2 = jnp.zeros((D_OUT,), dtype=jnp.float32)
    return {"inputs": inputs, "edge_index": edge_index, "W1": W1, "b1": b1, "W2": W2, "b2": b2}


def _gcn_conv(x, edge_index, W, b):
    # PyG GCNConv with add_self_loops=True and symmetric normalization:
    # out = D^{-1/2} (A + I) D^{-1/2} X W + b
    h = x @ W
    row = edge_index[0]
    col = edge_index[1]
    loop = jnp.arange(N, dtype=row.dtype)
    row = jnp.concatenate([row, loop])
    col = jnp.concatenate([col, loop])
    deg = jnp.zeros((N,), dtype=h.dtype).at[col].add(1.0)
    deg_inv_sqrt = jnp.where(deg > 0, jax.lax.rsqrt(deg), 0.0)
    norm = deg_inv_sqrt[row] * deg_inv_sqrt[col]
    msg = h[row] * norm[:, None]
    out = jnp.zeros((N, h.shape[1]), dtype=h.dtype).at[col].add(msg)
    return out + b


def reference(inputs, edge_index, W1, b1, W2, b2):
    x = _gcn_conv(inputs, edge_index, W1, b1)
    x = jax.nn.leaky_relu(x, negative_slope=0.01)
    x = _gcn_conv(x, edge_index, W2, b2)
    x = jax.nn.leaky_relu(x, negative_slope=0.01)
    return x

if __name__ == "__main__":
    import jax
    _d = setup_inputs()
    print(jax.jit(kernel)(*tuple(_d.values())))

</pallas_src>

<mosaic_0001>
#map = affine_map<(d0, d1) -> (0)>
#map1 = affine_map<(d0, d1) -> (0, 0)>
module attributes {stable_mosaic.version = 14 : i64} {
  func.func @k(%arg0: i32, %arg1: i32, %arg2: memref<327680xi32, #tpu.memory_space<hbm>>, %arg3: memref<2x10240xf32, #tpu.memory_space<hbm>>, %arg4: memref<10240xi32, #tpu.memory_space<vmem>>, %arg5: memref<10240xf32, #tpu.memory_space<vmem>>, %arg6: memref<16x640xf32, #tpu.memory_space<vmem>>, %arg7: memref<640xf32, #tpu.memory_space<vmem>>, %arg8: memref<16x10240xf32, #tpu.memory_space<vmem_shared>>) attributes {dimension_semantics = [#tpu.dimension_semantics<core_parallel>, #tpu.dimension_semantics<subcore_parallel>], iteration_bounds = array<i64: 2, 16>, scalar_prefetch = 0 : i64, scratch_operands = 5 : i64, tpu.core_type = #tpu.core_type<sc_vector_subcore>, window_params = [{transform_indices = #map}, {transform_indices = #map1}]} {
    %mul3A = arith.constant 2 : i32
    %mul3A_0 = arith.muli %arg1, %mul3A : i32
    %add3A = arith.addi %mul3A_0, %arg0 : i32
    %broadcast_in_dim3A = arith.constant 0.000000e+00 : f32
    %broadcast_in_dim3A_1 = vector.broadcast %broadcast_in_dim3A : f32 to vector<16xf32>
    %scan3A = arith.constant 0 : i32
    %scan3A_2 = arith.constant 640 : i32
    %scan3A_3 = arith.addi %scan3A, %scan3A_2 : i32
    %scan3A_4 = arith.constant 1 : i32
    scf.for %scan3A_22 = %scan3A to %scan3A_3 step %scan3A_4  : i32 {
      %mul3A_23 = arith.constant 16 : i32
      %mul3A_24 = arith.muli %scan3A_22, %mul3A_23 : i32
      %add3A_25 = arith.constant 0 : i32
      %add3A_26 = arith.addi %add3A_25, %mul3A_24 : i32
      %swap3A = arith.index_cast %add3A_26 : i32 to index
      %swap3A_27 = tpu.vector_load %arg5[%swap3A] {strides = array<i32>} : memref<10240xf32, #tpu.memory_space<vmem>>, vector<16xf32>,
      tpu.vector_store %arg5[%swap3A], %broadcast_in_dim3A_1 {strides = array<i32>} : memref<10240xf32, #tpu.memory_space<vmem>>, vector<16xf32>,
    }
    %scan3A_5 = arith.constant 640 : i32
    %mul3A_6 = arith.constant 10240 : i32
    %mul3A_7 = arith.muli %add3A, %mul3A_6 : i32
    "tpu.region"() ({
      %run_scoped3A = tpu.sem_alloc : memref<!tpu.dma_semaphore, #tpu.memory_space<semaphore_mem>>
      %dma_start3A = tpu.memref_slice %arg2[%mul3A_7] : memref<327680xi32, #tpu.memory_space<hbm>> -> memref<10240xi32, #tpu.memory_space<hbm>>
      %dma_start3A_22 = tpu.memref_slice %arg2[%mul3A_7] : memref<327680xi32, #tpu.memory_space<hbm>> -> memref<10240xi32, #tpu.memory_space<hbm>>
      tpu.enqueue_dma source(%dma_start3A_22 : memref<10240xi32, #tpu.memory_space<hbm>>) target(%arg4 : memref<10240xi32, #tpu.memory_space<vmem>>) target_semaphore(%run_scoped3A : memref<!tpu.dma_semaphore, #tpu.memory_space<semaphore_mem>>)
      %dma_wait3A = tpu.memref_slice %arg2[%mul3A_7] : memref<327680xi32, #tpu.memory_space<hbm>> -> memref<10240xi32, #tpu.memory_space<hbm>>
      %dma_wait3A_23 = tpu.memref_slice %arg2[%mul3A_7] : memref<327680xi32, #tpu.memory_space<hbm>> -> memref<10240xi32, #tpu.memory_space<hbm>>
      tpu.wait_dma2 semaphore(%run_scoped3A : memref<!tpu.dma_semaphore, #tpu.memory_space<semaphore_mem>>) src(%dma_wait3A_23 : memref<10240xi32, #tpu.memory_space<hbm>>) dst(%arg4 : memref<10240xi32, #tpu.memory_space<vmem>>)
      tpu.yield
    }) : () -> ()
    %broadcast_in_dim3A_8 = arith.constant 1.000000e+00 : f32
    %broadcast_in_dim3A_9 = vector.broadcast %broadcast_in_dim3A_8 : f32 to vector<16xf32>
    %scan3A_10 = arith.constant 0 : i32
    %scan3A_11 = arith.constant 640 : i32
    %scan3A_12 = arith.addi %scan3A_10, %scan3A_11 : i32
    %scan3A_13 = arith.constant 1 : i32
    scf.for %scan3A_22 = %scan3A_10 to %scan3A_12 step %scan3A_13  : i32 {
      %mul3A_23 = arith.constant 16 : i32
      %mul3A_24 = arith.muli %scan3A_22, %mul3A_23 : i32
      %add3A_25 = arith.constant 0 : i32
      %add3A_26 = arith.addi %add3A_25, %mul3A_24 : i32
      %get3A = arith.index_cast %add3A_26 : i32 to index
      %get3A_27 = tpu.vector_load %arg4[%get3A] {strides = array<i32>} : memref<10240xi32, #tpu.memory_space<vmem>>, vector<16xi32>,
      tpu.vector_store_idx %arg5[%get3A_27], %broadcast_in_dim3A_9 {add = true} : memref<10240xf32, #tpu.memory_space<vmem>>[vector<16xi32>], vector<16xf32>,
    }
    %scan3A_14 = arith.constant 640 : i32
    "tpu.region"() ({
      %run_scoped3A = tpu.sem_alloc : memref<!tpu.dma_semaphore, #tpu.memory_space<semaphore_mem>>
      %dma_start3A = arith.constant 0 : i32
      %dma_start3A_22 = tpu.memref_slice %arg8[%arg1, %dma_start3A] : memref<16x10240xf32, #tpu.memory_space<vmem_shared>> -> memref<1x10240xf32, #tpu.memory_space<vmem_shared>>
      %dma_start3A_23 = tpu.memref_squeeze %dma_start3A_22 : memref<1x10240xf32, #tpu.memory_space<vmem_shared>> -> memref<10240xf32, #tpu.memory_space<vmem_shared>>
      %dma_start3A_24 = arith.constant 0 : i32
      %dma_start3A_25 = tpu.memref_slice %arg8[%arg1, %dma_start3A_24] : memref<16x10240xf32, #tpu.memory_space<vmem_shared>> -> memref<1x10240xf32, #tpu.memory_space<vmem_shared>>
      %dma_start3A_26 = tpu.memref_squeeze %dma_start3A_25 : memref<1x10240xf32, #tpu.memory_space<vmem_shared>> -> memref<10240xf32, #tpu.memory_space<vmem_shared>>
      tpu.enqueue_dma source(%arg5 : memref<10240xf32, #tpu.memory_space<vmem>>) target(%dma_start3A_26 : memref<10240xf32, #tpu.memory_space<vmem_shared>>) target_semaphore(%run_scoped3A : memref<!tpu.dma_semaphore, #tpu.memory_space<semaphore_mem>>)
      %dma_wait3A = arith.constant 0 : i32
      %dma_wait3A_27 = tpu.memref_slice %arg8[%arg1, %dma_wait3A] : memref<16x10240xf32, #tpu.memory_space<vmem_shared>> -> memref<1x10240xf32, #tpu.memory_space<vmem_shared>>
      %dma_wait3A_28 = tpu.memref_squeeze %dma_wait3A_27 : memref<1x10240xf32, #tpu.memory_space<vmem_shared>> -> memref<10240xf32, #tpu.memory_space<vmem_shared>>
      %dma_wait3A_29 = arith.constant 0 : i32
      %dma_wait3A_30 = tpu.memref_slice %arg8[%arg1, %dma_wait3A_29] : memref<16x10240xf32, #tpu.memory_space<vmem_shared>> -> memref<1x10240xf32, #tpu.memory_space<vmem_shared>>
      %dma_wait3A_31 = tpu.memref_squeeze %dma_wait3A_30 : memref<1x10240xf32, #tpu.memory_space<vmem_shared>> -> memref<10240xf32, #tpu.memory_space<vmem_shared>>
      tpu.wait_dma2 semaphore(%run_scoped3A : memref<!tpu.dma_semaphore, #tpu.memory_space<semaphore_mem>>) src(%arg5 : memref<10240xf32, #tpu.memory_space<vmem>>) dst(%dma_wait3A_31 : memref<10240xf32, #tpu.memory_space<vmem_shared>>)
      tpu.yield
    }) : () -> ()
    %barrier3A = arith.constant 0 : index
    tpu.barrier barrier_id(%barrier3A)
    %mul3A_15 = arith.constant 640 : i32
    %mul3A_16 = arith.muli %arg1, %mul3A_15 : i32
    "tpu.region"() ({
      %run_scoped3A = tpu.sem_alloc : memref<!tpu.dma_semaphore, #tpu.memory_space<semaphore_mem>>
      %dma_start3A = arith.constant 0 : i32
      %dma_start3A_22 = tpu.memref_slice %arg8[%dma_start3A, %mul3A_16] : memref<16x10240xf32, #tpu.memory_space<vmem_shared>> -> memref<16x640xf32, #tpu.memory_space<vmem_shared>>
      %dma_start3A_23 = arith.constant 0 : i32
      %dma_start3A_24 = tpu.memref_slice %arg8[%dma_start3A_23, %mul3A_16] : memref<16x10240xf32, #tpu.memory_space<vmem_shared>> -> memref<16x640xf32, #tpu.memory_space<vmem_shared>>
      tpu.enqueue_dma source(%dma_start3A_24 : memref<16x640xf32, #tpu.memory_space<vmem_shared>>) target(%arg6 : memref<16x640xf32, #tpu.memory_space<vmem>>) target_semaphore(%run_scoped3A : memref<!tpu.dma_semaphore, #tpu.memory_space<semaphore_mem>>)
      %dma_wait3A = arith.constant 0 : i32
      %dma_wait3A_25 = tpu.memref_slice %arg8[%dma_wait3A, %mul3A_16] : memref<16x10240xf32, #tpu.memory_space<vmem_shared>> -> memref<16x640xf32, #tpu.memory_space<vmem_shared>>
      %dma_wait3A_26 = arith.constant 0 : i32
      %dma_wait3A_27 = tpu.memref_slice %arg8[%dma_wait3A_26, %mul3A_16] : memref<16x10240xf32, #tpu.memory_space<vmem_shared>> -> memref<16x640xf32, #tpu.memory_space<vmem_shared>>
      tpu.wait_dma2 semaphore(%run_scoped3A : memref<!tpu.dma_semaphore, #tpu.memory_space<semaphore_mem>>) src(%dma_wait3A_27 : memref<16x640xf32, #tpu.memory_space<vmem_shared>>) dst(%arg6 : memref<16x640xf32, #tpu.memory_space<vmem>>)
      tpu.yield
    }) : () -> ()
    %scan3A_17 = arith.constant 0 : i32
    %scan3A_18 = arith.constant 40 : i32
    %scan3A_19 = arith.addi %scan3A_17, %scan3A_18 : i32
    %scan3A_20 = arith.constant 1 : i32
    scf.for %scan3A_22 = %scan3A_17 to %scan3A_19 step %scan3A_20  : i32 {
      %mul3A_23 = arith.constant 16 : i32
      %mul3A_24 = arith.muli %scan3A_22, %mul3A_23 : i32
      %add3A_25 = arith.constant 0 : i32
      %add3A_26 = arith.addi %add3A_25, %mul3A_24 : i32
      %get3A = arith.constant 0 : i32
      %get3A_27 = arith.index_cast %get3A : i32 to index
      %get3A_28 = arith.index_cast %add3A_26 : i32 to index
      %get3A_29 = tpu.vector_load %arg6[%get3A_27, %get3A_28] {strides = array<i32>} : memref<16x640xf32, #tpu.memory_space<vmem>>, vector<16xf32>,
      %get3A_30 = arith.constant 1 : i32
      %get3A_31 = arith.index_cast %get3A_30 : i32 to index
      %get3A_32 = arith.index_cast %add3A_26 : i32 to index
      %get3A_33 = tpu.vector_load %arg6[%get3A_31, %get3A_32] {strides = array<i32>} : memref<16x640xf32, #tpu.memory_space<vmem>>, vector<16xf32>,
      %add3A_34 = arith.addf %get3A_29, %get3A_33 : vector<16xf32>
      %get3A_35 = arith.constant 2 : i32
      %get3A_36 = arith.index_cast %get3A_35 : i32 to index
      %get3A_37 = arith.index_cast %add3A_26 : i32 to index
      %get3A_38 = tpu.vector_load %arg6[%get3A_36, %get3A_37] {strides = array<i32>} : memref<16x640xf32, #tpu.memory_space<vmem>>, vector<16xf32>,
      %add3A_39 = arith.addf %add3A_34, %get3A_38 : vector<16xf32>
      %get3A_40 = arith.constant 3 : i32
      %get3A_41 = arith.index_cast %get3A_40 : i32 to index
      %get3A_42 = arith.index_cast %add3A_26 : i32 to index
      %get3A_43 = tpu.vector_load %arg6[%get3A_41, %get3A_42] {strides = array<i32>} : memref<16x640xf32, #tpu.memory_space<vmem>>, vector<16xf32>,
      %add3A_44 = arith.addf %add3A_39, %get3A_43 : vector<16xf32>
      %get3A_45 = arith.constant 4 : i32
      %get3A_46 = arith.index_cast %get3A_45 : i32 to index
      %get3A_47 = arith.index_cast %add3A_26 : i32 to index
      %get3A_48 = tpu.vector_load %arg6[%get3A_46, %get3A_47] {strides = array<i32>} : memref<16x640xf32, #tpu.memory_space<vmem>>, vector<16xf32>,
      %add3A_49 = arith.addf %add3A_44, %get3A_48 : vector<16xf32>
      %get3A_50 = arith.constant 5 : i32
      %get3A_51 = arith.index_cast %get3A_50 : i32 to index
      %get3A_52 = arith.index_cast %add3A_26 : i32 to index
      %get3A_53 = tpu.vector_load %arg6[%get3A_51, %get3A_52] {strides = array<i32>} : memref<16x640xf32, #tpu.memory_space<vmem>>, vector<16xf32>,
      %add3A_54 = arith.addf %add3A_49, %get3A_53 : vector<16xf32>
      %get3A_55 = arith.constant 6 : i32
      %get3A_56 = arith.index_cast %get3A_55 : i32 to index
      %get3A_57 = arith.index_cast %add3A_26 : i32 to index
      %get3A_58 = tpu.vector_load %arg6[%get3A_56, %get3A_57] {strides = array<i32>} : memref<16x640xf32, #tpu.memory_space<vmem>>, vector<16xf32>,
      %add3A_59 = arith.addf %add3A_54, %get3A_58 : vector<16xf32>
      %get3A_60 = arith.constant 7 : i32
      %get3A_61 = arith.index_cast %get3A_60 : i32 to index
      %get3A_62 = arith.index_cast %add3A_26 : i32 to index
      %get3A_63 = tpu.vector_load %arg6[%get3A_61, %get3A_62] {strides = array<i32>} : memref<16x640xf32, #tpu.memory_space<vmem>>, vector<16xf32>,
      %add3A_64 = arith.addf %add3A_59, %get3A_63 : vector<16xf32>
      %get3A_65 = arith.constant 8 : i32
      %get3A_66 = arith.index_cast %get3A_65 : i32 to index
      %get3A_67 = arith.index_cast %add3A_26 : i32 to index
      %get3A_68 = tpu.vector_load %arg6[%get3A_66, %get3A_67] {strides = array<i32>} : memref<16x640xf32, #tpu.memory_space<vmem>>, vector<16xf32>,
      %add3A_69 = arith.addf %add3A_64, %get3A_68 : vector<16xf32>
      %get3A_70 = arith.constant 9 : i32
      %get3A_71 = arith.index_cast %get3A_70 : i32 to index
      %get3A_72 = arith.index_cast %add3A_26 : i32 to index
      %get3A_73 = tpu.vector_load %arg6[%get3A_71, %get3A_72] {strides = array<i32>} : memref<16x640xf32, #tpu.memory_space<vmem>>, vector<16xf32>,
      %add3A_74 = arith.addf %add3A_69, %get3A_73 : vector<16xf32>
      %get3A_75 = arith.constant 10 : i32
      %get3A_76 = arith.index_cast %get3A_75 : i32 to index
      %get3A_77 = arith.index_cast %add3A_26 : i32 to index
      %get3A_78 = tpu.vector_load %arg6[%get3A_76, %get3A_77] {strides = array<i32>} : memref<16x640xf32, #tpu.memory_space<vmem>>, vector<16xf32>,
      %add3A_79 = arith.addf %add3A_74, %get3A_78 : vector<16xf32>
      %get3A_80 = arith.constant 11 : i32
      %get3A_81 = arith.index_cast %get3A_80 : i32 to index
      %get3A_82 = arith.index_cast %add3A_26 : i32 to index
      %get3A_83 = tpu.vector_load %arg6[%get3A_81, %get3A_82] {strides = array<i32>} : memref<16x640xf32, #tpu.memory_space<vmem>>, vector<16xf32>,
      %add3A_84 = arith.addf %add3A_79, %get3A_83 : vector<16xf32>
      %get3A_85 = arith.constant 12 : i32
      %get3A_86 = arith.index_cast %get3A_85 : i32 to index
      %get3A_87 = arith.index_cast %add3A_26 : i32 to index
      %get3A_88 = tpu.vector_load %arg6[%get3A_86, %get3A_87] {strides = array<i32>} : memref<16x640xf32, #tpu.memory_space<vmem>>, vector<16xf32>,
      %add3A_89 = arith.addf %add3A_84, %get3A_88 : vector<16xf32>
      %get3A_90 = arith.constant 13 : i32
      %get3A_91 = arith.index_cast %get3A_90 : i32 to index
      %get3A_92 = arith.index_cast %add3A_26 : i32 to index
      %get3A_93 = tpu.vector_load %arg6[%get3A_91, %get3A_92] {strides = array<i32>} : memref<16x640xf32, #tpu.memory_space<vmem>>, vector<16xf32>,
      %add3A_94 = arith.addf %add3A_89, %get3A_93 : vector<16xf32>
      %get3A_95 = arith.constant 14 : i32
      %get3A_96 = arith.index_cast %get3A_95 : i32 to index
      %get3A_97 = arith.index_cast %add3A_26 : i32 to index
      %get3A_98 = tpu.vector_load %arg6[%get3A_96, %get3A_97] {strides = array<i32>} : memref<16x640xf32, #tpu.memory_space<vmem>>, vector<16xf32>,
      %add3A_99 = arith.addf %add3A_94, %get3A_98 : vector<16xf32>
      %get3A_100 = arith.constant 15 : i32
      %get3A_101 = arith.index_cast %get3A_100 : i32 to index
      %get3A_102 = arith.index_cast %add3A_26 : i32 to index
      %get3A_103 = tpu.vector_load %arg6[%get3A_101, %get3A_102] {strides = array<i32>} : memref<16x640xf32, #tpu.memory_space<vmem>>, vector<16xf32>,
      %add3A_104 = arith.addf %add3A_99, %get3A_103 : vector<16xf32>
      %swap3A = arith.index_cast %add3A_26 : i32 to index
      %swap3A_105 = tpu.vector_load %arg7[%swap3A] {strides = array<i32>} : memref<640xf32, #tpu.memory_space<vmem>>, vector<16xf32>,
      tpu.vector_store %arg7[%swap3A], %add3A_104 {strides = array<i32>} : memref<640xf32, #tpu.memory_space<vmem>>, vector<16xf32>,
    }
    %scan3A_21 = arith.constant 40 : i32
    "tpu.region"() ({
      %run_scoped3A = tpu.sem_alloc : memref<!tpu.dma_semaphore, #tpu.memory_space<semaphore_mem>>
      %dma_start3A = tpu.memref_slice %arg3[%arg0, %mul3A_16] : memref<2x10240xf32, #tpu.memory_space<hbm>> -> memref<1x640xf32, #tpu.memory_space<hbm>>
      %dma_start3A_22 = tpu.memref_squeeze %dma_start3A : memref<1x640xf32, #tpu.memory_space<hbm>> -> memref<640xf32, #tpu.memory_space<hbm>>
      %dma_start3A_23 = tpu.memref_slice %arg3[%arg0, %mul3A_16] : memref<2x10240xf32, #tpu.memory_space<hbm>> -> memref<1x640xf32, #tpu.memory_space<hbm>>
      %dma_start3A_24 = tpu.memref_squeeze %dma_start3A_23 : memref<1x640xf32, #tpu.memory_space<hbm>> -> memref<640xf32, #tpu.memory_space<hbm>>
      tpu.enqueue_dma source(%arg7 : memref<640xf32, #tpu.memory_space<vmem>>) target(%dma_start3A_24 : memref<640xf32, #tpu.memory_space<hbm>>) target_semaphore(%run_scoped3A : memref<!tpu.dma_semaphore, #tpu.memory_space<semaphore_mem>>)
      %dma_wait3A = tpu.memref_slice %arg3[%arg0, %mul3A_16] : memref<2x10240xf32, #tpu.memory_space<hbm>> -> memref<1x640xf32, #tpu.memory_space<hbm>>
      %dma_wait3A_25 = tpu.memref_squeeze %dma_wait3A : memref<1x640xf32, #tpu.memory_space<hbm>> -> memref<640xf32, #tpu.memory_space<hbm>>
      %dma_wait3A_26 = tpu.memref_slice %arg3[%arg0, %mul3A_16] : memref<2x10240xf32, #tpu.memory_space<hbm>> -> memref<1x640xf32, #tpu.memory_space<hbm>>
      %dma_wait3A_27 = tpu.memref_squeeze %dma_wait3A_26 : memref<1x640xf32, #tpu.memory_space<hbm>> -> memref<640xf32, #tpu.memory_space<hbm>>
      tpu.wait_dma2 semaphore(%run_scoped3A : memref<!tpu.dma_semaphore, #tpu.memory_space<semaphore_mem>>) src(%arg7 : memref<640xf32, #tpu.memory_space<vmem>>) dst(%dma_wait3A_27 : memref<640xf32, #tpu.memory_space<hbm>>)
      tpu.yield
    }) : () -> ()
    return
  }
}

#map = affine_map<(d0, d1) -> (0, 0)>
#map1 = affine_map<(d0, d1) -> (0, 0, 0)>
module attributes {stable_mosaic.version = 14 : i64} {
  func.func @k(%arg0: i32, %arg1: i32, %arg2: memref<10000x128xf32, #tpu.memory_space<hbm>>, %arg3: memref<5120x64xi32, #tpu.memory_space<hbm>>, %arg4: memref<2x10112x128xf32, #tpu.memory_space<hbm>>, %arg5: memref<40x64xi32, #tpu.memory_space<vmem>>, %arg6: memref<64xi32, #tpu.memory_space<vmem>>, %arg7: memref<64xi32, #tpu.memory_space<vmem>>, %arg8: memref<64xi32, #tpu.memory_space<vmem>>, %arg9: memref<64xi32, #tpu.memory_space<vmem>>, %arg10: memref<64xi32, #tpu.memory_space<vmem>>, %arg11: memref<64x128xf32, #tpu.memory_space<vmem>>, %arg12: memref<64x128xf32, #tpu.memory_space<vmem>>, %arg13: memref<64x128xf32, #tpu.memory_space<vmem>>, %arg14: memref<64x128xf32, #tpu.memory_space<vmem>>, %arg15: memref<10112x128xf32, #tpu.memory_space<vmem_shared>>, %arg16: memref<!tpu.dma_semaphore, #tpu.memory_space<semaphore_mem>>, %arg17: memref<!tpu.dma_semaphore, #tpu.memory_space<semaphore_mem>>, %arg18: memref<!tpu.dma_semaphore, #tpu.memory_space<semaphore_mem>>, %arg19: memref<!tpu.dma_semaphore, #tpu.memory_space<semaphore_mem>>) attributes {dimension_semantics = [#tpu.dimension_semantics<core_parallel>, #tpu.dimension_semantics<subcore_parallel>], iteration_bounds = array<i64: 2, 16>, scalar_prefetch = 0 : i64, scratch_operands = 15 : i64, tpu.core_type = #tpu.core_type<sc_vector_subcore>, window_params = [{transform_indices = #map}, {transform_indices = #map}, {transform_indices = #map1}]} {
    %broadcast_in_dim3A = arith.constant 0.000000e+00 : f32
    %broadcast_in_dim3A_0 = vector.broadcast %broadcast_in_dim3A : f32 to vector<16xf32>
    %scan3A = arith.constant 0 : i32
    %scan3A_1 = arith.constant 64 : i32
    %scan3A_2 = arith.addi %scan3A, %scan3A_1 : i32
    %scan3A_3 = arith.constant 1 : i32
    scf.for %scan3A_199 = %scan3A to %scan3A_2 step %scan3A_3  : i32 {
      %mul3A_200 = arith.constant 1 : i32
      %mul3A_201 = arith.muli %scan3A_199, %mul3A_200 : i32
      %add3A_202 = arith.constant 0 : i32
      %add3A_203 = arith.addi %add3A_202, %mul3A_201 : i32
      %scan3A_204 = arith.constant 0 : i32
      %scan3A_205 = arith.constant 8 : i32
      %scan3A_206 = arith.addi %scan3A_204, %scan3A_205 : i32
      %scan3A_207 = arith.constant 1 : i32
      scf.for %scan3A_209 = %scan3A_204 to %scan3A_206 step %scan3A_207  : i32 {
        %mul3A_210 = arith.constant 16 : i32
        %mul3A_211 = arith.muli %scan3A_209, %mul3A_210 : i32
        %add3A_212 = arith.constant 0 : i32
        %add3A_213 = arith.addi %add3A_212, %mul3A_211 : i32
        %swap3A = arith.index_cast %add3A_203 : i32 to index
        %swap3A_214 = arith.index_cast %add3A_213 : i32 to index
        %swap3A_215 = tpu.vector_load %arg11[%swap3A, %swap3A_214] {strides = array<i32>} : memref<64x128xf32, #tpu.memory_space<vmem>>, vector<16xf32>,
        tpu.vector_store %arg11[%swap3A, %swap3A_214], %broadcast_in_dim3A_0 {strides = array<i32>} : memref<64x128xf32, #tpu.memory_space<vmem>>, vector<16xf32>,
      }
      %scan3A_208 = arith.constant 8 : i32
    }
    %scan3A_4 = arith.constant 64 : i32
    %mul3A = arith.constant 632 : i32
    %mul3A_5 = arith.muli %arg1, %mul3A : i32
    %add3A = arith.constant 0 : i32
    %add3A_6 = arith.addi %mul3A_5, %add3A : i32
    "tpu.region"() ({
      %run_scoped3A = tpu.sem_alloc : memref<!tpu.dma_semaphore, #tpu.memory_space<semaphore_mem>>
      %dma_start3A_199 = arith.constant 0 : i32
      %dma_start3A_200 = tpu.memref_slice %arg15[%add3A_6, %dma_start3A_199] : memref<10112x128xf32, #tpu.memory_space<vmem_shared>> -> memref<64x128xf32, #tpu.memory_space<vmem_shared>>
      %dma_start3A_201 = arith.constant 0 : i32
      %dma_start3A_202 = tpu.memref_slice %arg15[%add3A_6, %dma_start3A_201] : memref<10112x128xf32, #tpu.memory_space<vmem_shared>> -> memref<64x128xf32, #tpu.memory_space<vmem_shared>>
      tpu.enqueue_dma source(%arg11 : memref<64x128xf32, #tpu.memory_space<vmem>>) target(%dma_start3A_202 : memref<64x128xf32, #tpu.memory_space<vmem_shared>>) target_semaphore(%run_scoped3A : memref<!tpu.dma_semaphore, #tpu.memory_space<semaphore_mem>>)
      %dma_wait3A_203 = arith.constant 0 : i32
      %dma_wait3A_204 = tpu.memref_slice %arg15[%add3A_6, %dma_wait3A_203] : memref<10112x128xf32, #tpu.memory_space<vmem_shared>> -> memref<64x128xf32, #tpu.memory_space<vmem_shared>>
      %dma_wait3A_205 = arith.constant 0 : i32
      %dma_wait3A_206 = tpu.memref_slice %arg15[%add3A_6, %dma_wait3A_205] : memref<10112x128xf32, #tpu.memory_space<vmem_shared>> -> memref<64x128xf32, #tpu.memory_space<vmem_shared>>
      tpu.wait_dma2 semaphore(%run_scoped3A : memref<!tpu.dma_semaphore, #tpu.memory_space<semaphore_mem>>) src(%arg11 : memref<64x128xf32, #tpu.memory_space<vmem>>) dst(%dma_wait3A_206 : memref<64x128xf32, #tpu.memory_space<vmem_shared>>)
      tpu.yield
    }) : () -> ()
    %add3A_7 = arith.constant 64 : i32
    %add3A_8 = arith.addi %mul3A_5, %add3A_7 : i32
    "tpu.region"() ({
      %run_scoped3A = tpu.sem_alloc : memref<!tpu.dma_semaphore, #tpu.memory_space<semaphore_mem>>
      %dma_start3A_199 = arith.constant 0 : i32
      %dma_start3A_200 = tpu.memref_slice %arg15[%add3A_8, %dma_start3A_199] : memref<10112x128xf32, #tpu.memory_space<vmem_shared>> -> memref<64x128xf32, #tpu.memory_space<vmem_shared>>
      %dma_start3A_201 = arith.constant 0 : i32
      %dma_start3A_202 = tpu.memref_slice %arg15[%add3A_8, %dma_start3A_201] : memref<10112x128xf32, #tpu.memory_space<vmem_shared>> -> memref<64x128xf32, #tpu.memory_space<vmem_shared>>
      tpu.enqueue_dma source(%arg11 : memref<64x128xf32, #tpu.memory_space<vmem>>) target(%dma_start3A_202 : memref<64x128xf32, #tpu.memory_space<vmem_shared>>) target_semaphore(%run_scoped3A : memref<!tpu.dma_semaphore, #tpu.memory_space<semaphore_mem>>)
      %dma_wait3A_203 = arith.constant 0 : i32
      %dma_wait3A_204 = tpu.memref_slice %arg15[%add3A_8, %dma_wait3A_203] : memref<10112x128xf32, #tpu.memory_space<vmem_shared>> -> memref<64x128xf32, #tpu.memory_space<vmem_shared>>
      %dma_wait3A_205 = arith.constant 0 : i32
      %dma_wait3A_206 = tpu.memref_slice %arg15[%add3A_8, %dma_wait3A_205] : memref<10112x128xf32, #tpu.memory_space<vmem_shared>> -> memref<64x128xf32, #tpu.memory_space<vmem_shared>>
      tpu.wait_dma2 semaphore(%run_scoped3A : memref<!tpu.dma_semaphore, #tpu.memory_space<semaphore_mem>>) src(%arg11 : memref<64x128xf32, #tpu.memory_space<vmem>>) dst(%dma_wait3A_206 : memref<64x128xf32, #tpu.memory_space<vmem_shared>>)
      tpu.yield
    }) : () -> ()
    %add3A_9 = arith.constant 128 : i32
    %add3A_10 = arith.addi %mul3A_5, %add3A_9 : i32
    "tpu.region"() ({
      %run_scoped3A = tpu.sem_alloc : memref<!tpu.dma_semaphore, #tpu.memory_space<semaphore_mem>>
      %dma_start3A_199 = arith.constant 0 : i32
      %dma_start3A_200 = tpu.memref_slice %arg15[%add3A_10, %dma_start3A_199] : memref<10112x128xf32, #tpu.memory_space<vmem_shared>> -> memref<64x128xf32, #tpu.memory_space<vmem_shared>>
      %dma_start3A_201 = arith.constant 0 : i32
      %dma_start3A_202 = tpu.memref_slice %arg15[%add3A_10, %dma_start3A_201] : memref<10112x128xf32, #tpu.memory_space<vmem_shared>> -> memref<64x128xf32, #tpu.memory_space<vmem_shared>>
      tpu.enqueue_dma source(%arg11 : memref<64x128xf32, #tpu.memory_space<vmem>>) target(%dma_start3A_202 : memref<64x128xf32, #tpu.memory_space<vmem_shared>>) target_semaphore(%run_scoped3A : memref<!tpu.dma_semaphore, #tpu.memory_space<semaphore_mem>>)
      %dma_wait3A_203 = arith.constant 0 : i32
      %dma_wait3A_204 = tpu.memref_slice %arg15[%add3A_10, %dma_wait3A_203] : memref<10112x128xf32, #tpu.memory_space<vmem_shared>> -> memref<64x128xf32, #tpu.memory_space<vmem_shared>>
      %dma_wait3A_205 = arith.constant 0 : i32
      %dma_wait3A_206 = tpu.memref_slice %arg15[%add3A_10, %dma_wait3A_205] : memref<10112x128xf32, #tpu.memory_space<vmem_shared>> -> memref<64x128xf32, #tpu.memory_space<vmem_shared>>
      tpu.wait_dma2 semaphore(%run_scoped3A : memref<!tpu.dma_semaphore, #tpu.memory_space<semaphore_mem>>) src(%arg11 : memref<64x128xf32, #tpu.memory_space<vmem>>) dst(%dma_wait3A_206 : memref<64x128xf32, #tpu.memory_space<vmem_shared>>)
      tpu.yield
    }) : () -> ()
    %add3A_11 = arith.constant 192 : i32
    %add3A_12 = arith.addi %mul3A_5, %add3A_11 : i32
    "tpu.region"() ({
      %run_scoped3A = tpu.sem_alloc : memref<!tpu.dma_semaphore, #tpu.memory_space<semaphore_mem>>
      %dma_start3A_199 = arith.constant 0 : i32
      %dma_start3A_200 = tpu.memref_slice %arg15[%add3A_12, %dma_start3A_199] : memref<10112x128xf32, #tpu.memory_space<vmem_shared>> -> memref<64x128xf32, #tpu.memory_space<vmem_shared>>
      %dma_start3A_201 = arith.constant 0 : i32
      %dma_start3A_202 = tpu.memref_slice %arg15[%add3A_12, %dma_start3A_201] : memref<10112x128xf32, #tpu.memory_space<vmem_shared>> -> memref<64x128xf32, #tpu.memory_space<vmem_shared>>
      tpu.enqueue_dma source(%arg11 : memref<64x128xf32, #tpu.memory_space<vmem>>) target(%dma_start3A_202 : memref<64x128xf32, #tpu.memory_space<vmem_shared>>) target_semaphore(%run_scoped3A : memref<!tpu.dma_semaphore, #tpu.memory_space<semaphore_mem>>)
      %dma_wait3A_203 = arith.constant 0 : i32
      %dma_wait3A_204 = tpu.memref_slice %arg15[%add3A_12, %dma_wait3A_203] : memref<10112x128xf32, #tpu.memory_space<vmem_shared>> -> memref<64x128xf32, #tpu.memory_space<vmem_shared>>
      %dma_wait3A_205 = arith.constant 0 : i32
      %dma_wait3A_206 = tpu.memref_slice %arg15[%add3A_12, %dma_wait3A_205] : memref<10112x128xf32, #tpu.memory_space<vmem_shared>> -> memref<64x128xf32, #tpu.memory_space<vmem_shared>>
      tpu.wait_dma2 semaphore(%run_scoped3A : memref<!tpu.dma_semaphore, #tpu.memory_space<semaphore_mem>>) src(%arg11 : memref<64x128xf32, #tpu.memory_space<vmem>>) dst(%dma_wait3A_206 : memref<64x128xf32, #tpu.memory_space<vmem_shared>>)
      tpu.yield
    }) : () -> ()
    %add3A_13 = arith.constant 256 : i32
    %add3A_14 = arith.addi %mul3A_5, %add3A_13 : i32
    "tpu.region"() ({
      %run_scoped3A = tpu.sem_alloc : memref<!tpu.dma_semaphore, #tpu.memory_space<semaphore_mem>>
      %dma_start3A_199 = arith.constant 0 : i32
      %dma_start3A_200 = tpu.memref_slice %arg15[%add3A_14, %dma_start3A_199] : memref<10112x128xf32, #tpu.memory_space<vmem_shared>> -> memref<64x128xf32, #tpu.memory_space<vmem_shared>>
      %dma_start3A_201 = arith.constant 0 : i32
      %dma_start3A_202 = tpu.memref_slice %arg15[%add3A_14, %dma_start3A_201] : memref<10112x128xf32, #tpu.memory_space<vmem_shared>> -> memref<64x128xf32, #tpu.memory_space<vmem_shared>>
      tpu.enqueue_dma source(%arg11 : memref<64x128xf32, #tpu.memory_space<vmem>>) target(%dma_start3A_202 : memref<64x128xf32, #tpu.memory_space<vmem_shared>>) target_semaphore(%run_scoped3A : memref<!tpu.dma_semaphore, #tpu.memory_space<semaphore_mem>>)
      %dma_wait3A_203 = arith.constant 0 : i32
      %dma_wait3A_204 = tpu.memref_slice %arg15[%add3A_14, %dma_wait3A_203] : memref<10112x128xf32, #tpu.memory_space<vmem_shared>> -> memref<64x128xf32, #tpu.memory_space<vmem_shared>>
      %dma_wait3A_205 = arith.constant 0 : i32
      %dma_wait3A_206 = tpu.memref_slice %arg15[%add3A_14, %dma_wait3A_205] : memref<10112x128xf32, #tpu.memory_space<vmem_shared>> -> memref<64x128xf32, #tpu.memory_space<vmem_shared>>
      tpu.wait_dma2 semaphore(%run_scoped3A : memref<!tpu.dma_semaphore, #tpu.memory_space<semaphore_mem>>) src(%arg11 : memref<64x128xf32, #tpu.memory_space<vmem>>) dst(%dma_wait3A_206 : memref<64x128xf32, #tpu.memory_space<vmem_shared>>)
      tpu.yield
    }) : () -> ()
    %add3A_15 = arith.constant 320 : i32
    %add3A_16 = arith.addi %mul3A_5, %add3A_15 : i32
    "tpu.region"() ({
      %run_scoped3A = tpu.sem_alloc : memref<!tpu.dma_semaphore, #tpu.memory_space<semaphore_mem>>
      %dma_start3A_199 = arith.constant 0 : i32
      %dma_start3A_200 = tpu.memref_slice %arg15[%add3A_16, %dma_start3A_199] : memref<10112x128xf32, #tpu.memory_space<vmem_shared>> -> memref<64x128xf32, #tpu.memory_space<vmem_shared>>
      %dma_start3A_201 = arith.constant 0 : i32
      %dma_start3A_202 = tpu.memref_slice %arg15[%add3A_16, %dma_start3A_201] : memref<10112x128xf32, #tpu.memory_space<vmem_shared>> -> memref<64x128xf32, #tpu.memory_space<vmem_shared>>
      tpu.enqueue_dma source(%arg11 : memref<64x128xf32, #tpu.memory_space<vmem>>) target(%dma_start3A_202 : memref<64x128xf32, #tpu.memory_space<vmem_shared>>) target_semaphore(%run_scoped3A : memref<!tpu.dma_semaphore, #tpu.memory_space<semaphore_mem>>)
      %dma_wait3A_203 = arith.constant 0 : i32
      %dma_wait3A_204 = tpu.memref_slice %arg15[%add3A_16, %dma_wait3A_203] : memref<10112x128xf32, #tpu.memory_space<vmem_shared>> -> memref<64x128xf32, #tpu.memory_space<vmem_shared>>
      %dma_wait3A_205 = arith.constant 0 : i32
      %dma_wait3A_206 = tpu.memref_slice %arg15[%add3A_16, %dma_wait3A_205] : memref<10112x128xf32, #tpu.memory_space<vmem_shared>> -> memref<64x128xf32, #tpu.memory_space<vmem_shared>>
      tpu.wait_dma2 semaphore(%run_scoped3A : memref<!tpu.dma_semaphore, #tpu.memory_space<semaphore_mem>>) src(%arg11 : memref<64x128xf32, #tpu.memory_space<vmem>>) dst(%dma_wait3A_206 : memref<64x128xf32, #tpu.memory_space<vmem_shared>>)
      tpu.yield
    }) : () -> ()
    %add3A_17 = arith.constant 384 : i32
    %add3A_18 = arith.addi %mul3A_5, %add3A_17 : i32
    "tpu.region"() ({
      %run_scoped3A = tpu.sem_alloc : memref<!tpu.dma_semaphore, #tpu.memory_space<semaphore_mem>>
      %dma_start3A_199 = arith.constant 0 : i32
      %dma_start3A_200 = tpu.memref_slice %arg15[%add3A_18, %dma_start3A_199] : memref<10112x128xf32, #tpu.memory_space<vmem_shared>> -> memref<64x128xf32, #tpu.memory_space<vmem_shared>>
      %dma_start3A_201 = arith.constant 0 : i32
      %dma_start3A_202 = tpu.memref_slice %arg15[%add3A_18, %dma_start3A_201] : memref<10112x128xf32, #tpu.memory_space<vmem_shared>> -> memref<64x128xf32, #tpu.memory_space<vmem_shared>>
      tpu.enqueue_dma source(%arg11 : memref<64x128xf32, #tpu.memory_space<vmem>>) target(%dma_start3A_202 : memref<64x128xf32, #tpu.memory_space<vmem_shared>>) target_semaphore(%run_scoped3A : memref<!tpu.dma_semaphore, #tpu.memory_space<semaphore_mem>>)
      %dma_wait3A_203 = arith.constant 0 : i32
      %dma_wait3A_204 = tpu.memref_slice %arg15[%add3A_18, %dma_wait3A_203] : memref<10112x128xf32, #tpu.memory_space<vmem_shared>> -> memref<64x128xf32, #tpu.memory_space<vmem_shared>>
      %dma_wait3A_205 = arith.constant 0 : i32
      %dma_wait3A_206 = tpu.memref_slice %arg15[%add3A_18, %dma_wait3A_205] : memref<10112x128xf32, #tpu.memory_space<vmem_shared>> -> memref<64x128xf32, #tpu.memory_space<vmem_shared>>
      tpu.wait_dma2 semaphore(%run_scoped3A : memref<!tpu.dma_semaphore, #tpu.memory_space<semaphore_mem>>) src(%arg11 : memref<64x128xf32, #tpu.memory_space<vmem>>) dst(%dma_wait3A_206 : memref<64x128xf32, #tpu.memory_space<vmem_shared>>)
      tpu.yield
    }) : () -> ()
    %add3A_19 = arith.constant 448 : i32
    %add3A_20 = arith.addi %mul3A_5, %add3A_19 : i32
    "tpu.region"() ({
      %run_scoped3A = tpu.sem_alloc : memref<!tpu.dma_semaphore, #tpu.memory_space<semaphore_mem>>
      %dma_start3A_199 = arith.constant 0 : i32
      %dma_start3A_200 = tpu.memref_slice %arg15[%add3A_20, %dma_start3A_199] : memref<10112x128xf32, #tpu.memory_space<vmem_shared>> -> memref<64x128xf32, #tpu.memory_space<vmem_shared>>
      %dma_start3A_201 = arith.constant 0 : i32
      %dma_start3A_202 = tpu.memref_slice %arg15[%add3A_20, %dma_start3A_201] : memref<10112x128xf32, #tpu.memory_space<vmem_shared>> -> memref<64x128xf32, #tpu.memory_space<vmem_shared>>
      tpu.enqueue_dma source(%arg11 : memref<64x128xf32, #tpu.memory_space<vmem>>) target(%dma_start3A_202 : memref<64x128xf32, #tpu.memory_space<vmem_shared>>) target_semaphore(%run_scoped3A : memref<!tpu.dma_semaphore, #tpu.memory_space<semaphore_mem>>)
      %dma_wait3A_203 = arith.constant 0 : i32
      %dma_wait3A_204 = tpu.memref_slice %arg15[%add3A_20, %dma_wait3A_203] : memref<10112x128xf32, #tpu.memory_space<vmem_shared>> -> memref<64x128xf32, #tpu.memory_space<vmem_shared>>
      %dma_wait3A_205 = arith.constant 0 : i32
      %dma_wait3A_206 = tpu.memref_slice %arg15[%add3A_20, %dma_wait3A_205] : memref<10112x128xf32, #tpu.memory_space<vmem_shared>> -> memref<64x128xf32, #tpu.memory_space<vmem_shared>>
      tpu.wait_dma2 semaphore(%run_scoped3A : memref<!tpu.dma_semaphore, #tpu.memory_space<semaphore_mem>>) src(%arg11 : memref<64x128xf32, #tpu.memory_space<vmem>>) dst(%dma_wait3A_206 : memref<64x128xf32, #tpu.memory_space<vmem_shared>>)
      tpu.yield
    }) : () -> ()
    %add3A_21 = arith.constant 512 : i32
    %add3A_22 = arith.addi %mul3A_5, %add3A_21 : i32
    "tpu.region"() ({
      %run_scoped3A = tpu.sem_alloc : memref<!tpu.dma_semaphore, #tpu.memory_space<semaphore_mem>>
      %dma_start3A_199 = arith.constant 0 : i32
      %dma_start3A_200 = tpu.memref_slice %arg15[%add3A_22, %dma_start3A_199] : memref<10112x128xf32, #tpu.memory_space<vmem_shared>> -> memref<64x128xf32, #tpu.memory_space<vmem_shared>>
      %dma_start3A_201 = arith.constant 0 : i32
      %dma_start3A_202 = tpu.memref_slice %arg15[%add3A_22, %dma_start3A_201] : memref<10112x128xf32, #tpu.memory_space<vmem_shared>> -> memref<64x128xf32, #tpu.memory_space<vmem_shared>>
      tpu.enqueue_dma source(%arg11 : memref<64x128xf32, #tpu.memory_space<vmem>>) target(%dma_start3A_202 : memref<64x128xf32, #tpu.memory_space<vmem_shared>>) target_semaphore(%run_scoped3A : memref<!tpu.dma_semaphore, #tpu.memory_space<semaphore_mem>>)
      %dma_wait3A_203 = arith.constant 0 : i32
      %dma_wait3A_204 = tpu.memref_slice %arg15[%add3A_22, %dma_wait3A_203] : memref<10112x128xf32, #tpu.memory_space<vmem_shared>> -> memref<64x128xf32, #tpu.memory_space<vmem_shared>>
      %dma_wait3A_205 = arith.constant 0 : i32
      %dma_wait3A_206 = tpu.memref_slice %arg15[%add3A_22, %dma_wait3A_205] : memref<10112x128xf32, #tpu.memory_space<vmem_shared>> -> memref<64x128xf32, #tpu.memory_space<vmem_shared>>
      tpu.wait_dma2 semaphore(%run_scoped3A : memref<!tpu.dma_semaphore, #tpu.memory_space<semaphore_mem>>) src(%arg11 : memref<64x128xf32, #tpu.memory_space<vmem>>) dst(%dma_wait3A_206 : memref<64x128xf32, #tpu.memory_space<vmem_shared>>)
      tpu.yield
    }) : () -> ()
    %add3A_23 = arith.constant 576 : i32
    %add3A_24 = arith.addi %mul3A_5, %add3A_23 : i32
    "tpu.region"() ({
      %run_scoped3A = tpu.sem_alloc : memref<!tpu.dma_semaphore, #tpu.memory_space<semaphore_mem>>
      %dma_start3A_199 = arith.constant 0 : i32
      %dma_start3A_200 = arith.constant 0 : i32
      %dma_start3A_201 = tpu.memref_slice %arg11[%dma_start3A_199, %dma_start3A_200] : memref<64x128xf32, #tpu.memory_space<vmem>> -> memref<56x128xf32, #tpu.memory_space<vmem>>
      %dma_start3A_202 = arith.constant 0 : i32
      %dma_start3A_203 = tpu.memref_slice %arg15[%add3A_24, %dma_start3A_202] : memref<10112x128xf32, #tpu.memory_space<vmem_shared>> -> memref<56x128xf32, #tpu.memory_space<vmem_shared>>
      %dma_start3A_204 = arith.constant 0 : i32
      %dma_start3A_205 = tpu.memref_slice %arg15[%add3A_24, %dma_start3A_204] : memref<10112x128xf32, #tpu.memory_space<vmem_shared>> -> memref<56x128xf32, #tpu.memory_space<vmem_shared>>
      %dma_start3A_206 = arith.constant 0 : i32
      %dma_start3A_207 = arith.constant 0 : i32
      %dma_start3A_208 = tpu.memref_slice %arg11[%dma_start3A_206, %dma_start3A_207] : memref<64x128xf32, #tpu.memory_space<vmem>> -> memref<56x128xf32, #tpu.memory_space<vmem>>
      tpu.enqueue_dma source(%dma_start3A_208 : memref<56x128xf32, #tpu.memory_space<vmem>>) target(%dma_start3A_205 : memref<56x128xf32, #tpu.memory_space<vmem_shared>>) target_semaphore(%run_scoped3A : memref<!tpu.dma_semaphore, #tpu.memory_space<semaphore_mem>>)
      %dma_wait3A_209 = arith.constant 0 : i32
      %dma_wait3A_210 = arith.constant 0 : i32
      %dma_wait3A_211 = tpu.memref_slice %arg11[%dma_wait3A_209, %dma_wait3A_210] : memref<64x128xf32, #tpu.memory_space<vmem>> -> memref<56x128xf32, #tpu.memory_space<vmem>>
      %dma_wait3A_212 = arith.constant 0 : i32
      %dma_wait3A_213 = tpu.memref_slice %arg15[%add3A_24, %dma_wait3A_212] : memref<10112x128xf32, #tpu.memory_space<vmem_shared>> -> memref<56x128xf32, #tpu.memory_space<vmem_shared>>
      %dma_wait3A_214 = arith.constant 0 : i32
      %dma_wait3A_215 = tpu.memref_slice %arg15[%add3A_24, %dma_wait3A_214] : memref<10112x128xf32, #tpu.memory_space<vmem_shared>> -> memref<56x128xf32, #tpu.memory_space<vmem_shared>>
      %dma_wait3A_216 = arith.constant 0 : i32
      %dma_wait3A_217 = arith.constant 0 : i32
      %dma_wait3A_218 = tpu.memref_slice %arg11[%dma_wait3A_216, %dma_wait3A_217] : memref<64x128xf32, #tpu.memory_space<vmem>> -> memref<56x128xf32, #tpu.memory_space<vmem>>
      tpu.wait_dma2 semaphore(%run_scoped3A : memref<!tpu.dma_semaphore, #tpu.memory_space<semaphore_mem>>) src(%dma_wait3A_218 : memref<56x128xf32, #tpu.memory_space<vmem>>) dst(%dma_wait3A_215 : memref<56x128xf32, #tpu.memory_space<vmem_shared>>)
      tpu.yield
    }) : () -> ()
    %eq3A = arith.constant 0 : i32
    %eq3A_25 = arith.cmpi eq, %arg0, %eq3A : i32
    %mul3A_26 = arith.constant 280 : i32
    %mul3A_27 = arith.muli %arg1, %mul3A_26 : i32
    %mul3A_28 = arith.constant 40 : i32
    %mul3A_29 = arith.muli %arg1, %mul3A_28 : i32
    %add3A_30 = arith.constant 4480 : i32
    %add3A_31 = arith.addi %add3A_30, %mul3A_29 : i32
    %select_n3A = arith.select %eq3A_25, %mul3A_27, %add3A_31 : i32
    %eq3A_32 = arith.constant 0 : i32
    %eq3A_33 = arith.cmpi eq, %arg0, %eq3A_32 : i32
    %jit3A = arith.constant 7 : i32
    %jit3A_34 = arith.constant 1 : i32
    %select_n3A_35 = arith.select %eq3A_33, %jit3A, %jit3A_34 : i32
    %barrier3A = arith.constant 0 : index
    tpu.barrier barrier_id(%barrier3A)
    %broadcast_in_dim3A_36 = arith.constant 65535 : i32
    %broadcast_in_dim3A_37 = vector.broadcast %broadcast_in_dim3A_36 : i32 to vector<16xi32>
    %broadcast_in_dim3A_38 = arith.constant 16 : i32
    %broadcast_in_dim3A_39 = vector.broadcast %broadcast_in_dim3A_38 : i32 to vector<16xi32>
    %sub3A = arith.constant 0 : i32
    %sub3A_40 = arith.subi %select_n3A_35, %sub3A : i32
    %sub3A_41 = arith.constant 1 : i32
    %sub3A_42 = arith.constant 1 : i32
    %sub3A_43 = arith.subi %sub3A_41, %sub3A_42 : i32
    %add3A_44 = arith.addi %sub3A_40, %sub3A_43 : i32
    %div3A = arith.constant 1 : i32
    %div3A_45 = arith.divsi %add3A_44, %div3A : i32
    %while3A = arith.constant 1 : i32
    %while3A_46 = arith.constant 0 : i32
    %while3A_47 = arith.constant 0 : i32
    %while3A_48 = arith.subi %div3A_45, %while3A_47 : i32
    %while3A_49 = arith.addi %while3A_47, %while3A_48 : i32
    %while3A_50 = arith.constant 1 : i32
    %while3A_51 = arith.divsi %while3A_48, %while3A_50 : i32
    %while3A_52 = arith.muli %while3A_51, %while3A_50 : i32
    %while3A_53 = arith.addi %while3A_47, %while3A_52 : i32
    %while3A_54 = arith.constant 1 : i32
    scf.for %while3A_199 = %while3A_47 to %while3A_53 step %while3A_54  : i32 {
      %mul3A_200 = arith.muli %while3A_199, %while3A : i32
      %add3A_201 = arith.addi %while3A_46, %mul3A_200 : i32
      %mul3A_202 = arith.constant 40 : i32
      %mul3A_203 = arith.muli %add3A_201, %mul3A_202 : i32
      %add3A_204 = arith.addi %select_n3A, %mul3A_203 : i32
      "tpu.region"() ({
        %run_scoped3A = tpu.sem_alloc : memref<!tpu.dma_semaphore, #tpu.memory_space<semaphore_mem>>
        %dma_start3A_242 = arith.constant 0 : i32
        %dma_start3A_243 = tpu.memref_slice %arg3[%add3A_204, %dma_start3A_242] : memref<5120x64xi32, #tpu.memory_space<hbm>> -> memref<40x64xi32, #tpu.memory_space<hbm>>
        %dma_start3A_244 = arith.constant 0 : i32
        %dma_start3A_245 = tpu.memref_slice %arg3[%add3A_204, %dma_start3A_244] : memref<5120x64xi32, #tpu.memory_space<hbm>> -> memref<40x64xi32, #tpu.memory_space<hbm>>
        tpu.enqueue_dma source(%dma_start3A_245 : memref<40x64xi32, #tpu.memory_space<hbm>>) target(%arg5 : memref<40x64xi32, #tpu.memory_space<vmem>>) target_semaphore(%run_scoped3A : memref<!tpu.dma_semaphore, #tpu.memory_space<semaphore_mem>>)
        %dma_wait3A_246 = arith.constant 0 : i32
        %dma_wait3A_247 = tpu.memref_slice %arg3[%add3A_204, %dma_wait3A_246] : memref<5120x64xi32, #tpu.memory_space<hbm>> -> memref<40x64xi32, #tpu.memory_space<hbm>>
        %dma_wait3A_248 = arith.constant 0 : i32
        %dma_wait3A_249 = tpu.memref_slice %arg3[%add3A_204, %dma_wait3A_248] : memref<5120x64xi32, #tpu.memory_space<hbm>> -> memref<40x64xi32, #tpu.memory_space<hbm>>
        tpu.wait_dma2 semaphore(%run_scoped3A : memref<!tpu.dma_semaphore, #tpu.memory_space<semaphore_mem>>) src(%dma_wait3A_249 : memref<40x64xi32, #tpu.memory_space<hbm>>) dst(%arg5 : memref<40x64xi32, #tpu.memory_space<vmem>>)
        tpu.yield
      }) : () -> ()
      %scan3A_205 = arith.constant 0 : i32
      %scan3A_206 = arith.constant 4 : i32
      %scan3A_207 = arith.addi %scan3A_205, %scan3A_206 : i32
      %scan3A_208 = arith.constant 1 : i32
      scf.for %scan3A_242 = %scan3A_205 to %scan3A_207 step %scan3A_208  : i32 {
        %mul3A_243 = arith.constant 16 : i32
        %mul3A_244 = arith.muli %scan3A_242, %mul3A_243 : i32
        %add3A_245 = arith.constant 0 : i32
        %add3A_246 = arith.addi %add3A_245, %mul3A_244 : i32
        %get3A = arith.constant 0 : i32
        %get3A_247 = arith.index_cast %get3A : i32 to index
        %get3A_248 = arith.index_cast %add3A_246 : i32 to index
        %get3A_249 = tpu.vector_load %arg5[%get3A_247, %get3A_248] {strides = array<i32>} : memref<40x64xi32, #tpu.memory_space<vmem>>, vector<16xi32>,
        %and3A = arith.andi %get3A_249, %broadcast_in_dim3A_37 : vector<16xi32>
        %swap3A = arith.index_cast %add3A_246 : i32 to index
        %swap3A_250 = tpu.vector_load %arg6[%swap3A] {strides = array<i32>} : memref<64xi32, #tpu.memory_space<vmem>>, vector<16xi32>,
        tpu.vector_store %arg6[%swap3A], %and3A {strides = array<i32>} : memref<64xi32, #tpu.memory_space<vmem>>, vector<16xi32>,
      }
      %scan3A_209 = arith.constant 4 : i32
      %dma_start3A_210 = arith.constant 0 : i32
      %dma_start3A_211 = arith.constant 0 : i32
      %dma_start3A_212 = tpu.memref_slice %arg2[%dma_start3A_210, %dma_start3A_211] : memref<10000x128xf32, #tpu.memory_space<hbm>> -> memref<10000x128xf32, #tpu.memory_space<hbm>>
      tpu.enqueue_indirect_dma source(%dma_start3A_212 : memref<10000x128xf32, #tpu.memory_space<hbm>>) target(%arg11 : memref<64x128xf32, #tpu.memory_space<vmem>>) offsets(%arg6 : memref<64xi32, #tpu.memory_space<vmem>>) semaphore(%arg16 : memref<!tpu.dma_semaphore, #tpu.memory_space<semaphore_mem>>)
      %scan3A_213 = arith.constant 0 : i32
      %scan3A_214 = arith.constant 4 : i32
      %scan3A_215 = arith.addi %scan3A_213, %scan3A_214 : i32
      %scan3A_216 = arith.constant 1 : i32
      scf.for %scan3A_242 = %scan3A_213 to %scan3A_215 step %scan3A_216  : i32 {
        %mul3A_243 = arith.constant 16 : i32
        %mul3A_244 = arith.muli %scan3A_242, %mul3A_243 : i32
        %add3A_245 = arith.constant 0 : i32
        %add3A_246 = arith.addi %add3A_245, %mul3A_244 : i32
        %get3A = arith.constant 1 : i32
        %get3A_247 = arith.index_cast %get3A : i32 to index
        %get3A_248 = arith.index_cast %add3A_246 : i32 to index
        %get3A_249 = tpu.vector_load %arg5[%get3A_247, %get3A_248] {strides = array<i32>} : memref<40x64xi32, #tpu.memory_space<vmem>>, vector<16xi32>,
        %and3A = arith.andi %get3A_249, %broadcast_in_dim3A_37 : vector<16xi32>
        %swap3A = arith.index_cast %add3A_246 : i32 to index
        %swap3A_250 = tpu.vector_load %arg7[%swap3A] {strides = array<i32>} : memref<64xi32, #tpu.memory_space<vmem>>, vector<16xi32>,
        tpu.vector_store %arg7[%swap3A], %and3A {strides = array<i32>} : memref<64xi32, #tpu.memory_space<vmem>>, vector<16xi32>,
      }
      %scan3A_217 = arith.constant 4 : i32
      %dma_start3A_218 = arith.constant 0 : i32
      %dma_start3A_219 = arith.constant 0 : i32
      %dma_start3A_220 = tpu.memref_slice %arg2[%dma_start3A_218, %dma_start3A_219] : memref<10000x128xf32, #tpu.memory_space<hbm>> -> memref<10000x128xf32, #tpu.memory_space<hbm>>
      tpu.enqueue_indirect_dma source(%dma_start3A_220 : memref<10000x128xf32, #tpu.memory_space<hbm>>) target(%arg12 : memref<64x128xf32, #tpu.memory_space<vmem>>) offsets(%arg7 : memref<64xi32, #tpu.memory_space<vmem>>) semaphore(%arg17 : memref<!tpu.dma_semaphore, #tpu.memory_space<semaphore_mem>>)
      %scan3A_221 = arith.constant 0 : i32
      %scan3A_222 = arith.constant 4 : i32
      %scan3A_223 = arith.addi %scan3A_221, %scan3A_222 : i32
      %scan3A_224 = arith.constant 1 : i32
      scf.for %scan3A_242 = %scan3A_221 to %scan3A_223 step %scan3A_224  : i32 {
        %mul3A_243 = arith.constant 16 : i32
        %mul3A_244 = arith.muli %scan3A_242, %mul3A_243 : i32
        %add3A_245 = arith.constant 0 : i32
        %add3A_246 = arith.addi %add3A_245, %mul3A_244 : i32
        %get3A = arith.constant 2 : i32
        %get3A_247 = arith.index_cast %get3A : i32 to index
        %get3A_248 = arith.index_cast %add3A_246 : i32 to index
        %get3A_249 = tpu.vector_load %arg5[%get3A_247, %get3A_248] {strides = array<i32>} : memref<40x64xi32, #tpu.memory_space<vmem>>, vector<16xi32>,
        %and3A = arith.andi %get3A_249, %broadcast_in_dim3A_37 : vector<16xi32>
        %swap3A = arith.index_cast %add3A_246 : i32 to index
        %swap3A_250 = tpu.vector_load %arg8[%swap3A] {strides = array<i32>} : memref<64xi32, #tpu.memory_space<vmem>>, vector<16xi32>,
        tpu.vector_store %arg8[%swap3A], %and3A {strides = array<i32>} : memref<64xi32, #tpu.memory_space<vmem>>, vector<16xi32>,
      }
      %scan3A_225 = arith.constant 4 : i32
      %dma_start3A_226 = arith.constant 0 : i32
      %dma_start3A_227 = arith.constant 0 : i32
      %dma_start3A_228 = tpu.memref_slice %arg2[%dma_start3A_226, %dma_start3A_227] : memref<10000x128xf32, #tpu.memory_space<hbm>> -> memref<10000x128xf32, #tpu.memory_space<hbm>>
      tpu.enqueue_indirect_dma source(%dma_start3A_228 : memref<10000x128xf32, #tpu.memory_space<hbm>>) target(%arg13 : memref<64x128xf32, #tpu.memory_space<vmem>>) offsets(%arg8 : memref<64xi32, #tpu.memory_space<vmem>>) semaphore(%arg18 : memref<!tpu.dma_semaphore, #tpu.memory_space<semaphore_mem>>)
      %scan3A_229 = arith.constant 0 : i32
      %scan3A_230 = arith.constant 4 : i32
      %scan3A_231 = arith.addi %scan3A_229, %scan3A_230 : i32
      %scan3A_232 = arith.constant 1 : i32
      scf.for %scan3A_242 = %scan3A_229 to %scan3A_231 step %scan3A_232  : i32 {
        %mul3A_243 = arith.constant 16 : i32
        %mul3A_244 = arith.muli %scan3A_242, %mul3A_243 : i32
        %add3A_245 = arith.constant 0 : i32
        %add3A_246 = arith.addi %add3A_245, %mul3A_244 : i32
        %get3A = arith.constant 3 : i32
        %get3A_247 = arith.index_cast %get3A : i32 to index
        %get3A_248 = arith.index_cast %add3A_246 : i32 to index
        %get3A_249 = tpu.vector_load %arg5[%get3A_247, %get3A_248] {strides = array<i32>} : memref<40x64xi32, #tpu.memory_space<vmem>>, vector<16xi32>,
        %and3A = arith.andi %get3A_249, %broadcast_in_dim3A_37 : vector<16xi32>
        %swap3A = arith.index_cast %add3A_246 : i32 to index
        %swap3A_250 = tpu.vector_load %arg9[%swap3A] {strides = array<i32>} : memref<64xi32, #tpu.memory_space<vmem>>, vector<16xi32>,
        tpu.vector_store %arg9[%swap3A], %and3A {strides = array<i32>} : memref<64xi32, #tpu.memory_space<vmem>>, vector<16xi32>,
      }
      %scan3A_233 = arith.constant 4 : i32
      %dma_start3A_234 = arith.constant 0 : i32
      %dma_start3A_235 = arith.constant 0 : i32
      %dma_start3A_236 = tpu.memref_slice %arg2[%dma_start3A_234, %dma_start3A_235] : memref<10000x128xf32, #tpu.memory_space<hbm>> -> memref<10000x128xf32, #tpu.memory_space<hbm>>
      tpu.enqueue_indirect_dma source(%dma_start3A_236 : memref<10000x128xf32, #tpu.memory_space<hbm>>) target(%arg14 : memref<64x128xf32, #tpu.memory_space<vmem>>) offsets(%arg9 : memref<64xi32, #tpu.memory_space<vmem>>) semaphore(%arg19 : memref<!tpu.dma_semaphore, #tpu.memory_space<semaphore_mem>>)
      %scan3A_237 = arith.constant 0 : i32
      %scan3A_238 = arith.constant 10 : i32
      %scan3A_239 = arith.addi %scan3A_237, %scan3A_238 : i32
      %scan3A_240 = arith.constant 1 : i32
      scf.for %scan3A_242 = %scan3A_237 to %scan3A_239 step %scan3A_240  : i32 {
        %mul3A_243 = arith.constant 4 : i32
        %mul3A_244 = arith.muli %scan3A_242, %mul3A_243 : i32
        %add3A_245 = arith.constant 0 : i32
        %add3A_246 = arith.addi %add3A_245, %mul3A_244 : i32
        %dma_wait3A_247 = arith.constant 0 : i32
        %dma_wait3A_248 = arith.constant 0 : i32
        %dma_wait3A_249 = tpu.memref_slice %arg2[%dma_wait3A_247, %dma_wait3A_248] : memref<10000x128xf32, #tpu.memory_space<hbm>> -> memref<10000x128xf32, #tpu.memory_space<hbm>>
        tpu.wait_indirect_dma semaphore(%arg16 : memref<!tpu.dma_semaphore, #tpu.memory_space<semaphore_mem>>) src(%dma_wait3A_249 : memref<10000x128xf32, #tpu.memory_space<hbm>>) dst(%arg11 : memref<64x128xf32, #tpu.memory_space<vmem>>)
        %add3A_250 = arith.constant 0 : i32
        %add3A_251 = arith.addi %add3A_246, %add3A_250 : i32
        %scan3A_252 = arith.constant 0 : i32
        %scan3A_253 = arith.constant 4 : i32
        %scan3A_254 = arith.addi %scan3A_252, %scan3A_253 : i32
        %scan3A_255 = arith.constant 1 : i32
        scf.for %scan3A_320 = %scan3A_252 to %scan3A_254 step %scan3A_255  : i32 {
          %mul3A_321 = arith.constant 16 : i32
          %mul3A_322 = arith.muli %scan3A_320, %mul3A_321 : i32
          %add3A_323 = arith.constant 0 : i32
          %add3A_324 = arith.addi %add3A_323, %mul3A_322 : i32
          %get3A = arith.index_cast %add3A_251 : i32 to index
          %get3A_325 = arith.index_cast %add3A_324 : i32 to index
          %get3A_326 = tpu.vector_load %arg5[%get3A, %get3A_325] {strides = array<i32>} : memref<40x64xi32, #tpu.memory_space<vmem>>, vector<16xi32>,
          %shift_right_logical3A = arith.shrui %get3A_326, %broadcast_in_dim3A_39 : vector<16xi32>
          %swap3A = arith.index_cast %add3A_324 : i32 to index
          %swap3A_327 = tpu.vector_load %arg10[%swap3A] {strides = array<i32>} : memref<64xi32, #tpu.memory_space<vmem>>, vector<16xi32>,
          tpu.vector_store %arg10[%swap3A], %shift_right_logical3A {strides = array<i32>} : memref<64xi32, #tpu.memory_space<vmem>>, vector<16xi32>,
        }
        %scan3A_256 = arith.constant 4 : i32
        "tpu.region"() ({
          %run_scoped3A = tpu.sem_alloc : memref<!tpu.dma_semaphore, #tpu.memory_space<semaphore_mem>>
          %dma_start3A_320 = arith.constant 0 : i32
          %dma_start3A_321 = arith.constant 0 : i32
          %dma_start3A_322 = tpu.memref_slice %arg15[%dma_start3A_320, %dma_start3A_321] : memref<10112x128xf32, #tpu.memory_space<vmem_shared>> -> memref<10112x128xf32, #tpu.memory_space<vmem_shared>>
          tpu.enqueue_indirect_dma source(%arg11 : memref<64x128xf32, #tpu.memory_space<vmem>>) target(%dma_start3A_322 : memref<10112x128xf32, #tpu.memory_space<vmem_shared>>) offsets(%arg10 : memref<64xi32, #tpu.memory_space<vmem>>) semaphore(%run_scoped3A : memref<!tpu.dma_semaphore, #tpu.memory_space<semaphore_mem>>) {add = true}
          %dma_wait3A_323 = arith.constant 0 : i32
          %dma_wait3A_324 = arith.constant 0 : i32
          %dma_wait3A_325 = tpu.memref_slice %arg15[%dma_wait3A_323, %dma_wait3A_324] : memref<10112x128xf32, #tpu.memory_space<vmem_shared>> -> memref<10112x128xf32, #tpu.memory_space<vmem_shared>>
          tpu.wait_indirect_dma semaphore(%run_scoped3A : memref<!tpu.dma_semaphore, #tpu.memory_space<semaphore_mem>>) src(%arg11 : memref<64x128xf32, #tpu.memory_space<vmem>>) dst(%dma_wait3A_325 : memref<10112x128xf32, #tpu.memory_space<vmem_shared>>)
          tpu.yield
        }) : () -> ()
        %add3A_257 = arith.constant 0 : i32
        %add3A_258 = arith.addi %add3A_246, %add3A_257 : i32
        %add3A_259 = arith.constant 4 : i32
        %add3A_260 = arith.addi %add3A_258, %add3A_259 : i32
        %lt3A = arith.constant 40 : i32
        %lt3A_261 = arith.cmpi slt, %add3A_260, %lt3A : i32
        %convert_element_type3A = arith.extui %lt3A_261 : i1 to i32
        %cond3A = arith.constant 0 : i32
        %cond3A_262 = arith.cmpi ne, %convert_element_type3A, %cond3A : i32
        scf.if %cond3A_262 {
          %add3A_320 = arith.constant 0 : i32
          %add3A_321 = arith.addi %add3A_246, %add3A_320 : i32
          %add3A_322 = arith.constant 4 : i32
          %add3A_323 = arith.addi %add3A_321, %add3A_322 : i32
          %scan3A_324 = arith.constant 0 : i32
          %scan3A_325 = arith.constant 4 : i32
          %scan3A_326 = arith.addi %scan3A_324, %scan3A_325 : i32
          %scan3A_327 = arith.constant 1 : i32
          scf.for %scan3A_332 = %scan3A_324 to %scan3A_326 step %scan3A_327  : i32 {
            %mul3A_333 = arith.constant 16 : i32
            %mul3A_334 = arith.muli %scan3A_332, %mul3A_333 : i32
            %add3A_335 = arith.constant 0 : i32
            %add3A_336 = arith.addi %add3A_335, %mul3A_334 : i32
            %get3A = arith.index_cast %add3A_323 : i32 to index
            %get3A_337 = arith.index_cast %add3A_336 : i32 to index
            %get3A_338 = tpu.vector_load %arg5[%get3A, %get3A_337] {strides = array<i32>} : memref<40x64xi32, #tpu.memory_space<vmem>>, vector<16xi32>,
            %and3A = arith.andi %get3A_338, %broadcast_in_dim3A_37 : vector<16xi32>
            %swap3A = arith.index_cast %add3A_336 : i32 to index
            %swap3A_339 = tpu.vector_load %arg6[%swap3A] {strides = array<i32>} : memref<64xi32, #tpu.memory_space<vmem>>, vector<16xi32>,
            tpu.vector_store %arg6[%swap3A], %and3A {strides = array<i32>} : memref<64xi32, #tpu.memory_space<vmem>>, vector<16xi32>,
          }
          %scan3A_328 = arith.constant 4 : i32
          %dma_start3A_329 = arith.constant 0 : i32
          %dma_start3A_330 = arith.constant 0 : i32
          %dma_start3A_331 = tpu.memref_slice %arg2[%dma_start3A_329, %dma_start3A_330] : memref<10000x128xf32, #tpu.memory_space<hbm>> -> memref<10000x128xf32, #tpu.memory_space<hbm>>
          tpu.enqueue_indirect_dma source(%dma_start3A_331 : memref<10000x128xf32, #tpu.memory_space<hbm>>) target(%arg11 : memref<64x128xf32, #tpu.memory_space<vmem>>) offsets(%arg6 : memref<64xi32, #tpu.memory_space<vmem>>) semaphore(%arg16 : memref<!tpu.dma_semaphore, #tpu.memory_space<semaphore_mem>>)
        } else {
        }
        %dma_wait3A_263 = arith.constant 0 : i32
        %dma_wait3A_264 = arith.constant 0 : i32
        %dma_wait3A_265 = tpu.memref_slice %arg2[%dma_wait3A_263, %dma_wait3A_264] : memref<10000x128xf32, #tpu.memory_space<hbm>> -> memref<10000x128xf32, #tpu.memory_space<hbm>>
        tpu.wait_indirect_dma semaphore(%arg17 : memref<!tpu.dma_semaphore, #tpu.memory_space<semaphore_mem>>) src(%dma_wait3A_265 : memref<10000x128xf32, #tpu.memory_space<hbm>>) dst(%arg12 : memref<64x128xf32, #tpu.memory_space<vmem>>)
        %add3A_266 = arith.constant 1 : i32
        %add3A_267 = arith.addi %add3A_246, %add3A_266 : i32
        %scan3A_268 = arith.constant 0 : i32
        %scan3A_269 = arith.constant 4 : i32
        %scan3A_270 = arith.addi %scan3A_268, %scan3A_269 : i32
        %scan3A_271 = arith.constant 1 : i32
        scf.for %scan3A_320 = %scan3A_268 to %scan3A_270 step %scan3A_271  : i32 {
          %mul3A_321 = arith.constant 16 : i32
          %mul3A_322 = arith.muli %scan3A_320, %mul3A_321 : i32
          %add3A_323 = arith.constant 0 : i32
          %add3A_324 = arith.addi %add3A_323, %mul3A_322 : i32
          %get3A = arith.index_cast %add3A_267 : i32 to index
          %get3A_325 = arith.index_cast %add3A_324 : i32 to index
          %get3A_326 = tpu.vector_load %arg5[%get3A, %get3A_325] {strides = array<i32>} : memref<40x64xi32, #tpu.memory_space<vmem>>, vector<16xi32>,
          %shift_right_logical3A = arith.shrui %get3A_326, %broadcast_in_dim3A_39 : vector<16xi32>
          %swap3A = arith.index_cast %add3A_324 : i32 to index
          %swap3A_327 = tpu.vector_load %arg10[%swap3A] {strides = array<i32>} : memref<64xi32, #tpu.memory_space<vmem>>, vector<16xi32>,
          tpu.vector_store %arg10[%swap3A], %shift_right_logical3A {strides = array<i32>} : memref<64xi32, #tpu.memory_space<vmem>>, vector<16xi32>,
        }
        %scan3A_272 = arith.constant 4 : i32
        "tpu.region"() ({
          %run_scoped3A = tpu.sem_alloc : memref<!tpu.dma_semaphore, #tpu.memory_space<semaphore_mem>>
          %dma_start3A_320 = arith.constant 0 : i32
          %dma_start3A_321 = arith.constant 0 : i32
          %dma_start3A_322 = tpu.memref_slice %arg15[%dma_start3A_320, %dma_start3A_321] : memref<10112x128xf32, #tpu.memory_space<vmem_shared>> -> memref<10112x128xf32, #tpu.memory_space<vmem_shared>>
          tpu.enqueue_indirect_dma source(%arg12 : memref<64x128xf32, #tpu.memory_space<vmem>>) target(%dma_start3A_322 : memref<10112x128xf32, #tpu.memory_space<vmem_shared>>) offsets(%arg10 : memref<64xi32, #tpu.memory_space<vmem>>) semaphore(%run_scoped3A : memref<!tpu.dma_semaphore, #tpu.memory_space<semaphore_mem>>) {add = true}
          %dma_wait3A_323 = arith.constant 0 : i32
          %dma_wait3A_324 = arith.constant 0 : i32
          %dma_wait3A_325 = tpu.memref_slice %arg15[%dma_wait3A_323, %dma_wait3A_324] : memref<10112x128xf32, #tpu.memory_space<vmem_shared>> -> memref<10112x128xf32, #tpu.memory_space<vmem_shared>>
          tpu.wait_indirect_dma semaphore(%run_scoped3A : memref<!tpu.dma_semaphore, #tpu.memory_space<semaphore_mem>>) src(%arg12 : memref<64x128xf32, #tpu.memory_space<vmem>>) dst(%dma_wait3A_325 : memref<10112x128xf32, #tpu.memory_space<vmem_shared>>)
          tpu.yield
        }) : () -> ()
        %add3A_273 = arith.constant 1 : i32
        %add3A_274 = arith.addi %add3A_246, %add3A_273 : i32
        %add3A_275 = arith.constant 4 : i32
        %add3A_276 = arith.addi %add3A_274, %add3A_275 : i32
        %lt3A_277 = arith.constant 40 : i32
        %lt3A_278 = arith.cmpi slt, %add3A_276, %lt3A_277 : i32
        %convert_element_type3A_279 = arith.extui %lt3A_278 : i1 to i32
        %cond3A_280 = arith.constant 0 : i32
        %cond3A_281 = arith.cmpi ne, %convert_element_type3A_279, %cond3A_280 : i32
        scf.if %cond3A_281 {
          %add3A_320 = arith.constant 1 : i32
          %add3A_321 = arith.addi %add3A_246, %add3A_320 : i32
          %add3A_322 = arith.constant 4 : i32
          %add3A_323 = arith.addi %add3A_321, %add3A_322 : i32
          %scan3A_324 = arith.constant 0 : i32
          %scan3A_325 = arith.constant 4 : i32
          %scan3A_326 = arith.addi %scan3A_324, %scan3A_325 : i32
          %scan3A_327 = arith.constant 1 : i32
          scf.for %scan3A_332 = %scan3A_324 to %scan3A_326 step %scan3A_327  : i32 {
            %mul3A_333 = arith.constant 16 : i32
            %mul3A_334 = arith.muli %scan3A_332, %mul3A_333 : i32
            %add3A_335 = arith.constant 0 : i32
            %add3A_336 = arith.addi %add3A_335, %mul3A_334 : i32
            %get3A = arith.index_cast %add3A_323 : i32 to index
            %get3A_337 = arith.index_cast %add3A_336 : i32 to index
            %get3A_338 = tpu.vector_load %arg5[%get3A, %get3A_337] {strides = array<i32>} : memref<40x64xi32, #tpu.memory_space<vmem>>, vector<16xi32>,
            %and3A = arith.andi %get3A_338, %broadcast_in_dim3A_37 : vector<16xi32>
            %swap3A = arith.index_cast %add3A_336 : i32 to index
            %swap3A_339 = tpu.vector_load %arg7[%swap3A] {strides = array<i32>} : memref<64xi32, #tpu.memory_space<vmem>>, vector<16xi32>,
            tpu.vector_store %arg7[%swap3A], %and3A {strides = array<i32>} : memref<64xi32, #tpu.memory_space<vmem>>, vector<16xi32>,
          }
          %scan3A_328 = arith.constant 4 : i32
          %dma_start3A_329 = arith.constant 0 : i32
          %dma_start3A_330 = arith.constant 0 : i32
          %dma_start3A_331 = tpu.memref_slice %arg2[%dma_start3A_329, %dma_start3A_330] : memref<10000x128xf32, #tpu.memory_space<hbm>> -> memref<10000x128xf32, #tpu.memory_space<hbm>>
          tpu.enqueue_indirect_dma source(%dma_start3A_331 : memref<10000x128xf32, #tpu.memory_space<hbm>>) target(%arg12 : memref<64x128xf32, #tpu.memory_space<vmem>>) offsets(%arg7 : memref<64xi32, #tpu.memory_space<vmem>>) semaphore(%arg17 : memref<!tpu.dma_semaphore, #tpu.memory_space<semaphore_mem>>)
        } else {
        }
        %dma_wait3A_282 = arith.constant 0 : i32
        %dma_wait3A_283 = arith.constant 0 : i32
        %dma_wait3A_284 = tpu.memref_slice %arg2[%dma_wait3A_282, %dma_wait3A_283] : memref<10000x128xf32, #tpu.memory_space<hbm>> -> memref<10000x128xf32, #tpu.memory_space<hbm>>
        tpu.wait_indirect_dma semaphore(%arg18 : memref<!tpu.dma_semaphore, #tpu.memory_space<semaphore_mem>>) src(%dma_wait3A_284 : memref<10000x128xf32, #tpu.memory_space<hbm>>) dst(%arg13 : memref<64x128xf32, #tpu.memory_space<vmem>>)
        %add3A_285 = arith.constant 2 : i32
        %add3A_286 = arith.addi %add3A_246, %add3A_285 : i32
        %scan3A_287 = arith.constant 0 : i32
        %scan3A_288 = arith.constant 4 : i32
        %scan3A_289 = arith.addi %scan3A_287, %scan3A_288 : i32
        %scan3A_290 = arith.constant 1 : i32
        scf.for %scan3A_320 = %scan3A_287 to %scan3A_289 step %scan3A_290  : i32 {
          %mul3A_321 = arith.constant 16 : i32
          %mul3A_322 = arith.muli %scan3A_320, %mul3A_321 : i32
          %add3A_323 = arith.constant 0 : i32
          %add3A_324 = arith.addi %add3A_323, %mul3A_322 : i32
          %get3A = arith.index_cast %add3A_286 : i32 to index
          %get3A_325 = arith.index_cast %add3A_324 : i32 to index
          %get3A_326 = tpu.vector_load %arg5[%get3A, %get3A_325] {strides = array<i32>} : memref<40x64xi32, #tpu.memory_space<vmem>>, vector<16xi32>,
          %shift_right_logical3A = arith.shrui %get3A_326, %broadcast_in_dim3A_39 : vector<16xi32>
          %swap3A = arith.index_cast %add3A_324 : i32 to index
          %swap3A_327 = tpu.vector_load %arg10[%swap3A] {strides = array<i32>} : memref<64xi32, #tpu.memory_space<vmem>>, vector<16xi32>,
          tpu.vector_store %arg10[%swap3A], %shift_right_logical3A {strides = array<i32>} : memref<64xi32, #tpu.memory_space<vmem>>, vector<16xi32>,
        }
        %scan3A_291 = arith.constant 4 : i32
        "tpu.region"() ({
          %run_scoped3A = tpu.sem_alloc : memref<!tpu.dma_semaphore, #tpu.memory_space<semaphore_mem>>
          %dma_start3A_320 = arith.constant 0 : i32
          %dma_start3A_321 = arith.constant 0 : i32
          %dma_start3A_322 = tpu.memref_slice %arg15[%dma_start3A_320, %dma_start3A_321] : memref<10112x128xf32, #tpu.memory_space<vmem_shared>> -> memref<10112x128xf32, #tpu.memory_space<vmem_shared>>
          tpu.enqueue_indirect_dma source(%arg13 : memref<64x128xf32, #tpu.memory_space<vmem>>) target(%dma_start3A_322 : memref<10112x128xf32, #tpu.memory_space<vmem_shared>>) offsets(%arg10 : memref<64xi32, #tpu.memory_space<vmem>>) semaphore(%run_scoped3A : memref<!tpu.dma_semaphore, #tpu.memory_space<semaphore_mem>>) {add = true}
          %dma_wait3A_323 = arith.constant 0 : i32
          %dma_wait3A_324 = arith.constant 0 : i32
          %dma_wait3A_325 = tpu.memref_slice %arg15[%dma_wait3A_323, %dma_wait3A_324] : memref<10112x128xf32, #tpu.memory_space<vmem_shared>> -> memref<10112x128xf32, #tpu.memory_space<vmem_shared>>
          tpu.wait_indirect_dma semaphore(%run_scoped3A : memref<!tpu.dma_semaphore, #tpu.memory_space<semaphore_mem>>) src(%arg13 : memref<64x128xf32, #tpu.memory_space<vmem>>) dst(%dma_wait3A_325 : memref<10112x128xf32, #tpu.memory_space<vmem_shared>>)
          tpu.yield
        }) : () -> ()
        %add3A_292 = arith.constant 2 : i32
        %add3A_293 = arith.addi %add3A_246, %add3A_292 : i32
        %add3A_294 = arith.constant 4 : i32
        %add3A_295 = arith.addi %add3A_293, %add3A_294 : i32
        %lt3A_296 = arith.constant 40 : i32
        %lt3A_297 = arith.cmpi slt, %add3A_295, %lt3A_296 : i32
        %convert_element_type3A_298 = arith.extui %lt3A_297 : i1 to i32
        %cond3A_299 = arith.constant 0 : i32
        %cond3A_300 = arith.cmpi ne, %convert_element_type3A_298, %cond3A_299 : i32
        scf.if %cond3A_300 {
          %add3A_320 = arith.constant 2 : i32
          %add3A_321 = arith.addi %add3A_246, %add3A_320 : i32
          %add3A_322 = arith.constant 4 : i32
          %add3A_323 = arith.addi %add3A_321, %add3A_322 : i32
          %scan3A_324 = arith.constant 0 : i32
          %scan3A_325 = arith.constant 4 : i32
          %scan3A_326 = arith.addi %scan3A_324, %scan3A_325 : i32
          %scan3A_327 = arith.constant 1 : i32
          scf.for %scan3A_332 = %scan3A_324 to %scan3A_326 step %scan3A_327  : i32 {
            %mul3A_333 = arith.constant 16 : i32
            %mul3A_334 = arith.muli %scan3A_332, %mul3A_333 : i32
            %add3A_335 = arith.constant 0 : i32
            %add3A_336 = arith.addi %add3A_335, %mul3A_334 : i32
            %get3A = arith.index_cast %add3A_323 : i32 to index
            %get3A_337 = arith.index_cast %add3A_336 : i32 to index
            %get3A_338 = tpu.vector_load %arg5[%get3A, %get3A_337] {strides = array<i32>} : memref<40x64xi32, #tpu.memory_space<vmem>>, vector<16xi32>,
            %and3A = arith.andi %get3A_338, %broadcast_in_dim3A_37 : vector<16xi32>
            %swap3A = arith.index_cast %add3A_336 : i32 to index
            %swap3A_339 = tpu.vector_load %arg8[%swap3A] {strides = array<i32>} : memref<64xi32, #tpu.memory_space<vmem>>, vector<16xi32>,
            tpu.vector_store %arg8[%swap3A], %and3A {strides = array<i32>} : memref<64xi32, #tpu.memory_space<vmem>>, vector<16xi32>,
          }
          %scan3A_328 = arith.constant 4 : i32
          %dma_start3A_329 = arith.constant 0 : i32
          %dma_start3A_330 = arith.constant 0 : i32
          %dma_start3A_331 = tpu.memref_slice %arg2[%dma_start3A_329, %dma_start3A_330] : memref<10000x128xf32, #tpu.memory_space<hbm>> -> memref<10000x128xf32, #tpu.memory_space<hbm>>
          tpu.enqueue_indirect_dma source(%dma_start3A_331 : memref<10000x128xf32, #tpu.memory_space<hbm>>) target(%arg13 : memref<64x128xf32, #tpu.memory_space<vmem>>) offsets(%arg8 : memref<64xi32, #tpu.memory_space<vmem>>) semaphore(%arg18 : memref<!tpu.dma_semaphore, #tpu.memory_space<semaphore_mem>>)
        } else {
        }
        %dma_wait3A_301 = arith.constant 0 : i32
        %dma_wait3A_302 = arith.constant 0 : i32
        %dma_wait3A_303 = tpu.memref_slice %arg2[%dma_wait3A_301, %dma_wait3A_302] : memref<10000x128xf32, #tpu.memory_space<hbm>> -> memref<10000x128xf32, #tpu.memory_space<hbm>>
        tpu.wait_indirect_dma semaphore(%arg19 : memref<!tpu.dma_semaphore, #tpu.memory_space<semaphore_mem>>) src(%dma_wait3A_303 : memref<10000x128xf32, #tpu.memory_space<hbm>>) dst(%arg14 : memref<64x128xf32, #tpu.memory_space<vmem>>)
        %add3A_304 = arith.constant 3 : i32
        %add3A_305 = arith.addi %add3A_246, %add3A_304 : i32
        %scan3A_306 = arith.constant 0 : i32
        %scan3A_307 = arith.constant 4 : i32
        %scan3A_308 = arith.addi %scan3A_306, %scan3A_307 : i32
        %scan3A_309 = arith.constant 1 : i32
        scf.for %scan3A_320 = %scan3A_306 to %scan3A_308 step %scan3A_309  : i32 {
          %mul3A_321 = arith.constant 16 : i32
          %mul3A_322 = arith.muli %scan3A_320, %mul3A_321 : i32
          %add3A_323 = arith.constant 0 : i32
          %add3A_324 = arith.addi %add3A_323, %mul3A_322 : i32
          %get3A = arith.index_cast %add3A_305 : i32 to index
          %get3A_325 = arith.index_cast %add3A_324 : i32 to index
          %get3A_326 = tpu.vector_load %arg5[%get3A, %get3A_325] {strides = array<i32>} : memref<40x64xi32, #tpu.memory_space<vmem>>, vector<16xi32>,
          %shift_right_logical3A = arith.shrui %get3A_326, %broadcast_in_dim3A_39 : vector<16xi32>
          %swap3A = arith.index_cast %add3A_324 : i32 to index
          %swap3A_327 = tpu.vector_load %arg10[%swap3A] {strides = array<i32>} : memref<64xi32, #tpu.memory_space<vmem>>, vector<16xi32>,
          tpu.vector_store %arg10[%swap3A], %shift_right_logical3A {strides = array<i32>} : memref<64xi32, #tpu.memory_space<vmem>>, vector<16xi32>,
        }
        %scan3A_310 = arith.constant 4 : i32
        "tpu.region"() ({
          %run_scoped3A = tpu.sem_alloc : memref<!tpu.dma_semaphore, #tpu.memory_space<semaphore_mem>>
          %dma_start3A_320 = arith.constant 0 : i32
          %dma_start3A_321 = arith.constant 0 : i32
          %dma_start3A_322 = tpu.memref_slice %arg15[%dma_start3A_320, %dma_start3A_321] : memref<10112x128xf32, #tpu.memory_space<vmem_shared>> -> memref<10112x128xf32, #tpu.memory_space<vmem_shared>>
          tpu.enqueue_indirect_dma source(%arg14 : memref<64x128xf32, #tpu.memory_space<vmem>>) target(%dma_start3A_322 : memref<10112x128xf32, #tpu.memory_space<vmem_shared>>) offsets(%arg10 : memref<64xi32, #tpu.memory_space<vmem>>) semaphore(%run_scoped3A : memref<!tpu.dma_semaphore, #tpu.memory_space<semaphore_mem>>) {add = true}
          %dma_wait3A_323 = arith.constant 0 : i32
          %dma_wait3A_324 = arith.constant 0 : i32
          %dma_wait3A_325 = tpu.memref_slice %arg15[%dma_wait3A_323, %dma_wait3A_324] : memref<10112x128xf32, #tpu.memory_space<vmem_shared>> -> memref<10112x128xf32, #tpu.memory_space<vmem_shared>>
          tpu.wait_indirect_dma semaphore(%run_scoped3A : memref<!tpu.dma_semaphore, #tpu.memory_space<semaphore_mem>>) src(%arg14 : memref<64x128xf32, #tpu.memory_space<vmem>>) dst(%dma_wait3A_325 : memref<10112x128xf32, #tpu.memory_space<vmem_shared>>)
          tpu.yield
        }) : () -> ()
        %add3A_311 = arith.constant 3 : i32
        %add3A_312 = arith.addi %add3A_246, %add3A_311 : i32
        %add3A_313 = arith.constant 4 : i32
        %add3A_314 = arith.addi %add3A_312, %add3A_313 : i32
        %lt3A_315 = arith.constant 40 : i32
        %lt3A_316 = arith.cmpi slt, %add3A_314, %lt3A_315 : i32
        %convert_element_type3A_317 = arith.extui %lt3A_316 : i1 to i32
        %cond3A_318 = arith.constant 0 : i32
        %cond3A_319 = arith.cmpi ne, %convert_element_type3A_317, %cond3A_318 : i32
        scf.if %cond3A_319 {
          %add3A_320 = arith.constant 3 : i32
          %add3A_321 = arith.addi %add3A_246, %add3A_320 : i32
          %add3A_322 = arith.constant 4 : i32
          %add3A_323 = arith.addi %add3A_321, %add3A_322 : i32
          %scan3A_324 = arith.constant 0 : i32
          %scan3A_325 = arith.constant 4 : i32
          %scan3A_326 = arith.addi %scan3A_324, %scan3A_325 : i32
          %scan3A_327 = arith.constant 1 : i32
          scf.for %scan3A_332 = %scan3A_324 to %scan3A_326 step %scan3A_327  : i32 {
            %mul3A_333 = arith.constant 16 : i32
            %mul3A_334 = arith.muli %scan3A_332, %mul3A_333 : i32
            %add3A_335 = arith.constant 0 : i32
            %add3A_336 = arith.addi %add3A_335, %mul3A_334 : i32
            %get3A = arith.index_cast %add3A_323 : i32 to index
            %get3A_337 = arith.index_cast %add3A_336 : i32 to index
            %get3A_338 = tpu.vector_load %arg5[%get3A, %get3A_337] {strides = array<i32>} : memref<40x64xi32, #tpu.memory_space<vmem>>, vector<16xi32>,
            %and3A = arith.andi %get3A_338, %broadcast_in_dim3A_37 : vector<16xi32>
            %swap3A = arith.index_cast %add3A_336 : i32 to index
            %swap3A_339 = tpu.vector_load %arg9[%swap3A] {strides = array<i32>} : memref<64xi32, #tpu.memory_space<vmem>>, vector<16xi32>,
            tpu.vector_store %arg9[%swap3A], %and3A {strides = array<i32>} : memref<64xi32, #tpu.memory_space<vmem>>, vector<16xi32>,
          }
          %scan3A_328 = arith.constant 4 : i32
          %dma_start3A_329 = arith.constant 0 : i32
          %dma_start3A_330 = arith.constant 0 : i32
          %dma_start3A_331 = tpu.memref_slice %arg2[%dma_start3A_329, %dma_start3A_330] : memref<10000x128xf32, #tpu.memory_space<hbm>> -> memref<10000x128xf32, #tpu.memory_space<hbm>>
          tpu.enqueue_indirect_dma source(%dma_start3A_331 : memref<10000x128xf32, #tpu.memory_space<hbm>>) target(%arg14 : memref<64x128xf32, #tpu.memory_space<vmem>>) offsets(%arg9 : memref<64xi32, #tpu.memory_space<vmem>>) semaphore(%arg19 : memref<!tpu.dma_semaphore, #tpu.memory_space<semaphore_mem>>)
        } else {
        }
      }
      %scan3A_241 = arith.constant 10 : i32
    }
    %while3A_55 = arith.constant 1 : i32
    scf.for %while3A_199 = %while3A_53 to %while3A_49 step %while3A_55  : i32 {
      %mul3A_200 = arith.muli %while3A_199, %while3A : i32
      %add3A_201 = arith.addi %while3A_46, %mul3A_200 : i32
      %mul3A_202 = arith.constant 40 : i32
      %mul3A_203 = arith.muli %add3A_201, %mul3A_202 : i32
      %add3A_204 = arith.addi %select_n3A, %mul3A_203 : i32
      "tpu.region"() ({
        %run_scoped3A = tpu.sem_alloc : memref<!tpu.dma_semaphore, #tpu.memory_space<semaphore_mem>>
        %dma_start3A_242 = arith.constant 0 : i32
        %dma_start3A_243 = tpu.memref_slice %arg3[%add3A_204, %dma_start3A_242] : memref<5120x64xi32, #tpu.memory_space<hbm>> -> memref<40x64xi32, #tpu.memory_space<hbm>>
        %dma_start3A_244 = arith.constant 0 : i32
        %dma_start3A_245 = tpu.memref_slice %arg3[%add3A_204, %dma_start3A_244] : memref<5120x64xi32, #tpu.memory_space<hbm>> -> memref<40x64xi32, #tpu.memory_space<hbm>>
        tpu.enqueue_dma source(%dma_start3A_245 : memref<40x64xi32, #tpu.memory_space<hbm>>) target(%arg5 : memref<40x64xi32, #tpu.memory_space<vmem>>) target_semaphore(%run_scoped3A : memref<!tpu.dma_semaphore, #tpu.memory_space<semaphore_mem>>)
        %dma_wait3A_246 = arith.constant 0 : i32
        %dma_wait3A_247 = tpu.memref_slice %arg3[%add3A_204, %dma_wait3A_246] : memref<5120x64xi32, #tpu.memory_space<hbm>> -> memref<40x64xi32, #tpu.memory_space<hbm>>
        %dma_wait3A_248 = arith.constant 0 : i32
        %dma_wait3A_249 = tpu.memref_slice %arg3[%add3A_204, %dma_wait3A_248] : memref<5120x64xi32, #tpu.memory_space<hbm>> -> memref<40x64xi32, #tpu.memory_space<hbm>>
        tpu.wait_dma2 semaphore(%run_scoped3A : memref<!tpu.dma_semaphore, #tpu.memory_space<semaphore_mem>>) src(%dma_wait3A_249 : memref<40x64xi32, #tpu.memory_space<hbm>>) dst(%arg5 : memref<40x64xi32, #tpu.memory_space<vmem>>)
        tpu.yield
      }) : () -> ()
      %scan3A_205 = arith.constant 0 : i32
      %scan3A_206 = arith.constant 4 : i32
      %scan3A_207 = arith.addi %scan3A_205, %scan3A_206 : i32
      %scan3A_208 = arith.constant 1 : i32
      scf.for %scan3A_242 = %scan3A_205 to %scan3A_207 step %scan3A_208  : i32 {
        %mul3A_243 = arith.constant 16 : i32
        %mul3A_244 = arith.muli %scan3A_242, %mul3A_243 : i32
        %add3A_245 = arith.constant 0 : i32
        %add3A_246 = arith.addi %add3A_245, %mul3A_244 : i32
        %get3A = arith.constant 0 : i32
        %get3A_247 = arith.index_cast %get3A : i32 to index
        %get3A_248 = arith.index_cast %add3A_246 : i32 to index
        %get3A_249 = tpu.vector_load %arg5[%get3A_247, %get3A_248] {strides = array<i32>} : memref<40x64xi32, #tpu.memory_space<vmem>>, vector<16xi32>,
        %and3A = arith.andi %get3A_249, %broadcast_in_dim3A_37 : vector<16xi32>
        %swap3A = arith.index_cast %add3A_246 : i32 to index
        %swap3A_250 = tpu.vector_load %arg6[%swap3A] {strides = array<i32>} : memref<64xi32, #tpu.memory_space<vmem>>, vector<16xi32>,
        tpu.vector_store %arg6[%swap3A], %and3A {strides = array<i32>} : memref<64xi32, #tpu.memory_space<vmem>>, vector<16xi32>,
      }
      %scan3A_209 = arith.constant 4 : i32
      %dma_start3A_210 = arith.constant 0 : i32
      %dma_start3A_211 = arith.constant 0 : i32
      %dma_start3A_212 = tpu.memref_slice %arg2[%dma_start3A_210, %dma_start3A_211] : memref<10000x128xf32, #tpu.memory_space<hbm>> -> memref<10000x128xf32, #tpu.memory_space<hbm>>
      tpu.enqueue_indirect_dma source(%dma_start3A_212 : memref<10000x128xf32, #tpu.memory_space<hbm>>) target(%arg11 : memref<64x128xf32, #tpu.memory_space<vmem>>) offsets(%arg6 : memref<64xi32, #tpu.memory_space<vmem>>) semaphore(%arg16 : memref<!tpu.dma_semaphore, #tpu.memory_space<semaphore_mem>>)
      %scan3A_213 = arith.constant 0 : i32
      %scan3A_214 = arith.constant 4 : i32
      %scan3A_215 = arith.addi %scan3A_213, %scan3A_214 : i32
      %scan3A_216 = arith.constant 1 : i32
      scf.for %scan3A_242 = %scan3A_213 to %scan3A_215 step %scan3A_216  : i32 {
        %mul3A_243 = arith.constant 16 : i32
        %mul3A_244 = arith.muli %scan3A_242, %mul3A_243 : i32
        %add3A_245 = arith.constant 0 : i32
        %add3A_246 = arith.addi %add3A_245, %mul3A_244 : i32
        %get3A = arith.constant 1 : i32
        %get3A_247 = arith.index_cast %get3A : i32 to index
        %get3A_248 = arith.index_cast %add3A_246 : i32 to index
        %get3A_249 = tpu.vector_load %arg5[%get3A_247, %get3A_248] {strides = array<i32>} : memref<40x64xi32, #tpu.memory_space<vmem>>, vector<16xi32>,
        %and3A = arith.andi %get3A_249, %broadcast_in_dim3A_37 : vector<16xi32>
        %swap3A = arith.index_cast %add3A_246 : i32 to index
        %swap3A_250 = tpu.vector_load %arg7[%swap3A] {strides = array<i32>} : memref<64xi32, #tpu.memory_space<vmem>>, vector<16xi32>,
        tpu.vector_store %arg7[%swap3A], %and3A {strides = array<i32>} : memref<64xi32, #tpu.memory_space<vmem>>, vector<16xi32>,
      }
      %scan3A_217 = arith.constant 4 : i32
      %dma_start3A_218 = arith.constant 0 : i32
      %dma_start3A_219 = arith.constant 0 : i32
      %dma_start3A_220 = tpu.memref_slice %arg2[%dma_start3A_218, %dma_start3A_219] : memref<10000x128xf32, #tpu.memory_space<hbm>> -> memref<10000x128xf32, #tpu.memory_space<hbm>>
      tpu.enqueue_indirect_dma source(%dma_start3A_220 : memref<10000x128xf32, #tpu.memory_space<hbm>>) target(%arg12 : memref<64x128xf32, #tpu.memory_space<vmem>>) offsets(%arg7 : memref<64xi32, #tpu.memory_space<vmem>>) semaphore(%arg17 : memref<!tpu.dma_semaphore, #tpu.memory_space<semaphore_mem>>)
      %scan3A_221 = arith.constant 0 : i32
      %scan3A_222 = arith.constant 4 : i32
      %scan3A_223 = arith.addi %scan3A_221, %scan3A_222 : i32
      %scan3A_224 = arith.constant 1 : i32
      scf.for %scan3A_242 = %scan3A_221 to %scan3A_223 step %scan3A_224  : i32 {
        %mul3A_243 = arith.constant 16 : i32
        %mul3A_244 = arith.muli %scan3A_242, %mul3A_243 : i32
        %add3A_245 = arith.constant 0 : i32
        %add3A_246 = arith.addi %add3A_245, %mul3A_244 : i32
        %get3A = arith.constant 2 : i32
        %get3A_247 = arith.index_cast %get3A : i32 to index
        %get3A_248 = arith.index_cast %add3A_246 : i32 to index
        %get3A_249 = tpu.vector_load %arg5[%get3A_247, %get3A_248] {strides = array<i32>} : memref<40x64xi32, #tpu.memory_space<vmem>>, vector<16xi32>,
        %and3A = arith.andi %get3A_249, %broadcast_in_dim3A_37 : vector<16xi32>
        %swap3A = arith.index_cast %add3A_246 : i32 to index
        %swap3A_250 = tpu.vector_load %arg8[%swap3A] {strides = array<i32>} : memref<64xi32, #tpu.memory_space<vmem>>, vector<16xi32>,
        tpu.vector_store %arg8[%swap3A], %and3A {strides = array<i32>} : memref<64xi32, #tpu.memory_space<vmem>>, vector<16xi32>,
      }
      %scan3A_225 = arith.constant 4 : i32
      %dma_start3A_226 = arith.constant 0 : i32
      %dma_start3A_227 = arith.constant 0 : i32
      %dma_start3A_228 = tpu.memref_slice %arg2[%dma_start3A_226, %dma_start3A_227] : memref<10000x128xf32, #tpu.memory_space<hbm>> -> memref<10000x128xf32, #tpu.memory_space<hbm>>
      tpu.enqueue_indirect_dma source(%dma_start3A_228 : memref<10000x128xf32, #tpu.memory_space<hbm>>) target(%arg13 : memref<64x128xf32, #tpu.memory_space<vmem>>) offsets(%arg8 : memref<64xi32, #tpu.memory_space<vmem>>) semaphore(%arg18 : memref<!tpu.dma_semaphore, #tpu.memory_space<semaphore_mem>>)
      %scan3A_229 = arith.constant 0 : i32
      %scan3A_230 = arith.constant 4 : i32
      %scan3A_231 = arith.addi %scan3A_229, %scan3A_230 : i32
      %scan3A_232 = arith.constant 1 : i32
      scf.for %scan3A_242 = %scan3A_229 to %scan3A_231 step %scan3A_232  : i32 {
        %mul3A_243 = arith.constant 16 : i32
        %mul3A_244 = arith.muli %scan3A_242, %mul3A_243 : i32
        %add3A_245 = arith.constant 0 : i32
        %add3A_246 = arith.addi %add3A_245, %mul3A_244 : i32
        %get3A = arith.constant 3 : i32
        %get3A_247 = arith.index_cast %get3A : i32 to index
        %get3A_248 = arith.index_cast %add3A_246 : i32 to index
        %get3A_249 = tpu.vector_load %arg5[%get3A_247, %get3A_248] {strides = array<i32>} : memref<40x64xi32, #tpu.memory_space<vmem>>, vector<16xi32>,
        %and3A = arith.andi %get3A_249, %broadcast_in_dim3A_37 : vector<16xi32>
        %swap3A = arith.index_cast %add3A_246 : i32 to index
        %swap3A_250 = tpu.vector_load %arg9[%swap3A] {strides = array<i32>} : memref<64xi32, #tpu.memory_space<vmem>>, vector<16xi32>,
        tpu.vector_store %arg9[%swap3A], %and3A {strides = array<i32>} : memref<64xi32, #tpu.memory_space<vmem>>, vector<16xi32>,
      }
      %scan3A_233 = arith.constant 4 : i32
      %dma_start3A_234 = arith.constant 0 : i32
      %dma_start3A_235 = arith.constant 0 : i32
      %dma_start3A_236 = tpu.memref_slice %arg2[%dma_start3A_234, %dma_start3A_235] : memref<10000x128xf32, #tpu.memory_space<hbm>> -> memref<10000x128xf32, #tpu.memory_space<hbm>>
      tpu.enqueue_indirect_dma source(%dma_start3A_236 : memref<10000x128xf32, #tpu.memory_space<hbm>>) target(%arg14 : memref<64x128xf32, #tpu.memory_space<vmem>>) offsets(%arg9 : memref<64xi32, #tpu.memory_space<vmem>>) semaphore(%arg19 : memref<!tpu.dma_semaphore, #tpu.memory_space<semaphore_mem>>)
      %scan3A_237 = arith.constant 0 : i32
      %scan3A_238 = arith.constant 10 : i32
      %scan3A_239 = arith.addi %scan3A_237, %scan3A_238 : i32
      %scan3A_240 = arith.constant 1 : i32
      scf.for %scan3A_242 = %scan3A_237 to %scan3A_239 step %scan3A_240  : i32 {
        %mul3A_243 = arith.constant 4 : i32
        %mul3A_244 = arith.muli %scan3A_242, %mul3A_243 : i32
        %add3A_245 = arith.constant 0 : i32
        %add3A_246 = arith.addi %add3A_245, %mul3A_244 : i32
        %dma_wait3A_247 = arith.constant 0 : i32
        %dma_wait3A_248 = arith.constant 0 : i32
        %dma_wait3A_249 = tpu.memref_slice %arg2[%dma_wait3A_247, %dma_wait3A_248] : memref<10000x128xf32, #tpu.memory_space<hbm>> -> memref<10000x128xf32, #tpu.memory_space<hbm>>
        tpu.wait_indirect_dma semaphore(%arg16 : memref<!tpu.dma_semaphore, #tpu.memory_space<semaphore_mem>>) src(%dma_wait3A_249 : memref<10000x128xf32, #tpu.memory_space<hbm>>) dst(%arg11 : memref<64x128xf32, #tpu.memory_space<vmem>>)
        %add3A_250 = arith.constant 0 : i32
        %add3A_251 = arith.addi %add3A_246, %add3A_250 : i32
        %scan3A_252 = arith.constant 0 : i32
        %scan3A_253 = arith.constant 4 : i32
        %scan3A_254 = arith.addi %scan3A_252, %scan3A_253 : i32
        %scan3A_255 = arith.constant 1 : i32
        scf.for %scan3A_320 = %scan3A_252 to %scan3A_254 step %scan3A_255  : i32 {
          %mul3A_321 = arith.constant 16 : i32
          %mul3A_322 = arith.muli %scan3A_320, %mul3A_321 : i32
          %add3A_323 = arith.constant 0 : i32
          %add3A_324 = arith.addi %add3A_323, %mul3A_322 : i32
          %get3A = arith.index_cast %add3A_251 : i32 to index
          %get3A_325 = arith.index_cast %add3A_324 : i32 to index
          %get3A_326 = tpu.vector_load %arg5[%get3A, %get3A_325] {strides = array<i32>} : memref<40x64xi32, #tpu.memory_space<vmem>>, vector<16xi32>,
          %shift_right_logical3A = arith.shrui %get3A_326, %broadcast_in_dim3A_39 : vector<16xi32>
          %swap3A = arith.index_cast %add3A_324 : i32 to index
          %swap3A_327 = tpu.vector_load %arg10[%swap3A] {strides = array<i32>} : memref<64xi32, #tpu.memory_space<vmem>>, vector<16xi32>,
          tpu.vector_store %arg10[%swap3A], %shift_right_logical3A {strides = array<i32>} : memref<64xi32, #tpu.memory_space<vmem>>, vector<16xi32>,
        }
        %scan3A_256 = arith.constant 4 : i32
        "tpu.region"() ({
          %run_scoped3A = tpu.sem_alloc : memref<!tpu.dma_semaphore, #tpu.memory_space<semaphore_mem>>
          %dma_start3A_320 = arith.constant 0 : i32
          %dma_start3A_321 = arith.constant 0 : i32
          %dma_start3A_322 = tpu.memref_slice %arg15[%dma_start3A_320, %dma_start3A_321] : memref<10112x128xf32, #tpu.memory_space<vmem_shared>> -> memref<10112x128xf32, #tpu.memory_space<vmem_shared>>
          tpu.enqueue_indirect_dma source(%arg11 : memref<64x128xf32, #tpu.memory_space<vmem>>) target(%dma_start3A_322 : memref<10112x128xf32, #tpu.memory_space<vmem_shared>>) offsets(%arg10 : memref<64xi32, #tpu.memory_space<vmem>>) semaphore(%run_scoped3A : memref<!tpu.dma_semaphore, #tpu.memory_space<semaphore_mem>>) {add = true}
          %dma_wait3A_323 = arith.constant 0 : i32
          %dma_wait3A_324 = arith.constant 0 : i32
          %dma_wait3A_325 = tpu.memref_slice %arg15[%dma_wait3A_323, %dma_wait3A_324] : memref<10112x128xf32, #tpu.memory_space<vmem_shared>> -> memref<10112x128xf32, #tpu.memory_space<vmem_shared>>
          tpu.wait_indirect_dma semaphore(%run_scoped3A : memref<!tpu.dma_semaphore, #tpu.memory_space<semaphore_mem>>) src(%arg11 : memref<64x128xf32, #tpu.memory_space<vmem>>) dst(%dma_wait3A_325 : memref<10112x128xf32, #tpu.memory_space<vmem_shared>>)
          tpu.yield
        }) : () -> ()
        %add3A_257 = arith.constant 0 : i32
        %add3A_258 = arith.addi %add3A_246, %add3A_257 : i32
        %add3A_259 = arith.constant 4 : i32
        %add3A_260 = arith.addi %add3A_258, %add3A_259 : i32
        %lt3A = arith.constant 40 : i32
        %lt3A_261 = arith.cmpi slt, %add3A_260, %lt3A : i32
        %convert_element_type3A = arith.extui %lt3A_261 : i1 to i32
        %cond3A = arith.constant 0 : i32
        %cond3A_262 = arith.cmpi ne, %convert_element_type3A, %cond3A : i32
        scf.if %cond3A_262 {
          %add3A_320 = arith.constant 0 : i32
          %add3A_321 = arith.addi %add3A_246, %add3A_320 : i32
          %add3A_322 = arith.constant 4 : i32
          %add3A_323 = arith.addi %add3A_321, %add3A_322 : i32
          %scan3A_324 = arith.constant 0 : i32
          %scan3A_325 = arith.constant 4 : i32
          %scan3A_326 = arith.addi %scan3A_324, %scan3A_325 : i32
          %scan3A_327 = arith.constant 1 : i32
          scf.for %scan3A_332 = %scan3A_324 to %scan3A_326 step %scan3A_327  : i32 {
            %mul3A_333 = arith.constant 16 : i32
            %mul3A_334 = arith.muli %scan3A_332, %mul3A_333 : i32
            %add3A_335 = arith.constant 0 : i32
            %add3A_336 = arith.addi %add3A_335, %mul3A_334 : i32
            %get3A = arith.index_cast %add3A_323 : i32 to index
            %get3A_337 = arith.index_cast %add3A_336 : i32 to index
            %get3A_338 = tpu.vector_load %arg5[%get3A, %get3A_337] {strides = array<i32>} : memref<40x64xi32, #tpu.memory_space<vmem>>, vector<16xi32>,
            %and3A = arith.andi %get3A_338, %broadcast_in_dim3A_37 : vector<16xi32>
            %swap3A = arith.index_cast %add3A_336 : i32 to index
            %swap3A_339 = tpu.vector_load %arg6[%swap3A] {strides = array<i32>} : memref<64xi32, #tpu.memory_space<vmem>>, vector<16xi32>,
            tpu.vector_store %arg6[%swap3A], %and3A {strides = array<i32>} : memref<64xi32, #tpu.memory_space<vmem>>, vector<16xi32>,
          }
          %scan3A_328 = arith.constant 4 : i32
          %dma_start3A_329 = arith.constant 0 : i32
          %dma_start3A_330 = arith.constant 0 : i32
          %dma_start3A_331 = tpu.memref_slice %arg2[%dma_start3A_329, %dma_start3A_330] : memref<10000x128xf32, #tpu.memory_space<hbm>> -> memref<10000x128xf32, #tpu.memory_space<hbm>>
          tpu.enqueue_indirect_dma source(%dma_start3A_331 : memref<10000x128xf32, #tpu.memory_space<hbm>>) target(%arg11 : memref<64x128xf32, #tpu.memory_space<vmem>>) offsets(%arg6 : memref<64xi32, #tpu.memory_space<vmem>>) semaphore(%arg16 : memref<!tpu.dma_semaphore, #tpu.memory_space<semaphore_mem>>)
        } else {
        }
        %dma_wait3A_263 = arith.constant 0 : i32
        %dma_wait3A_264 = arith.constant 0 : i32
        %dma_wait3A_265 = tpu.memref_slice %arg2[%dma_wait3A_263, %dma_wait3A_264] : memref<10000x128xf32, #tpu.memory_space<hbm>> -> memref<10000x128xf32, #tpu.memory_space<hbm>>
        tpu.wait_indirect_dma semaphore(%arg17 : memref<!tpu.dma_semaphore, #tpu.memory_space<semaphore_mem>>) src(%dma_wait3A_265 : memref<10000x128xf32, #tpu.memory_space<hbm>>) dst(%arg12 : memref<64x128xf32, #tpu.memory_space<vmem>>)
        %add3A_266 = arith.constant 1 : i32
        %add3A_267 = arith.addi %add3A_246, %add3A_266 : i32
        %scan3A_268 = arith.constant 0 : i32
        %scan3A_269 = arith.constant 4 : i32
        %scan3A_270 = arith.addi %scan3A_268, %scan3A_269 : i32
        %scan3A_271 = arith.constant 1 : i32
        scf.for %scan3A_320 = %scan3A_268 to %scan3A_270 step %scan3A_271  : i32 {
          %mul3A_321 = arith.constant 16 : i32
          %mul3A_322 = arith.muli %scan3A_320, %mul3A_321 : i32
          %add3A_323 = arith.constant 0 : i32
          %add3A_324 = arith.addi %add3A_323, %mul3A_322 : i32
          %get3A = arith.index_cast %add3A_267 : i32 to index
          %get3A_325 = arith.index_cast %add3A_324 : i32 to index
          %get3A_326 = tpu.vector_load %arg5[%get3A, %get3A_325] {strides = array<i32>} : memref<40x64xi32, #tpu.memory_space<vmem>>, vector<16xi32>,
          %shift_right_logical3A = arith.shrui %get3A_326, %broadcast_in_dim3A_39 : vector<16xi32>
          %swap3A = arith.index_cast %add3A_324 : i32 to index
          %swap3A_327 = tpu.vector_load %arg10[%swap3A] {strides = array<i32>} : memref<64xi32, #tpu.memory_space<vmem>>, vector<16xi32>,
          tpu.vector_store %arg10[%swap3A], %shift_right_logical3A {strides = array<i32>} : memref<64xi32, #tpu.memory_space<vmem>>, vector<16xi32>,
        }
        %scan3A_272 = arith.constant 4 : i32
        "tpu.region"() ({
          %run_scoped3A = tpu.sem_alloc : memref<!tpu.dma_semaphore, #tpu.memory_space<semaphore_mem>>
          %dma_start3A_320 = arith.constant 0 : i32
          %dma_start3A_321 = arith.constant 0 : i32
          %dma_start3A_322 = tpu.memref_slice %arg15[%dma_start3A_320, %dma_start3A_321] : memref<10112x128xf32, #tpu.memory_space<vmem_shared>> -> memref<10112x128xf32, #tpu.memory_space<vmem_shared>>
          tpu.enqueue_indirect_dma source(%arg12 : memref<64x128xf32, #tpu.memory_space<vmem>>) target(%dma_start3A_322 : memref<10112x128xf32, #tpu.memory_space<vmem_shared>>) offsets(%arg10 : memref<64xi32, #tpu.memory_space<vmem>>) semaphore(%run_scoped3A : memref<!tpu.dma_semaphore, #tpu.memory_space<semaphore_mem>>) {add = true}
          %dma_wait3A_323 = arith.constant 0 : i32
          %dma_wait3A_324 = arith.constant 0 : i32
          %dma_wait3A_325 = tpu.memref_slice %arg15[%dma_wait3A_323, %dma_wait3A_324] : memref<10112x128xf32, #tpu.memory_space<vmem_shared>> -> memref<10112x128xf32, #tpu.memory_space<vmem_shared>>
          tpu.wait_indirect_dma semaphore(%run_scoped3A : memref<!tpu.dma_semaphore, #tpu.memory_space<semaphore_mem>>) src(%arg12 : memref<64x128xf32, #tpu.memory_space<vmem>>) dst(%dma_wait3A_325 : memref<10112x128xf32, #tpu.memory_space<vmem_shared>>)
          tpu.yield
        }) : () -> ()
        %add3A_273 = arith.constant 1 : i32
        %add3A_274 = arith.addi %add3A_246, %add3A_273 : i32
        %add3A_275 = arith.constant 4 : i32
        %add3A_276 = arith.addi %add3A_274, %add3A_275 : i32
        %lt3A_277 = arith.constant 40 : i32
        %lt3A_278 = arith.cmpi slt, %add3A_276, %lt3A_277 : i32
        %convert_element_type3A_279 = arith.extui %lt3A_278 : i1 to i32
        %cond3A_280 = arith.constant 0 : i32
        %cond3A_281 = arith.cmpi ne, %convert_element_type3A_279, %cond3A_280 : i32
        scf.if %cond3A_281 {
          %add3A_320 = arith.constant 1 : i32
          %add3A_321 = arith.addi %add3A_246, %add3A_320 : i32
          %add3A_322 = arith.constant 4 : i32
          %add3A_323 = arith.addi %add3A_321, %add3A_322 : i32
          %scan3A_324 = arith.constant 0 : i32
          %scan3A_325 = arith.constant 4 : i32
          %scan3A_326 = arith.addi %scan3A_324, %scan3A_325 : i32
          %scan3A_327 = arith.constant 1 : i32
          scf.for %scan3A_332 = %scan3A_324 to %scan3A_326 step %scan3A_327  : i32 {
            %mul3A_333 = arith.constant 16 : i32
            %mul3A_334 = arith.muli %scan3A_332, %mul3A_333 : i32
            %add3A_335 = arith.constant 0 : i32
            %add3A_336 = arith.addi %add3A_335, %mul3A_334 : i32
            %get3A = arith.index_cast %add3A_323 : i32 to index
            %get3A_337 = arith.index_cast %add3A_336 : i32 to index
            %get3A_338 = tpu.vector_load %arg5[%get3A, %get3A_337] {strides = array<i32>} : memref<40x64xi32, #tpu.memory_space<vmem>>, vector<16xi32>,
            %and3A = arith.andi %get3A_338, %broadcast_in_dim3A_37 : vector<16xi32>
            %swap3A = arith.index_cast %add3A_336 : i32 to index
            %swap3A_339 = tpu.vector_load %arg7[%swap3A] {strides = array<i32>} : memref<64xi32, #tpu.memory_space<vmem>>, vector<16xi32>,
            tpu.vector_store %arg7[%swap3A], %and3A {strides = array<i32>} : memref<64xi32, #tpu.memory_space<vmem>>, vector<16xi32>,
          }
          %scan3A_328 = arith.constant 4 : i32
          %dma_start3A_329 = arith.constant 0 : i32
          %dma_start3A_330 = arith.constant 0 : i32
          %dma_start3A_331 = tpu.memref_slice %arg2[%dma_start3A_329, %dma_start3A_330] : memref<10000x128xf32, #tpu.memory_space<hbm>> -> memref<10000x128xf32, #tpu.memory_space<hbm>>
          tpu.enqueue_indirect_dma source(%dma_start3A_331 : memref<10000x128xf32, #tpu.memory_space<hbm>>) target(%arg12 : memref<64x128xf32, #tpu.memory_space<vmem>>) offsets(%arg7 : memref<64xi32, #tpu.memory_space<vmem>>) semaphore(%arg17 : memref<!tpu.dma_semaphore, #tpu.memory_space<semaphore_mem>>)
        } else {
        }
        %dma_wait3A_282 = arith.constant 0 : i32
        %dma_wait3A_283 = arith.constant 0 : i32
        %dma_wait3A_284 = tpu.memref_slice %arg2[%dma_wait3A_282, %dma_wait3A_283] : memref<10000x128xf32, #tpu.memory_space<hbm>> -> memref<10000x128xf32, #tpu.memory_space<hbm>>
        tpu.wait_indirect_dma semaphore(%arg18 : memref<!tpu.dma_semaphore, #tpu.memory_space<semaphore_mem>>) src(%dma_wait3A_284 : memref<10000x128xf32, #tpu.memory_space<hbm>>) dst(%arg13 : memref<64x128xf32, #tpu.memory_space<vmem>>)
        %add3A_285 = arith.constant 2 : i32
        %add3A_286 = arith.addi %add3A_246, %add3A_285 : i32
        %scan3A_287 = arith.constant 0 : i32
        %scan3A_288 = arith.constant 4 : i32
        %scan3A_289 = arith.addi %scan3A_287, %scan3A_288 : i32
        %scan3A_290 = arith.constant 1 : i32
        scf.for %scan3A_320 = %scan3A_287 to %scan3A_289 step %scan3A_290  : i32 {
          %mul3A_321 = arith.constant 16 : i32
          %mul3A_322 = arith.muli %scan3A_320, %mul3A_321 : i32
          %add3A_323 = arith.constant 0 : i32
          %add3A_324 = arith.addi %add3A_323, %mul3A_322 : i32
          %get3A = arith.index_cast %add3A_286 : i32 to index
          %get3A_325 = arith.index_cast %add3A_324 : i32 to index
          %get3A_326 = tpu.vector_load %arg5[%get3A, %get3A_325] {strides = array<i32>} : memref<40x64xi32, #tpu.memory_space<vmem>>, vector<16xi32>,
          %shift_right_logical3A = arith.shrui %get3A_326, %broadcast_in_dim3A_39 : vector<16xi32>
          %swap3A = arith.index_cast %add3A_324 : i32 to index
          %swap3A_327 = tpu.vector_load %arg10[%swap3A] {strides = array<i32>} : memref<64xi32, #tpu.memory_space<vmem>>, vector<16xi32>,
          tpu.vector_store %arg10[%swap3A], %shift_right_logical3A {strides = array<i32>} : memref<64xi32, #tpu.memory_space<vmem>>, vector<16xi32>,
        }
        %scan3A_291 = arith.constant 4 : i32
        "tpu.region"() ({
          %run_scoped3A = tpu.sem_alloc : memref<!tpu.dma_semaphore, #tpu.memory_space<semaphore_mem>>
          %dma_start3A_320 = arith.constant 0 : i32
          %dma_start3A_321 = arith.constant 0 : i32
          %dma_start3A_322 = tpu.memref_slice %arg15[%dma_start3A_320, %dma_start3A_321] : memref<10112x128xf32, #tpu.memory_space<vmem_shared>> -> memref<10112x128xf32, #tpu.memory_space<vmem_shared>>
          tpu.enqueue_indirect_dma source(%arg13 : memref<64x128xf32, #tpu.memory_space<vmem>>) target(%dma_start3A_322 : memref<10112x128xf32, #tpu.memory_space<vmem_shared>>) offsets(%arg10 : memref<64xi32, #tpu.memory_space<vmem>>) semaphore(%run_scoped3A : memref<!tpu.dma_semaphore, #tpu.memory_space<semaphore_mem>>) {add = true}
          %dma_wait3A_323 = arith.constant 0 : i32
          %dma_wait3A_324 = arith.constant 0 : i32
          %dma_wait3A_325 = tpu.memref_slice %arg15[%dma_wait3A_323, %dma_wait3A_324] : memref<10112x128xf32, #tpu.memory_space<vmem_shared>> -> memref<10112x128xf32, #tpu.memory_space<vmem_shared>>
          tpu.wait_indirect_dma semaphore(%run_scoped3A : memref<!tpu.dma_semaphore, #tpu.memory_space<semaphore_mem>>) src(%arg13 : memref<64x128xf32, #tpu.memory_space<vmem>>) dst(%dma_wait3A_325 : memref<10112x128xf32, #tpu.memory_space<vmem_shared>>)
          tpu.yield
        }) : () -> ()
        %add3A_292 = arith.constant 2 : i32
        %add3A_293 = arith.addi %add3A_246, %add3A_292 : i32
        %add3A_294 = arith.constant 4 : i32
        %add3A_295 = arith.addi %add3A_293, %add3A_294 : i32
        %lt3A_296 = arith.constant 40 : i32
        %lt3A_297 = arith.cmpi slt, %add3A_295, %lt3A_296 : i32
        %convert_element_type3A_298 = arith.extui %lt3A_297 : i1 to i32
        %cond3A_299 = arith.constant 0 : i32
        %cond3A_300 = arith.cmpi ne, %convert_element_type3A_298, %cond3A_299 : i32
        scf.if %cond3A_300 {
          %add3A_320 = arith.constant 2 : i32
          %add3A_321 = arith.addi %add3A_246, %add3A_320 : i32
          %add3A_322 = arith.constant 4 : i32
          %add3A_323 = arith.addi %add3A_321, %add3A_322 : i32
          %scan3A_324 = arith.constant 0 : i32
          %scan3A_325 = arith.constant 4 : i32
          %scan3A_326 = arith.addi %scan3A_324, %scan3A_325 : i32
          %scan3A_327 = arith.constant 1 : i32
          scf.for %scan3A_332 = %scan3A_324 to %scan3A_326 step %scan3A_327  : i32 {
            %mul3A_333 = arith.constant 16 : i32
            %mul3A_334 = arith.muli %scan3A_332, %mul3A_333 : i32
            %add3A_335 = arith.constant 0 : i32
            %add3A_336 = arith.addi %add3A_335, %mul3A_334 : i32
            %get3A = arith.index_cast %add3A_323 : i32 to index
            %get3A_337 = arith.index_cast %add3A_336 : i32 to index
            %get3A_338 = tpu.vector_load %arg5[%get3A, %get3A_337] {strides = array<i32>} : memref<40x64xi32, #tpu.memory_space<vmem>>, vector<16xi32>,
            %and3A = arith.andi %get3A_338, %broadcast_in_dim3A_37 : vector<16xi32>
            %swap3A = arith.index_cast %add3A_336 : i32 to index
            %swap3A_339 = tpu.vector_load %arg8[%swap3A] {strides = array<i32>} : memref<64xi32, #tpu.memory_space<vmem>>, vector<16xi32>,
            tpu.vector_store %arg8[%swap3A], %and3A {strides = array<i32>} : memref<64xi32, #tpu.memory_space<vmem>>, vector<16xi32>,
          }
          %scan3A_328 = arith.constant 4 : i32
          %dma_start3A_329 = arith.constant 0 : i32
          %dma_start3A_330 = arith.constant 0 : i32
          %dma_start3A_331 = tpu.memref_slice %arg2[%dma_start3A_329, %dma_start3A_330] : memref<10000x128xf32, #tpu.memory_space<hbm>> -> memref<10000x128xf32, #tpu.memory_space<hbm>>
          tpu.enqueue_indirect_dma source(%dma_start3A_331 : memref<10000x128xf32, #tpu.memory_space<hbm>>) target(%arg13 : memref<64x128xf32, #tpu.memory_space<vmem>>) offsets(%arg8 : memref<64xi32, #tpu.memory_space<vmem>>) semaphore(%arg18 : memref<!tpu.dma_semaphore, #tpu.memory_space<semaphore_mem>>)
        } else {
        }
        %dma_wait3A_301 = arith.constant 0 : i32
        %dma_wait3A_302 = arith.constant 0 : i32
        %dma_wait3A_303 = tpu.memref_slice %arg2[%dma_wait3A_301, %dma_wait3A_302] : memref<10000x128xf32, #tpu.memory_space<hbm>> -> memref<10000x128xf32, #tpu.memory_space<hbm>>
        tpu.wait_indirect_dma semaphore(%arg19 : memref<!tpu.dma_semaphore, #tpu.memory_space<semaphore_mem>>) src(%dma_wait3A_303 : memref<10000x128xf32, #tpu.memory_space<hbm>>) dst(%arg14 : memref<64x128xf32, #tpu.memory_space<vmem>>)
        %add3A_304 = arith.constant 3 : i32
        %add3A_305 = arith.addi %add3A_246, %add3A_304 : i32
        %scan3A_306 = arith.constant 0 : i32
        %scan3A_307 = arith.constant 4 : i32
        %scan3A_308 = arith.addi %scan3A_306, %scan3A_307 : i32
        %scan3A_309 = arith.constant 1 : i32
        scf.for %scan3A_320 = %scan3A_306 to %scan3A_308 step %scan3A_309  : i32 {
          %mul3A_321 = arith.constant 16 : i32
          %mul3A_322 = arith.muli %scan3A_320, %mul3A_321 : i32
          %add3A_323 = arith.constant 0 : i32
          %add3A_324 = arith.addi %add3A_323, %mul3A_322 : i32
          %get3A = arith.index_cast %add3A_305 : i32 to index
          %get3A_325 = arith.index_cast %add3A_324 : i32 to index
          %get3A_326 = tpu.vector_load %arg5[%get3A, %get3A_325] {strides = array<i32>} : memref<40x64xi32, #tpu.memory_space<vmem>>, vector<16xi32>,
          %shift_right_logical3A = arith.shrui %get3A_326, %broadcast_in_dim3A_39 : vector<16xi32>
          %swap3A = arith.index_cast %add3A_324 : i32 to index
          %swap3A_327 = tpu.vector_load %arg10[%swap3A] {strides = array<i32>} : memref<64xi32, #tpu.memory_space<vmem>>, vector<16xi32>,
          tpu.vector_store %arg10[%swap3A], %shift_right_logical3A {strides = array<i32>} : memref<64xi32, #tpu.memory_space<vmem>>, vector<16xi32>,
        }
        %scan3A_310 = arith.constant 4 : i32
        "tpu.region"() ({
          %run_scoped3A = tpu.sem_alloc : memref<!tpu.dma_semaphore, #tpu.memory_space<semaphore_mem>>
          %dma_start3A_320 = arith.constant 0 : i32
          %dma_start3A_321 = arith.constant 0 : i32
          %dma_start3A_322 = tpu.memref_slice %arg15[%dma_start3A_320, %dma_start3A_321] : memref<10112x128xf32, #tpu.memory_space<vmem_shared>> -> memref<10112x128xf32, #tpu.memory_space<vmem_shared>>
          tpu.enqueue_indirect_dma source(%arg14 : memref<64x128xf32, #tpu.memory_space<vmem>>) target(%dma_start3A_322 : memref<10112x128xf32, #tpu.memory_space<vmem_shared>>) offsets(%arg10 : memref<64xi32, #tpu.memory_space<vmem>>) semaphore(%run_scoped3A : memref<!tpu.dma_semaphore, #tpu.memory_space<semaphore_mem>>) {add = true}
          %dma_wait3A_323 = arith.constant 0 : i32
          %dma_wait3A_324 = arith.constant 0 : i32
          %dma_wait3A_325 = tpu.memref_slice %arg15[%dma_wait3A_323, %dma_wait3A_324] : memref<10112x128xf32, #tpu.memory_space<vmem_shared>> -> memref<10112x128xf32, #tpu.memory_space<vmem_shared>>
          tpu.wait_indirect_dma semaphore(%run_scoped3A : memref<!tpu.dma_semaphore, #tpu.memory_space<semaphore_mem>>) src(%arg14 : memref<64x128xf32, #tpu.memory_space<vmem>>) dst(%dma_wait3A_325 : memref<10112x128xf32, #tpu.memory_space<vmem_shared>>)
          tpu.yield
        }) : () -> ()
        %add3A_311 = arith.constant 3 : i32
        %add3A_312 = arith.addi %add3A_246, %add3A_311 : i32
        %add3A_313 = arith.constant 4 : i32
        %add3A_314 = arith.addi %add3A_312, %add3A_313 : i32
        %lt3A_315 = arith.constant 40 : i32
        %lt3A_316 = arith.cmpi slt, %add3A_314, %lt3A_315 : i32
        %convert_element_type3A_317 = arith.extui %lt3A_316 : i1 to i32
        %cond3A_318 = arith.constant 0 : i32
        %cond3A_319 = arith.cmpi ne, %convert_element_type3A_317, %cond3A_318 : i32
        scf.if %cond3A_319 {
          %add3A_320 = arith.constant 3 : i32
          %add3A_321 = arith.addi %add3A_246, %add3A_320 : i32
          %add3A_322 = arith.constant 4 : i32
          %add3A_323 = arith.addi %add3A_321, %add3A_322 : i32
          %scan3A_324 = arith.constant 0 : i32
          %scan3A_325 = arith.constant 4 : i32
          %scan3A_326 = arith.addi %scan3A_324, %scan3A_325 : i32
          %scan3A_327 = arith.constant 1 : i32
          scf.for %scan3A_332 = %scan3A_324 to %scan3A_326 step %scan3A_327  : i32 {
            %mul3A_333 = arith.constant 16 : i32
            %mul3A_334 = arith.muli %scan3A_332, %mul3A_333 : i32
            %add3A_335 = arith.constant 0 : i32
            %add3A_336 = arith.addi %add3A_335, %mul3A_334 : i32
            %get3A = arith.index_cast %add3A_323 : i32 to index
            %get3A_337 = arith.index_cast %add3A_336 : i32 to index
            %get3A_338 = tpu.vector_load %arg5[%get3A, %get3A_337] {strides = array<i32>} : memref<40x64xi32, #tpu.memory_space<vmem>>, vector<16xi32>,
            %and3A = arith.andi %get3A_338, %broadcast_in_dim3A_37 : vector<16xi32>
            %swap3A = arith.index_cast %add3A_336 : i32 to index
            %swap3A_339 = tpu.vector_load %arg9[%swap3A] {strides = array<i32>} : memref<64xi32, #tpu.memory_space<vmem>>, vector<16xi32>,
            tpu.vector_store %arg9[%swap3A], %and3A {strides = array<i32>} : memref<64xi32, #tpu.memory_space<vmem>>, vector<16xi32>,
          }
          %scan3A_328 = arith.constant 4 : i32
          %dma_start3A_329 = arith.constant 0 : i32
          %dma_start3A_330 = arith.constant 0 : i32
          %dma_start3A_331 = tpu.memref_slice %arg2[%dma_start3A_329, %dma_start3A_330] : memref<10000x128xf32, #tpu.memory_space<hbm>> -> memref<10000x128xf32, #tpu.memory_space<hbm>>
          tpu.enqueue_indirect_dma source(%dma_start3A_331 : memref<10000x128xf32, #tpu.memory_space<hbm>>) target(%arg14 : memref<64x128xf32, #tpu.memory_space<vmem>>) offsets(%arg9 : memref<64xi32, #tpu.memory_space<vmem>>) semaphore(%arg19 : memref<!tpu.dma_semaphore, #tpu.memory_space<semaphore_mem>>)
        } else {
        }
      }
      %scan3A_241 = arith.constant 10 : i32
    }
    %barrier3A_56 = arith.constant 0 : index
    tpu.barrier barrier_id(%barrier3A_56)
    %add3A_57 = arith.constant 0 : i32
    %add3A_58 = arith.addi %mul3A_5, %add3A_57 : i32
    %add3A_59 = arith.constant 0 : i32
    %add3A_60 = arith.addi %mul3A_5, %add3A_59 : i32
    %dma_start3A = arith.constant 0 : i32
    %dma_start3A_61 = tpu.memref_slice %arg4[%arg0, %add3A_60, %dma_start3A] : memref<2x10112x128xf32, #tpu.memory_space<hbm>> -> memref<1x80x128xf32, #tpu.memory_space<hbm>>
    %dma_start3A_62 = tpu.memref_squeeze %dma_start3A_61 : memref<1x80x128xf32, #tpu.memory_space<hbm>> -> memref<80x128xf32, #tpu.memory_space<hbm>>
    %dma_start3A_63 = arith.constant 0 : i32
    %dma_start3A_64 = tpu.memref_slice %arg15[%add3A_58, %dma_start3A_63] : memref<10112x128xf32, #tpu.memory_space<vmem_shared>> -> memref<80x128xf32, #tpu.memory_space<vmem_shared>>
    tpu.enqueue_dma source(%dma_start3A_64 : memref<80x128xf32, #tpu.memory_space<vmem_shared>>) target(%dma_start3A_62 : memref<80x128xf32, #tpu.memory_space<hbm>>) target_semaphore(%arg16 : memref<!tpu.dma_semaphore, #tpu.memory_space<semaphore_mem>>)
    %add3A_65 = arith.constant 80 : i32
    %add3A_66 = arith.addi %mul3A_5, %add3A_65 : i32
    %add3A_67 = arith.constant 80 : i32
    %add3A_68 = arith.addi %mul3A_5, %add3A_67 : i32
    %dma_start3A_69 = arith.constant 0 : i32
    %dma_start3A_70 = tpu.memref_slice %arg4[%arg0, %add3A_68, %dma_start3A_69] : memref<2x10112x128xf32, #tpu.memory_space<hbm>> -> memref<1x80x128xf32, #tpu.memory_space<hbm>>
    %dma_start3A_71 = tpu.memref_squeeze %dma_start3A_70 : memref<1x80x128xf32, #tpu.memory_space<hbm>> -> memref<80x128xf32, #tpu.memory_space<hbm>>
    %dma_start3A_72 = arith.constant 0 : i32
    %dma_start3A_73 = tpu.memref_slice %arg15[%add3A_66, %dma_start3A_72] : memref<10112x128xf32, #tpu.memory_space<vmem_shared>> -> memref<80x128xf32, #tpu.memory_space<vmem_shared>>
    tpu.enqueue_dma source(%dma_start3A_73 : memref<80x128xf32, #tpu.memory_space<vmem_shared>>) target(%dma_start3A_71 : memref<80x128xf32, #tpu.memory_space<hbm>>) target_semaphore(%arg17 : memref<!tpu.dma_semaphore, #tpu.memory_space<semaphore_mem>>)
    %add3A_74 = arith.constant 160 : i32
    %add3A_75 = arith.addi %mul3A_5, %add3A_74 : i32
    %add3A_76 = arith.constant 160 : i32
    %add3A_77 = arith.addi %mul3A_5, %add3A_76 : i32
    %dma_start3A_78 = arith.constant 0 : i32
    %dma_start3A_79 = tpu.memref_slice %arg4[%arg0, %add3A_77, %dma_start3A_78] : memref<2x10112x128xf32, #tpu.memory_space<hbm>> -> memref<1x80x128xf32, #tpu.memory_space<hbm>>
    %dma_start3A_80 = tpu.memref_squeeze %dma_start3A_79 : memref<1x80x128xf32, #tpu.memory_space<hbm>> -> memref<80x128xf32, #tpu.memory_space<hbm>>
    %dma_start3A_81 = arith.constant 0 : i32
    %dma_start3A_82 = tpu.memref_slice %arg15[%add3A_75, %dma_start3A_81] : memref<10112x128xf32, #tpu.memory_space<vmem_shared>> -> memref<80x128xf32, #tpu.memory_space<vmem_shared>>
    tpu.enqueue_dma source(%dma_start3A_82 : memref<80x128xf32, #tpu.memory_space<vmem_shared>>) target(%dma_start3A_80 : memref<80x128xf32, #tpu.memory_space<hbm>>) target_semaphore(%arg18 : memref<!tpu.dma_semaphore, #tpu.memory_space<semaphore_mem>>)
    %add3A_83 = arith.constant 240 : i32
    %add3A_84 = arith.addi %mul3A_5, %add3A_83 : i32
    %add3A_85 = arith.constant 240 : i32
    %add3A_86 = arith.addi %mul3A_5, %add3A_85 : i32
    %dma_start3A_87 = arith.constant 0 : i32
    %dma_start3A_88 = tpu.memref_slice %arg4[%arg0, %add3A_86, %dma_start3A_87] : memref<2x10112x128xf32, #tpu.memory_space<hbm>> -> memref<1x80x128xf32, #tpu.memory_space<hbm>>
    %dma_start3A_89 = tpu.memref_squeeze %dma_start3A_88 : memref<1x80x128xf32, #tpu.memory_space<hbm>> -> memref<80x128xf32, #tpu.memory_space<hbm>>
    %dma_start3A_90 = arith.constant 0 : i32
    %dma_start3A_91 = tpu.memref_slice %arg15[%add3A_84, %dma_start3A_90] : memref<10112x128xf32, #tpu.memory_space<vmem_shared>> -> memref<80x128xf32, #tpu.memory_space<vmem_shared>>
    tpu.enqueue_dma source(%dma_start3A_91 : memref<80x128xf32, #tpu.memory_space<vmem_shared>>) target(%dma_start3A_89 : memref<80x128xf32, #tpu.memory_space<hbm>>) target_semaphore(%arg19 : memref<!tpu.dma_semaphore, #tpu.memory_space<semaphore_mem>>)
    %add3A_92 = arith.constant 320 : i32
    %add3A_93 = arith.addi %mul3A_5, %add3A_92 : i32
    %add3A_94 = arith.constant 320 : i32
    %add3A_95 = arith.addi %mul3A_5, %add3A_94 : i32
    %dma_start3A_96 = arith.constant 0 : i32
    %dma_start3A_97 = tpu.memref_slice %arg4[%arg0, %add3A_95, %dma_start3A_96] : memref<2x10112x128xf32, #tpu.memory_space<hbm>> -> memref<1x80x128xf32, #tpu.memory_space<hbm>>
    %dma_start3A_98 = tpu.memref_squeeze %dma_start3A_97 : memref<1x80x128xf32, #tpu.memory_space<hbm>> -> memref<80x128xf32, #tpu.memory_space<hbm>>
    %dma_start3A_99 = arith.constant 0 : i32
    %dma_start3A_100 = tpu.memref_slice %arg15[%add3A_93, %dma_start3A_99] : memref<10112x128xf32, #tpu.memory_space<vmem_shared>> -> memref<80x128xf32, #tpu.memory_space<vmem_shared>>
    tpu.enqueue_dma source(%dma_start3A_100 : memref<80x128xf32, #tpu.memory_space<vmem_shared>>) target(%dma_start3A_98 : memref<80x128xf32, #tpu.memory_space<hbm>>) target_semaphore(%arg16 : memref<!tpu.dma_semaphore, #tpu.memory_space<semaphore_mem>>)
    %add3A_101 = arith.constant 400 : i32
    %add3A_102 = arith.addi %mul3A_5, %add3A_101 : i32
    %add3A_103 = arith.constant 400 : i32
    %add3A_104 = arith.addi %mul3A_5, %add3A_103 : i32
    %dma_start3A_105 = arith.constant 0 : i32
    %dma_start3A_106 = tpu.memref_slice %arg4[%arg0, %add3A_104, %dma_start3A_105] : memref<2x10112x128xf32, #tpu.memory_space<hbm>> -> memref<1x80x128xf32, #tpu.memory_space<hbm>>
    %dma_start3A_107 = tpu.memref_squeeze %dma_start3A_106 : memref<1x80x128xf32, #tpu.memory_space<hbm>> -> memref<80x128xf32, #tpu.memory_space<hbm>>
    %dma_start3A_108 = arith.constant 0 : i32
    %dma_start3A_109 = tpu.memref_slice %arg15[%add3A_102, %dma_start3A_108] : memref<10112x128xf32, #tpu.memory_space<vmem_shared>> -> memref<80x128xf32, #tpu.memory_space<vmem_shared>>
    tpu.enqueue_dma source(%dma_start3A_109 : memref<80x128xf32, #tpu.memory_space<vmem_shared>>) target(%dma_start3A_107 : memref<80x128xf32, #tpu.memory_space<hbm>>) target_semaphore(%arg17 : memref<!tpu.dma_semaphore, #tpu.memory_space<semaphore_mem>>)
    %add3A_110 = arith.constant 480 : i32
    %add3A_111 = arith.addi %mul3A_5, %add3A_110 : i32
    %add3A_112 = arith.constant 480 : i32
    %add3A_113 = arith.addi %mul3A_5, %add3A_112 : i32
    %dma_start3A_114 = arith.constant 0 : i32
    %dma_start3A_115 = tpu.memref_slice %arg4[%arg0, %add3A_113, %dma_start3A_114] : memref<2x10112x128xf32, #tpu.memory_space<hbm>> -> memref<1x80x128xf32, #tpu.memory_space<hbm>>
    %dma_start3A_116 = tpu.memref_squeeze %dma_start3A_115 : memref<1x80x128xf32, #tpu.memory_space<hbm>> -> memref<80x128xf32, #tpu.memory_space<hbm>>
    %dma_start3A_117 = arith.constant 0 : i32
    %dma_start3A_118 = tpu.memref_slice %arg15[%add3A_111, %dma_start3A_117] : memref<10112x128xf32, #tpu.memory_space<vmem_shared>> -> memref<80x128xf32, #tpu.memory_space<vmem_shared>>
    tpu.enqueue_dma source(%dma_start3A_118 : memref<80x128xf32, #tpu.memory_space<vmem_shared>>) target(%dma_start3A_116 : memref<80x128xf32, #tpu.memory_space<hbm>>) target_semaphore(%arg18 : memref<!tpu.dma_semaphore, #tpu.memory_space<semaphore_mem>>)
    %add3A_119 = arith.constant 560 : i32
    %add3A_120 = arith.addi %mul3A_5, %add3A_119 : i32
    %add3A_121 = arith.constant 560 : i32
    %add3A_122 = arith.addi %mul3A_5, %add3A_121 : i32
    %dma_start3A_123 = arith.constant 0 : i32
    %dma_start3A_124 = tpu.memref_slice %arg4[%arg0, %add3A_122, %dma_start3A_123] : memref<2x10112x128xf32, #tpu.memory_space<hbm>> -> memref<1x72x128xf32, #tpu.memory_space<hbm>>
    %dma_start3A_125 = tpu.memref_squeeze %dma_start3A_124 : memref<1x72x128xf32, #tpu.memory_space<hbm>> -> memref<72x128xf32, #tpu.memory_space<hbm>>
    %dma_start3A_126 = arith.constant 0 : i32
    %dma_start3A_127 = tpu.memref_slice %arg15[%add3A_120, %dma_start3A_126] : memref<10112x128xf32, #tpu.memory_space<vmem_shared>> -> memref<72x128xf32, #tpu.memory_space<vmem_shared>>
    tpu.enqueue_dma source(%dma_start3A_127 : memref<72x128xf32, #tpu.memory_space<vmem_shared>>) target(%dma_start3A_125 : memref<72x128xf32, #tpu.memory_space<hbm>>) target_semaphore(%arg19 : memref<!tpu.dma_semaphore, #tpu.memory_space<semaphore_mem>>)
    %add3A_128 = arith.constant 0 : i32
    %add3A_129 = arith.addi %mul3A_5, %add3A_128 : i32
    %add3A_130 = arith.constant 0 : i32
    %add3A_131 = arith.addi %mul3A_5, %add3A_130 : i32
    %dma_wait3A = arith.constant 0 : i32
    %dma_wait3A_132 = tpu.memref_slice %arg4[%arg0, %add3A_131, %dma_wait3A] : memref<2x10112x128xf32, #tpu.memory_space<hbm>> -> memref<1x80x128xf32, #tpu.memory_space<hbm>>
    %dma_wait3A_133 = tpu.memref_squeeze %dma_wait3A_132 : memref<1x80x128xf32, #tpu.memory_space<hbm>> -> memref<80x128xf32, #tpu.memory_space<hbm>>
    %dma_wait3A_134 = arith.constant 0 : i32
    %dma_wait3A_135 = tpu.memref_slice %arg15[%add3A_129, %dma_wait3A_134] : memref<10112x128xf32, #tpu.memory_space<vmem_shared>> -> memref<80x128xf32, #tpu.memory_space<vmem_shared>>
    tpu.wait_dma2 semaphore(%arg16 : memref<!tpu.dma_semaphore, #tpu.memory_space<semaphore_mem>>) src(%dma_wait3A_135 : memref<80x128xf32, #tpu.memory_space<vmem_shared>>) dst(%dma_wait3A_133 : memref<80x128xf32, #tpu.memory_space<hbm>>)
    %add3A_136 = arith.constant 80 : i32
    %add3A_137 = arith.addi %mul3A_5, %add3A_136 : i32
    %add3A_138 = arith.constant 80 : i32
    %add3A_139 = arith.addi %mul3A_5, %add3A_138 : i32
    %dma_wait3A_140 = arith.constant 0 : i32
    %dma_wait3A_141 = tpu.memref_slice %arg4[%arg0, %add3A_139, %dma_wait3A_140] : memref<2x10112x128xf32, #tpu.memory_space<hbm>> -> memref<1x80x128xf32, #tpu.memory_space<hbm>>
    %dma_wait3A_142 = tpu.memref_squeeze %dma_wait3A_141 : memref<1x80x128xf32, #tpu.memory_space<hbm>> -> memref<80x128xf32, #tpu.memory_space<hbm>>
    %dma_wait3A_143 = arith.constant 0 : i32
    %dma_wait3A_144 = tpu.memref_slice %arg15[%add3A_137, %dma_wait3A_143] : memref<10112x128xf32, #tpu.memory_space<vmem_shared>> -> memref<80x128xf32, #tpu.memory_space<vmem_shared>>
    tpu.wait_dma2 semaphore(%arg17 : memref<!tpu.dma_semaphore, #tpu.memory_space<semaphore_mem>>) src(%dma_wait3A_144 : memref<80x128xf32, #tpu.memory_space<vmem_shared>>) dst(%dma_wait3A_142 : memref<80x128xf32, #tpu.memory_space<hbm>>)
    %add3A_145 = arith.constant 160 : i32
    %add3A_146 = arith.addi %mul3A_5, %add3A_145 : i32
    %add3A_147 = arith.constant 160 : i32
    %add3A_148 = arith.addi %mul3A_5, %add3A_147 : i32
    %dma_wait3A_149 = arith.constant 0 : i32
    %dma_wait3A_150 = tpu.memref_slice %arg4[%arg0, %add3A_148, %dma_wait3A_149] : memref<2x10112x128xf32, #tpu.memory_space<hbm>> -> memref<1x80x128xf32, #tpu.memory_space<hbm>>
    %dma_wait3A_151 = tpu.memref_squeeze %dma_wait3A_150 : memref<1x80x128xf32, #tpu.memory_space<hbm>> -> memref<80x128xf32, #tpu.memory_space<hbm>>
    %dma_wait3A_152 = arith.constant 0 : i32
    %dma_wait3A_153 = tpu.memref_slice %arg15[%add3A_146, %dma_wait3A_152] : memref<10112x128xf32, #tpu.memory_space<vmem_shared>> -> memref<80x128xf32, #tpu.memory_space<vmem_shared>>
    tpu.wait_dma2 semaphore(%arg18 : memref<!tpu.dma_semaphore, #tpu.memory_space<semaphore_mem>>) src(%dma_wait3A_153 : memref<80x128xf32, #tpu.memory_space<vmem_shared>>) dst(%dma_wait3A_151 : memref<80x128xf32, #tpu.memory_space<hbm>>)
    %add3A_154 = arith.constant 240 : i32
    %add3A_155 = arith.addi %mul3A_5, %add3A_154 : i32
    %add3A_156 = arith.constant 240 : i32
    %add3A_157 = arith.addi %mul3A_5, %add3A_156 : i32
    %dma_wait3A_158 = arith.constant 0 : i32
    %dma_wait3A_159 = tpu.memref_slice %arg4[%arg0, %add3A_157, %dma_wait3A_158] : memref<2x10112x128xf32, #tpu.memory_space<hbm>> -> memref<1x80x128xf32, #tpu.memory_space<hbm>>
    %dma_wait3A_160 = tpu.memref_squeeze %dma_wait3A_159 : memref<1x80x128xf32, #tpu.memory_space<hbm>> -> memref<80x128xf32, #tpu.memory_space<hbm>>
    %dma_wait3A_161 = arith.constant 0 : i32
    %dma_wait3A_162 = tpu.memref_slice %arg15[%add3A_155, %dma_wait3A_161] : memref<10112x128xf32, #tpu.memory_space<vmem_shared>> -> memref<80x128xf32, #tpu.memory_space<vmem_shared>>
    tpu.wait_dma2 semaphore(%arg19 : memref<!tpu.dma_semaphore, #tpu.memory_space<semaphore_mem>>) src(%dma_wait3A_162 : memref<80x128xf32, #tpu.memory_space<vmem_shared>>) dst(%dma_wait3A_160 : memref<80x128xf32, #tpu.memory_space<hbm>>)
    %add3A_163 = arith.constant 320 : i32
    %add3A_164 = arith.addi %mul3A_5, %add3A_163 : i32
    %add3A_165 = arith.constant 320 : i32
    %add3A_166 = arith.addi %mul3A_5, %add3A_165 : i32
    %dma_wait3A_167 = arith.constant 0 : i32
    %dma_wait3A_168 = tpu.memref_slice %arg4[%arg0, %add3A_166, %dma_wait3A_167] : memref<2x10112x128xf32, #tpu.memory_space<hbm>> -> memref<1x80x128xf32, #tpu.memory_space<hbm>>
    %dma_wait3A_169 = tpu.memref_squeeze %dma_wait3A_168 : memref<1x80x128xf32, #tpu.memory_space<hbm>> -> memref<80x128xf32, #tpu.memory_space<hbm>>
    %dma_wait3A_170 = arith.constant 0 : i32
    %dma_wait3A_171 = tpu.memref_slice %arg15[%add3A_164, %dma_wait3A_170] : memref<10112x128xf32, #tpu.memory_space<vmem_shared>> -> memref<80x128xf32, #tpu.memory_space<vmem_shared>>
    tpu.wait_dma2 semaphore(%arg16 : memref<!tpu.dma_semaphore, #tpu.memory_space<semaphore_mem>>) src(%dma_wait3A_171 : memref<80x128xf32, #tpu.memory_space<vmem_shared>>) dst(%dma_wait3A_169 : memref<80x128xf32, #tpu.memory_space<hbm>>)
    %add3A_172 = arith.constant 400 : i32
    %add3A_173 = arith.addi %mul3A_5, %add3A_172 : i32
    %add3A_174 = arith.constant 400 : i32
    %add3A_175 = arith.addi %mul3A_5, %add3A_174 : i32
    %dma_wait3A_176 = arith.constant 0 : i32
    %dma_wait3A_177 = tpu.memref_slice %arg4[%arg0, %add3A_175, %dma_wait3A_176] : memref<2x10112x128xf32, #tpu.memory_space<hbm>> -> memref<1x80x128xf32, #tpu.memory_space<hbm>>
    %dma_wait3A_178 = tpu.memref_squeeze %dma_wait3A_177 : memref<1x80x128xf32, #tpu.memory_space<hbm>> -> memref<80x128xf32, #tpu.memory_space<hbm>>
    %dma_wait3A_179 = arith.constant 0 : i32
    %dma_wait3A_180 = tpu.memref_slice %arg15[%add3A_173, %dma_wait3A_179] : memref<10112x128xf32, #tpu.memory_space<vmem_shared>> -> memref<80x128xf32, #tpu.memory_space<vmem_shared>>
    tpu.wait_dma2 semaphore(%arg17 : memref<!tpu.dma_semaphore, #tpu.memory_space<semaphore_mem>>) src(%dma_wait3A_180 : memref<80x128xf32, #tpu.memory_space<vmem_shared>>) dst(%dma_wait3A_178 : memref<80x128xf32, #tpu.memory_space<hbm>>)
    %add3A_181 = arith.constant 480 : i32
    %add3A_182 = arith.addi %mul3A_5, %add3A_181 : i32
    %add3A_183 = arith.constant 480 : i32
    %add3A_184 = arith.addi %mul3A_5, %add3A_183 : i32
    %dma_wait3A_185 = arith.constant 0 : i32
    %dma_wait3A_186 = tpu.memref_slice %arg4[%arg0, %add3A_184, %dma_wait3A_185] : memref<2x10112x128xf32, #tpu.memory_space<hbm>> -> memref<1x80x128xf32, #tpu.memory_space<hbm>>
    %dma_wait3A_187 = tpu.memref_squeeze %dma_wait3A_186 : memref<1x80x128xf32, #tpu.memory_space<hbm>> -> memref<80x128xf32, #tpu.memory_space<hbm>>
    %dma_wait3A_188 = arith.constant 0 : i32
    %dma_wait3A_189 = tpu.memref_slice %arg15[%add3A_182, %dma_wait3A_188] : memref<10112x128xf32, #tpu.memory_space<vmem_shared>> -> memref<80x128xf32, #tpu.memory_space<vmem_shared>>
    tpu.wait_dma2 semaphore(%arg18 : memref<!tpu.dma_semaphore, #tpu.memory_space<semaphore_mem>>) src(%dma_wait3A_189 : memref<80x128xf32, #tpu.memory_space<vmem_shared>>) dst(%dma_wait3A_187 : memref<80x128xf32, #tpu.memory_space<hbm>>)
    %add3A_190 = arith.constant 560 : i32
    %add3A_191 = arith.addi %mul3A_5, %add3A_190 : i32
    %add3A_192 = arith.constant 560 : i32
    %add3A_193 = arith.addi %mul3A_5, %add3A_192 : i32
    %dma_wait3A_194 = arith.constant 0 : i32
    %dma_wait3A_195 = tpu.memref_slice %arg4[%arg0, %add3A_193, %dma_wait3A_194] : memref<2x10112x128xf32, #tpu.memory_space<hbm>> -> memref<1x72x128xf32, #tpu.memory_space<hbm>>
    %dma_wait3A_196 = tpu.memref_squeeze %dma_wait3A_195 : memref<1x72x128xf32, #tpu.memory_space<hbm>> -> memref<72x128xf32, #tpu.memory_space<hbm>>
    %dma_wait3A_197 = arith.constant 0 : i32
    %dma_wait3A_198 = tpu.memref_slice %arg15[%add3A_191, %dma_wait3A_197] : memref<10112x128xf32, #tpu.memory_space<vmem_shared>> -> memref<72x128xf32, #tpu.memory_space<vmem_shared>>
    tpu.wait_dma2 semaphore(%arg19 : memref<!tpu.dma_semaphore, #tpu.memory_space<semaphore_mem>>) src(%dma_wait3A_198 : memref<72x128xf32, #tpu.memory_space<vmem_shared>>) dst(%dma_wait3A_196 : memref<72x128xf32, #tpu.memory_space<hbm>>)
    return
  }
}

#map = affine_map<(d0, d1) -> (0, 0)>
#map1 = affine_map<(d0, d1) -> (0, 0, 0)>
module attributes {stable_mosaic.version = 14 : i64} {
  func.func @k(%arg0: i32, %arg1: i32, %arg2: memref<10000x128xf32, #tpu.memory_space<hbm>>, %arg3: memref<5120x64xi32, #tpu.memory_space<hbm>>, %arg4: memref<2x10112x128xf32, #tpu.memory_space<hbm>>, %arg5: memref<40x64xi32, #tpu.memory_space<vmem>>, %arg6: memref<64xi32, #tpu.memory_space<vmem>>, %arg7: memref<64xi32, #tpu.memory_space<vmem>>, %arg8: memref<64xi32, #tpu.memory_space<vmem>>, %arg9: memref<64xi32, #tpu.memory_space<vmem>>, %arg10: memref<64xi32, #tpu.memory_space<vmem>>, %arg11: memref<64x128xf32, #tpu.memory_space<vmem>>, %arg12: memref<64x128xf32, #tpu.memory_space<vmem>>, %arg13: memref<64x128xf32, #tpu.memory_space<vmem>>, %arg14: memref<64x128xf32, #tpu.memory_space<vmem>>, %arg15: memref<10112x128xf32, #tpu.memory_space<vmem_shared>>, %arg16: memref<!tpu.dma_semaphore, #tpu.memory_space<semaphore_mem>>, %arg17: memref<!tpu.dma_semaphore, #tpu.memory_space<semaphore_mem>>, %arg18: memref<!tpu.dma_semaphore, #tpu.memory_space<semaphore_mem>>, %arg19: memref<!tpu.dma_semaphore, #tpu.memory_space<semaphore_mem>>) attributes {dimension_semantics = [#tpu.dimension_semantics<core_parallel>, #tpu.dimension_semantics<subcore_parallel>], iteration_bounds = array<i64: 2, 16>, scalar_prefetch = 0 : i64, scratch_operands = 15 : i64, tpu.core_type = #tpu.core_type<sc_vector_subcore>, window_params = [{transform_indices = #map}, {transform_indices = #map}, {transform_indices = #map1}]} {
    %broadcast_in_dim3A = arith.constant 0.000000e+00 : f32
    %broadcast_in_dim3A_0 = vector.broadcast %broadcast_in_dim3A : f32 to vector<16xf32>
    %scan3A = arith.constant 0 : i32
    %scan3A_1 = arith.constant 64 : i32
    %scan3A_2 = arith.addi %scan3A, %scan3A_1 : i32
    %scan3A_3 = arith.constant 1 : i32
    scf.for %scan3A_199 = %scan3A to %scan3A_2 step %scan3A_3  : i32 {
      %mul3A_200 = arith.constant 1 : i32
      %mul3A_201 = arith.muli %scan3A_199, %mul3A_200 : i32
      %add3A_202 = arith.constant 0 : i32
      %add3A_203 = arith.addi %add3A_202, %mul3A_201 : i32
      %scan3A_204 = arith.constant 0 : i32
      %scan3A_205 = arith.constant 8 : i32
      %scan3A_206 = arith.addi %scan3A_204, %scan3A_205 : i32
      %scan3A_207 = arith.constant 1 : i32
      scf.for %scan3A_209 = %scan3A_204 to %scan3A_206 step %scan3A_207  : i32 {
        %mul3A_210 = arith.constant 16 : i32
        %mul3A_211 = arith.muli %scan3A_209, %mul3A_210 : i32
        %add3A_212 = arith.constant 0 : i32
        %add3A_213 = arith.addi %add3A_212, %mul3A_211 : i32
        %swap3A = arith.index_cast %add3A_203 : i32 to index
        %swap3A_214 = arith.index_cast %add3A_213 : i32 to index
        %swap3A_215 = tpu.vector_load %arg11[%swap3A, %swap3A_214] {strides = array<i32>} : memref<64x128xf32, #tpu.memory_space<vmem>>, vector<16xf32>,
        tpu.vector_store %arg11[%swap3A, %swap3A_214], %broadcast_in_dim3A_0 {strides = array<i32>} : memref<64x128xf32, #tpu.memory_space<vmem>>, vector<16xf32>,
      }
      %scan3A_208 = arith.constant 8 : i32
    }
    %scan3A_4 = arith.constant 64 : i32
    %mul3A = arith.constant 632 : i32
    %mul3A_5 = arith.muli %arg1, %mul3A : i32
    %add3A = arith.constant 0 : i32
    %add3A_6 = arith.addi %mul3A_5, %add3A : i32
    "tpu.region"() ({
      %run_scoped3A = tpu.sem_alloc : memref<!tpu.dma_semaphore, #tpu.memory_space<semaphore_mem>>
      %dma_start3A_199 = arith.constant 0 : i32
      %dma_start3A_200 = tpu.memref_slice %arg15[%add3A_6, %dma_start3A_199] : memref<10112x128xf32, #tpu.memory_space<vmem_shared>> -> memref<64x128xf32, #tpu.memory_space<vmem_shared>>
      %dma_start3A_201 = arith.constant 0 : i32
      %dma_start3A_202 = tpu.memref_slice %arg15[%add3A_6, %dma_start3A_201] : memref<10112x128xf32, #tpu.memory_space<vmem_shared>> -> memref<64x128xf32, #tpu.memory_space<vmem_shared>>
      tpu.enqueue_dma source(%arg11 : memref<64x128xf32, #tpu.memory_space<vmem>>) target(%dma_start3A_202 : memref<64x128xf32, #tpu.memory_space<vmem_shared>>) target_semaphore(%run_scoped3A : memref<!tpu.dma_semaphore, #tpu.memory_space<semaphore_mem>>)
      %dma_wait3A_203 = arith.constant 0 : i32
      %dma_wait3A_204 = tpu.memref_slice %arg15[%add3A_6, %dma_wait3A_203] : memref<10112x128xf32, #tpu.memory_space<vmem_shared>> -> memref<64x128xf32, #tpu.memory_space<vmem_shared>>
      %dma_wait3A_205 = arith.constant 0 : i32
      %dma_wait3A_206 = tpu.memref_slice %arg15[%add3A_6, %dma_wait3A_205] : memref<10112x128xf32, #tpu.memory_space<vmem_shared>> -> memref<64x128xf32, #tpu.memory_space<vmem_shared>>
      tpu.wait_dma2 semaphore(%run_scoped3A : memref<!tpu.dma_semaphore, #tpu.memory_space<semaphore_mem>>) src(%arg11 : memref<64x128xf32, #tpu.memory_space<vmem>>) dst(%dma_wait3A_206 : memref<64x128xf32, #tpu.memory_space<vmem_shared>>)
      tpu.yield
    }) : () -> ()
    %add3A_7 = arith.constant 64 : i32
    %add3A_8 = arith.addi %mul3A_5, %add3A_7 : i32
    "tpu.region"() ({
      %run_scoped3A = tpu.sem_alloc : memref<!tpu.dma_semaphore, #tpu.memory_space<semaphore_mem>>
      %dma_start3A_199 = arith.constant 0 : i32
      %dma_start3A_200 = tpu.memref_slice %arg15[%add3A_8, %dma_start3A_199] : memref<10112x128xf32, #tpu.memory_space<vmem_shared>> -> memref<64x128xf32, #tpu.memory_space<vmem_shared>>
      %dma_start3A_201 = arith.constant 0 : i32
      %dma_start3A_202 = tpu.memref_slice %arg15[%add3A_8, %dma_start3A_201] : memref<10112x128xf32, #tpu.memory_space<vmem_shared>> -> memref<64x128xf32, #tpu.memory_space<vmem_shared>>
      tpu.enqueue_dma source(%arg11 : memref<64x128xf32, #tpu.memory_space<vmem>>) target(%dma_start3A_202 : memref<64x128xf32, #tpu.memory_space<vmem_shared>>) target_semaphore(%run_scoped3A : memref<!tpu.dma_semaphore, #tpu.memory_space<semaphore_mem>>)
      %dma_wait3A_203 = arith.constant 0 : i32
      %dma_wait3A_204 = tpu.memref_slice %arg15[%add3A_8, %dma_wait3A_203] : memref<10112x128xf32, #tpu.memory_space<vmem_shared>> -> memref<64x128xf32, #tpu.memory_space<vmem_shared>>
      %dma_wait3A_205 = arith.constant 0 : i32
      %dma_wait3A_206 = tpu.memref_slice %arg15[%add3A_8, %dma_wait3A_205] : memref<10112x128xf32, #tpu.memory_space<vmem_shared>> -> memref<64x128xf32, #tpu.memory_space<vmem_shared>>
      tpu.wait_dma2 semaphore(%run_scoped3A : memref<!tpu.dma_semaphore, #tpu.memory_space<semaphore_mem>>) src(%arg11 : memref<64x128xf32, #tpu.memory_space<vmem>>) dst(%dma_wait3A_206 : memref<64x128xf32, #tpu.memory_space<vmem_shared>>)
      tpu.yield
    }) : () -> ()
    %add3A_9 = arith.constant 128 : i32
    %add3A_10 = arith.addi %mul3A_5, %add3A_9 : i32
    "tpu.region"() ({
      %run_scoped3A = tpu.sem_alloc : memref<!tpu.dma_semaphore, #tpu.memory_space<semaphore_mem>>
      %dma_start3A_199 = arith.constant 0 : i32
      %dma_start3A_200 = tpu.memref_slice %arg15[%add3A_10, %dma_start3A_199] : memref<10112x128xf32, #tpu.memory_space<vmem_shared>> -> memref<64x128xf32, #tpu.memory_space<vmem_shared>>
      %dma_start3A_201 = arith.constant 0 : i32
      %dma_start3A_202 = tpu.memref_slice %arg15[%add3A_10, %dma_start3A_201] : memref<10112x128xf32, #tpu.memory_space<vmem_shared>> -> memref<64x128xf32, #tpu.memory_space<vmem_shared>>
      tpu.enqueue_dma source(%arg11 : memref<64x128xf32, #tpu.memory_space<vmem>>) target(%dma_start3A_202 : memref<64x128xf32, #tpu.memory_space<vmem_shared>>) target_semaphore(%run_scoped3A : memref<!tpu.dma_semaphore, #tpu.memory_space<semaphore_mem>>)
      %dma_wait3A_203 = arith.constant 0 : i32
      %dma_wait3A_204 = tpu.memref_slice %arg15[%add3A_10, %dma_wait3A_203] : memref<10112x128xf32, #tpu.memory_space<vmem_shared>> -> memref<64x128xf32, #tpu.memory_space<vmem_shared>>
      %dma_wait3A_205 = arith.constant 0 : i32
      %dma_wait3A_206 = tpu.memref_slice %arg15[%add3A_10, %dma_wait3A_205] : memref<10112x128xf32, #tpu.memory_space<vmem_shared>> -> memref<64x128xf32, #tpu.memory_space<vmem_shared>>
      tpu.wait_dma2 semaphore(%run_scoped3A : memref<!tpu.dma_semaphore, #tpu.memory_space<semaphore_mem>>) src(%arg11 : memref<64x128xf32, #tpu.memory_space<vmem>>) dst(%dma_wait3A_206 : memref<64x128xf32, #tpu.memory_space<vmem_shared>>)
      tpu.yield
    }) : () -> ()
    %add3A_11 = arith.constant 192 : i32
    %add3A_12 = arith.addi %mul3A_5, %add3A_11 : i32
    "tpu.region"() ({
      %run_scoped3A = tpu.sem_alloc : memref<!tpu.dma_semaphore, #tpu.memory_space<semaphore_mem>>
      %dma_start3A_199 = arith.constant 0 : i32
      %dma_start3A_200 = tpu.memref_slice %arg15[%add3A_12, %dma_start3A_199] : memref<10112x128xf32, #tpu.memory_space<vmem_shared>> -> memref<64x128xf32, #tpu.memory_space<vmem_shared>>
      %dma_start3A_201 = arith.constant 0 : i32
      %dma_start3A_202 = tpu.memref_slice %arg15[%add3A_12, %dma_start3A_201] : memref<10112x128xf32, #tpu.memory_space<vmem_shared>> -> memref<64x128xf32, #tpu.memory_space<vmem_shared>>
      tpu.enqueue_dma source(%arg11 : memref<64x128xf32, #tpu.memory_space<vmem>>) target(%dma_start3A_202 : memref<64x128xf32, #tpu.memory_space<vmem_shared>>) target_semaphore(%run_scoped3A : memref<!tpu.dma_semaphore, #tpu.memory_space<semaphore_mem>>)
      %dma_wait3A_203 = arith.constant 0 : i32
      %dma_wait3A_204 = tpu.memref_slice %arg15[%add3A_12, %dma_wait3A_203] : memref<10112x128xf32, #tpu.memory_space<vmem_shared>> -> memref<64x128xf32, #tpu.memory_space<vmem_shared>>
      %dma_wait3A_205 = arith.constant 0 : i32
      %dma_wait3A_206 = tpu.memref_slice %arg15[%add3A_12, %dma_wait3A_205] : memref<10112x128xf32, #tpu.memory_space<vmem_shared>> -> memref<64x128xf32, #tpu.memory_space<vmem_shared>>
      tpu.wait_dma2 semaphore(%run_scoped3A : memref<!tpu.dma_semaphore, #tpu.memory_space<semaphore_mem>>) src(%arg11 : memref<64x128xf32, #tpu.memory_space<vmem>>) dst(%dma_wait3A_206 : memref<64x128xf32, #tpu.memory_space<vmem_shared>>)
      tpu.yield
    }) : () -> ()
    %add3A_13 = arith.constant 256 : i32
    %add3A_14 = arith.addi %mul3A_5, %add3A_13 : i32
    "tpu.region"() ({
      %run_scoped3A = tpu.sem_alloc : memref<!tpu.dma_semaphore, #tpu.memory_space<semaphore_mem>>
      %dma_start3A_199 = arith.constant 0 : i32
      %dma_start3A_200 = tpu.memref_slice %arg15[%add3A_14, %dma_start3A_199] : memref<10112x128xf32, #tpu.memory_space<vmem_shared>> -> memref<64x128xf32, #tpu.memory_space<vmem_shared>>
      %dma_start3A_201 = arith.constant 0 : i32
      %dma_start3A_202 = tpu.memref_slice %arg15[%add3A_14, %dma_start3A_201] : memref<10112x128xf32, #tpu.memory_space<vmem_shared>> -> memref<64x128xf32, #tpu.memory_space<vmem_shared>>
      tpu.enqueue_dma source(%arg11 : memref<64x128xf32, #tpu.memory_space<vmem>>) target(%dma_start3A_202 : memref<64x128xf32, #tpu.memory_space<vmem_shared>>) target_semaphore(%run_scoped3A : memref<!tpu.dma_semaphore, #tpu.memory_space<semaphore_mem>>)
      %dma_wait3A_203 = arith.constant 0 : i32
      %dma_wait3A_204 = tpu.memref_slice %arg15[%add3A_14, %dma_wait3A_203] : memref<10112x128xf32, #tpu.memory_space<vmem_shared>> -> memref<64x128xf32, #tpu.memory_space<vmem_shared>>
      %dma_wait3A_205 = arith.constant 0 : i32
      %dma_wait3A_206 = tpu.memref_slice %arg15[%add3A_14, %dma_wait3A_205] : memref<10112x128xf32, #tpu.memory_space<vmem_shared>> -> memref<64x128xf32, #tpu.memory_space<vmem_shared>>
      tpu.wait_dma2 semaphore(%run_scoped3A : memref<!tpu.dma_semaphore, #tpu.memory_space<semaphore_mem>>) src(%arg11 : memref<64x128xf32, #tpu.memory_space<vmem>>) dst(%dma_wait3A_206 : memref<64x128xf32, #tpu.memory_space<vmem_shared>>)
      tpu.yield
    }) : () -> ()
    %add3A_15 = arith.constant 320 : i32
    %add3A_16 = arith.addi %mul3A_5, %add3A_15 : i32
    "tpu.region"() ({
      %run_scoped3A = tpu.sem_alloc : memref<!tpu.dma_semaphore, #tpu.memory_space<semaphore_mem>>
      %dma_start3A_199 = arith.constant 0 : i32
      %dma_start3A_200 = tpu.memref_slice %arg15[%add3A_16, %dma_start3A_199] : memref<10112x128xf32, #tpu.memory_space<vmem_shared>> -> memref<64x128xf32, #tpu.memory_space<vmem_shared>>
      %dma_start3A_201 = arith.constant 0 : i32
      %dma_start3A_202 = tpu.memref_slice %arg15[%add3A_16, %dma_start3A_201] : memref<10112x128xf32, #tpu.memory_space<vmem_shared>> -> memref<64x128xf32, #tpu.memory_space<vmem_shared>>
      tpu.enqueue_dma source(%arg11 : memref<64x128xf32, #tpu.memory_space<vmem>>) target(%dma_start3A_202 : memref<64x128xf32, #tpu.memory_space<vmem_shared>>) target_semaphore(%run_scoped3A : memref<!tpu.dma_semaphore, #tpu.memory_space<semaphore_mem>>)
      %dma_wait3A_203 = arith.constant 0 : i32
      %dma_wait3A_204 = tpu.memref_slice %arg15[%add3A_16, %dma_wait3A_203] : memref<10112x128xf32, #tpu.memory_space<vmem_shared>> -> memref<64x128xf32, #tpu.memory_space<vmem_shared>>
      %dma_wait3A_205 = arith.constant 0 : i32
      %dma_wait3A_206 = tpu.memref_slice %arg15[%add3A_16, %dma_wait3A_205] : memref<10112x128xf32, #tpu.memory_space<vmem_shared>> -> memref<64x128xf32, #tpu.memory_space<vmem_shared>>
      tpu.wait_dma2 semaphore(%run_scoped3A : memref<!tpu.dma_semaphore, #tpu.memory_space<semaphore_mem>>) src(%arg11 : memref<64x128xf32, #tpu.memory_space<vmem>>) dst(%dma_wait3A_206 : memref<64x128xf32, #tpu.memory_space<vmem_shared>>)
      tpu.yield
    }) : () -> ()
    %add3A_17 = arith.constant 384 : i32
    %add3A_18 = arith.addi %mul3A_5, %add3A_17 : i32
    "tpu.region"() ({
      %run_scoped3A = tpu.sem_alloc : memref<!tpu.dma_semaphore, #tpu.memory_space<semaphore_mem>>
      %dma_start3A_199 = arith.constant 0 : i32
      %dma_start3A_200 = tpu.memref_slice %arg15[%add3A_18, %dma_start3A_199] : memref<10112x128xf32, #tpu.memory_space<vmem_shared>> -> memref<64x128xf32, #tpu.memory_space<vmem_shared>>
      %dma_start3A_201 = arith.constant 0 : i32
      %dma_start3A_202 = tpu.memref_slice %arg15[%add3A_18, %dma_start3A_201] : memref<10112x128xf32, #tpu.memory_space<vmem_shared>> -> memref<64x128xf32, #tpu.memory_space<vmem_shared>>
      tpu.enqueue_dma source(%arg11 : memref<64x128xf32, #tpu.memory_space<vmem>>) target(%dma_start3A_202 : memref<64x128xf32, #tpu.memory_space<vmem_shared>>) target_semaphore(%run_scoped3A : memref<!tpu.dma_semaphore, #tpu.memory_space<semaphore_mem>>)
      %dma_wait3A_203 = arith.constant 0 : i32
      %dma_wait3A_204 = tpu.memref_slice %arg15[%add3A_18, %dma_wait3A_203] : memref<10112x128xf32, #tpu.memory_space<vmem_shared>> -> memref<64x128xf32, #tpu.memory_space<vmem_shared>>
      %dma_wait3A_205 = arith.constant 0 : i32
      %dma_wait3A_206 = tpu.memref_slice %arg15[%add3A_18, %dma_wait3A_205] : memref<10112x128xf32, #tpu.memory_space<vmem_shared>> -> memref<64x128xf32, #tpu.memory_space<vmem_shared>>
      tpu.wait_dma2 semaphore(%run_scoped3A : memref<!tpu.dma_semaphore, #tpu.memory_space<semaphore_mem>>) src(%arg11 : memref<64x128xf32, #tpu.memory_space<vmem>>) dst(%dma_wait3A_206 : memref<64x128xf32, #tpu.memory_space<vmem_shared>>)
      tpu.yield
    }) : () -> ()
    %add3A_19 = arith.constant 448 : i32
    %add3A_20 = arith.addi %mul3A_5, %add3A_19 : i32
    "tpu.region"() ({
      %run_scoped3A = tpu.sem_alloc : memref<!tpu.dma_semaphore, #tpu.memory_space<semaphore_mem>>
      %dma_start3A_199 = arith.constant 0 : i32
      %dma_start3A_200 = tpu.memref_slice %arg15[%add3A_20, %dma_start3A_199] : memref<10112x128xf32, #tpu.memory_space<vmem_shared>> -> memref<64x128xf32, #tpu.memory_space<vmem_shared>>
      %dma_start3A_201 = arith.constant 0 : i32
      %dma_start3A_202 = tpu.memref_slice %arg15[%add3A_20, %dma_start3A_201] : memref<10112x128xf32, #tpu.memory_space<vmem_shared>> -> memref<64x128xf32, #tpu.memory_space<vmem_shared>>
      tpu.enqueue_dma source(%arg11 : memref<64x128xf32, #tpu.memory_space<vmem>>) target(%dma_start3A_202 : memref<64x128xf32, #tpu.memory_space<vmem_shared>>) target_semaphore(%run_scoped3A : memref<!tpu.dma_semaphore, #tpu.memory_space<semaphore_mem>>)
      %dma_wait3A_203 = arith.constant 0 : i32
      %dma_wait3A_204 = tpu.memref_slice %arg15[%add3A_20, %dma_wait3A_203] : memref<10112x128xf32, #tpu.memory_space<vmem_shared>> -> memref<64x128xf32, #tpu.memory_space<vmem_shared>>
      %dma_wait3A_205 = arith.constant 0 : i32
      %dma_wait3A_206 = tpu.memref_slice %arg15[%add3A_20, %dma_wait3A_205] : memref<10112x128xf32, #tpu.memory_space<vmem_shared>> -> memref<64x128xf32, #tpu.memory_space<vmem_shared>>
      tpu.wait_dma2 semaphore(%run_scoped3A : memref<!tpu.dma_semaphore, #tpu.memory_space<semaphore_mem>>) src(%arg11 : memref<64x128xf32, #tpu.memory_space<vmem>>) dst(%dma_wait3A_206 : memref<64x128xf32, #tpu.memory_space<vmem_shared>>)
      tpu.yield
    }) : () -> ()
    %add3A_21 = arith.constant 512 : i32
    %add3A_22 = arith.addi %mul3A_5, %add3A_21 : i32
    "tpu.region"() ({
      %run_scoped3A = tpu.sem_alloc : memref<!tpu.dma_semaphore, #tpu.memory_space<semaphore_mem>>
      %dma_start3A_199 = arith.constant 0 : i32
      %dma_start3A_200 = tpu.memref_slice %arg15[%add3A_22, %dma_start3A_199] : memref<10112x128xf32, #tpu.memory_space<vmem_shared>> -> memref<64x128xf32, #tpu.memory_space<vmem_shared>>
      %dma_start3A_201 = arith.constant 0 : i32
      %dma_start3A_202 = tpu.memref_slice %arg15[%add3A_22, %dma_start3A_201] : memref<10112x128xf32, #tpu.memory_space<vmem_shared>> -> memref<64x128xf32, #tpu.memory_space<vmem_shared>>
      tpu.enqueue_dma source(%arg11 : memref<64x128xf32, #tpu.memory_space<vmem>>) target(%dma_start3A_202 : memref<64x128xf32, #tpu.memory_space<vmem_shared>>) target_semaphore(%run_scoped3A : memref<!tpu.dma_semaphore, #tpu.memory_space<semaphore_mem>>)
      %dma_wait3A_203 = arith.constant 0 : i32
      %dma_wait3A_204 = tpu.memref_slice %arg15[%add3A_22, %dma_wait3A_203] : memref<10112x128xf32, #tpu.memory_space<vmem_shared>> -> memref<64x128xf32, #tpu.memory_space<vmem_shared>>
      %dma_wait3A_205 = arith.constant 0 : i32
      %dma_wait3A_206 = tpu.memref_slice %arg15[%add3A_22, %dma_wait3A_205] : memref<10112x128xf32, #tpu.memory_space<vmem_shared>> -> memref<64x128xf32, #tpu.memory_space<vmem_shared>>
      tpu.wait_dma2 semaphore(%run_scoped3A : memref<!tpu.dma_semaphore, #tpu.memory_space<semaphore_mem>>) src(%arg11 : memref<64x128xf32, #tpu.memory_space<vmem>>) dst(%dma_wait3A_206 : memref<64x128xf32, #tpu.memory_space<vmem_shared>>)
      tpu.yield
    }) : () -> ()
    %add3A_23 = arith.constant 576 : i32
    %add3A_24 = arith.addi %mul3A_5, %add3A_23 : i32
    "tpu.region"() ({
      %run_scoped3A = tpu.sem_alloc : memref<!tpu.dma_semaphore, #tpu.memory_space<semaphore_mem>>
      %dma_start3A_199 = arith.constant 0 : i32
      %dma_start3A_200 = arith.constant 0 : i32
      %dma_start3A_201 = tpu.memref_slice %arg11[%dma_start3A_199, %dma_start3A_200] : memref<64x128xf32, #tpu.memory_space<vmem>> -> memref<56x128xf32, #tpu.memory_space<vmem>>
      %dma_start3A_202 = arith.constant 0 : i32
      %dma_start3A_203 = tpu.memref_slice %arg15[%add3A_24, %dma_start3A_202] : memref<10112x128xf32, #tpu.memory_space<vmem_shared>> -> memref<56x128xf32, #tpu.memory_space<vmem_shared>>
      %dma_start3A_204 = arith.constant 0 : i32
      %dma_start3A_205 = tpu.memref_slice %arg15[%add3A_24, %dma_start3A_204] : memref<10112x128xf32, #tpu.memory_space<vmem_shared>> -> memref<56x128xf32, #tpu.memory_space<vmem_shared>>
      %dma_start3A_206 = arith.constant 0 : i32
      %dma_start3A_207 = arith.constant 0 : i32
      %dma_start3A_208 = tpu.memref_slice %arg11[%dma_start3A_206, %dma_start3A_207] : memref<64x128xf32, #tpu.memory_space<vmem>> -> memref<56x128xf32, #tpu.memory_space<vmem>>
      tpu.enqueue_dma source(%dma_start3A_208 : memref<56x128xf32, #tpu.memory_space<vmem>>) target(%dma_start3A_205 : memref<56x128xf32, #tpu.memory_space<vmem_shared>>) target_semaphore(%run_scoped3A : memref<!tpu.dma_semaphore, #tpu.memory_space<semaphore_mem>>)
      %dma_wait3A_209 = arith.constant 0 : i32
      %dma_wait3A_210 = arith.constant 0 : i32
      %dma_wait3A_211 = tpu.memref_slice %arg11[%dma_wait3A_209, %dma_wait3A_210] : memref<64x128xf32, #tpu.memory_space<vmem>> -> memref<56x128xf32, #tpu.memory_space<vmem>>
      %dma_wait3A_212 = arith.constant 0 : i32
      %dma_wait3A_213 = tpu.memref_slice %arg15[%add3A_24, %dma_wait3A_212] : memref<10112x128xf32, #tpu.memory_space<vmem_shared>> -> memref<56x128xf32, #tpu.memory_space<vmem_shared>>
      %dma_wait3A_214 = arith.constant 0 : i32
      %dma_wait3A_215 = tpu.memref_slice %arg15[%add3A_24, %dma_wait3A_214] : memref<10112x128xf32, #tpu.memory_space<vmem_shared>> -> memref<56x128xf32, #tpu.memory_space<vmem_shared>>
      %dma_wait3A_216 = arith.constant 0 : i32
      %dma_wait3A_217 = arith.constant 0 : i32
      %dma_wait3A_218 = tpu.memref_slice %arg11[%dma_wait3A_216, %dma_wait3A_217] : memref<64x128xf32, #tpu.memory_space<vmem>> -> memref<56x128xf32, #tpu.memory_space<vmem>>
      tpu.wait_dma2 semaphore(%run_scoped3A : memref<!tpu.dma_semaphore, #tpu.memory_space<semaphore_mem>>) src(%dma_wait3A_218 : memref<56x128xf32, #tpu.memory_space<vmem>>) dst(%dma_wait3A_215 : memref<56x128xf32, #tpu.memory_space<vmem_shared>>)
      tpu.yield
    }) : () -> ()
    %eq3A = arith.constant 0 : i32
    %eq3A_25 = arith.cmpi eq, %arg0, %eq3A : i32
    %mul3A_26 = arith.constant 280 : i32
    %mul3A_27 = arith.muli %arg1, %mul3A_26 : i32
    %mul3A_28 = arith.constant 40 : i32
    %mul3A_29 = arith.muli %arg1, %mul3A_28 : i32
    %add3A_30 = arith.constant 4480 : i32
    %add3A_31 = arith.addi %add3A_30, %mul3A_29 : i32
    %select_n3A = arith.select %eq3A_25, %mul3A_27, %add3A_31 : i32
    %eq3A_32 = arith.constant 0 : i32
    %eq3A_33 = arith.cmpi eq, %arg0, %eq3A_32 : i32
    %jit3A = arith.constant 7 : i32
    %jit3A_34 = arith.constant 1 : i32
    %select_n3A_35 = arith.select %eq3A_33, %jit3A, %jit3A_34 : i32
    %barrier3A = arith.constant 0 : index
    tpu.barrier barrier_id(%barrier3A)
    %broadcast_in_dim3A_36 = arith.constant 65535 : i32
    %broadcast_in_dim3A_37 = vector.broadcast %broadcast_in_dim3A_36 : i32 to vector<16xi32>
    %broadcast_in_dim3A_38 = arith.constant 16 : i32
    %broadcast_in_dim3A_39 = vector.broadcast %broadcast_in_dim3A_38 : i32 to vector<16xi32>
    %sub3A = arith.constant 0 : i32
    %sub3A_40 = arith.subi %select_n3A_35, %sub3A : i32
    %sub3A_41 = arith.constant 1 : i32
    %sub3A_42 = arith.constant 1 : i32
    %sub3A_43 = arith.subi %sub3A_41, %sub3A_42 : i32
    %add3A_44 = arith.addi %sub3A_40, %sub3A_43 : i32
    %div3A = arith.constant 1 : i32
    %div3A_45 = arith.divsi %add3A_44, %div3A : i32
    %while3A = arith.constant 1 : i32
    %while3A_46 = arith.constant 0 : i32
    %while3A_47 = arith.constant 0 : i32
    %while3A_48 = arith.subi %div3A_45, %while3A_47 : i32
    %while3A_49 = arith.addi %while3A_47, %while3A_48 : i32
    %while3A_50 = arith.constant 1 : i32
    %while3A_51 = arith.divsi %while3A_48, %while3A_50 : i32
    %while3A_52 = arith.muli %while3A_51, %while3A_50 : i32
    %while3A_53 = arith.addi %while3A_47, %while3A_52 : i32
    %while3A_54 = arith.constant 1 : i32
    scf.for %while3A_199 = %while3A_47 to %while3A_53 step %while3A_54  : i32 {
      %mul3A_200 = arith.muli %while3A_199, %while3A : i32
      %add3A_201 = arith.addi %while3A_46, %mul3A_200 : i32
      %mul3A_202 = arith.constant 40 : i32
      %mul3A_203 = arith.muli %add3A_201, %mul3A_202 : i32
      %add3A_204 = arith.addi %select_n3A, %mul3A_203 : i32
      "tpu.region"() ({
        %run_scoped3A = tpu.sem_alloc : memref<!tpu.dma_semaphore, #tpu.memory_space<semaphore_mem>>
        %dma_start3A_242 = arith.constant 0 : i32
        %dma_start3A_243 = tpu.memref_slice %arg3[%add3A_204, %dma_start3A_242] : memref<5120x64xi32, #tpu.memory_space<hbm>> -> memref<40x64xi32, #tpu.memory_space<hbm>>
        %dma_start3A_244 = arith.constant 0 : i32
        %dma_start3A_245 = tpu.memref_slice %arg3[%add3A_204, %dma_start3A_244] : memref<5120x64xi32, #tpu.memory_space<hbm>> -> memref<40x64xi32, #tpu.memory_space<hbm>>
        tpu.enqueue_dma source(%dma_start3A_245 : memref<40x64xi32, #tpu.memory_space<hbm>>) target(%arg5 : memref<40x64xi32, #tpu.memory_space<vmem>>) target_semaphore(%run_scoped3A : memref<!tpu.dma_semaphore, #tpu.memory_space<semaphore_mem>>)
        %dma_wait3A_246 = arith.constant 0 : i32
        %dma_wait3A_247 = tpu.memref_slice %arg3[%add3A_204, %dma_wait3A_246] : memref<5120x64xi32, #tpu.memory_space<hbm>> -> memref<40x64xi32, #tpu.memory_space<hbm>>
        %dma_wait3A_248 = arith.constant 0 : i32
        %dma_wait3A_249 = tpu.memref_slice %arg3[%add3A_204, %dma_wait3A_248] : memref<5120x64xi32, #tpu.memory_space<hbm>> -> memref<40x64xi32, #tpu.memory_space<hbm>>
        tpu.wait_dma2 semaphore(%run_scoped3A : memref<!tpu.dma_semaphore, #tpu.memory_space<semaphore_mem>>) src(%dma_wait3A_249 : memref<40x64xi32, #tpu.memory_space<hbm>>) dst(%arg5 : memref<40x64xi32, #tpu.memory_space<vmem>>)
        tpu.yield
      }) : () -> ()
      %scan3A_205 = arith.constant 0 : i32
      %scan3A_206 = arith.constant 4 : i32
      %scan3A_207 = arith.addi %scan3A_205, %scan3A_206 : i32
      %scan3A_208 = arith.constant 1 : i32
      scf.for %scan3A_242 = %scan3A_205 to %scan3A_207 step %scan3A_208  : i32 {
        %mul3A_243 = arith.constant 16 : i32
        %mul3A_244 = arith.muli %scan3A_242, %mul3A_243 : i32
        %add3A_245 = arith.constant 0 : i32
        %add3A_246 = arith.addi %add3A_245, %mul3A_244 : i32
        %get3A = arith.constant 0 : i32
        %get3A_247 = arith.index_cast %get3A : i32 to index
        %get3A_248 = arith.index_cast %add3A_246 : i32 to index
        %get3A_249 = tpu.vector_load %arg5[%get3A_247, %get3A_248] {strides = array<i32>} : memref<40x64xi32, #tpu.memory_space<vmem>>, vector<16xi32>,
        %and3A = arith.andi %get3A_249, %broadcast_in_dim3A_37 : vector<16xi32>
        %swap3A = arith.index_cast %add3A_246 : i32 to index
        %swap3A_250 = tpu.vector_load %arg6[%swap3A] {strides = array<i32>} : memref<64xi32, #tpu.memory_space<vmem>>, vector<16xi32>,
        tpu.vector_store %arg6[%swap3A], %and3A {strides = array<i32>} : memref<64xi32, #tpu.memory_space<vmem>>, vector<16xi32>,
      }
      %scan3A_209 = arith.constant 4 : i32
      %dma_start3A_210 = arith.constant 0 : i32
      %dma_start3A_211 = arith.constant 0 : i32
      %dma_start3A_212 = tpu.memref_slice %arg2[%dma_start3A_210, %dma_start3A_211] : memref<10000x128xf32, #tpu.memory_space<hbm>> -> memref<10000x128xf32, #tpu.memory_space<hbm>>
      tpu.enqueue_indirect_dma source(%dma_start3A_212 : memref<10000x128xf32, #tpu.memory_space<hbm>>) target(%arg11 : memref<64x128xf32, #tpu.memory_space<vmem>>) offsets(%arg6 : memref<64xi32, #tpu.memory_space<vmem>>) semaphore(%arg16 : memref<!tpu.dma_semaphore, #tpu.memory_space<semaphore_mem>>)
      %scan3A_213 = arith.constant 0 : i32
      %scan3A_214 = arith.constant 4 : i32
      %scan3A_215 = arith.addi %scan3A_213, %scan3A_214 : i32
      %scan3A_216 = arith.constant 1 : i32
      scf.for %scan3A_242 = %scan3A_213 to %scan3A_215 step %scan3A_216  : i32 {
        %mul3A_243 = arith.constant 16 : i32
        %mul3A_244 = arith.muli %scan3A_242, %mul3A_243 : i32
        %add3A_245 = arith.constant 0 : i32
        %add3A_246 = arith.addi %add3A_245, %mul3A_244 : i32
        %get3A = arith.constant 1 : i32
        %get3A_247 = arith.index_cast %get3A : i32 to index
        %get3A_248 = arith.index_cast %add3A_246 : i32 to index
        %get3A_249 = tpu.vector_load %arg5[%get3A_247, %get3A_248] {strides = array<i32>} : memref<40x64xi32, #tpu.memory_space<vmem>>, vector<16xi32>,
        %and3A = arith.andi %get3A_249, %broadcast_in_dim3A_37 : vector<16xi32>
        %swap3A = arith.index_cast %add3A_246 : i32 to index
        %swap3A_250 = tpu.vector_load %arg7[%swap3A] {strides = array<i32>} : memref<64xi32, #tpu.memory_space<vmem>>, vector<16xi32>,
        tpu.vector_store %arg7[%swap3A], %and3A {strides = array<i32>} : memref<64xi32, #tpu.memory_space<vmem>>, vector<16xi32>,
      }
      %scan3A_217 = arith.constant 4 : i32
      %dma_start3A_218 = arith.constant 0 : i32
      %dma_start3A_219 = arith.constant 0 : i32
      %dma_start3A_220 = tpu.memref_slice %arg2[%dma_start3A_218, %dma_start3A_219] : memref<10000x128xf32, #tpu.memory_space<hbm>> -> memref<10000x128xf32, #tpu.memory_space<hbm>>
      tpu.enqueue_indirect_dma source(%dma_start3A_220 : memref<10000x128xf32, #tpu.memory_space<hbm>>) target(%arg12 : memref<64x128xf32, #tpu.memory_space<vmem>>) offsets(%arg7 : memref<64xi32, #tpu.memory_space<vmem>>) semaphore(%arg17 : memref<!tpu.dma_semaphore, #tpu.memory_space<semaphore_mem>>)
      %scan3A_221 = arith.constant 0 : i32
      %scan3A_222 = arith.constant 4 : i32
      %scan3A_223 = arith.addi %scan3A_221, %scan3A_222 : i32
      %scan3A_224 = arith.constant 1 : i32
      scf.for %scan3A_242 = %scan3A_221 to %scan3A_223 step %scan3A_224  : i32 {
        %mul3A_243 = arith.constant 16 : i32
        %mul3A_244 = arith.muli %scan3A_242, %mul3A_243 : i32
        %add3A_245 = arith.constant 0 : i32
        %add3A_246 = arith.addi %add3A_245, %mul3A_244 : i32
        %get3A = arith.constant 2 : i32
        %get3A_247 = arith.index_cast %get3A : i32 to index
        %get3A_248 = arith.index_cast %add3A_246 : i32 to index
        %get3A_249 = tpu.vector_load %arg5[%get3A_247, %get3A_248] {strides = array<i32>} : memref<40x64xi32, #tpu.memory_space<vmem>>, vector<16xi32>,
        %and3A = arith.andi %get3A_249, %broadcast_in_dim3A_37 : vector<16xi32>
        %swap3A = arith.index_cast %add3A_246 : i32 to index
        %swap3A_250 = tpu.vector_load %arg8[%swap3A] {strides = array<i32>} : memref<64xi32, #tpu.memory_space<vmem>>, vector<16xi32>,
        tpu.vector_store %arg8[%swap3A], %and3A {strides = array<i32>} : memref<64xi32, #tpu.memory_space<vmem>>, vector<16xi32>,
      }
      %scan3A_225 = arith.constant 4 : i32
      %dma_start3A_226 = arith.constant 0 : i32
      %dma_start3A_227 = arith.constant 0 : i32
      %dma_start3A_228 = tpu.memref_slice %arg2[%dma_start3A_226, %dma_start3A_227] : memref<10000x128xf32, #tpu.memory_space<hbm>> -> memref<10000x128xf32, #tpu.memory_space<hbm>>
      tpu.enqueue_indirect_dma source(%dma_start3A_228 : memref<10000x128xf32, #tpu.memory_space<hbm>>) target(%arg13 : memref<64x128xf32, #tpu.memory_space<vmem>>) offsets(%arg8 : memref<64xi32, #tpu.memory_space<vmem>>) semaphore(%arg18 : memref<!tpu.dma_semaphore, #tpu.memory_space<semaphore_mem>>)
      %scan3A_229 = arith.constant 0 : i32
      %scan3A_230 = arith.constant 4 : i32
      %scan3A_231 = arith.addi %scan3A_229, %scan3A_230 : i32
      %scan3A_232 = arith.constant 1 : i32
      scf.for %scan3A_242 = %scan3A_229 to %scan3A_231 step %scan3A_232  : i32 {
        %mul3A_243 = arith.constant 16 : i32
        %mul3A_244 = arith.muli %scan3A_242, %mul3A_243 : i32
        %add3A_245 = arith.constant 0 : i32
        %add3A_246 = arith.addi %add3A_245, %mul3A_244 : i32
        %get3A = arith.constant 3 : i32
        %get3A_247 = arith.index_cast %get3A : i32 to index
        %get3A_248 = arith.index_cast %add3A_246 : i32 to index
        %get3A_249 = tpu.vector_load %arg5[%get3A_247, %get3A_248] {strides = array<i32>} : memref<40x64xi32, #tpu.memory_space<vmem>>, vector<16xi32>,
        %and3A = arith.andi %get3A_249, %broadcast_in_dim3A_37 : vector<16xi32>
        %swap3A = arith.index_cast %add3A_246 : i32 to index
        %swap3A_250 = tpu.vector_load %arg9[%swap3A] {strides = array<i32>} : memref<64xi32, #tpu.memory_space<vmem>>, vector<16xi32>,
        tpu.vector_store %arg9[%swap3A], %and3A {strides = array<i32>} : memref<64xi32, #tpu.memory_space<vmem>>, vector<16xi32>,
      }
      %scan3A_233 = arith.constant 4 : i32
      %dma_start3A_234 = arith.constant 0 : i32
      %dma_start3A_235 = arith.constant 0 : i32
      %dma_start3A_236 = tpu.memref_slice %arg2[%dma_start3A_234, %dma_start3A_235] : memref<10000x128xf32, #tpu.memory_space<hbm>> -> memref<10000x128xf32, #tpu.memory_space<hbm>>
      tpu.enqueue_indirect_dma source(%dma_start3A_236 : memref<10000x128xf32, #tpu.memory_space<hbm>>) target(%arg14 : memref<64x128xf32, #tpu.memory_space<vmem>>) offsets(%arg9 : memref<64xi32, #tpu.memory_space<vmem>>) semaphore(%arg19 : memref<!tpu.dma_semaphore, #tpu.memory_space<semaphore_mem>>)
      %scan3A_237 = arith.constant 0 : i32
      %scan3A_238 = arith.constant 10 : i32
      %scan3A_239 = arith.addi %scan3A_237, %scan3A_238 : i32
      %scan3A_240 = arith.constant 1 : i32
      scf.for %scan3A_242 = %scan3A_237 to %scan3A_239 step %scan3A_240  : i32 {
        %mul3A_243 = arith.constant 4 : i32
        %mul3A_244 = arith.muli %scan3A_242, %mul3A_243 : i32
        %add3A_245 = arith.constant 0 : i32
        %add3A_246 = arith.addi %add3A_245, %mul3A_244 : i32
        %dma_wait3A_247 = arith.constant 0 : i32
        %dma_wait3A_248 = arith.constant 0 : i32
        %dma_wait3A_249 = tpu.memref_slice %arg2[%dma_wait3A_247, %dma_wait3A_248] : memref<10000x128xf32, #tpu.memory_space<hbm>> -> memref<10000x128xf32, #tpu.memory_space<hbm>>
        tpu.wait_indirect_dma semaphore(%arg16 : memref<!tpu.dma_semaphore, #tpu.memory_space<semaphore_mem>>) src(%dma_wait3A_249 : memref<10000x128xf32, #tpu.memory_space<hbm>>) dst(%arg11 : memref<64x128xf32, #tpu.memory_space<vmem>>)
        %add3A_250 = arith.constant 0 : i32
        %add3A_251 = arith.addi %add3A_246, %add3A_250 : i32
        %scan3A_252 = arith.constant 0 : i32
        %scan3A_253 = arith.constant 4 : i32
        %scan3A_254 = arith.addi %scan3A_252, %scan3A_253 : i32
        %scan3A_255 = arith.constant 1 : i32
        scf.for %scan3A_320 = %scan3A_252 to %scan3A_254 step %scan3A_255  : i32 {
          %mul3A_321 = arith.constant 16 : i32
          %mul3A_322 = arith.muli %scan3A_320, %mul3A_321 : i32
          %add3A_323 = arith.constant 0 : i32
          %add3A_324 = arith.addi %add3A_323, %mul3A_322 : i32
          %get3A = arith.index_cast %add3A_251 : i32 to index
          %get3A_325 = arith.index_cast %add3A_324 : i32 to index
          %get3A_326 = tpu.vector_load %arg5[%get3A, %get3A_325] {strides = array<i32>} : memref<40x64xi32, #tpu.memory_space<vmem>>, vector<16xi32>,
          %shift_right_logical3A = arith.shrui %get3A_326, %broadcast_in_dim3A_39 : vector<16xi32>
          %swap3A = arith.index_cast %add3A_324 : i32 to index
          %swap3A_327 = tpu.vector_load %arg10[%swap3A] {strides = array<i32>} : memref<64xi32, #tpu.memory_space<vmem>>, vector<16xi32>,
          tpu.vector_store %arg10[%swap3A], %shift_right_logical3A {strides = array<i32>} : memref<64xi32, #tpu.memory_space<vmem>>, vector<16xi32>,
        }
        %scan3A_256 = arith.constant 4 : i32
        "tpu.region"() ({
          %run_scoped3A = tpu.sem_alloc : memref<!tpu.dma_semaphore, #tpu.memory_space<semaphore_mem>>
          %dma_start3A_320 = arith.constant 0 : i32
          %dma_start3A_321 = arith.constant 0 : i32
          %dma_start3A_322 = tpu.memref_slice %arg15[%dma_start3A_320, %dma_start3A_321] : memref<10112x128xf32, #tpu.memory_space<vmem_shared>> -> memref<10112x128xf32, #tpu.memory_space<vmem_shared>>
          tpu.enqueue_indirect_dma source(%arg11 : memref<64x128xf32, #tpu.memory_space<vmem>>) target(%dma_start3A_322 : memref<10112x128xf32, #tpu.memory_space<vmem_shared>>) offsets(%arg10 : memref<64xi32, #tpu.memory_space<vmem>>) semaphore(%run_scoped3A : memref<!tpu.dma_semaphore, #tpu.memory_space<semaphore_mem>>) {add = true}
          %dma_wait3A_323 = arith.constant 0 : i32
          %dma_wait3A_324 = arith.constant 0 : i32
          %dma_wait3A_325 = tpu.memref_slice %arg15[%dma_wait3A_323, %dma_wait3A_324] : memref<10112x128xf32, #tpu.memory_space<vmem_shared>> -> memref<10112x128xf32, #tpu.memory_space<vmem_shared>>
          tpu.wait_indirect_dma semaphore(%run_scoped3A : memref<!tpu.dma_semaphore, #tpu.memory_space<semaphore_mem>>) src(%arg11 : memref<64x128xf32, #tpu.memory_space<vmem>>) dst(%dma_wait3A_325 : memref<10112x128xf32, #tpu.memory_space<vmem_shared>>)
          tpu.yield
        }) : () -> ()
        %add3A_257 = arith.constant 0 : i32
        %add3A_258 = arith.addi %add3A_246, %add3A_257 : i32
        %add3A_259 = arith.constant 4 : i32
        %add3A_260 = arith.addi %add3A_258, %add3A_259 : i32
        %lt3A = arith.constant 40 : i32
        %lt3A_261 = arith.cmpi slt, %add3A_260, %lt3A : i32
        %convert_element_type3A = arith.extui %lt3A_261 : i1 to i32
        %cond3A = arith.constant 0 : i32
        %cond3A_262 = arith.cmpi ne, %convert_element_type3A, %cond3A : i32
        scf.if %cond3A_262 {
          %add3A_320 = arith.constant 0 : i32
          %add3A_321 = arith.addi %add3A_246, %add3A_320 : i32
          %add3A_322 = arith.constant 4 : i32
          %add3A_323 = arith.addi %add3A_321, %add3A_322 : i32
          %scan3A_324 = arith.constant 0 : i32
          %scan3A_325 = arith.constant 4 : i32
          %scan3A_326 = arith.addi %scan3A_324, %scan3A_325 : i32
          %scan3A_327 = arith.constant 1 : i32
          scf.for %scan3A_332 = %scan3A_324 to %scan3A_326 step %scan3A_327  : i32 {
            %mul3A_333 = arith.constant 16 : i32
            %mul3A_334 = arith.muli %scan3A_332, %mul3A_333 : i32
            %add3A_335 = arith.constant 0 : i32
            %add3A_336 = arith.addi %add3A_335, %mul3A_334 : i32
            %get3A = arith.index_cast %add3A_323 : i32 to index
            %get3A_337 = arith.index_cast %add3A_336 : i32 to index
            %get3A_338 = tpu.vector_load %arg5[%get3A, %get3A_337] {strides = array<i32>} : memref<40x64xi32, #tpu.memory_space<vmem>>, vector<16xi32>,
            %and3A = arith.andi %get3A_338, %broadcast_in_dim3A_37 : vector<16xi32>
            %swap3A = arith.index_cast %add3A_336 : i32 to index
            %swap3A_339 = tpu.vector_load %arg6[%swap3A] {strides = array<i32>} : memref<64xi32, #tpu.memory_space<vmem>>, vector<16xi32>,
            tpu.vector_store %arg6[%swap3A], %and3A {strides = array<i32>} : memref<64xi32, #tpu.memory_space<vmem>>, vector<16xi32>,
          }
          %scan3A_328 = arith.constant 4 : i32
          %dma_start3A_329 = arith.constant 0 : i32
          %dma_start3A_330 = arith.constant 0 : i32
          %dma_start3A_331 = tpu.memref_slice %arg2[%dma_start3A_329, %dma_start3A_330] : memref<10000x128xf32, #tpu.memory_space<hbm>> -> memref<10000x128xf32, #tpu.memory_space<hbm>>
          tpu.enqueue_indirect_dma source(%dma_start3A_331 : memref<10000x128xf32, #tpu.memory_space<hbm>>) target(%arg11 : memref<64x128xf32, #tpu.memory_space<vmem>>) offsets(%arg6 : memref<64xi32, #tpu.memory_space<vmem>>) semaphore(%arg16 : memref<!tpu.dma_semaphore, #tpu.memory_space<semaphore_mem>>)
        } else {
        }
        %dma_wait3A_263 = arith.constant 0 : i32
        %dma_wait3A_264 = arith.constant 0 : i32
        %dma_wait3A_265 = tpu.memref_slice %arg2[%dma_wait3A_263, %dma_wait3A_264] : memref<10000x128xf32, #tpu.memory_space<hbm>> -> memref<10000x128xf32, #tpu.memory_space<hbm>>
        tpu.wait_indirect_dma semaphore(%arg17 : memref<!tpu.dma_semaphore, #tpu.memory_space<semaphore_mem>>) src(%dma_wait3A_265 : memref<10000x128xf32, #tpu.memory_space<hbm>>) dst(%arg12 : memref<64x128xf32, #tpu.memory_space<vmem>>)
        %add3A_266 = arith.constant 1 : i32
        %add3A_267 = arith.addi %add3A_246, %add3A_266 : i32
        %scan3A_268 = arith.constant 0 : i32
        %scan3A_269 = arith.constant 4 : i32
        %scan3A_270 = arith.addi %scan3A_268, %scan3A_269 : i32
        %scan3A_271 = arith.constant 1 : i32
        scf.for %scan3A_320 = %scan3A_268 to %scan3A_270 step %scan3A_271  : i32 {
          %mul3A_321 = arith.constant 16 : i32
          %mul3A_322 = arith.muli %scan3A_320, %mul3A_321 : i32
          %add3A_323 = arith.constant 0 : i32
          %add3A_324 = arith.addi %add3A_323, %mul3A_322 : i32
          %get3A = arith.index_cast %add3A_267 : i32 to index
          %get3A_325 = arith.index_cast %add3A_324 : i32 to index
          %get3A_326 = tpu.vector_load %arg5[%get3A, %get3A_325] {strides = array<i32>} : memref<40x64xi32, #tpu.memory_space<vmem>>, vector<16xi32>,
          %shift_right_logical3A = arith.shrui %get3A_326, %broadcast_in_dim3A_39 : vector<16xi32>
          %swap3A = arith.index_cast %add3A_324 : i32 to index
          %swap3A_327 = tpu.vector_load %arg10[%swap3A] {strides = array<i32>} : memref<64xi32, #tpu.memory_space<vmem>>, vector<16xi32>,
          tpu.vector_store %arg10[%swap3A], %shift_right_logical3A {strides = array<i32>} : memref<64xi32, #tpu.memory_space<vmem>>, vector<16xi32>,
        }
        %scan3A_272 = arith.constant 4 : i32
        "tpu.region"() ({
          %run_scoped3A = tpu.sem_alloc : memref<!tpu.dma_semaphore, #tpu.memory_space<semaphore_mem>>
          %dma_start3A_320 = arith.constant 0 : i32
          %dma_start3A_321 = arith.constant 0 : i32
          %dma_start3A_322 = tpu.memref_slice %arg15[%dma_start3A_320, %dma_start3A_321] : memref<10112x128xf32, #tpu.memory_space<vmem_shared>> -> memref<10112x128xf32, #tpu.memory_space<vmem_shared>>
          tpu.enqueue_indirect_dma source(%arg12 : memref<64x128xf32, #tpu.memory_space<vmem>>) target(%dma_start3A_322 : memref<10112x128xf32, #tpu.memory_space<vmem_shared>>) offsets(%arg10 : memref<64xi32, #tpu.memory_space<vmem>>) semaphore(%run_scoped3A : memref<!tpu.dma_semaphore, #tpu.memory_space<semaphore_mem>>) {add = true}
          %dma_wait3A_323 = arith.constant 0 : i32
          %dma_wait3A_324 = arith.constant 0 : i32
          %dma_wait3A_325 = tpu.memref_slice %arg15[%dma_wait3A_323, %dma_wait3A_324] : memref<10112x128xf32, #tpu.memory_space<vmem_shared>> -> memref<10112x128xf32, #tpu.memory_space<vmem_shared>>
          tpu.wait_indirect_dma semaphore(%run_scoped3A : memref<!tpu.dma_semaphore, #tpu.memory_space<semaphore_mem>>) src(%arg12 : memref<64x128xf32, #tpu.memory_space<vmem>>) dst(%dma_wait3A_325 : memref<10112x128xf32, #tpu.memory_space<vmem_shared>>)
          tpu.yield
        }) : () -> ()
        %add3A_273 = arith.constant 1 : i32
        %add3A_274 = arith.addi %add3A_246, %add3A_273 : i32
        %add3A_275 = arith.constant 4 : i32
        %add3A_276 = arith.addi %add3A_274, %add3A_275 : i32
        %lt3A_277 = arith.constant 40 : i32
        %lt3A_278 = arith.cmpi slt, %add3A_276, %lt3A_277 : i32
        %convert_element_type3A_279 = arith.extui %lt3A_278 : i1 to i32
        %cond3A_280 = arith.constant 0 : i32
        %cond3A_281 = arith.cmpi ne, %convert_element_type3A_279, %cond3A_280 : i32
        scf.if %cond3A_281 {
          %add3A_320 = arith.constant 1 : i32
          %add3A_321 = arith.addi %add3A_246, %add3A_320 : i32
          %add3A_322 = arith.constant 4 : i32
          %add3A_323 = arith.addi %add3A_321, %add3A_322 : i32
          %scan3A_324 = arith.constant 0 : i32
          %scan3A_325 = arith.constant 4 : i32
          %scan3A_326 = arith.addi %scan3A_324, %scan3A_325 : i32
          %scan3A_327 = arith.constant 1 : i32
          scf.for %scan3A_332 = %scan3A_324 to %scan3A_326 step %scan3A_327  : i32 {
            %mul3A_333 = arith.constant 16 : i32
            %mul3A_334 = arith.muli %scan3A_332, %mul3A_333 : i32
            %add3A_335 = arith.constant 0 : i32
            %add3A_336 = arith.addi %add3A_335, %mul3A_334 : i32
            %get3A = arith.index_cast %add3A_323 : i32 to index
            %get3A_337 = arith.index_cast %add3A_336 : i32 to index
            %get3A_338 = tpu.vector_load %arg5[%get3A, %get3A_337] {strides = array<i32>} : memref<40x64xi32, #tpu.memory_space<vmem>>, vector<16xi32>,
            %and3A = arith.andi %get3A_338, %broadcast_in_dim3A_37 : vector<16xi32>
            %swap3A = arith.index_cast %add3A_336 : i32 to index
            %swap3A_339 = tpu.vector_load %arg7[%swap3A] {strides = array<i32>} : memref<64xi32, #tpu.memory_space<vmem>>, vector<16xi32>,
            tpu.vector_store %arg7[%swap3A], %and3A {strides = array<i32>} : memref<64xi32, #tpu.memory_space<vmem>>, vector<16xi32>,
          }
          %scan3A_328 = arith.constant 4 : i32
          %dma_start3A_329 = arith.constant 0 : i32
          %dma_start3A_330 = arith.constant 0 : i32
          %dma_start3A_331 = tpu.memref_slice %arg2[%dma_start3A_329, %dma_start3A_330] : memref<10000x128xf32, #tpu.memory_space<hbm>> -> memref<10000x128xf32, #tpu.memory_space<hbm>>
          tpu.enqueue_indirect_dma source(%dma_start3A_331 : memref<10000x128xf32, #tpu.memory_space<hbm>>) target(%arg12 : memref<64x128xf32, #tpu.memory_space<vmem>>) offsets(%arg7 : memref<64xi32, #tpu.memory_space<vmem>>) semaphore(%arg17 : memref<!tpu.dma_semaphore, #tpu.memory_space<semaphore_mem>>)
        } else {
        }
        %dma_wait3A_282 = arith.constant 0 : i32
        %dma_wait3A_283 = arith.constant 0 : i32
        %dma_wait3A_284 = tpu.memref_slice %arg2[%dma_wait3A_282, %dma_wait3A_283] : memref<10000x128xf32, #tpu.memory_space<hbm>> -> memref<10000x128xf32, #tpu.memory_space<hbm>>
        tpu.wait_indirect_dma semaphore(%arg18 : memref<!tpu.dma_semaphore, #tpu.memory_space<semaphore_mem>>) src(%dma_wait3A_284 : memref<10000x128xf32, #tpu.memory_space<hbm>>) dst(%arg13 : memref<64x128xf32, #tpu.memory_space<vmem>>)
        %add3A_285 = arith.constant 2 : i32
        %add3A_286 = arith.addi %add3A_246, %add3A_285 : i32
        %scan3A_287 = arith.constant 0 : i32
        %scan3A_288 = arith.constant 4 : i32
        %scan3A_289 = arith.addi %scan3A_287, %scan3A_288 : i32
        %scan3A_290 = arith.constant 1 : i32
        scf.for %scan3A_320 = %scan3A_287 to %scan3A_289 step %scan3A_290  : i32 {
          %mul3A_321 = arith.constant 16 : i32
          %mul3A_322 = arith.muli %scan3A_320, %mul3A_321 : i32
          %add3A_323 = arith.constant 0 : i32
          %add3A_324 = arith.addi %add3A_323, %mul3A_322 : i32
          %get3A = arith.index_cast %add3A_286 : i32 to index
          %get3A_325 = arith.index_cast %add3A_324 : i32 to index
          %get3A_326 = tpu.vector_load %arg5[%get3A, %get3A_325] {strides = array<i32>} : memref<40x64xi32, #tpu.memory_space<vmem>>, vector<16xi32>,
          %shift_right_logical3A = arith.shrui %get3A_326, %broadcast_in_dim3A_39 : vector<16xi32>
          %swap3A = arith.index_cast %add3A_324 : i32 to index
          %swap3A_327 = tpu.vector_load %arg10[%swap3A] {strides = array<i32>} : memref<64xi32, #tpu.memory_space<vmem>>, vector<16xi32>,
          tpu.vector_store %arg10[%swap3A], %shift_right_logical3A {strides = array<i32>} : memref<64xi32, #tpu.memory_space<vmem>>, vector<16xi32>,
        }
        %scan3A_291 = arith.constant 4 : i32
        "tpu.region"() ({
          %run_scoped3A = tpu.sem_alloc : memref<!tpu.dma_semaphore, #tpu.memory_space<semaphore_mem>>
          %dma_start3A_320 = arith.constant 0 : i32
          %dma_start3A_321 = arith.constant 0 : i32
          %dma_start3A_322 = tpu.memref_slice %arg15[%dma_start3A_320, %dma_start3A_321] : memref<10112x128xf32, #tpu.memory_space<vmem_shared>> -> memref<10112x128xf32, #tpu.memory_space<vmem_shared>>
          tpu.enqueue_indirect_dma source(%arg13 : memref<64x128xf32, #tpu.memory_space<vmem>>) target(%dma_start3A_322 : memref<10112x128xf32, #tpu.memory_space<vmem_shared>>) offsets(%arg10 : memref<64xi32, #tpu.memory_space<vmem>>) semaphore(%run_scoped3A : memref<!tpu.dma_semaphore, #tpu.memory_space<semaphore_mem>>) {add = true}
          %dma_wait3A_323 = arith.constant 0 : i32
          %dma_wait3A_324 = arith.constant 0 : i32
          %dma_wait3A_325 = tpu.memref_slice %arg15[%dma_wait3A_323, %dma_wait3A_324] : memref<10112x128xf32, #tpu.memory_space<vmem_shared>> -> memref<10112x128xf32, #tpu.memory_space<vmem_shared>>
          tpu.wait_indirect_dma semaphore(%run_scoped3A : memref<!tpu.dma_semaphore, #tpu.memory_space<semaphore_mem>>) src(%arg13 : memref<64x128xf32, #tpu.memory_space<vmem>>) dst(%dma_wait3A_325 : memref<10112x128xf32, #tpu.memory_space<vmem_shared>>)
          tpu.yield
        }) : () -> ()
        %add3A_292 = arith.constant 2 : i32
        %add3A_293 = arith.addi %add3A_246, %add3A_292 : i32
        %add3A_294 = arith.constant 4 : i32
        %add3A_295 = arith.addi %add3A_293, %add3A_294 : i32
        %lt3A_296 = arith.constant 40 : i32
        %lt3A_297 = arith.cmpi slt, %add3A_295, %lt3A_296 : i32
        %convert_element_type3A_298 = arith.extui %lt3A_297 : i1 to i32
        %cond3A_299 = arith.constant 0 : i32
        %cond3A_300 = arith.cmpi ne, %convert_element_type3A_298, %cond3A_299 : i32
        scf.if %cond3A_300 {
          %add3A_320 = arith.constant 2 : i32
          %add3A_321 = arith.addi %add3A_246, %add3A_320 : i32
          %add3A_322 = arith.constant 4 : i32
          %add3A_323 = arith.addi %add3A_321, %add3A_322 : i32
          %scan3A_324 = arith.constant 0 : i32
          %scan3A_325 = arith.constant 4 : i32
          %scan3A_326 = arith.addi %scan3A_324, %scan3A_325 : i32
          %scan3A_327 = arith.constant 1 : i32
          scf.for %scan3A_332 = %scan3A_324 to %scan3A_326 step %scan3A_327  : i32 {
            %mul3A_333 = arith.constant 16 : i32
            %mul3A_334 = arith.muli %scan3A_332, %mul3A_333 : i32
            %add3A_335 = arith.constant 0 : i32
            %add3A_336 = arith.addi %add3A_335, %mul3A_334 : i32
            %get3A = arith.index_cast %add3A_323 : i32 to index
            %get3A_337 = arith.index_cast %add3A_336 : i32 to index
            %get3A_338 = tpu.vector_load %arg5[%get3A, %get3A_337] {strides = array<i32>} : memref<40x64xi32, #tpu.memory_space<vmem>>, vector<16xi32>,
            %and3A = arith.andi %get3A_338, %broadcast_in_dim3A_37 : vector<16xi32>
            %swap3A = arith.index_cast %add3A_336 : i32 to index
            %swap3A_339 = tpu.vector_load %arg8[%swap3A] {strides = array<i32>} : memref<64xi32, #tpu.memory_space<vmem>>, vector<16xi32>,
            tpu.vector_store %arg8[%swap3A], %and3A {strides = array<i32>} : memref<64xi32, #tpu.memory_space<vmem>>, vector<16xi32>,
          }
          %scan3A_328 = arith.constant 4 : i32
          %dma_start3A_329 = arith.constant 0 : i32
          %dma_start3A_330 = arith.constant 0 : i32
          %dma_start3A_331 = tpu.memref_slice %arg2[%dma_start3A_329, %dma_start3A_330] : memref<10000x128xf32, #tpu.memory_space<hbm>> -> memref<10000x128xf32, #tpu.memory_space<hbm>>
          tpu.enqueue_indirect_dma source(%dma_start3A_331 : memref<10000x128xf32, #tpu.memory_space<hbm>>) target(%arg13 : memref<64x128xf32, #tpu.memory_space<vmem>>) offsets(%arg8 : memref<64xi32, #tpu.memory_space<vmem>>) semaphore(%arg18 : memref<!tpu.dma_semaphore, #tpu.memory_space<semaphore_mem>>)
        } else {
        }
        %dma_wait3A_301 = arith.constant 0 : i32
        %dma_wait3A_302 = arith.constant 0 : i32
        %dma_wait3A_303 = tpu.memref_slice %arg2[%dma_wait3A_301, %dma_wait3A_302] : memref<10000x128xf32, #tpu.memory_space<hbm>> -> memref<10000x128xf32, #tpu.memory_space<hbm>>
        tpu.wait_indirect_dma semaphore(%arg19 : memref<!tpu.dma_semaphore, #tpu.memory_space<semaphore_mem>>) src(%dma_wait3A_303 : memref<10000x128xf32, #tpu.memory_space<hbm>>) dst(%arg14 : memref<64x128xf32, #tpu.memory_space<vmem>>)
        %add3A_304 = arith.constant 3 : i32
        %add3A_305 = arith.addi %add3A_246, %add3A_304 : i32
        %scan3A_306 = arith.constant 0 : i32
        %scan3A_307 = arith.constant 4 : i32
        %scan3A_308 = arith.addi %scan3A_306, %scan3A_307 : i32
        %scan3A_309 = arith.constant 1 : i32
        scf.for %scan3A_320 = %scan3A_306 to %scan3A_308 step %scan3A_309  : i32 {
          %mul3A_321 = arith.constant 16 : i32
          %mul3A_322 = arith.muli %scan3A_320, %mul3A_321 : i32
          %add3A_323 = arith.constant 0 : i32
          %add3A_324 = arith.addi %add3A_323, %mul3A_322 : i32
          %get3A = arith.index_cast %add3A_305 : i32 to index
          %get3A_325 = arith.index_cast %add3A_324 : i32 to index
          %get3A_326 = tpu.vector_load %arg5[%get3A, %get3A_325] {strides = array<i32>} : memref<40x64xi32, #tpu.memory_space<vmem>>, vector<16xi32>,
          %shift_right_logical3A = arith.shrui %get3A_326, %broadcast_in_dim3A_39 : vector<16xi32>
          %swap3A = arith.index_cast %add3A_324 : i32 to index
          %swap3A_327 = tpu.vector_load %arg10[%swap3A] {strides = array<i32>} : memref<64xi32, #tpu.memory_space<vmem>>, vector<16xi32>,
          tpu.vector_store %arg10[%swap3A], %shift_right_logical3A {strides = array<i32>} : memref<64xi32, #tpu.memory_space<vmem>>, vector<16xi32>,
        }
        %scan3A_310 = arith.constant 4 : i32
        "tpu.region"() ({
          %run_scoped3A = tpu.sem_alloc : memref<!tpu.dma_semaphore, #tpu.memory_space<semaphore_mem>>
          %dma_start3A_320 = arith.constant 0 : i32
          %dma_start3A_321 = arith.constant 0 : i32
          %dma_start3A_322 = tpu.memref_slice %arg15[%dma_start3A_320, %dma_start3A_321] : memref<10112x128xf32, #tpu.memory_space<vmem_shared>> -> memref<10112x128xf32, #tpu.memory_space<vmem_shared>>
          tpu.enqueue_indirect_dma source(%arg14 : memref<64x128xf32, #tpu.memory_space<vmem>>) target(%dma_start3A_322 : memref<10112x128xf32, #tpu.memory_space<vmem_shared>>) offsets(%arg10 : memref<64xi32, #tpu.memory_space<vmem>>) semaphore(%run_scoped3A : memref<!tpu.dma_semaphore, #tpu.memory_space<semaphore_mem>>) {add = true}
          %dma_wait3A_323 = arith.constant 0 : i32
          %dma_wait3A_324 = arith.constant 0 : i32
          %dma_wait3A_325 = tpu.memref_slice %arg15[%dma_wait3A_323, %dma_wait3A_324] : memref<10112x128xf32, #tpu.memory_space<vmem_shared>> -> memref<10112x128xf32, #tpu.memory_space<vmem_shared>>
          tpu.wait_indirect_dma semaphore(%run_scoped3A : memref<!tpu.dma_semaphore, #tpu.memory_space<semaphore_mem>>) src(%arg14 : memref<64x128xf32, #tpu.memory_space<vmem>>) dst(%dma_wait3A_325 : memref<10112x128xf32, #tpu.memory_space<vmem_shared>>)
          tpu.yield
        }) : () -> ()
        %add3A_311 = arith.constant 3 : i32
        %add3A_312 = arith.addi %add3A_246, %add3A_311 : i32
        %add3A_313 = arith.constant 4 : i32
        %add3A_314 = arith.addi %add3A_312, %add3A_313 : i32
        %lt3A_315 = arith.constant 40 : i32
        %lt3A_316 = arith.cmpi slt, %add3A_314, %lt3A_315 : i32
        %convert_element_type3A_317 = arith.extui %lt3A_316 : i1 to i32
        %cond3A_318 = arith.constant 0 : i32
        %cond3A_319 = arith.cmpi ne, %convert_element_type3A_317, %cond3A_318 : i32
        scf.if %cond3A_319 {
          %add3A_320 = arith.constant 3 : i32
          %add3A_321 = arith.addi %add3A_246, %add3A_320 : i32
          %add3A_322 = arith.constant 4 : i32
          %add3A_323 = arith.addi %add3A_321, %add3A_322 : i32
          %scan3A_324 = arith.constant 0 : i32
          %scan3A_325 = arith.constant 4 : i32
          %scan3A_326 = arith.addi %scan3A_324, %scan3A_325 : i32
          %scan3A_327 = arith.constant 1 : i32
          scf.for %scan3A_332 = %scan3A_324 to %scan3A_326 step %scan3A_327  : i32 {
            %mul3A_333 = arith.constant 16 : i32
            %mul3A_334 = arith.muli %scan3A_332, %mul3A_333 : i32
            %add3A_335 = arith.constant 0 : i32
            %add3A_336 = arith.addi %add3A_335, %mul3A_334 : i32
            %get3A = arith.index_cast %add3A_323 : i32 to index
            %get3A_337 = arith.index_cast %add3A_336 : i32 to index
            %get3A_338 = tpu.vector_load %arg5[%get3A, %get3A_337] {strides = array<i32>} : memref<40x64xi32, #tpu.memory_space<vmem>>, vector<16xi32>,
            %and3A = arith.andi %get3A_338, %broadcast_in_dim3A_37 : vector<16xi32>
            %swap3A = arith.index_cast %add3A_336 : i32 to index
            %swap3A_339 = tpu.vector_load %arg9[%swap3A] {strides = array<i32>} : memref<64xi32, #tpu.memory_space<vmem>>, vector<16xi32>,
            tpu.vector_store %arg9[%swap3A], %and3A {strides = array<i32>} : memref<64xi32, #tpu.memory_space<vmem>>, vector<16xi32>,
          }
          %scan3A_328 = arith.constant 4 : i32
          %dma_start3A_329 = arith.constant 0 : i32
          %dma_start3A_330 = arith.constant 0 : i32
          %dma_start3A_331 = tpu.memref_slice %arg2[%dma_start3A_329, %dma_start3A_330] : memref<10000x128xf32, #tpu.memory_space<hbm>> -> memref<10000x128xf32, #tpu.memory_space<hbm>>
          tpu.enqueue_indirect_dma source(%dma_start3A_331 : memref<10000x128xf32, #tpu.memory_space<hbm>>) target(%arg14 : memref<64x128xf32, #tpu.memory_space<vmem>>) offsets(%arg9 : memref<64xi32, #tpu.memory_space<vmem>>) semaphore(%arg19 : memref<!tpu.dma_semaphore, #tpu.memory_space<semaphore_mem>>)
        } else {
        }
      }
      %scan3A_241 = arith.constant 10 : i32
    }
    %while3A_55 = arith.constant 1 : i32
    scf.for %while3A_199 = %while3A_53 to %while3A_49 step %while3A_55  : i32 {
      %mul3A_200 = arith.muli %while3A_199, %while3A : i32
      %add3A_201 = arith.addi %while3A_46, %mul3A_200 : i32
      %mul3A_202 = arith.constant 40 : i32
      %mul3A_203 = arith.muli %add3A_201, %mul3A_202 : i32
      %add3A_204 = arith.addi %select_n3A, %mul3A_203 : i32
      "tpu.region"() ({
        %run_scoped3A = tpu.sem_alloc : memref<!tpu.dma_semaphore, #tpu.memory_space<semaphore_mem>>
        %dma_start3A_242 = arith.constant 0 : i32
        %dma_start3A_243 = tpu.memref_slice %arg3[%add3A_204, %dma_start3A_242] : memref<5120x64xi32, #tpu.memory_space<hbm>> -> memref<40x64xi32, #tpu.memory_space<hbm>>
        %dma_start3A_244 = arith.constant 0 : i32
        %dma_start3A_245 = tpu.memref_slice %arg3[%add3A_204, %dma_start3A_244] : memref<5120x64xi32, #tpu.memory_space<hbm>> -> memref<40x64xi32, #tpu.memory_space<hbm>>
        tpu.enqueue_dma source(%dma_start3A_245 : memref<40x64xi32, #tpu.memory_space<hbm>>) target(%arg5 : memref<40x64xi32, #tpu.memory_space<vmem>>) target_semaphore(%run_scoped3A : memref<!tpu.dma_semaphore, #tpu.memory_space<semaphore_mem>>)
        %dma_wait3A_246 = arith.constant 0 : i32
        %dma_wait3A_247 = tpu.memref_slice %arg3[%add3A_204, %dma_wait3A_246] : memref<5120x64xi32, #tpu.memory_space<hbm>> -> memref<40x64xi32, #tpu.memory_space<hbm>>
        %dma_wait3A_248 = arith.constant 0 : i32
        %dma_wait3A_249 = tpu.memref_slice %arg3[%add3A_204, %dma_wait3A_248] : memref<5120x64xi32, #tpu.memory_space<hbm>> -> memref<40x64xi32, #tpu.memory_space<hbm>>
        tpu.wait_dma2 semaphore(%run_scoped3A : memref<!tpu.dma_semaphore, #tpu.memory_space<semaphore_mem>>) src(%dma_wait3A_249 : memref<40x64xi32, #tpu.memory_space<hbm>>) dst(%arg5 : memref<40x64xi32, #tpu.memory_space<vmem>>)
        tpu.yield
      }) : () -> ()
      %scan3A_205 = arith.constant 0 : i32
      %scan3A_206 = arith.constant 4 : i32
      %scan3A_207 = arith.addi %scan3A_205, %scan3A_206 : i32
      %scan3A_208 = arith.constant 1 : i32
      scf.for %scan3A_242 = %scan3A_205 to %scan3A_207 step %scan3A_208  : i32 {
        %mul3A_243 = arith.constant 16 : i32
        %mul3A_244 = arith.muli %scan3A_242, %mul3A_243 : i32
        %add3A_245 = arith.constant 0 : i32
        %add3A_246 = arith.addi %add3A_245, %mul3A_244 : i32
        %get3A = arith.constant 0 : i32
        %get3A_247 = arith.index_cast %get3A : i32 to index
        %get3A_248 = arith.index_cast %add3A_246 : i32 to index
        %get3A_249 = tpu.vector_load %arg5[%get3A_247, %get3A_248] {strides = array<i32>} : memref<40x64xi32, #tpu.memory_space<vmem>>, vector<16xi32>,
        %and3A = arith.andi %get3A_249, %broadcast_in_dim3A_37 : vector<16xi32>
        %swap3A = arith.index_cast %add3A_246 : i32 to index
        %swap3A_250 = tpu.vector_load %arg6[%swap3A] {strides = array<i32>} : memref<64xi32, #tpu.memory_space<vmem>>, vector<16xi32>,
        tpu.vector_store %arg6[%swap3A], %and3A {strides = array<i32>} : memref<64xi32, #tpu.memory_space<vmem>>, vector<16xi32>,
      }
      %scan3A_209 = arith.constant 4 : i32
      %dma_start3A_210 = arith.constant 0 : i32
      %dma_start3A_211 = arith.constant 0 : i32
      %dma_start3A_212 = tpu.memref_slice %arg2[%dma_start3A_210, %dma_start3A_211] : memref<10000x128xf32, #tpu.memory_space<hbm>> -> memref<10000x128xf32, #tpu.memory_space<hbm>>
      tpu.enqueue_indirect_dma source(%dma_start3A_212 : memref<10000x128xf32, #tpu.memory_space<hbm>>) target(%arg11 : memref<64x128xf32, #tpu.memory_space<vmem>>) offsets(%arg6 : memref<64xi32, #tpu.memory_space<vmem>>) semaphore(%arg16 : memref<!tpu.dma_semaphore, #tpu.memory_space<semaphore_mem>>)
      %scan3A_213 = arith.constant 0 : i32
      %scan3A_214 = arith.constant 4 : i32
      %scan3A_215 = arith.addi %scan3A_213, %scan3A_214 : i32
      %scan3A_216 = arith.constant 1 : i32
      scf.for %scan3A_242 = %scan3A_213 to %scan3A_215 step %scan3A_216  : i32 {
        %mul3A_243 = arith.constant 16 : i32
        %mul3A_244 = arith.muli %scan3A_242, %mul3A_243 : i32
        %add3A_245 = arith.constant 0 : i32
        %add3A_246 = arith.addi %add3A_245, %mul3A_244 : i32
        %get3A = arith.constant 1 : i32
        %get3A_247 = arith.index_cast %get3A : i32 to index
        %get3A_248 = arith.index_cast %add3A_246 : i32 to index
        %get3A_249 = tpu.vector_load %arg5[%get3A_247, %get3A_248] {strides = array<i32>} : memref<40x64xi32, #tpu.memory_space<vmem>>, vector<16xi32>,
        %and3A = arith.andi %get3A_249, %broadcast_in_dim3A_37 : vector<16xi32>
        %swap3A = arith.index_cast %add3A_246 : i32 to index
        %swap3A_250 = tpu.vector_load %arg7[%swap3A] {strides = array<i32>} : memref<64xi32, #tpu.memory_space<vmem>>, vector<16xi32>,
        tpu.vector_store %arg7[%swap3A], %and3A {strides = array<i32>} : memref<64xi32, #tpu.memory_space<vmem>>, vector<16xi32>,
      }
      %scan3A_217 = arith.constant 4 : i32
      %dma_start3A_218 = arith.constant 0 : i32
      %dma_start3A_219 = arith.constant 0 : i32
      %dma_start3A_220 = tpu.memref_slice %arg2[%dma_start3A_218, %dma_start3A_219] : memref<10000x128xf32, #tpu.memory_space<hbm>> -> memref<10000x128xf32, #tpu.memory_space<hbm>>
      tpu.enqueue_indirect_dma source(%dma_start3A_220 : memref<10000x128xf32, #tpu.memory_space<hbm>>) target(%arg12 : memref<64x128xf32, #tpu.memory_space<vmem>>) offsets(%arg7 : memref<64xi32, #tpu.memory_space<vmem>>) semaphore(%arg17 : memref<!tpu.dma_semaphore, #tpu.memory_space<semaphore_mem>>)
      %scan3A_221 = arith.constant 0 : i32
      %scan3A_222 = arith.constant 4 : i32
      %scan3A_223 = arith.addi %scan3A_221, %scan3A_222 : i32
      %scan3A_224 = arith.constant 1 : i32
      scf.for %scan3A_242 = %scan3A_221 to %scan3A_223 step %scan3A_224  : i32 {
        %mul3A_243 = arith.constant 16 : i32
        %mul3A_244 = arith.muli %scan3A_242, %mul3A_243 : i32
        %add3A_245 = arith.constant 0 : i32
        %add3A_246 = arith.addi %add3A_245, %mul3A_244 : i32
        %get3A = arith.constant 2 : i32
        %get3A_247 = arith.index_cast %get3A : i32 to index
        %get3A_248 = arith.index_cast %add3A_246 : i32 to index
        %get3A_249 = tpu.vector_load %arg5[%get3A_247, %get3A_248] {strides = array<i32>} : memref<40x64xi32, #tpu.memory_space<vmem>>, vector<16xi32>,
        %and3A = arith.andi %get3A_249, %broadcast_in_dim3A_37 : vector<16xi32>
        %swap3A = arith.index_cast %add3A_246 : i32 to index
        %swap3A_250 = tpu.vector_load %arg8[%swap3A] {strides = array<i32>} : memref<64xi32, #tpu.memory_space<vmem>>, vector<16xi32>,
        tpu.vector_store %arg8[%swap3A], %and3A {strides = array<i32>} : memref<64xi32, #tpu.memory_space<vmem>>, vector<16xi32>,
      }
      %scan3A_225 = arith.constant 4 : i32
      %dma_start3A_226 = arith.constant 0 : i32
      %dma_start3A_227 = arith.constant 0 : i32
      %dma_start3A_228 = tpu.memref_slice %arg2[%dma_start3A_226, %dma_start3A_227] : memref<10000x128xf32, #tpu.memory_space<hbm>> -> memref<10000x128xf32, #tpu.memory_space<hbm>>
      tpu.enqueue_indirect_dma source(%dma_start3A_228 : memref<10000x128xf32, #tpu.memory_space<hbm>>) target(%arg13 : memref<64x128xf32, #tpu.memory_space<vmem>>) offsets(%arg8 : memref<64xi32, #tpu.memory_space<vmem>>) semaphore(%arg18 : memref<!tpu.dma_semaphore, #tpu.memory_space<semaphore_mem>>)
      %scan3A_229 = arith.constant 0 : i32
      %scan3A_230 = arith.constant 4 : i32
      %scan3A_231 = arith.addi %scan3A_229, %scan3A_230 : i32
      %scan3A_232 = arith.constant 1 : i32
      scf.for %scan3A_242 = %scan3A_229 to %scan3A_231 step %scan3A_232  : i32 {
        %mul3A_243 = arith.constant 16 : i32
        %mul3A_244 = arith.muli %scan3A_242, %mul3A_243 : i32
        %add3A_245 = arith.constant 0 : i32
        %add3A_246 = arith.addi %add3A_245, %mul3A_244 : i32
        %get3A = arith.constant 3 : i32
        %get3A_247 = arith.index_cast %get3A : i32 to index
        %get3A_248 = arith.index_cast %add3A_246 : i32 to index
        %get3A_249 = tpu.vector_load %arg5[%get3A_247, %get3A_248] {strides = array<i32>} : memref<40x64xi32, #tpu.memory_space<vmem>>, vector<16xi32>,
        %and3A = arith.andi %get3A_249, %broadcast_in_dim3A_37 : vector<16xi32>
        %swap3A = arith.index_cast %add3A_246 : i32 to index
        %swap3A_250 = tpu.vector_load %arg9[%swap3A] {strides = array<i32>} : memref<64xi32, #tpu.memory_space<vmem>>, vector<16xi32>,
        tpu.vector_store %arg9[%swap3A], %and3A {strides = array<i32>} : memref<64xi32, #tpu.memory_space<vmem>>, vector<16xi32>,
      }
      %scan3A_233 = arith.constant 4 : i32
      %dma_start3A_234 = arith.constant 0 : i32
      %dma_start3A_235 = arith.constant 0 : i32
      %dma_start3A_236 = tpu.memref_slice %arg2[%dma_start3A_234, %dma_start3A_235] : memref<10000x128xf32, #tpu.memory_space<hbm>> -> memref<10000x128xf32, #tpu.memory_space<hbm>>
      tpu.enqueue_indirect_dma source(%dma_start3A_236 : memref<10000x128xf32, #tpu.memory_space<hbm>>) target(%arg14 : memref<64x128xf32, #tpu.memory_space<vmem>>) offsets(%arg9 : memref<64xi32, #tpu.memory_space<vmem>>) semaphore(%arg19 : memref<!tpu.dma_semaphore, #tpu.memory_space<semaphore_mem>>)
      %scan3A_237 = arith.constant 0 : i32
      %scan3A_238 = arith.constant 10 : i32
      %scan3A_239 = arith.addi %scan3A_237, %scan3A_238 : i32
      %scan3A_240 = arith.constant 1 : i32
      scf.for %scan3A_242 = %scan3A_237 to %scan3A_239 step %scan3A_240  : i32 {
        %mul3A_243 = arith.constant 4 : i32
        %mul3A_244 = arith.muli %scan3A_242, %mul3A_243 : i32
        %add3A_245 = arith.constant 0 : i32
        %add3A_246 = arith.addi %add3A_245, %mul3A_244 : i32
        %dma_wait3A_247 = arith.constant 0 : i32
        %dma_wait3A_248 = arith.constant 0 : i32
        %dma_wait3A_249 = tpu.memref_slice %arg2[%dma_wait3A_247, %dma_wait3A_248] : memref<10000x128xf32, #tpu.memory_space<hbm>> -> memref<10000x128xf32, #tpu.memory_space<hbm>>
        tpu.wait_indirect_dma semaphore(%arg16 : memref<!tpu.dma_semaphore, #tpu.memory_space<semaphore_mem>>) src(%dma_wait3A_249 : memref<10000x128xf32, #tpu.memory_space<hbm>>) dst(%arg11 : memref<64x128xf32, #tpu.memory_space<vmem>>)
        %add3A_250 = arith.constant 0 : i32
        %add3A_251 = arith.addi %add3A_246, %add3A_250 : i32
        %scan3A_252 = arith.constant 0 : i32
        %scan3A_253 = arith.constant 4 : i32
        %scan3A_254 = arith.addi %scan3A_252, %scan3A_253 : i32
        %scan3A_255 = arith.constant 1 : i32
        scf.for %scan3A_320 = %scan3A_252 to %scan3A_254 step %scan3A_255  : i32 {
          %mul3A_321 = arith.constant 16 : i32
          %mul3A_322 = arith.muli %scan3A_320, %mul3A_321 : i32
          %add3A_323 = arith.constant 0 : i32
          %add3A_324 = arith.addi %add3A_323, %mul3A_322 : i32
          %get3A = arith.index_cast %add3A_251 : i32 to index
          %get3A_325 = arith.index_cast %add3A_324 : i32 to index
          %get3A_326 = tpu.vector_load %arg5[%get3A, %get3A_325] {strides = array<i32>} : memref<40x64xi32, #tpu.memory_space<vmem>>, vector<16xi32>,
          %shift_right_logical3A = arith.shrui %get3A_326, %broadcast_in_dim3A_39 : vector<16xi32>
          %swap3A = arith.index_cast %add3A_324 : i32 to index
          %swap3A_327 = tpu.vector_load %arg10[%swap3A] {strides = array<i32>} : memref<64xi32, #tpu.memory_space<vmem>>, vector<16xi32>,
          tpu.vector_store %arg10[%swap3A], %shift_right_logical3A {strides = array<i32>} : memref<64xi32, #tpu.memory_space<vmem>>, vector<16xi32>,
        }
        %scan3A_256 = arith.constant 4 : i32
        "tpu.region"() ({
          %run_scoped3A = tpu.sem_alloc : memref<!tpu.dma_semaphore, #tpu.memory_space<semaphore_mem>>
          %dma_start3A_320 = arith.constant 0 : i32
          %dma_start3A_321 = arith.constant 0 : i32
          %dma_start3A_322 = tpu.memref_slice %arg15[%dma_start3A_320, %dma_start3A_321] : memref<10112x128xf32, #tpu.memory_space<vmem_shared>> -> memref<10112x128xf32, #tpu.memory_space<vmem_shared>>
          tpu.enqueue_indirect_dma source(%arg11 : memref<64x128xf32, #tpu.memory_space<vmem>>) target(%dma_start3A_322 : memref<10112x128xf32, #tpu.memory_space<vmem_shared>>) offsets(%arg10 : memref<64xi32, #tpu.memory_space<vmem>>) semaphore(%run_scoped3A : memref<!tpu.dma_semaphore, #tpu.memory_space<semaphore_mem>>) {add = true}
          %dma_wait3A_323 = arith.constant 0 : i32
          %dma_wait3A_324 = arith.constant 0 : i32
          %dma_wait3A_325 = tpu.memref_slice %arg15[%dma_wait3A_323, %dma_wait3A_324] : memref<10112x128xf32, #tpu.memory_space<vmem_shared>> -> memref<10112x128xf32, #tpu.memory_space<vmem_shared>>
          tpu.wait_indirect_dma semaphore(%run_scoped3A : memref<!tpu.dma_semaphore, #tpu.memory_space<semaphore_mem>>) src(%arg11 : memref<64x128xf32, #tpu.memory_space<vmem>>) dst(%dma_wait3A_325 : memref<10112x128xf32, #tpu.memory_space<vmem_shared>>)
          tpu.yield
        }) : () -> ()
        %add3A_257 = arith.constant 0 : i32
        %add3A_258 = arith.addi %add3A_246, %add3A_257 : i32
        %add3A_259 = arith.constant 4 : i32
        %add3A_260 = arith.addi %add3A_258, %add3A_259 : i32
        %lt3A = arith.constant 40 : i32
        %lt3A_261 = arith.cmpi slt, %add3A_260, %lt3A : i32
        %convert_element_type3A = arith.extui %lt3A_261 : i1 to i32
        %cond3A = arith.constant 0 : i32
        %cond3A_262 = arith.cmpi ne, %convert_element_type3A, %cond3A : i32
        scf.if %cond3A_262 {
          %add3A_320 = arith.constant 0 : i32
          %add3A_321 = arith.addi %add3A_246, %add3A_320 : i32
          %add3A_322 = arith.constant 4 : i32
          %add3A_323 = arith.addi %add3A_321, %add3A_322 : i32
          %scan3A_324 = arith.constant 0 : i32
          %scan3A_325 = arith.constant 4 : i32
          %scan3A_326 = arith.addi %scan3A_324, %scan3A_325 : i32
          %scan3A_327 = arith.constant 1 : i32
          scf.for %scan3A_332 = %scan3A_324 to %scan3A_326 step %scan3A_327  : i32 {
            %mul3A_333 = arith.constant 16 : i32
            %mul3A_334 = arith.muli %scan3A_332, %mul3A_333 : i32
            %add3A_335 = arith.constant 0 : i32
            %add3A_336 = arith.addi %add3A_335, %mul3A_334 : i32
            %get3A = arith.index_cast %add3A_323 : i32 to index
            %get3A_337 = arith.index_cast %add3A_336 : i32 to index
            %get3A_338 = tpu.vector_load %arg5[%get3A, %get3A_337] {strides = array<i32>} : memref<40x64xi32, #tpu.memory_space<vmem>>, vector<16xi32>,
            %and3A = arith.andi %get3A_338, %broadcast_in_dim3A_37 : vector<16xi32>
            %swap3A = arith.index_cast %add3A_336 : i32 to index
            %swap3A_339 = tpu.vector_load %arg6[%swap3A] {strides = array<i32>} : memref<64xi32, #tpu.memory_space<vmem>>, vector<16xi32>,
            tpu.vector_store %arg6[%swap3A], %and3A {strides = array<i32>} : memref<64xi32, #tpu.memory_space<vmem>>, vector<16xi32>,
          }
          %scan3A_328 = arith.constant 4 : i32
          %dma_start3A_329 = arith.constant 0 : i32
          %dma_start3A_330 = arith.constant 0 : i32
          %dma_start3A_331 = tpu.memref_slice %arg2[%dma_start3A_329, %dma_start3A_330] : memref<10000x128xf32, #tpu.memory_space<hbm>> -> memref<10000x128xf32, #tpu.memory_space<hbm>>
          tpu.enqueue_indirect_dma source(%dma_start3A_331 : memref<10000x128xf32, #tpu.memory_space<hbm>>) target(%arg11 : memref<64x128xf32, #tpu.memory_space<vmem>>) offsets(%arg6 : memref<64xi32, #tpu.memory_space<vmem>>) semaphore(%arg16 : memref<!tpu.dma_semaphore, #tpu.memory_space<semaphore_mem>>)
        } else {
        }
        %dma_wait3A_263 = arith.constant 0 : i32
        %dma_wait3A_264 = arith.constant 0 : i32
        %dma_wait3A_265 = tpu.memref_slice %arg2[%dma_wait3A_263, %dma_wait3A_264] : memref<10000x128xf32, #tpu.memory_space<hbm>> -> memref<10000x128xf32, #tpu.memory_space<hbm>>
        tpu.wait_indirect_dma semaphore(%arg17 : memref<!tpu.dma_semaphore, #tpu.memory_space<semaphore_mem>>) src(%dma_wait3A_265 : memref<10000x128xf32, #tpu.memory_space<hbm>>) dst(%arg12 : memref<64x128xf32, #tpu.memory_space<vmem>>)
        %add3A_266 = arith.constant 1 : i32
        %add3A_267 = arith.addi %add3A_246, %add3A_266 : i32
        %scan3A_268 = arith.constant 0 : i32
        %scan3A_269 = arith.constant 4 : i32
        %scan3A_270 = arith.addi %scan3A_268, %scan3A_269 : i32
        %scan3A_271 = arith.constant 1 : i32
        scf.for %scan3A_320 = %scan3A_268 to %scan3A_270 step %scan3A_271  : i32 {
          %mul3A_321 = arith.constant 16 : i32
          %mul3A_322 = arith.muli %scan3A_320, %mul3A_321 : i32
          %add3A_323 = arith.constant 0 : i32
          %add3A_324 = arith.addi %add3A_323, %mul3A_322 : i32
          %get3A = arith.index_cast %add3A_267 : i32 to index
          %get3A_325 = arith.index_cast %add3A_324 : i32 to index
          %get3A_326 = tpu.vector_load %arg5[%get3A, %get3A_325] {strides = array<i32>} : memref<40x64xi32, #tpu.memory_space<vmem>>, vector<16xi32>,
          %shift_right_logical3A = arith.shrui %get3A_326, %broadcast_in_dim3A_39 : vector<16xi32>
          %swap3A = arith.index_cast %add3A_324 : i32 to index
          %swap3A_327 = tpu.vector_load %arg10[%swap3A] {strides = array<i32>} : memref<64xi32, #tpu.memory_space<vmem>>, vector<16xi32>,
          tpu.vector_store %arg10[%swap3A], %shift_right_logical3A {strides = array<i32>} : memref<64xi32, #tpu.memory_space<vmem>>, vector<16xi32>,
        }
        %scan3A_272 = arith.constant 4 : i32
        "tpu.region"() ({
          %run_scoped3A = tpu.sem_alloc : memref<!tpu.dma_semaphore, #tpu.memory_space<semaphore_mem>>
          %dma_start3A_320 = arith.constant 0 : i32
          %dma_start3A_321 = arith.constant 0 : i32
          %dma_start3A_322 = tpu.memref_slice %arg15[%dma_start3A_320, %dma_start3A_321] : memref<10112x128xf32, #tpu.memory_space<vmem_shared>> -> memref<10112x128xf32, #tpu.memory_space<vmem_shared>>
          tpu.enqueue_indirect_dma source(%arg12 : memref<64x128xf32, #tpu.memory_space<vmem>>) target(%dma_start3A_322 : memref<10112x128xf32, #tpu.memory_space<vmem_shared>>) offsets(%arg10 : memref<64xi32, #tpu.memory_space<vmem>>) semaphore(%run_scoped3A : memref<!tpu.dma_semaphore, #tpu.memory_space<semaphore_mem>>) {add = true}
          %dma_wait3A_323 = arith.constant 0 : i32
          %dma_wait3A_324 = arith.constant 0 : i32
          %dma_wait3A_325 = tpu.memref_slice %arg15[%dma_wait3A_323, %dma_wait3A_324] : memref<10112x128xf32, #tpu.memory_space<vmem_shared>> -> memref<10112x128xf32, #tpu.memory_space<vmem_shared>>
          tpu.wait_indirect_dma semaphore(%run_scoped3A : memref<!tpu.dma_semaphore, #tpu.memory_space<semaphore_mem>>) src(%arg12 : memref<64x128xf32, #tpu.memory_space<vmem>>) dst(%dma_wait3A_325 : memref<10112x128xf32, #tpu.memory_space<vmem_shared>>)
          tpu.yield
        }) : () -> ()
        %add3A_273 = arith.constant 1 : i32
        %add3A_274 = arith.addi %add3A_246, %add3A_273 : i32
        %add3A_275 = arith.constant 4 : i32
        %add3A_276 = arith.addi %add3A_274, %add3A_275 : i32
        %lt3A_277 = arith.constant 40 : i32
        %lt3A_278 = arith.cmpi slt, %add3A_276, %lt3A_277 : i32
        %convert_element_type3A_279 = arith.extui %lt3A_278 : i1 to i32
        %cond3A_280 = arith.constant 0 : i32
        %cond3A_281 = arith.cmpi ne, %convert_element_type3A_279, %cond3A_280 : i32
        scf.if %cond3A_281 {
          %add3A_320 = arith.constant 1 : i32
          %add3A_321 = arith.addi %add3A_246, %add3A_320 : i32
          %add3A_322 = arith.constant 4 : i32
          %add3A_323 = arith.addi %add3A_321, %add3A_322 : i32
          %scan3A_324 = arith.constant 0 : i32
          %scan3A_325 = arith.constant 4 : i32
          %scan3A_326 = arith.addi %scan3A_324, %scan3A_325 : i32
          %scan3A_327 = arith.constant 1 : i32
          scf.for %scan3A_332 = %scan3A_324 to %scan3A_326 step %scan3A_327  : i32 {
            %mul3A_333 = arith.constant 16 : i32
            %mul3A_334 = arith.muli %scan3A_332, %mul3A_333 : i32
            %add3A_335 = arith.constant 0 : i32
            %add3A_336 = arith.addi %add3A_335, %mul3A_334 : i32
            %get3A = arith.index_cast %add3A_323 : i32 to index
            %get3A_337 = arith.index_cast %add3A_336 : i32 to index
            %get3A_338 = tpu.vector_load %arg5[%get3A, %get3A_337] {strides = array<i32>} : memref<40x64xi32, #tpu.memory_space<vmem>>, vector<16xi32>,
            %and3A = arith.andi %get3A_338, %broadcast_in_dim3A_37 : vector<16xi32>
            %swap3A = arith.index_cast %add3A_336 : i32 to index
            %swap3A_339 = tpu.vector_load %arg7[%swap3A] {strides = array<i32>} : memref<64xi32, #tpu.memory_space<vmem>>, vector<16xi32>,
            tpu.vector_store %arg7[%swap3A], %and3A {strides = array<i32>} : memref<64xi32, #tpu.memory_space<vmem>>, vector<16xi32>,
          }
          %scan3A_328 = arith.constant 4 : i32
          %dma_start3A_329 = arith.constant 0 : i32
          %dma_start3A_330 = arith.constant 0 : i32
          %dma_start3A_331 = tpu.memref_slice %arg2[%dma_start3A_329, %dma_start3A_330] : memref<10000x128xf32, #tpu.memory_space<hbm>> -> memref<10000x128xf32, #tpu.memory_space<hbm>>
          tpu.enqueue_indirect_dma source(%dma_start3A_331 : memref<10000x128xf32, #tpu.memory_space<hbm>>) target(%arg12 : memref<64x128xf32, #tpu.memory_space<vmem>>) offsets(%arg7 : memref<64xi32, #tpu.memory_space<vmem>>) semaphore(%arg17 : memref<!tpu.dma_semaphore, #tpu.memory_space<semaphore_mem>>)
        } else {
        }
        %dma_wait3A_282 = arith.constant 0 : i32
        %dma_wait3A_283 = arith.constant 0 : i32
        %dma_wait3A_284 = tpu.memref_slice %arg2[%dma_wait3A_282, %dma_wait3A_283] : memref<10000x128xf32, #tpu.memory_space<hbm>> -> memref<10000x128xf32, #tpu.memory_space<hbm>>
        tpu.wait_indirect_dma semaphore(%arg18 : memref<!tpu.dma_semaphore, #tpu.memory_space<semaphore_mem>>) src(%dma_wait3A_284 : memref<10000x128xf32, #tpu.memory_space<hbm>>) dst(%arg13 : memref<64x128xf32, #tpu.memory_space<vmem>>)
        %add3A_285 = arith.constant 2 : i32
        %add3A_286 = arith.addi %add3A_246, %add3A_285 : i32
        %scan3A_287 = arith.constant 0 : i32
        %scan3A_288 = arith.constant 4 : i32
        %scan3A_289 = arith.addi %scan3A_287, %scan3A_288 : i32
        %scan3A_290 = arith.constant 1 : i32
        scf.for %scan3A_320 = %scan3A_287 to %scan3A_289 step %scan3A_290  : i32 {
          %mul3A_321 = arith.constant 16 : i32
          %mul3A_322 = arith.muli %scan3A_320, %mul3A_321 : i32
          %add3A_323 = arith.constant 0 : i32
          %add3A_324 = arith.addi %add3A_323, %mul3A_322 : i32
          %get3A = arith.index_cast %add3A_286 : i32 to index
          %get3A_325 = arith.index_cast %add3A_324 : i32 to index
          %get3A_326 = tpu.vector_load %arg5[%get3A, %get3A_325] {strides = array<i32>} : memref<40x64xi32, #tpu.memory_space<vmem>>, vector<16xi32>,
          %shift_right_logical3A = arith.shrui %get3A_326, %broadcast_in_dim3A_39 : vector<16xi32>
          %swap3A = arith.index_cast %add3A_324 : i32 to index
          %swap3A_327 = tpu.vector_load %arg10[%swap3A] {strides = array<i32>} : memref<64xi32, #tpu.memory_space<vmem>>, vector<16xi32>,
          tpu.vector_store %arg10[%swap3A], %shift_right_logical3A {strides = array<i32>} : memref<64xi32, #tpu.memory_space<vmem>>, vector<16xi32>,
        }
        %scan3A_291 = arith.constant 4 : i32
        "tpu.region"() ({
          %run_scoped3A = tpu.sem_alloc : memref<!tpu.dma_semaphore, #tpu.memory_space<semaphore_mem>>
          %dma_start3A_320 = arith.constant 0 : i32
          %dma_start3A_321 = arith.constant 0 : i32
          %dma_start3A_322 = tpu.memref_slice %arg15[%dma_start3A_320, %dma_start3A_321] : memref<10112x128xf32, #tpu.memory_space<vmem_shared>> -> memref<10112x128xf32, #tpu.memory_space<vmem_shared>>
          tpu.enqueue_indirect_dma source(%arg13 : memref<64x128xf32, #tpu.memory_space<vmem>>) target(%dma_start3A_322 : memref<10112x128xf32, #tpu.memory_space<vmem_shared>>) offsets(%arg10 : memref<64xi32, #tpu.memory_space<vmem>>) semaphore(%run_scoped3A : memref<!tpu.dma_semaphore, #tpu.memory_space<semaphore_mem>>) {add = true}
          %dma_wait3A_323 = arith.constant 0 : i32
          %dma_wait3A_324 = arith.constant 0 : i32
          %dma_wait3A_325 = tpu.memref_slice %arg15[%dma_wait3A_323, %dma_wait3A_324] : memref<10112x128xf32, #tpu.memory_space<vmem_shared>> -> memref<10112x128xf32, #tpu.memory_space<vmem_shared>>
          tpu.wait_indirect_dma semaphore(%run_scoped3A : memref<!tpu.dma_semaphore, #tpu.memory_space<semaphore_mem>>) src(%arg13 : memref<64x128xf32, #tpu.memory_space<vmem>>) dst(%dma_wait3A_325 : memref<10112x128xf32, #tpu.memory_space<vmem_shared>>)
          tpu.yield
        }) : () -> ()
        %add3A_292 = arith.constant 2 : i32
        %add3A_293 = arith.addi %add3A_246, %add3A_292 : i32
        %add3A_294 = arith.constant 4 : i32
        %add3A_295 = arith.addi %add3A_293, %add3A_294 : i32
        %lt3A_296 = arith.constant 40 : i32
        %lt3A_297 = arith.cmpi slt, %add3A_295, %lt3A_296 : i32
        %convert_element_type3A_298 = arith.extui %lt3A_297 : i1 to i32
        %cond3A_299 = arith.constant 0 : i32
        %cond3A_300 = arith.cmpi ne, %convert_element_type3A_298, %cond3A_299 : i32
        scf.if %cond3A_300 {
          %add3A_320 = arith.constant 2 : i32
          %add3A_321 = arith.addi %add3A_246, %add3A_320 : i32
          %add3A_322 = arith.constant 4 : i32
          %add3A_323 = arith.addi %add3A_321, %add3A_322 : i32
          %scan3A_324 = arith.constant 0 : i32
          %scan3A_325 = arith.constant 4 : i32
          %scan3A_326 = arith.addi %scan3A_324, %scan3A_325 : i32
          %scan3A_327 = arith.constant 1 : i32
          scf.for %scan3A_332 = %scan3A_324 to %scan3A_326 step %scan3A_327  : i32 {
            %mul3A_333 = arith.constant 16 : i32
            %mul3A_334 = arith.muli %scan3A_332, %mul3A_333 : i32
            %add3A_335 = arith.constant 0 : i32
            %add3A_336 = arith.addi %add3A_335, %mul3A_334 : i32
            %get3A = arith.index_cast %add3A_323 : i32 to index
            %get3A_337 = arith.index_cast %add3A_336 : i32 to index
            %get3A_338 = tpu.vector_load %arg5[%get3A, %get3A_337] {strides = array<i32>} : memref<40x64xi32, #tpu.memory_space<vmem>>, vector<16xi32>,
            %and3A = arith.andi %get3A_338, %broadcast_in_dim3A_37 : vector<16xi32>
            %swap3A = arith.index_cast %add3A_336 : i32 to index
            %swap3A_339 = tpu.vector_load %arg8[%swap3A] {strides = array<i32>} : memref<64xi32, #tpu.memory_space<vmem>>, vector<16xi32>,
            tpu.vector_store %arg8[%swap3A], %and3A {strides = array<i32>} : memref<64xi32, #tpu.memory_space<vmem>>, vector<16xi32>,
          }
          %scan3A_328 = arith.constant 4 : i32
          %dma_start3A_329 = arith.constant 0 : i32
          %dma_start3A_330 = arith.constant 0 : i32
          %dma_start3A_331 = tpu.memref_slice %arg2[%dma_start3A_329, %dma_start3A_330] : memref<10000x128xf32, #tpu.memory_space<hbm>> -> memref<10000x128xf32, #tpu.memory_space<hbm>>
          tpu.enqueue_indirect_dma source(%dma_start3A_331 : memref<10000x128xf32, #tpu.memory_space<hbm>>) target(%arg13 : memref<64x128xf32, #tpu.memory_space<vmem>>) offsets(%arg8 : memref<64xi32, #tpu.memory_space<vmem>>) semaphore(%arg18 : memref<!tpu.dma_semaphore, #tpu.memory_space<semaphore_mem>>)
        } else {
        }
        %dma_wait3A_301 = arith.constant 0 : i32
        %dma_wait3A_302 = arith.constant 0 : i32
        %dma_wait3A_303 = tpu.memref_slice %arg2[%dma_wait3A_301, %dma_wait3A_302] : memref<10000x128xf32, #tpu.memory_space<hbm>> -> memref<10000x128xf32, #tpu.memory_space<hbm>>
        tpu.wait_indirect_dma semaphore(%arg19 : memref<!tpu.dma_semaphore, #tpu.memory_space<semaphore_mem>>) src(%dma_wait3A_303 : memref<10000x128xf32, #tpu.memory_space<hbm>>) dst(%arg14 : memref<64x128xf32, #tpu.memory_space<vmem>>)
        %add3A_304 = arith.constant 3 : i32
        %add3A_305 = arith.addi %add3A_246, %add3A_304 : i32
        %scan3A_306 = arith.constant 0 : i32
        %scan3A_307 = arith.constant 4 : i32
        %scan3A_308 = arith.addi %scan3A_306, %scan3A_307 : i32
        %scan3A_309 = arith.constant 1 : i32
        scf.for %scan3A_320 = %scan3A_306 to %scan3A_308 step %scan3A_309  : i32 {
          %mul3A_321 = arith.constant 16 : i32
          %mul3A_322 = arith.muli %scan3A_320, %mul3A_321 : i32
          %add3A_323 = arith.constant 0 : i32
          %add3A_324 = arith.addi %add3A_323, %mul3A_322 : i32
          %get3A = arith.index_cast %add3A_305 : i32 to index
          %get3A_325 = arith.index_cast %add3A_324 : i32 to index
          %get3A_326 = tpu.vector_load %arg5[%get3A, %get3A_325] {strides = array<i32>} : memref<40x64xi32, #tpu.memory_space<vmem>>, vector<16xi32>,
          %shift_right_logical3A = arith.shrui %get3A_326, %broadcast_in_dim3A_39 : vector<16xi32>
          %swap3A = arith.index_cast %add3A_324 : i32 to index
          %swap3A_327 = tpu.vector_load %arg10[%swap3A] {strides = array<i32>} : memref<64xi32, #tpu.memory_space<vmem>>, vector<16xi32>,
          tpu.vector_store %arg10[%swap3A], %shift_right_logical3A {strides = array<i32>} : memref<64xi32, #tpu.memory_space<vmem>>, vector<16xi32>,
        }
        %scan3A_310 = arith.constant 4 : i32
        "tpu.region"() ({
          %run_scoped3A = tpu.sem_alloc : memref<!tpu.dma_semaphore, #tpu.memory_space<semaphore_mem>>
          %dma_start3A_320 = arith.constant 0 : i32
          %dma_start3A_321 = arith.constant 0 : i32
          %dma_start3A_322 = tpu.memref_slice %arg15[%dma_start3A_320, %dma_start3A_321] : memref<10112x128xf32, #tpu.memory_space<vmem_shared>> -> memref<10112x128xf32, #tpu.memory_space<vmem_shared>>
          tpu.enqueue_indirect_dma source(%arg14 : memref<64x128xf32, #tpu.memory_space<vmem>>) target(%dma_start3A_322 : memref<10112x128xf32, #tpu.memory_space<vmem_shared>>) offsets(%arg10 : memref<64xi32, #tpu.memory_space<vmem>>) semaphore(%run_scoped3A : memref<!tpu.dma_semaphore, #tpu.memory_space<semaphore_mem>>) {add = true}
          %dma_wait3A_323 = arith.constant 0 : i32
          %dma_wait3A_324 = arith.constant 0 : i32
          %dma_wait3A_325 = tpu.memref_slice %arg15[%dma_wait3A_323, %dma_wait3A_324] : memref<10112x128xf32, #tpu.memory_space<vmem_shared>> -> memref<10112x128xf32, #tpu.memory_space<vmem_shared>>
          tpu.wait_indirect_dma semaphore(%run_scoped3A : memref<!tpu.dma_semaphore, #tpu.memory_space<semaphore_mem>>) src(%arg14 : memref<64x128xf32, #tpu.memory_space<vmem>>) dst(%dma_wait3A_325 : memref<10112x128xf32, #tpu.memory_space<vmem_shared>>)
          tpu.yield
        }) : () -> ()
        %add3A_311 = arith.constant 3 : i32
        %add3A_312 = arith.addi %add3A_246, %add3A_311 : i32
        %add3A_313 = arith.constant 4 : i32
        %add3A_314 = arith.addi %add3A_312, %add3A_313 : i32
        %lt3A_315 = arith.constant 40 : i32
        %lt3A_316 = arith.cmpi slt, %add3A_314, %lt3A_315 : i32
        %convert_element_type3A_317 = arith.extui %lt3A_316 : i1 to i32
        %cond3A_318 = arith.constant 0 : i32
        %cond3A_319 = arith.cmpi ne, %convert_element_type3A_317, %cond3A_318 : i32
        scf.if %cond3A_319 {
          %add3A_320 = arith.constant 3 : i32
          %add3A_321 = arith.addi %add3A_246, %add3A_320 : i32
          %add3A_322 = arith.constant 4 : i32
          %add3A_323 = arith.addi %add3A_321, %add3A_322 : i32
          %scan3A_324 = arith.constant 0 : i32
          %scan3A_325 = arith.constant 4 : i32
          %scan3A_326 = arith.addi %scan3A_324, %scan3A_325 : i32
          %scan3A_327 = arith.constant 1 : i32
          scf.for %scan3A_332 = %scan3A_324 to %scan3A_326 step %scan3A_327  : i32 {
            %mul3A_333 = arith.constant 16 : i32
            %mul3A_334 = arith.muli %scan3A_332, %mul3A_333 : i32
            %add3A_335 = arith.constant 0 : i32
            %add3A_336 = arith.addi %add3A_335, %mul3A_334 : i32
            %get3A = arith.index_cast %add3A_323 : i32 to index
            %get3A_337 = arith.index_cast %add3A_336 : i32 to index
            %get3A_338 = tpu.vector_load %arg5[%get3A, %get3A_337] {strides = array<i32>} : memref<40x64xi32, #tpu.memory_space<vmem>>, vector<16xi32>,
            %and3A = arith.andi %get3A_338, %broadcast_in_dim3A_37 : vector<16xi32>
            %swap3A = arith.index_cast %add3A_336 : i32 to index
            %swap3A_339 = tpu.vector_load %arg9[%swap3A] {strides = array<i32>} : memref<64xi32, #tpu.memory_space<vmem>>, vector<16xi32>,
            tpu.vector_store %arg9[%swap3A], %and3A {strides = array<i32>} : memref<64xi32, #tpu.memory_space<vmem>>, vector<16xi32>,
          }
          %scan3A_328 = arith.constant 4 : i32
          %dma_start3A_329 = arith.constant 0 : i32
          %dma_start3A_330 = arith.constant 0 : i32
          %dma_start3A_331 = tpu.memref_slice %arg2[%dma_start3A_329, %dma_start3A_330] : memref<10000x128xf32, #tpu.memory_space<hbm>> -> memref<10000x128xf32, #tpu.memory_space<hbm>>
          tpu.enqueue_indirect_dma source(%dma_start3A_331 : memref<10000x128xf32, #tpu.memory_space<hbm>>) target(%arg14 : memref<64x128xf32, #tpu.memory_space<vmem>>) offsets(%arg9 : memref<64xi32, #tpu.memory_space<vmem>>) semaphore(%arg19 : memref<!tpu.dma_semaphore, #tpu.memory_space<semaphore_mem>>)
        } else {
        }
      }
      %scan3A_241 = arith.constant 10 : i32
    }
    %barrier3A_56 = arith.constant 0 : index
    tpu.barrier barrier_id(%barrier3A_56)
    %add3A_57 = arith.constant 0 : i32
    %add3A_58 = arith.addi %mul3A_5, %add3A_57 : i32
    %add3A_59 = arith.constant 0 : i32
    %add3A_60 = arith.addi %mul3A_5, %add3A_59 : i32
    %dma_start3A = arith.constant 0 : i32
    %dma_start3A_61 = tpu.memref_slice %arg4[%arg0, %add3A_60, %dma_start3A] : memref<2x10112x128xf32, #tpu.memory_space<hbm>> -> memref<1x80x128xf32, #tpu.memory_space<hbm>>
    %dma_start3A_62 = tpu.memref_squeeze %dma_start3A_61 : memref<1x80x128xf32, #tpu.memory_space<hbm>> -> memref<80x128xf32, #tpu.memory_space<hbm>>
    %dma_start3A_63 = arith.constant 0 : i32
    %dma_start3A_64 = tpu.memref_slice %arg15[%add3A_58, %dma_start3A_63] : memref<10112x128xf32, #tpu.memory_space<vmem_shared>> -> memref<80x128xf32, #tpu.memory_space<vmem_shared>>
    tpu.enqueue_dma source(%dma_start3A_64 : memref<80x128xf32, #tpu.memory_space<vmem_shared>>) target(%dma_start3A_62 : memref<80x128xf32, #tpu.memory_space<hbm>>) target_semaphore(%arg16 : memref<!tpu.dma_semaphore, #tpu.memory_space<semaphore_mem>>)
    %add3A_65 = arith.constant 80 : i32
    %add3A_66 = arith.addi %mul3A_5, %add3A_65 : i32
    %add3A_67 = arith.constant 80 : i32
    %add3A_68 = arith.addi %mul3A_5, %add3A_67 : i32
    %dma_start3A_69 = arith.constant 0 : i32
    %dma_start3A_70 = tpu.memref_slice %arg4[%arg0, %add3A_68, %dma_start3A_69] : memref<2x10112x128xf32, #tpu.memory_space<hbm>> -> memref<1x80x128xf32, #tpu.memory_space<hbm>>
    %dma_start3A_71 = tpu.memref_squeeze %dma_start3A_70 : memref<1x80x128xf32, #tpu.memory_space<hbm>> -> memref<80x128xf32, #tpu.memory_space<hbm>>
    %dma_start3A_72 = arith.constant 0 : i32
    %dma_start3A_73 = tpu.memref_slice %arg15[%add3A_66, %dma_start3A_72] : memref<10112x128xf32, #tpu.memory_space<vmem_shared>> -> memref<80x128xf32, #tpu.memory_space<vmem_shared>>
    tpu.enqueue_dma source(%dma_start3A_73 : memref<80x128xf32, #tpu.memory_space<vmem_shared>>) target(%dma_start3A_71 : memref<80x128xf32, #tpu.memory_space<hbm>>) target_semaphore(%arg17 : memref<!tpu.dma_semaphore, #tpu.memory_space<semaphore_mem>>)
    %add3A_74 = arith.constant 160 : i32
    %add3A_75 = arith.addi %mul3A_5, %add3A_74 : i32
    %add3A_76 = arith.constant 160 : i32
    %add3A_77 = arith.addi %mul3A_5, %add3A_76 : i32
    %dma_start3A_78 = arith.constant 0 : i32
    %dma_start3A_79 = tpu.memref_slice %arg4[%arg0, %add3A_77, %dma_start3A_78] : memref<2x10112x128xf32, #tpu.memory_space<hbm>> -> memref<1x80x128xf32, #tpu.memory_space<hbm>>
    %dma_start3A_80 = tpu.memref_squeeze %dma_start3A_79 : memref<1x80x128xf32, #tpu.memory_space<hbm>> -> memref<80x128xf32, #tpu.memory_space<hbm>>
    %dma_start3A_81 = arith.constant 0 : i32
    %dma_start3A_82 = tpu.memref_slice %arg15[%add3A_75, %dma_start3A_81] : memref<10112x128xf32, #tpu.memory_space<vmem_shared>> -> memref<80x128xf32, #tpu.memory_space<vmem_shared>>
    tpu.enqueue_dma source(%dma_start3A_82 : memref<80x128xf32, #tpu.memory_space<vmem_shared>>) target(%dma_start3A_80 : memref<80x128xf32, #tpu.memory_space<hbm>>) target_semaphore(%arg18 : memref<!tpu.dma_semaphore, #tpu.memory_space<semaphore_mem>>)
    %add3A_83 = arith.constant 240 : i32
    %add3A_84 = arith.addi %mul3A_5, %add3A_83 : i32
    %add3A_85 = arith.constant 240 : i32
    %add3A_86 = arith.addi %mul3A_5, %add3A_85 : i32
    %dma_start3A_87 = arith.constant 0 : i32
    %dma_start3A_88 = tpu.memref_slice %arg4[%arg0, %add3A_86, %dma_start3A_87] : memref<2x10112x128xf32, #tpu.memory_space<hbm>> -> memref<1x80x128xf32, #tpu.memory_space<hbm>>
    %dma_start3A_89 = tpu.memref_squeeze %dma_start3A_88 : memref<1x80x128xf32, #tpu.memory_space<hbm>> -> memref<80x128xf32, #tpu.memory_space<hbm>>
    %dma_start3A_90 = arith.constant 0 : i32
    %dma_start3A_91 = tpu.memref_slice %arg15[%add3A_84, %dma_start3A_90] : memref<10112x128xf32, #tpu.memory_space<vmem_shared>> -> memref<80x128xf32, #tpu.memory_space<vmem_shared>>
    tpu.enqueue_dma source(%dma_start3A_91 : memref<80x128xf32, #tpu.memory_space<vmem_shared>>) target(%dma_start3A_89 : memref<80x128xf32, #tpu.memory_space<hbm>>) target_semaphore(%arg19 : memref<!tpu.dma_semaphore, #tpu.memory_space<semaphore_mem>>)
    %add3A_92 = arith.constant 320 : i32
    %add3A_93 = arith.addi %mul3A_5, %add3A_92 : i32
    %add3A_94 = arith.constant 320 : i32
    %add3A_95 = arith.addi %mul3A_5, %add3A_94 : i32
    %dma_start3A_96 = arith.constant 0 : i32
    %dma_start3A_97 = tpu.memref_slice %arg4[%arg0, %add3A_95, %dma_start3A_96] : memref<2x10112x128xf32, #tpu.memory_space<hbm>> -> memref<1x80x128xf32, #tpu.memory_space<hbm>>
    %dma_start3A_98 = tpu.memref_squeeze %dma_start3A_97 : memref<1x80x128xf32, #tpu.memory_space<hbm>> -> memref<80x128xf32, #tpu.memory_space<hbm>>
    %dma_start3A_99 = arith.constant 0 : i32
    %dma_start3A_100 = tpu.memref_slice %arg15[%add3A_93, %dma_start3A_99] : memref<10112x128xf32, #tpu.memory_space<vmem_shared>> -> memref<80x128xf32, #tpu.memory_space<vmem_shared>>
    tpu.enqueue_dma source(%dma_start3A_100 : memref<80x128xf32, #tpu.memory_space<vmem_shared>>) target(%dma_start3A_98 : memref<80x128xf32, #tpu.memory_space<hbm>>) target_semaphore(%arg16 : memref<!tpu.dma_semaphore, #tpu.memory_space<semaphore_mem>>)
    %add3A_101 = arith.constant 400 : i32
    %add3A_102 = arith.addi %mul3A_5, %add3A_101 : i32
    %add3A_103 = arith.constant 400 : i32
    %add3A_104 = arith.addi %mul3A_5, %add3A_103 : i32
    %dma_start3A_105 = arith.constant 0 : i32
    %dma_start3A_106 = tpu.memref_slice %arg4[%arg0, %add3A_104, %dma_start3A_105] : memref<2x10112x128xf32, #tpu.memory_space<hbm>> -> memref<1x80x128xf32, #tpu.memory_space<hbm>>
    %dma_start3A_107 = tpu.memref_squeeze %dma_start3A_106 : memref<1x80x128xf32, #tpu.memory_space<hbm>> -> memref<80x128xf32, #tpu.memory_space<hbm>>
    %dma_start3A_108 = arith.constant 0 : i32
    %dma_start3A_109 = tpu.memref_slice %arg15[%add3A_102, %dma_start3A_108] : memref<10112x128xf32, #tpu.memory_space<vmem_shared>> -> memref<80x128xf32, #tpu.memory_space<vmem_shared>>
    tpu.enqueue_dma source(%dma_start3A_109 : memref<80x128xf32, #tpu.memory_space<vmem_shared>>) target(%dma_start3A_107 : memref<80x128xf32, #tpu.memory_space<hbm>>) target_semaphore(%arg17 : memref<!tpu.dma_semaphore, #tpu.memory_space<semaphore_mem>>)
    %add3A_110 = arith.constant 480 : i32
    %add3A_111 = arith.addi %mul3A_5, %add3A_110 : i32
    %add3A_112 = arith.constant 480 : i32
    %add3A_113 = arith.addi %mul3A_5, %add3A_112 : i32
    %dma_start3A_114 = arith.constant 0 : i32
    %dma_start3A_115 = tpu.memref_slice %arg4[%arg0, %add3A_113, %dma_start3A_114] : memref<2x10112x128xf32, #tpu.memory_space<hbm>> -> memref<1x80x128xf32, #tpu.memory_space<hbm>>
    %dma_start3A_116 = tpu.memref_squeeze %dma_start3A_115 : memref<1x80x128xf32, #tpu.memory_space<hbm>> -> memref<80x128xf32, #tpu.memory_space<hbm>>
    %dma_start3A_117 = arith.constant 0 : i32
    %dma_start3A_118 = tpu.memref_slice %arg15[%add3A_111, %dma_start3A_117] : memref<10112x128xf32, #tpu.memory_space<vmem_shared>> -> memref<80x128xf32, #tpu.memory_space<vmem_shared>>
    tpu.enqueue_dma source(%dma_start3A_118 : memref<80x128xf32, #tpu.memory_space<vmem_shared>>) target(%dma_start3A_116 : memref<80x128xf32, #tpu.memory_space<hbm>>) target_semaphore(%arg18 : memref<!tpu.dma_semaphore, #tpu.memory_space<semaphore_mem>>)
    %add3A_119 = arith.constant 560 : i32
    %add3A_120 = arith.addi %mul3A_5, %add3A_119 : i32
    %add3A_121 = arith.constant 560 : i32
    %add3A_122 = arith.addi %mul3A_5, %add3A_121 : i32
    %dma_start3A_123 = arith.constant 0 : i32
    %dma_start3A_124 = tpu.memref_slice %arg4[%arg0, %add3A_122, %dma_start3A_123] : memref<2x10112x128xf32, #tpu.memory_space<hbm>> -> memref<1x72x128xf32, #tpu.memory_space<hbm>>
    %dma_start3A_125 = tpu.memref_squeeze %dma_start3A_124 : memref<1x72x128xf32, #tpu.memory_space<hbm>> -> memref<72x128xf32, #tpu.memory_space<hbm>>
    %dma_start3A_126 = arith.constant 0 : i32
    %dma_start3A_127 = tpu.memref_slice %arg15[%add3A_120, %dma_start3A_126] : memref<10112x128xf32, #tpu.memory_space<vmem_shared>> -> memref<72x128xf32, #tpu.memory_space<vmem_shared>>
    tpu.enqueue_dma source(%dma_start3A_127 : memref<72x128xf32, #tpu.memory_space<vmem_shared>>) target(%dma_start3A_125 : memref<72x128xf32, #tpu.memory_space<hbm>>) target_semaphore(%arg19 : memref<!tpu.dma_semaphore, #tpu.memory_space<semaphore_mem>>)
    %add3A_128 = arith.constant 0 : i32
    %add3A_129 = arith.addi %mul3A_5, %add3A_128 : i32
    %add3A_130 = arith.constant 0 : i32
    %add3A_131 = arith.addi %mul3A_5, %add3A_130 : i32
    %dma_wait3A = arith.constant 0 : i32
    %dma_wait3A_132 = tpu.memref_slice %arg4[%arg0, %add3A_131, %dma_wait3A] : memref<2x10112x128xf32, #tpu.memory_space<hbm>> -> memref<1x80x128xf32, #tpu.memory_space<hbm>>
    %dma_wait3A_133 = tpu.memref_squeeze %dma_wait3A_132 : memref<1x80x128xf32, #tpu.memory_space<hbm>> -> memref<80x128xf32, #tpu.memory_space<hbm>>
    %dma_wait3A_134 = arith.constant 0 : i32
    %dma_wait3A_135 = tpu.memref_slice %arg15[%add3A_129, %dma_wait3A_134] : memref<10112x128xf32, #tpu.memory_space<vmem_shared>> -> memref<80x128xf32, #tpu.memory_space<vmem_shared>>
    tpu.wait_dma2 semaphore(%arg16 : memref<!tpu.dma_semaphore, #tpu.memory_space<semaphore_mem>>) src(%dma_wait3A_135 : memref<80x128xf32, #tpu.memory_space<vmem_shared>>) dst(%dma_wait3A_133 : memref<80x128xf32, #tpu.memory_space<hbm>>)
    %add3A_136 = arith.constant 80 : i32
    %add3A_137 = arith.addi %mul3A_5, %add3A_136 : i32
    %add3A_138 = arith.constant 80 : i32
    %add3A_139 = arith.addi %mul3A_5, %add3A_138 : i32
    %dma_wait3A_140 = arith.constant 0 : i32
    %dma_wait3A_141 = tpu.memref_slice %arg4[%arg0, %add3A_139, %dma_wait3A_140] : memref<2x10112x128xf32, #tpu.memory_space<hbm>> -> memref<1x80x128xf32, #tpu.memory_space<hbm>>
    %dma_wait3A_142 = tpu.memref_squeeze %dma_wait3A_141 : memref<1x80x128xf32, #tpu.memory_space<hbm>> -> memref<80x128xf32, #tpu.memory_space<hbm>>
    %dma_wait3A_143 = arith.constant 0 : i32
    %dma_wait3A_144 = tpu.memref_slice %arg15[%add3A_137, %dma_wait3A_143] : memref<10112x128xf32, #tpu.memory_space<vmem_shared>> -> memref<80x128xf32, #tpu.memory_space<vmem_shared>>
    tpu.wait_dma2 semaphore(%arg17 : memref<!tpu.dma_semaphore, #tpu.memory_space<semaphore_mem>>) src(%dma_wait3A_144 : memref<80x128xf32, #tpu.memory_space<vmem_shared>>) dst(%dma_wait3A_142 : memref<80x128xf32, #tpu.memory_space<hbm>>)
    %add3A_145 = arith.constant 160 : i32
    %add3A_146 = arith.addi %mul3A_5, %add3A_145 : i32
    %add3A_147 = arith.constant 160 : i32
    %add3A_148 = arith.addi %mul3A_5, %add3A_147 : i32
    %dma_wait3A_149 = arith.constant 0 : i32
    %dma_wait3A_150 = tpu.memref_slice %arg4[%arg0, %add3A_148, %dma_wait3A_149] : memref<2x10112x128xf32, #tpu.memory_space<hbm>> -> memref<1x80x128xf32, #tpu.memory_space<hbm>>
    %dma_wait3A_151 = tpu.memref_squeeze %dma_wait3A_150 : memref<1x80x128xf32, #tpu.memory_space<hbm>> -> memref<80x128xf32, #tpu.memory_space<hbm>>
    %dma_wait3A_152 = arith.constant 0 : i32
    %dma_wait3A_153 = tpu.memref_slice %arg15[%add3A_146, %dma_wait3A_152] : memref<10112x128xf32, #tpu.memory_space<vmem_shared>> -> memref<80x128xf32, #tpu.memory_space<vmem_shared>>
    tpu.wait_dma2 semaphore(%arg18 : memref<!tpu.dma_semaphore, #tpu.memory_space<semaphore_mem>>) src(%dma_wait3A_153 : memref<80x128xf32, #tpu.memory_space<vmem_shared>>) dst(%dma_wait3A_151 : memref<80x128xf32, #tpu.memory_space<hbm>>)
    %add3A_154 = arith.constant 240 : i32
    %add3A_155 = arith.addi %mul3A_5, %add3A_154 : i32
    %add3A_156 = arith.constant 240 : i32
    %add3A_157 = arith.addi %mul3A_5, %add3A_156 : i32
    %dma_wait3A_158 = arith.constant 0 : i32
    %dma_wait3A_159 = tpu.memref_slice %arg4[%arg0, %add3A_157, %dma_wait3A_158] : memref<2x10112x128xf32, #tpu.memory_space<hbm>> -> memref<1x80x128xf32, #tpu.memory_space<hbm>>
    %dma_wait3A_160 = tpu.memref_squeeze %dma_wait3A_159 : memref<1x80x128xf32, #tpu.memory_space<hbm>> -> memref<80x128xf32, #tpu.memory_space<hbm>>
    %dma_wait3A_161 = arith.constant 0 : i32
    %dma_wait3A_162 = tpu.memref_slice %arg15[%add3A_155, %dma_wait3A_161] : memref<10112x128xf32, #tpu.memory_space<vmem_shared>> -> memref<80x128xf32, #tpu.memory_space<vmem_shared>>
    tpu.wait_dma2 semaphore(%arg19 : memref<!tpu.dma_semaphore, #tpu.memory_space<semaphore_mem>>) src(%dma_wait3A_162 : memref<80x128xf32, #tpu.memory_space<vmem_shared>>) dst(%dma_wait3A_160 : memref<80x128xf32, #tpu.memory_space<hbm>>)
    %add3A_163 = arith.constant 320 : i32
    %add3A_164 = arith.addi %mul3A_5, %add3A_163 : i32
    %add3A_165 = arith.constant 320 : i32
    %add3A_166 = arith.addi %mul3A_5, %add3A_165 : i32
    %dma_wait3A_167 = arith.constant 0 : i32
    %dma_wait3A_168 = tpu.memref_slice %arg4[%arg0, %add3A_166, %dma_wait3A_167] : memref<2x10112x128xf32, #tpu.memory_space<hbm>> -> memref<1x80x128xf32, #tpu.memory_space<hbm>>
    %dma_wait3A_169 = tpu.memref_squeeze %dma_wait3A_168 : memref<1x80x128xf32, #tpu.memory_space<hbm>> -> memref<80x128xf32, #tpu.memory_space<hbm>>
    %dma_wait3A_170 = arith.constant 0 : i32
    %dma_wait3A_171 = tpu.memref_slice %arg15[%add3A_164, %dma_wait3A_170] : memref<10112x128xf32, #tpu.memory_space<vmem_shared>> -> memref<80x128xf32, #tpu.memory_space<vmem_shared>>
    tpu.wait_dma2 semaphore(%arg16 : memref<!tpu.dma_semaphore, #tpu.memory_space<semaphore_mem>>) src(%dma_wait3A_171 : memref<80x128xf32, #tpu.memory_space<vmem_shared>>) dst(%dma_wait3A_169 : memref<80x128xf32, #tpu.memory_space<hbm>>)
    %add3A_172 = arith.constant 400 : i32
    %add3A_173 = arith.addi %mul3A_5, %add3A_172 : i32
    %add3A_174 = arith.constant 400 : i32
    %add3A_175 = arith.addi %mul3A_5, %add3A_174 : i32
    %dma_wait3A_176 = arith.constant 0 : i32
    %dma_wait3A_177 = tpu.memref_slice %arg4[%arg0, %add3A_175, %dma_wait3A_176] : memref<2x10112x128xf32, #tpu.memory_space<hbm>> -> memref<1x80x128xf32, #tpu.memory_space<hbm>>
    %dma_wait3A_178 = tpu.memref_squeeze %dma_wait3A_177 : memref<1x80x128xf32, #tpu.memory_space<hbm>> -> memref<80x128xf32, #tpu.memory_space<hbm>>
    %dma_wait3A_179 = arith.constant 0 : i32
    %dma_wait3A_180 = tpu.memref_slice %arg15[%add3A_173, %dma_wait3A_179] : memref<10112x128xf32, #tpu.memory_space<vmem_shared>> -> memref<80x128xf32, #tpu.memory_space<vmem_shared>>
    tpu.wait_dma2 semaphore(%arg17 : memref<!tpu.dma_semaphore, #tpu.memory_space<semaphore_mem>>) src(%dma_wait3A_180 : memref<80x128xf32, #tpu.memory_space<vmem_shared>>) dst(%dma_wait3A_178 : memref<80x128xf32, #tpu.memory_space<hbm>>)
    %add3A_181 = arith.constant 480 : i32
    %add3A_182 = arith.addi %mul3A_5, %add3A_181 : i32
    %add3A_183 = arith.constant 480 : i32
    %add3A_184 = arith.addi %mul3A_5, %add3A_183 : i32
    %dma_wait3A_185 = arith.constant 0 : i32
    %dma_wait3A_186 = tpu.memref_slice %arg4[%arg0, %add3A_184, %dma_wait3A_185] : memref<2x10112x128xf32, #tpu.memory_space<hbm>> -> memref<1x80x128xf32, #tpu.memory_space<hbm>>
    %dma_wait3A_187 = tpu.memref_squeeze %dma_wait3A_186 : memref<1x80x128xf32, #tpu.memory_space<hbm>> -> memref<80x128xf32, #tpu.memory_space<hbm>>
    %dma_wait3A_188 = arith.constant 0 : i32
    %dma_wait3A_189 = tpu.memref_slice %arg15[%add3A_182, %dma_wait3A_188] : memref<10112x128xf32, #tpu.memory_space<vmem_shared>> -> memref<80x128xf32, #tpu.memory_space<vmem_shared>>
    tpu.wait_dma2 semaphore(%arg18 : memref<!tpu.dma_semaphore, #tpu.memory_space<semaphore_mem>>) src(%dma_wait3A_189 : memref<80x128xf32, #tpu.memory_space<vmem_shared>>) dst(%dma_wait3A_187 : memref<80x128xf32, #tpu.memory_space<hbm>>)
    %add3A_190 = arith.constant 560 : i32
    %add3A_191 = arith.addi %mul3A_5, %add3A_190 : i32
    %add3A_192 = arith.constant 560 : i32
    %add3A_193 = arith.addi %mul3A_5, %add3A_192 : i32
    %dma_wait3A_194 = arith.constant 0 : i32
    %dma_wait3A_195 = tpu.memref_slice %arg4[%arg0, %add3A_193, %dma_wait3A_194] : memref<2x10112x128xf32, #tpu.memory_space<hbm>> -> memref<1x72x128xf32, #tpu.memory_space<hbm>>
    %dma_wait3A_196 = tpu.memref_squeeze %dma_wait3A_195 : memref<1x72x128xf32, #tpu.memory_space<hbm>> -> memref<72x128xf32, #tpu.memory_space<hbm>>
    %dma_wait3A_197 = arith.constant 0 : i32
    %dma_wait3A_198 = tpu.memref_slice %arg15[%add3A_191, %dma_wait3A_197] : memref<10112x128xf32, #tpu.memory_space<vmem_shared>> -> memref<72x128xf32, #tpu.memory_space<vmem_shared>>
    tpu.wait_dma2 semaphore(%arg19 : memref<!tpu.dma_semaphore, #tpu.memory_space<semaphore_mem>>) src(%dma_wait3A_198 : memref<72x128xf32, #tpu.memory_space<vmem_shared>>) dst(%dma_wait3A_196 : memref<72x128xf32, #tpu.memory_space<hbm>>)
    return
  }
}

module attributes {stable_mosaic.version = 14 : i64} {
  func.func @body(%arg0: i32, %arg1: memref<1000x128xf32, #tpu.memory_space<vmem>>, %arg2: memref<128x128xf32, #tpu.memory_space<vmem>>, %arg3: memref<1000x1xf32, #tpu.memory_space<vmem>>, %arg4: memref<1000x1xf32, #tpu.memory_space<vmem>>, %arg5: memref<1000x128xf32, #tpu.memory_space<vmem>>, %arg6: memref<1000x1xf32, #tpu.memory_space<vmem>>) attributes {dimension_semantics = [#tpu.dimension_semantics<arbitrary>], iteration_bounds = array<i64: 10>, scalar_prefetch = 0 : i64, scratch_operands = 0 : i64, tpu.core_type = #tpu.core_type<tc>, window_params = [{transform_indices = @transform_0, window_bounds = array<i64: 1000, 128>}, {pipeline_mode = #tpu.pipeline_mode<synchronous>, transform_indices = @transform_1, window_bounds = array<i64: 128, 128>}, {transform_indices = @transform_2, window_bounds = array<i64: 1000, 1>}, {transform_indices = @transform_3, window_bounds = array<i64: 1000, 1>}, {transform_indices = @transform_4, window_bounds = array<i64: 1000, 128>}, {transform_indices = @transform_5, window_bounds = array<i64: 1000, 1>}]} {
    %get3A = arith.constant 0 : index
    %get3A_0 = arith.constant 0 : index
    %get3A_1 = vector.load %arg3[%get3A, %get3A_0] : memref<1000x1xf32, #tpu.memory_space<vmem>>, vector<1000x1xf32>
    %get3A_2 = arith.constant 0 : index
    %get3A_3 = arith.constant 0 : index
    %get3A_4 = vector.load %arg4[%get3A_2, %get3A_3] : memref<1000x1xf32, #tpu.memory_space<vmem>>, vector<1000x1xf32>
    %add3A = arith.addf %get3A_1, %get3A_4 : vector<1000x1xf32>
    %add3A_5 = arith.constant 1.000000e+00 : f32
    %add3A_6 = vector.broadcast %add3A_5 : f32 to vector<1000x1xf32>
    %add3A_7 = arith.addf %add3A, %add3A_6 : vector<1000x1xf32>
    %rsqrt3A = math.rsqrt %add3A_7 : vector<1000x1xf32>
    %get3A_8 = arith.constant 0 : index
    %get3A_9 = arith.constant 0 : index
    %get3A_10 = vector.load %arg1[%get3A_8, %get3A_9] : memref<1000x128xf32, #tpu.memory_space<vmem>>, vector<1000x128xf32>
    %get3A_11 = arith.constant 0 : index
    %get3A_12 = arith.constant 0 : index
    %get3A_13 = vector.load %arg2[%get3A_11, %get3A_12] : memref<128x128xf32, #tpu.memory_space<vmem>>, vector<128x128xf32>
    %dot_general3A = arith.constant dense<0.000000e+00> : vector<1000x128xf32>
    %dot_general3A_14 = tpu.matmul %get3A_10, %get3A_13, %dot_general3A {dimension_numbers = #tpu.dot_dimension_numbers<[1], [0], [0], [1], [0, 0, 1, 1], [], []>, precision = #tpu.contract_precision<fp32>, transpose_lhs_hint = false} : vector<1000x128xf32>, vector<128x128xf32>, vector<1000x128xf32> -> vector<1000x128xf32>
    %mul3A = vector.broadcast %rsqrt3A : vector<1000x1xf32> to vector<1000x128xf32>
    %mul3A_15 = arith.mulf %dot_general3A_14, %mul3A : vector<1000x128xf32>
    %swap3A = arith.constant 0 : index
    %swap3A_16 = arith.constant 0 : index
    %swap3A_17 = vector.load %arg5[%swap3A, %swap3A_16] : memref<1000x128xf32, #tpu.memory_space<vmem>>, vector<1000x128xf32>
    tpu.vector_store %arg5[%swap3A, %swap3A_16], %mul3A_15 {strides = array<i32>} : memref<1000x128xf32, #tpu.memory_space<vmem>>, vector<1000x128xf32>,
    %swap3A_18 = arith.constant 0 : index
    %swap3A_19 = arith.constant 0 : index
    %swap3A_20 = vector.load %arg6[%swap3A_18, %swap3A_19] : memref<1000x1xf32, #tpu.memory_space<vmem>>, vector<1000x1xf32>
    tpu.vector_store %arg6[%swap3A_18, %swap3A_19], %rsqrt3A {strides = array<i32>} : memref<1000x1xf32, #tpu.memory_space<vmem>>, vector<1000x1xf32>,
    return
  }
  func.func @transform_0(%arg0: i32) -> (i32, i32) {
    %c0_i32 = arith.constant 0 : i32
    %c0_i32_0 = arith.constant 0 : i32
    return %arg0, %c0_i32 : i32, i32
  }
  func.func @transform_1(%arg0: i32) -> (i32, i32) {
    %c0_i32 = arith.constant 0 : i32
    %c0_i32_0 = arith.constant 0 : i32
    %c0_i32_1 = arith.constant 0 : i32
    return %c0_i32, %c0_i32_0 : i32, i32
  }
  func.func @transform_2(%arg0: i32) -> (i32, i32) {
    %c0_i32 = arith.constant 0 : i32
    %c0_i32_0 = arith.constant 0 : i32
    return %arg0, %c0_i32 : i32, i32
  }
  func.func @transform_3(%arg0: i32) -> (i32, i32) {
    %c0_i32 = arith.constant 0 : i32
    %c0_i32_0 = arith.constant 0 : i32
    return %arg0, %c0_i32 : i32, i32
  }
  func.func @transform_4(%arg0: i32) -> (i32, i32) {
    %c0_i32 = arith.constant 0 : i32
    %c0_i32_0 = arith.constant 0 : i32
    return %arg0, %c0_i32 : i32, i32
  }
  func.func @transform_5(%arg0: i32) -> (i32, i32) {
    %c0_i32 = arith.constant 0 : i32
    %c0_i32_0 = arith.constant 0 : i32
    return %arg0, %c0_i32 : i32, i32
  }
}

module attributes {stable_mosaic.version = 14 : i64} {
  func.func @body(%arg0: i32, %arg1: memref<2x1000x128xf32, #tpu.memory_space<vmem>>, %arg2: memref<1000x128xf32, #tpu.memory_space<vmem>>, %arg3: memref<1000x1xf32, #tpu.memory_space<vmem>>, %arg4: memref<1x128xf32, #tpu.memory_space<vmem>>, %arg5: memref<128x128xf32, #tpu.memory_space<vmem>>, %arg6: memref<1000x128xf32, #tpu.memory_space<vmem>>) attributes {dimension_semantics = [#tpu.dimension_semantics<arbitrary>], iteration_bounds = array<i64: 10>, scalar_prefetch = 0 : i64, scratch_operands = 0 : i64, tpu.core_type = #tpu.core_type<tc>, window_params = [{transform_indices = @transform_0, window_bounds = array<i64: 2, 1000, 128>}, {transform_indices = @transform_1, window_bounds = array<i64: 1000, 128>}, {transform_indices = @transform_2, window_bounds = array<i64: 1000, 1>}, {pipeline_mode = #tpu.pipeline_mode<synchronous>, transform_indices = @transform_3, window_bounds = array<i64: 1, 128>}, {pipeline_mode = #tpu.pipeline_mode<synchronous>, transform_indices = @transform_4, window_bounds = array<i64: 128, 128>}, {transform_indices = @transform_5, window_bounds = array<i64: 1000, 128>}]} {
    %get3A = arith.constant 0 : index
    %get3A_0 = arith.constant 0 : index
    %get3A_1 = arith.constant 0 : index
    %get3A_2 = vector.load %arg1[%get3A, %get3A_0, %get3A_1] : memref<2x1000x128xf32, #tpu.memory_space<vmem>>, vector<2x1000x128xf32>
    %reduce_sum3A = arith.constant dense<0.000000e+00> : vector<1000x128xf32>
    %reduce_sum3A_3 = vector.multi_reduction <add>, %get3A_2, %reduce_sum3A [0] : vector<2x1000x128xf32> to vector<1000x128xf32>
    %get3A_4 = arith.constant 0 : index
    %get3A_5 = arith.constant 0 : index
    %get3A_6 = vector.load %arg3[%get3A_4, %get3A_5] : memref<1000x1xf32, #tpu.memory_space<vmem>>, vector<1000x1xf32>
    %get3A_7 = arith.constant 0 : index
    %get3A_8 = arith.constant 0 : index
    %get3A_9 = vector.load %arg2[%get3A_7, %get3A_8] : memref<1000x128xf32, #tpu.memory_space<vmem>>, vector<1000x128xf32>
    %add3A = arith.addf %reduce_sum3A_3, %get3A_9 : vector<1000x128xf32>
    %mul3A = vector.broadcast %get3A_6 : vector<1000x1xf32> to vector<1000x128xf32>
    %mul3A_10 = arith.mulf %mul3A, %add3A : vector<1000x128xf32>
    %get3A_11 = arith.constant 0 : index
    %get3A_12 = arith.constant 0 : index
    %get3A_13 = vector.load %arg4[%get3A_11, %get3A_12] : memref<1x128xf32, #tpu.memory_space<vmem>>, vector<1x128xf32>
    %add3A_14 = vector.broadcast %get3A_13 : vector<1x128xf32> to vector<1000x128xf32>
    %add3A_15 = arith.addf %mul3A_10, %add3A_14 : vector<1000x128xf32>
    %ge3A = arith.constant 0.000000e+00 : f32
    %ge3A_16 = vector.broadcast %ge3A : f32 to vector<1000x128xf32>
    %ge3A_17 = arith.cmpf oge, %add3A_15, %ge3A_16 : vector<1000x128xf32>
    %mul3A_18 = arith.constant 0.00999999977 : f32
    %mul3A_19 = vector.broadcast %mul3A_18 : f32 to vector<1000x128xf32>
    %mul3A_20 = arith.mulf %mul3A_19, %add3A_15 : vector<1000x128xf32>
    %select_n3A = arith.select %ge3A_17, %add3A_15, %mul3A_20 : vector<1000x128xi1>, vector<1000x128xf32>
    %get3A_21 = arith.constant 0 : index
    %get3A_22 = arith.constant 0 : index
    %get3A_23 = vector.load %arg5[%get3A_21, %get3A_22] : memref<128x128xf32, #tpu.memory_space<vmem>>, vector<128x128xf32>
    %dot_general3A = arith.constant dense<0.000000e+00> : vector<1000x128xf32>
    %dot_general3A_24 = tpu.matmul %select_n3A, %get3A_23, %dot_general3A {dimension_numbers = #tpu.dot_dimension_numbers<[1], [0], [0], [1], [0, 0, 1, 1], [], []>, precision = #tpu.contract_precision<fp32>, transpose_lhs_hint = false} : vector<1000x128xf32>, vector<128x128xf32>, vector<1000x128xf32> -> vector<1000x128xf32>
    %mul3A_25 = vector.broadcast %get3A_6 : vector<1000x1xf32> to vector<1000x128xf32>
    %mul3A_26 = arith.mulf %dot_general3A_24, %mul3A_25 : vector<1000x128xf32>
    %swap3A = arith.constant 0 : index
    %swap3A_27 = arith.constant 0 : index
    %swap3A_28 = vector.load %arg6[%swap3A, %swap3A_27] : memref<1000x128xf32, #tpu.memory_space<vmem>>, vector<1000x128xf32>
    tpu.vector_store %arg6[%swap3A, %swap3A_27], %mul3A_26 {strides = array<i32>} : memref<1000x128xf32, #tpu.memory_space<vmem>>, vector<1000x128xf32>,
    return
  }
  func.func @transform_0(%arg0: i32) -> (i32, i32, i32) {
    %c0_i32 = arith.constant 0 : i32
    %c0_i32_0 = arith.constant 0 : i32
    %c0_i32_1 = arith.constant 0 : i32
    return %c0_i32, %arg0, %c0_i32_0 : i32, i32, i32
  }
  func.func @transform_1(%arg0: i32) -> (i32, i32) {
    %c0_i32 = arith.constant 0 : i32
    %c0_i32_0 = arith.constant 0 : i32
    return %arg0, %c0_i32 : i32, i32
  }
  func.func @transform_2(%arg0: i32) -> (i32, i32) {
    %c0_i32 = arith.constant 0 : i32
    %c0_i32_0 = arith.constant 0 : i32
    return %arg0, %c0_i32 : i32, i32
  }
  func.func @transform_3(%arg0: i32) -> (i32, i32) {
    %c0_i32 = arith.constant 0 : i32
    %c0_i32_0 = arith.constant 0 : i32
    %c0_i32_1 = arith.constant 0 : i32
    return %c0_i32, %c0_i32_0 : i32, i32
  }
  func.func @transform_4(%arg0: i32) -> (i32, i32) {
    %c0_i32 = arith.constant 0 : i32
    %c0_i32_0 = arith.constant 0 : i32
    %c0_i32_1 = arith.constant 0 : i32
    return %c0_i32, %c0_i32_0 : i32, i32
  }
  func.func @transform_5(%arg0: i32) -> (i32, i32) {
    %c0_i32 = arith.constant 0 : i32
    %c0_i32_0 = arith.constant 0 : i32
    return %arg0, %c0_i32 : i32, i32
  }
}

module attributes {stable_mosaic.version = 14 : i64} {
  func.func @body(%arg0: i32, %arg1: memref<2x1000x128xf32, #tpu.memory_space<vmem>>, %arg2: memref<1000x128xf32, #tpu.memory_space<vmem>>, %arg3: memref<1000x1xf32, #tpu.memory_space<vmem>>, %arg4: memref<1x128xf32, #tpu.memory_space<vmem>>, %arg5: memref<1000x128xf32, #tpu.memory_space<vmem>>) attributes {dimension_semantics = [#tpu.dimension_semantics<arbitrary>], iteration_bounds = array<i64: 10>, scalar_prefetch = 0 : i64, scratch_operands = 0 : i64, tpu.core_type = #tpu.core_type<tc>, window_params = [{transform_indices = @transform_0, window_bounds = array<i64: 2, 1000, 128>}, {transform_indices = @transform_1, window_bounds = array<i64: 1000, 128>}, {transform_indices = @transform_2, window_bounds = array<i64: 1000, 1>}, {pipeline_mode = #tpu.pipeline_mode<synchronous>, transform_indices = @transform_3, window_bounds = array<i64: 1, 128>}, {transform_indices = @transform_4, window_bounds = array<i64: 1000, 128>}]} {
    %get3A = arith.constant 0 : index
    %get3A_0 = arith.constant 0 : index
    %get3A_1 = arith.constant 0 : index
    %get3A_2 = vector.load %arg1[%get3A, %get3A_0, %get3A_1] : memref<2x1000x128xf32, #tpu.memory_space<vmem>>, vector<2x1000x128xf32>
    %reduce_sum3A = arith.constant dense<0.000000e+00> : vector<1000x128xf32>
    %reduce_sum3A_3 = vector.multi_reduction <add>, %get3A_2, %reduce_sum3A [0] : vector<2x1000x128xf32> to vector<1000x128xf32>
    %get3A_4 = arith.constant 0 : index
    %get3A_5 = arith.constant 0 : index
    %get3A_6 = vector.load %arg3[%get3A_4, %get3A_5] : memref<1000x1xf32, #tpu.memory_space<vmem>>, vector<1000x1xf32>
    %get3A_7 = arith.constant 0 : index
    %get3A_8 = arith.constant 0 : index
    %get3A_9 = vector.load %arg2[%get3A_7, %get3A_8] : memref<1000x128xf32, #tpu.memory_space<vmem>>, vector<1000x128xf32>
    %add3A = arith.addf %reduce_sum3A_3, %get3A_9 : vector<1000x128xf32>
    %mul3A = vector.broadcast %get3A_6 : vector<1000x1xf32> to vector<1000x128xf32>
    %mul3A_10 = arith.mulf %mul3A, %add3A : vector<1000x128xf32>
    %get3A_11 = arith.constant 0 : index
    %get3A_12 = arith.constant 0 : index
    %get3A_13 = vector.load %arg4[%get3A_11, %get3A_12] : memref<1x128xf32, #tpu.memory_space<vmem>>, vector<1x128xf32>
    %add3A_14 = vector.broadcast %get3A_13 : vector<1x128xf32> to vector<1000x128xf32>
    %add3A_15 = arith.addf %mul3A_10, %add3A_14 : vector<1000x128xf32>
    %ge3A = arith.constant 0.000000e+00 : f32
    %ge3A_16 = vector.broadcast %ge3A : f32 to vector<1000x128xf32>
    %ge3A_17 = arith.cmpf oge, %add3A_15, %ge3A_16 : vector<1000x128xf32>
    %mul3A_18 = arith.constant 0.00999999977 : f32
    %mul3A_19 = vector.broadcast %mul3A_18 : f32 to vector<1000x128xf32>
    %mul3A_20 = arith.mulf %mul3A_19, %add3A_15 : vector<1000x128xf32>
    %select_n3A = arith.select %ge3A_17, %add3A_15, %mul3A_20 : vector<1000x128xi1>, vector<1000x128xf32>
    %swap3A = arith.constant 0 : index
    %swap3A_21 = arith.constant 0 : index
    %swap3A_22 = vector.load %arg5[%swap3A, %swap3A_21] : memref<1000x128xf32, #tpu.memory_space<vmem>>, vector<1000x128xf32>
    tpu.vector_store %arg5[%swap3A, %swap3A_21], %select_n3A {strides = array<i32>} : memref<1000x128xf32, #tpu.memory_space<vmem>>, vector<1000x128xf32>,
    return
  }
  func.func @transform_0(%arg0: i32) -> (i32, i32, i32) {
    %c0_i32 = arith.constant 0 : i32
    %c0_i32_0 = arith.constant 0 : i32
    %c0_i32_1 = arith.constant 0 : i32
    return %c0_i32, %arg0, %c0_i32_0 : i32, i32, i32
  }
  func.func @transform_1(%arg0: i32) -> (i32, i32) {
    %c0_i32 = arith.constant 0 : i32
    %c0_i32_0 = arith.constant 0 : i32
    return %arg0, %c0_i32 : i32, i32
  }
  func.func @transform_2(%arg0: i32) -> (i32, i32) {
    %c0_i32 = arith.constant 0 : i32
    %c0_i32_0 = arith.constant 0 : i32
    return %arg0, %c0_i32 : i32, i32
  }
  func.func @transform_3(%arg0: i32) -> (i32, i32) {
    %c0_i32 = arith.constant 0 : i32
    %c0_i32_0 = arith.constant 0 : i32
    %c0_i32_1 = arith.constant 0 : i32
    return %c0_i32, %c0_i32_0 : i32, i32
  }
  func.func @transform_4(%arg0: i32) -> (i32, i32) {
    %c0_i32 = arith.constant 0 : i32
    %c0_i32_0 = arith.constant 0 : i32
    return %arg0, %c0_i32 : i32, i32
  }
}

</mosaic_0001>

<sc_bundles>
// kernel: kernel.11.cloned.1.call-start
scs
__scs_entry_jumppad:
0x0: {  	(pc) =	sbr.rel $0x88, $3  }
0x1: {  	(tag) =	ssettag $0x0;
	lr =	simm.s32 $0x1  }
0x2: {  	[smem:$0x3F9B] =	sst lr;
	_ =	strace $0xD0000000  }
0x3: {  	_ = 	snop  }
0x4: {  	_ = 	snop  }
0x5: {  	_ = 	snop  }
0x6: {  	_ = 	snop  }
0x7: {  	_ = 	snop  }
__scs_overlays_trampoline_lowered:
0x8: {  	[smem:$0x3FAA] =	sst s0  }
0x9: {  	[smem:$0x3FAB] =	sst s1  }
0xa: {  	[smem:$0x3FAC] =	sst s2  }
0xb: {  	[smem:$0x3FAD] =	sst s3  }
0xc: {  	[smem:$0x3FAE] =	sst s4  }
0xd: {  	[smem:$0x3FAF] =	sst s5  }
0xe: {  	[smem:$0x3FB0] =	sst s6  }
0xf: {  	[smem:$0x3FB1] =	sst s7  }
0x10: {  	[smem:$0x3FB2] =	sst s8  }
0x11: {  	[smem:$0x3FB3] =	sst s9;
	s0 =	simm.s32 @!p0 $0x0  }
0x12: {  	s1 =	sld [smem:$0x3F99];
	s0 =	simm.s32 @p0 $0x1  }
0x13: {  	[smem:$0x3FB4] =	sst s0;
	s0 =	simm.s32 @!p1 $0x0  }
0x14: {  	s2 =	sld [smem:$0x3F98];
	s0 =	simm.s32 @p1 $0x1  }
0x15: {  	[smem:$0x3FB5] =	sst s0;
	s0 =	simm.s32 @!p2 $0x0  }
0x16: {  	s3 =	sld [smem:$0x3FDB];
	s0 =	simm.s32 @p2 $0x1  }
0x17: {  	s4 =	simm.s32 $0x1BF5;
	[smem:$0x3FB7] =	sst s0  }
0x18: {  	s0 =	sld [smem:$0x3F9A];
	_ =	swait.ge [sflag:s4], $0x0  }
0x19: {  	s7 =	sld [smem:$0x3F9B]  }
0x1a: {  	s8 =	sadd.s32 $0xFFFFE003, lr  }
0x1b: {  	s9 =	sadd.s32 $0xFFFFFEF7, lr;
	s5 =	simm.s32 $0xFFFFFFFF;
	p2 =	slt.u32 s8, $0xFFFFF086  }
0x1c: {  	p1 =	slt.u32 s9, $0xF7A;
	s5 =	simm.s32 @!p2 $0x0  }
0x1d: {  	s5 =	simm.s32 @p1 $0x1;
	p0 =	seq.s32 s7, s2  }
0x1e: {  	s7 =	smul.u32 @!p0 $0xF7A, s2;
	p2 =	seq.s32 @!p0 s5, $0x0  }
0x1f: {  	s9 =	smul.u32 $0xF7A, s1;
	s8 =	simm.s32 @!p0 $0x1BF5;
	p2 =	por !p2, p0  }
0x20: {  	[sflag:s8] =	ssyncset.s32 @!p0 $0xFFFFF086;
	s6 =	sadd.s32 @!p0 s3, s7;
	s7 =	simm.s32 @!p0 $0x108  }
0x21: {  	s3 =	sadd.s32 s3, s9;
	s6 =	sadd.s32 @!p0 $0x88, s6;
	s7 =	simm.s32 @p2 $0x1082  }
0x22: {  	[simem:s7], [sflag:s8] =	dma.local @!p0 [hbm:s6], $0xF7A  }
0x23: {  	s9 =	sor.u32 $0xD0000000, s2;
	s6 =	simm.s32 $0x108;
	_ =	swait.ge @!p0 [sflag:s8], $0x0  }
0x24: {  	s3 =	sadd.s32 $0x88, s3;
	s6 =	simm.s32 @!p1 $0x1082;
	[sflag:s4] =	ssyncset.s32 $0xFFFFF086  }
0x25: {  	[simem:s6], [sflag:s4] =	dma.local [hbm:s3], $0xF7A  }
0x26: {  	[smem:$0x3F9B] =	sst s1;
	(tag) =	ssettag s2;
	_ =	strace s9  }
0x27: {  	s1 =	sld [smem:$0x3FAB]  }
0x28: {  	s2 =	sld [smem:$0x3FAC]  }
0x29: {  	s4 =	sld [smem:$0x3FAE]  }
0x2a: {  	p0 =	seq.s32 s5, $0x0;
	s5 =	sld [smem:$0x3FAF]  }
0x2b: {  	s6 =	sld [smem:$0x3FB0]  }
0x2c: {  	s7 =	sld [smem:$0x3FB1]  }
0x2d: {  	s3 =	simm.s32 $0x108;
	s8 =	sld [smem:$0x3FB2]  }
0x2e: {  	s3 =	simm.s32 @!p0 $0x1082;
	s9 =	sld [smem:$0x3FB3]  }
0x2f: {  	lr =	sadd.s32 s0, s3;
	s0 =	sld [smem:$0x3FAA]  }
0x30: {  	s3 =	sld [smem:$0x3FAD]  }
0x31: {  	[smem:$0x3FB6] =	sst s10  }
0x32: {  	s10 =	sld [smem:$0x3FB4];
	_ =	sdelay $0x3  }
0x33: {  	p0 =	seq.s32 s10, $0x1;
	s10 =	sld [smem:$0x3FB6];
	_ =	sdelay $0x3  }
0x34: {  	[smem:$0x3FB6] =	sst s10  }
0x35: {  	s10 =	sld [smem:$0x3FB5];
	_ =	sdelay $0x3  }
0x36: {  	p1 =	seq.s32 s10, $0x1;
	s10 =	sld [smem:$0x3FB6];
	_ =	sdelay $0x3  }
0x37: {  	[smem:$0x3FB6] =	sst s10  }
0x38: {  	s10 =	sld [smem:$0x3FB7]  }
0x39: {  	_ = 	snop;
	(pc) =	sbr.ind lr, $3  }
0x3a: {  	_ = 	snop  }
0x3b: {  	_ = 	snop  }
0x3c: {  	p2 =	seq.s32 s10, $0x1;
	s10 =	sld [smem:$0x3FB6]  }
0x3d: {  	_ =	shalt  }
0x3e: {  	_ =	shalt  }
0x3f: {  	_ =	shalt  }
0x40: {  	_ =	shalt  }
0x41: {  	_ =	shalt  }
0x42: {  	_ =	shalt  }
0x43: {  	_ =	shalt  }
0x44: {  	_ =	shalt  }
0x45: {  	_ =	shalt  }
0x46: {  	_ =	shalt  }
0x47: {  	_ =	shalt  }
0x48: {  	_ =	shalt  }
0x49: {  	_ =	shalt  }
0x4a: {  	_ =	shalt  }
0x4b: {  	_ =	shalt  }
0x4c: {  	_ =	shalt  }
0x4d: {  	_ =	shalt  }
0x4e: {  	_ =	shalt  }
0x4f: {  	_ =	shalt  }
0x50: {  	_ =	shalt  }
0x51: {  	_ =	shalt  }
0x52: {  	_ =	shalt  }
0x53: {  	_ =	shalt  }
0x54: {  	_ =	shalt  }
0x55: {  	_ =	shalt  }
0x56: {  	_ =	shalt  }
0x57: {  	_ =	shalt  }
0x58: {  	_ =	shalt  }
0x59: {  	_ =	shalt  }
0x5a: {  	_ =	shalt  }
0x5b: {  	_ =	shalt  }
0x5c: {  	_ =	shalt  }
0x5d: {  	_ =	shalt  }
0x5e: {  	_ =	shalt  }
0x5f: {  	_ =	shalt  }
0x60: {  	_ =	shalt  }
0x61: {  	_ =	shalt  }
0x62: {  	_ =	shalt  }
0x63: {  	_ =	shalt  }
0x64: {  	_ =	shalt  }
0x65: {  	_ =	shalt  }
0x66: {  	_ =	shalt  }
0x67: {  	_ =	shalt  }
0x68: {  	_ =	shalt  }
0x69: {  	_ =	shalt  }
0x6a: {  	_ =	shalt  }
0x6b: {  	_ =	shalt  }
0x6c: {  	_ =	shalt  }
0x6d: {  	_ =	shalt  }
0x6e: {  	_ =	shalt  }
0x6f: {  	_ =	shalt  }
0x70: {  	_ =	shalt  }
0x71: {  	_ =	shalt  }
0x72: {  	_ =	shalt  }
0x73: {  	_ =	shalt  }
0x74: {  	_ =	shalt  }
0x75: {  	_ =	shalt  }
0x76: {  	_ =	shalt  }
0x77: {  	_ =	shalt  }
0x78: {  	_ =	shalt  }
0x79: {  	_ =	shalt  }
0x7a: {  	_ =	shalt  }
0x7b: {  	_ =	shalt  }
0x7c: {  	_ =	shalt  }
0x7d: {  	_ =	shalt  }
0x7e: {  	_ =	shalt  }
0x7f: {  	_ =	shalt  }
0x80: {  	_ =	shalt  }
0x81: {  	_ =	shalt  }
0x82: {  	_ =	shalt  }
0x83: {  	_ =	shalt  }
0x84: {  	_ =	shalt  }
0x85: {  	_ =	shalt  }
0x86: {  	_ =	shalt  }
0x87: {  	_ =	shalt  }
.Lfunc_end0:
.L_simem_size_0:
called_computation.1_lowered:
.L_overlay_start_0:
0x88: {  	s2 =	sld [smem:$0x3FD9]  }
0x89: {  	s3 =	sld [smem:$0x3FFE];
	_ =	sdelay $0x1  }
0x8a: {  	s1 =	srdreg.scid  }
0x8b: {  	s0 =	sand.u32 $0x1, s1  }
0x8c: {  	s17 =	sshll.u32 s0, $0xA;
	s2 =	sadd.s32 s3, s2  }
0x8d: {  	s2 =	sadd.s32 s2, s17  }
0x8e: {  	[smem:$0x3FC2] =	sst s2  }
0x8f: {  	_ = 	snop  }
0x90: {  	s2 =	sld [smem:$0x3FD0];
	(tm) =	ssettm $0x1  }
0x91: {  	s18 =	sld [smem:$0x3FFB];
	_ =	sdelay $0x3  }
0x92: {  	_ =	strace s18  }
0x93: {  	s3 =	sld [smem:$0x3FFC];
	_ =	sdelay $0x3  }
0x94: {  	_ =	strace s3  }
0x95: {  	s3 =	sld [smem:$0x3FFD];
	_ =	sdelay $0x3  }
0x96: {  	_ =	strace s3  }
0x97: {  	_ =	strace $0x8FFFFFFF  }
0x98: {  	s19 =	sld [smem:$0x3FDB];
	_ =	sdelay $0x1  }
0x99: {  	s4 =	simm.s32 $_scs_section_size  }
0x9a: {  	s5 =	simm.s32 $_size__tile_overlayer_lowered;
	s6 =	simm.s32 $_tile_overlayer_lowered  }
0x9b: {  	s22 =	simm.s32 $0x1BFF;
	s21 =	sshll.u32 s6, $0x1;
	s3 =	sadd.s32 s4, s19  }
0x9c: {  	s7 =	simm.s32 $0x0;
	s20 =	sshll.u32 s5, $0x1;
	s5 =	sadd.s32 s21, s3  }
0x9d: {  	[timem:s7], [sflag:s22] =	dma.local [hbm:s5], s20  }
0x9e: {  	_ =	swait.ge [sflag:s22], s20  }
0x9f: {  	s4 =	ssub.s32 $0x0, s20;
	[sflag:s22] =	ssyncset.done $0x0  }
0xa0: {  	[sflag:s22] =	ssyncadd.s32 s4;
	_ =	sdelay $0x1  }
0xa1: {  	s23 =	simm.s32 $0x1B8B  }
0xa2: {  	_ =	swait.ge [sflag:s23], $0x1  }
0xa3: {  	[sflag:s23] =	ssyncset.done $0x0  }
0xa4: {  	s25 =	simm.s32 $0x1B8E;
	s24 =	sld [smem:$0x3FFE];
	[sflag:s23] =	ssyncadd.s32 $0xFFFFFFFF  }
0xa5: {  	s26 =	simm.s32 $execute0_lowered;
	[smem:$0x3FD2] =	sst s25  }
0xa6: {  	s5 =	sshll.u32 s26, $0x1;
	_ =	strace $0x80000049;
	[dreg:$0x1] =	wrdreg $0xFFFFFFFF  }
0xa7: {  	s28 =	simm.s32 $_size_execute0_lowered;
	s3 =	sadd.s32 s3, s5;
	[dreg:$0x0] =	wrdreg $0x0  }
0xa8: {  	s5 =	sshll.u32 s28, $0x1;
	[dreg:$0x2] =	wrdreg s3  }
0xa9: {  	[dreg:$0x3] =	wrdreg s5  }
0xaa: {  	[dreg:$0x4] =	wrdreg $0xC0  }
0xab: {  	_ =	task [dreg:s7], $0x5FFFF  }
0xac: {  	[dreg:$0x1] =	wrdreg $0xFFFFFFFF  }
0xad: {  	[dreg:$0x0] =	wrdreg $0x60  }
0xae: {  	[dreg:$0x2] =	wrdreg s2  }
0xaf: {  	[dreg:$0x3] =	wrdreg s24  }
0xb0: {  	[dreg:$0x4] =	wrdreg $0x96800  }
0xb1: {  	[dreg:$0x5] =	wrdreg $0x9  }
0xb2: {  	_ =	task.clear_ibuf [dreg:s7], $0x6FFFF;
	_ =	strace $0x90000049  }
0xb3: {  	s29 =	simm.s32 $0x9;
	_ =	strace $0x8000004B  }
0xb4: {  	_ =	swait.ge [sflag:s29], $0x1  }
0xb5: {  	[sflag:s29] =	ssyncadd.s32 $0xFFFFFFFF  }
0xb6: {  	_ =	strace $0x9000004B  }
0xb7: {  	_ =	sfence  }
0xb8: {  	s30 =	sld [smem:$0x0];
	_ =	sdelay $0x2  }
0xb9: {  	s31 =	sshll.u32 s1, $0xD;
	s1 =	sshrl.u32 s1, $0x2  }
0xba: {  	s3 =	sand.u32 $0x4000, s31;
	s1 =	sadd.s32 s1, s30  }
0xbb: {  	s0 =	sor.u32 s3, s0;
	s1 =	sshll.u32 s1, $0x11  }
0xbc: {  	s0 =	sor.u32 s1, s0  }
0xbd: {  	s0 =	sadd.s32 $0x8F2B, s0  }
0xbe: {  	[sflag:s0] =	ssyncadd.remote.s32 $0x1  }
0xbf: {  	_ =	sfence.sel $0xFFFF  }
0xc0: {  	[dreg:$0x0] =	wrdreg $0xFFFFFFFF;
	(pc) =	sbr.abs _section_cstart, $3  }
0xc1: {  	[dreg:$0x1] =	wrdreg $0xFFFFFFFF  }
0xc2: {  	_ =	task.clear_ibuf [dreg:s7], $0x2FFFF;
	_ =	strace $0x9FFFFFFF  }
0xc3: {  	(tm) =	ssettm $0x7FFFFFFF  }
tec
execute0_lowered:
.L_overlay_start_1:
0x0: {  	(tag) =	ssettag $0x1  }
0x1: {  	s1 =	rddreg [dreg:$0x0]  }
0x2: {  	s0 =	rddreg [dreg:$0x1];
	s12 =	stileid.u32  }
0x3: {  	s2 =	rddreg [dreg:$0x2];
	s7 =	smul.u32 $0x4F000, s12  }
0x4: {  	s4 =	simm.s32 $0x0;
	s3 =	srdreg.scid;
	s9 =	smul.u32 $0x13C00, s12  }
0x5: {  	[smem:$0x7FF] =	sst s4;
	s3 =	sand.u32 $0x1, s3;
	s19 =	smul.u32 $0x28, s12  }
0x6: {  	s5 =	sadd.s32 $0x3400, s0;
	s0 =	sadd.s32 $0x17400, s0;
	s12 =	smul.u32 $0x118, s12  }
0x7: {  	_ =	strace $0x8000004A;
	s6 =	ssub.s32 $0x2, s3;
	s10 =	smul.u32 $0x13C000, s3  }
0x8: {  	p0 =	seq.s32 s3, $0x0;
	s8 =	sshrl.u32 s6, $0x1;
	s18 =	sshrl.u32 s7, $0x2  }
0x9: {  	s11 =	sadd.s32 $0xA000, s9;
	s7 =	sadd.s32 $0x1180, s19;
	s14 =	sadd.s32 $0x2800, s9  }
0xa: {  	s22 =	sadd.s32 $0x5000, s9;
	s15 =	sadd.s32 $0x7800, s9;
	s26 =	sadd.s32 $0xC800, s9  }
0xb: {  	s28 =	sadd.s32 $0xF000, s9;
	s8 =	ssub.s32 s6, s8;
	s6 =	sadd.s32 s18, s2  }
0xc: {  	s13 =	sadd.s32 s9, s10;
	s7 =	smov.u32 @p0 s12;
	s21 =	sadd.s32 s10, s14  }
0xd: {  	s23 =	sadd.s32 s10, s22;
	s16 =	sadd.s32 s10, s15;
	s17 =	sadd.s32 s10, s11  }
0xe: {  	s29 =	sadd.s32 s10, s26;
	s18 =	sadd.s32 s10, s28;
	s9 =	sadd.s32 $0x11800, s9  }
0xf: {  	p0 =	sne.s32 s3, $0x0;
	s19 =	sadd.s32 s26, s2;
	s3 =	simm.s32 $0x1680  }
0x10: {  	s13 =	sshrl.u32 s13, $0x3;
	s12 =	sshrl.u32 s21, $0x3;
	s16 =	sshrl.u32 s16, $0x3  }
0x11: {  	s25 =	sshrl.u32 s17, $0x3;
	s17 =	sshrl.u32 s29, $0x3;
	s18 =	sshrl.u32 s18, $0x3  }
0x12: {  	s10 =	sadd.s32 s10, s9;
	s31 =	sadd.s32 $0x2000, s6;
	s9 =	sadd.s32 s9, s2  }
0x13: {  	s8 =	smax.u32 s8, $0x1;
	s26 =	sadd.s32 $0x6000, s6;
	[dreg:$0xc] =	wrdreg s31  }
0x14: {  	s29 =	sadd.s32 $0xC000, s6;
	s20 =	sadd.s32 s0, s13;
	[dreg:$0xe] =	wrdreg s8  }
0x15: {  	s12 =	sadd.s32 s0, s12;
	s24 =	sadd.s32 s0, s16;
	[dreg:$0x15] =	wrdreg s26  }
0x16: {  	s17 =	sadd.s32 s0, s17;
	s30 =	sadd.s32 s0, s18;
	[dreg:$0x17] =	wrdreg s29  }
0x17: {  	s10 =	sshrl.u32 s10, $0x3;
	s18 =	sadd.s32 s11, s2;
	[dreg:$0x4] =	wrdreg s20  }
0x18: {  	s11 =	sadd.s32 s14, s2;
	s14 =	sadd.s32 s22, s2;
	[dreg:$0x5] =	wrdreg s12  }
0x19: {  	s31 =	sadd.s32 $0x10000, s6;
	s8 =	simm.s32 $0x5;
	[dreg:$0x7] =	wrdreg s24  }
0x1a: {  	s13 =	simm.s32 $0x1500;
	s16 =	simm.s32 $0x7680;
	[dreg:$0x9] =	wrdreg s17  }
0x1b: {  	s12 =	sshrl.u32 s23, $0x3;
	[dreg:$0xa] =	wrdreg s30;
	s17 =	sadd.s32 s15, s2  }
0x1c: {  	s20 =	sadd.s32 s28, s2;
	s21 =	sshrl.u32 s14, $0x3;
	[dreg:$0x19] =	wrdreg s31  }
0x1d: {  	s23 =	sshrl.u32 s19, $0x3;
	s28 =	sadd.s32 $0x8000, s6;
	[dreg:$0x10] =	wrdreg s21  }
0x1e: {  	s30 =	sadd.s32 $0xE000, s6;
	s14 =	simm.s32 $0x5680;
	[dreg:$0x12] =	wrdreg s23  }
0x1f: {  	s15 =	simm.s32 $0x1580;
	s19 =	simm.s32 $0x1600;
	[dreg:$0x16] =	wrdreg s28  }
0x20: {  	s12 =	sadd.s32 s0, s12;
	s22 =	sshrl.u32 s17, $0x3;
	[dreg:$0x18] =	wrdreg s30  }
0x21: {  	s24 =	sshrl.u32 s20, $0x3;
	s17 =	simm.s32 $0x1;
	[dreg:$0x6] =	wrdreg s12  }
0x22: {  	s20 =	simm.s32 $0x2;
	s21 =	simm.s32 $0x3;
	[dreg:$0x11] =	wrdreg s22  }
0x23: {  	s12 =	sadd.s32 s0, s25;
	s0 =	sadd.s32 s0, s10;
	[dreg:$0x13] =	wrdreg s24  }
.Ltmp0:
0x24: {  	s10 =	sadd.s32 $0x4000, s6;
	[dreg:$0x8] =	wrdreg s12;
	(pc) =	sbr.rel .LBB2_1-.Ltmp0, $4  }
0x25: {  	s25 =	sshrl.u32 s9, $0x3;
	s9 =	simm.s32 $0x40;
	[dreg:$0xb] =	wrdreg s0  }
0x26: {  	s22 =	simm.s32 $0x4;
	[dreg:$0xd] =	wrdreg s10;
	s0 =	sshrl.u32 s11, $0x3  }
0x27: {  	[dreg:$0x14] =	wrdreg s25;
	s10 =	simm.s32 $0x1400;
	s11 =	simm.s32 $0x1480  }
0x28: {  	v0 =	vimm.f32 $0.0e+00;
	s12 =	simm.s32 $0x3680;
	[dreg:$0xf] =	wrdreg s0;
	s0 =	sadd.s32 $0x12000, s6  }
.LBB2_8:
0x29: {  	s23 =	stileid.u32  }
0x2a: {  	[bflag:$0x0] =	sbarrier.arrive $0xFFFF;
	s23 =	sshll.u32 s23, $0x6  }
0x2b: {  	s25 =	sshrl.u32 s6, $0x3;
	s26 =	rddreg [dreg:$0x4];
	s24 =	sor.u32 $0x1C01, s23  }
0x2c: {  	[hbm:s26], [sflag:s24] =	dma.local [spmem:s25], $0x500  }
0x2d: {  	s26 =	rddreg [dreg:$0x5]  }
0x2e: {  	s25 =	sor.u32 $0x1C02, s23;
	s28 =	rddreg [dreg:$0xf]  }
0x2f: {  	[hbm:s26], [sflag:s25] =	dma.local [spmem:s28], $0x500  }
0x30: {  	s28 =	rddreg [dreg:$0x6]  }
0x31: {  	s31 =	sor.u32 $0x1C03, s23;
	s29 =	rddreg [dreg:$0x10]  }
0x32: {  	[hbm:s28], [sflag:s31] =	dma.local [spmem:s29], $0x500  }
0x33: {  	s28 =	rddreg [dreg:$0x7]  }
0x34: {  	s23 =	sor.u32 $0x1C04, s23;
	s29 =	rddreg [dreg:$0x11]  }
0x35: {  	[hbm:s28], [sflag:s23] =	dma.local [spmem:s29], $0x500  }
0x36: {  	s30 =	sshrl.u32 s18, $0x3;
	s29 =	rddreg [dreg:$0x8]  }
0x37: {  	[hbm:s29], [sflag:s24] =	dma.local [spmem:s30], $0x500  }
0x38: {  	s24 =	rddreg [dreg:$0x9]  }
0x39: {  	s28 =	rddreg [dreg:$0x12]  }
0x3a: {  	[hbm:s24], [sflag:s25] =	dma.local [spmem:s28], $0x500  }
0x3b: {  	s24 =	rddreg [dreg:$0xa]  }
0x3c: {  	s25 =	rddreg [dreg:$0x13]  }
0x3d: {  	[hbm:s24], [sflag:s31] =	dma.local [spmem:s25], $0x500  }
0x3e: {  	s24 =	rddreg [dreg:$0xb]  }
0x3f: {  	s25 =	rddreg [dreg:$0x14]  }
0x40: {  	[hbm:s24], [sflag:s23] =	dma.local [spmem:s25], $0x480  }
0x41: {  	_ =	swait.ge [sflag:s17], $0x500  }
0x42: {  	[sflag:s17] =	ssyncset.done $0x0  }
0x43: {  	[sflag:s17] =	ssyncadd.s32 $0xFFFFFB00  }
0x44: {  	_ =	swait.ge [sflag:s20], $0x500  }
0x45: {  	[sflag:s20] =	ssyncset.done $0x0  }
0x46: {  	[sflag:s20] =	ssyncadd.s32 $0xFFFFFB00  }
0x47: {  	_ =	swait.ge [sflag:s21], $0x500  }
0x48: {  	[sflag:s21] =	ssyncset.done $0x0  }
0x49: {  	[sflag:s21] =	ssyncadd.s32 $0xFFFFFB00  }
0x4a: {  	_ =	swait.ge [sflag:s22], $0x500  }
0x4b: {  	[sflag:s22] =	ssyncset.done $0x0  }
0x4c: {  	[sflag:s22] =	ssyncadd.s32 $0xFFFFFB00  }
0x4d: {  	_ =	swait.ge [sflag:s17], $0x500  }
0x4e: {  	[sflag:s17] =	ssyncset.done $0x0  }
0x4f: {  	[sflag:s17] =	ssyncadd.s32 $0xFFFFFB00  }
0x50: {  	_ =	swait.ge [sflag:s20], $0x500  }
0x51: {  	[sflag:s20] =	ssyncset.done $0x0  }
0x52: {  	[sflag:s20] =	ssyncadd.s32 $0xFFFFFB00  }
0x53: {  	_ =	swait.ge [sflag:s21], $0x500  }
0x54: {  	[sflag:s21] =	ssyncset.done $0x0  }
0x55: {  	[sflag:s21] =	ssyncadd.s32 $0xFFFFFB00  }
0x56: {  	_ =	swait.ge [sflag:s22], $0x480  }
0x57: {  	s4 =	sadd.s32 $0x1, s4;
	s31 =	rddreg [dreg:$0xe]  }
0x58: {  	p1 =	sne.s32 s4, s31  }
.Ltmp1:
0x59: {  	_ = 	snop;
	(pc) =	sbr.rel @!p1 .LBB2_9-.Ltmp1, $3  }
0x5a: {  	_ =	sdelay $0x1  }
0x5b: {  	[sflag:s22] =	ssyncset.done $0x0  }
0x5c: {  	[sflag:s22] =	ssyncadd.s32 $0xFFFFFB80  }
.LBB2_1:
0x5d: {  	s23 =	simm.s32 $0x0;
	s24 =	simm.s32 $0x200  }
.LBB2_2:
0x5e: {  	p1 =	sne.s32 s24, $0x7E00;
	[tilespmem:s23+$0x16F0] =	vst v0  }
0x5f: {  	[tilespmem:s23+$0x1680] =	vst v0  }
0x60: {  	[tilespmem:s23+$0x1690] =	vst v0  }
.Ltmp2:
0x61: {  	[tilespmem:s23+$0x16A0] =	vst v0;
	(pc) =	sbr.rel @p1 .LBB2_2-.Ltmp2, $4  }
0x62: {  	[tilespmem:s23+$0x16B0] =	vst v0  }
0x63: {  	[tilespmem:s23+$0x16C0] =	vst v0  }
0x64: {  	[tilespmem:s23+$0x16D0] =	vst v0  }
0x65: {  	[tilespmem:s23+$0x16E0] =	vst v0;
	s23 =	sshra.s32 s24, $0x2;
	s24 =	sadd.s32 $0x200, s24  }
0x66: {  	[tilespmem:s23+$0x16F0] =	vst v0  }
0x67: {  	[tilespmem:s23+$0x1680] =	vst v0  }
0x68: {  	[tilespmem:s23+$0x1690] =	vst v0  }
0x69: {  	[tilespmem:s23+$0x16A0] =	vst v0  }
0x6a: {  	[tilespmem:s23+$0x16B0] =	vst v0  }
0x6b: {  	[tilespmem:s23+$0x16C0] =	vst v0  }
0x6c: {  	[tilespmem:s23+$0x16D0] =	vst v0  }
0x6d: {  	[tilespmem:s23+$0x16E0] =	vst v0  }
0x6e: {  	[spmem:s6] =	stream.linear.scatter [tilespmem:s3], [sflag:$0x5], $0x2000, $0x38;
	[tilespmem:$0x1D280] =	vst v63  }
0x6f: {  	_ =	swait.ge [sflag:s8], $0x2000  }
0x70: {  	[sflag:s8] =	ssyncset.done $0x0  }
0x71: {  	s24 =	rddreg [dreg:$0xc];
	[sflag:s8] =	ssyncadd.s32 $0xFFFFE000  }
0x72: {  	[spmem:s24] =	stream.linear.scatter [tilespmem:s3], [sflag:$0x5], $0x2000, $0x38;
	[tilespmem:$0x1D280] =	vst v63  }
0x73: {  	_ =	swait.ge [sflag:s8], $0x2000  }
0x74: {  	[sflag:s8] =	ssyncset.done $0x0  }
0x75: {  	s25 =	rddreg [dreg:$0xd];
	[sflag:s8] =	ssyncadd.s32 $0xFFFFE000  }
0x76: {  	[spmem:s25] =	stream.linear.scatter [tilespmem:s3], [sflag:$0x5], $0x2000, $0x38;
	[tilespmem:$0x1D280] =	vst v63  }
0x77: {  	_ =	swait.ge [sflag:s8], $0x2000  }
0x78: {  	[sflag:s8] =	ssyncset.done $0x0  }
0x79: {  	s26 =	rddreg [dreg:$0x15];
	[sflag:s8] =	ssyncadd.s32 $0xFFFFE000  }
0x7a: {  	[spmem:s26] =	stream.linear.scatter [tilespmem:s3], [sflag:$0x5], $0x2000, $0x38;
	[tilespmem:$0x1D280] =	vst v63  }
0x7b: {  	_ =	swait.ge [sflag:s8], $0x2000  }
0x7c: {  	[sflag:s8] =	ssyncset.done $0x0  }
0x7d: {  	s28 =	rddreg [dreg:$0x16];
	[sflag:s8] =	ssyncadd.s32 $0xFFFFE000  }
0x7e: {  	[spmem:s28] =	stream.linear.scatter [tilespmem:s3], [sflag:$0x5], $0x2000, $0x38;
	[tilespmem:$0x1D280] =	vst v63  }
0x7f: {  	_ =	swait.ge [sflag:s8], $0x2000  }
0x80: {  	[sflag:s8] =	ssyncset.done $0x0  }
0x81: {  	[sflag:s8] =	ssyncadd.s32 $0xFFFFE000  }
0x82: {  	[spmem:s18] =	stream.linear.scatter [tilespmem:s3], [sflag:$0x5], $0x2000, $0x38;
	[tilespmem:$0x1D280] =	vst v63  }
0x83: {  	_ =	swait.ge [sflag:s8], $0x2000  }
0x84: {  	[sflag:s8] =	ssyncset.done $0x0  }
0x85: {  	s29 =	rddreg [dreg:$0x17];
	[sflag:s8] =	ssyncadd.s32 $0xFFFFE000  }
0x86: {  	[spmem:s29] =	stream.linear.scatter [tilespmem:s3], [sflag:$0x5], $0x2000, $0x38;
	[tilespmem:$0x1D280] =	vst v63  }
0x87: {  	_ =	swait.ge [sflag:s8], $0x2000  }
0x88: {  	[sflag:s8] =	ssyncset.done $0x0  }
0x89: {  	s30 =	rddreg [dreg:$0x18];
	[sflag:s8] =	ssyncadd.s32 $0xFFFFE000  }
0x8a: {  	[spmem:s30] =	stream.linear.scatter [tilespmem:s3], [sflag:$0x5], $0x2000, $0x38;
	[tilespmem:$0x1D280] =	vst v63  }
0x8b: {  	_ =	swait.ge [sflag:s8], $0x2000  }
0x8c: {  	[sflag:s8] =	ssyncset.done $0x0  }
0x8d: {  	s31 =	rddreg [dreg:$0x19];
	[sflag:s8] =	ssyncadd.s32 $0xFFFFE000  }
0x8e: {  	[spmem:s31] =	stream.linear.scatter [tilespmem:s3], [sflag:$0x5], $0x2000, $0x38;
	[tilespmem:$0x1D280] =	vst v63  }
0x8f: {  	_ =	swait.ge [sflag:s8], $0x2000  }
0x90: {  	[sflag:s8] =	ssyncset.done $0x0  }
0x91: {  	[sflag:s8] =	ssyncadd.s32 $0xFFFFE000  }
0x92: {  	[spmem:s0] =	stream.linear.scatter [tilespmem:s3], [sflag:$0x5], $0x1C00, $0x38;
	[tilespmem:$0x1D280] =	vst v63  }
.Ltmp3:
0x93: {  	_ =	swait.ge [sflag:s8], $0x1C00;
	(pc) =	sbr.rel .LBB2_4-.Ltmp3, $4  }
0x94: {  	[sflag:s8] =	ssyncset.done $0x0  }
0x95: {  	[sflag:s8] =	ssyncadd.s32 $0xFFFFE400  }
0x96: {  	[bflag:$0x0] =	sbarrier.arrive $0xFFFF  }
0x97: {  	s23 =	simm.s32 $0x0;
	s24 =	simm.s32 $0x0  }
.LBB2_7:
0x98: {  	p1 =	slt.u32 @!p0 s24, $0x6  }
0x99: {  	p1 =	por p0, !p1  }
.Ltmp4:
0x9a: {  	_ = 	snop;
	(pc) =	sbr.rel @p1 .LBB2_8-.Ltmp4, $2  }
0x9b: {  	_ =	sdelay $0x2  }
0x9c: {  	s24 =	sadd.s32 $0x1, s24  }
.LBB2_4:
0x9d: {  	s25 =	smul.u32 $0x28, s24;
	_ =	sdelay $0x1  }
0x9e: {  	s25 =	sadd.s32 s7, s25  }
0x9f: {  	s25 =	sshll.u32 s25, $0x4  }
0xa0: {  	s25 =	sadd.s32 s5, s25  }
0xa1: {  	[tilespmem:s23], [sflag:$0x5] =	stream.linear.gather [hbm4b:s25+s23], $0x1400, $0x38;
	[tilespmem:$0x1D280] =	vst v63  }
0xa2: {  	_ =	swait.ge [sflag:s8], $0x1400  }
0xa3: {  	[sflag:s8] =	ssyncset.done $0x0  }
0xa4: {  	[sflag:s8] =	ssyncadd.s32 $0xFFFFEC00  }
0xa5: {  	v1 =	vld [tilespmem:$0x0]  }
0xa6: {  	v2 =	vld [tilespmem:$0x10]  }
0xa7: {  	v3 =	vld [tilespmem:$0x20]  }
0xa8: {  	v4 =	vld [tilespmem:$0x30];
	_ =	sdelay $0x1  }
0xa9: {  	v1 =	vand.u32 $0xFFFF, v1  }
0xaa: {  	[tilespmem:$0x1400] =	vst v1;
	v1 =	vand.u32 $0xFFFF, v2  }
0xab: {  	[tilespmem:$0x1410] =	vst v1;
	v1 =	vand.u32 $0xFFFF, v3  }
0xac: {  	[tilespmem:$0x1420] =	vst v1;
	v1 =	vand.u32 $0xFFFF, v4  }
0xad: {  	[tilespmem:$0x1430] =	vst v1  }
0xae: {  	[tilespmem:s3], [sflag:$0x1] =	stream.indirect.gather [hbm4b:s1+s9], $0x80, s10, s9, $0xb8;
	[tilespmem:$0x1D280] =	vst v63  }
0xaf: {  	v1 =	vld [tilespmem:$0x80]  }
0xb0: {  	v2 =	vld [tilespmem:$0x90]  }
0xb1: {  	v3 =	vld [tilespmem:$0xA0]  }
0xb2: {  	v61 =	vld [tilespmem:$0xB0];
	_ =	sdelay $0x1  }
0xb3: {  	v1 =	vand.u32 $0xFFFF, v1  }
0xb4: {  	[tilespmem:$0x1480] =	vst v1;
	v1 =	vand.u32 $0xFFFF, v2  }
0xb5: {  	[tilespmem:$0x1490] =	vst v1;
	v1 =	vand.u32 $0xFFFF, v3  }
0xb6: {  	[tilespmem:$0x14A0] =	vst v1;
	v1 =	vand.u32 $0xFFFF, v61  }
0xb7: {  	[tilespmem:$0x14B0] =	vst v1  }
0xb8: {  	[tilespmem:s12], [sflag:$0x2] =	stream.indirect.gather [hbm4b:s1+s9], $0x80, s11, s9, $0xb8;
	[tilespmem:$0x1D280] =	vst v63  }
0xb9: {  	v1 =	vld [tilespmem:$0x100]  }
0xba: {  	v2 =	vld [tilespmem:$0x110]  }
0xbb: {  	v3 =	vld [tilespmem:$0x120]  }
0xbc: {  	v62 =	vld [tilespmem:$0x130];
	_ =	sdelay $0x1  }
0xbd: {  	v1 =	vand.u32 $0xFFFF, v1  }
0xbe: {  	[tilespmem:$0x1500] =	vst v1;
	v1 =	vand.u32 $0xFFFF, v2  }
0xbf: {  	[tilespmem:$0x1510] =	vst v1;
	v1 =	vand.u32 $0xFFFF, v3  }
0xc0: {  	[tilespmem:$0x1520] =	vst v1;
	v1 =	vand.u32 $0xFFFF, v62  }
0xc1: {  	[tilespmem:$0x1530] =	vst v1  }
0xc2: {  	[tilespmem:s14], [sflag:$0x3] =	stream.indirect.gather [hbm4b:s1+s9], $0x80, s13, s9, $0xb8;
	[tilespmem:$0x1D280] =	vst v63  }
0xc3: {  	v1 =	vld [tilespmem:$0x180]  }
0xc4: {  	v2 =	vld [tilespmem:$0x190]  }
0xc5: {  	v3 =	vld [tilespmem:$0x1A0]  }
0xc6: {  	v63 =	vld [tilespmem:$0x1B0];
	_ =	sdelay $0x1  }
0xc7: {  	v1 =	vand.u32 $0xFFFF, v1  }
0xc8: {  	[tilespmem:$0x1580] =	vst v1;
	v1 =	vand.u32 $0xFFFF, v2  }
0xc9: {  	[tilespmem:$0x1590] =	vst v1;
	v1 =	vand.u32 $0xFFFF, v3  }
0xca: {  	[tilespmem:$0x15A0] =	vst v1;
	v1 =	vand.u32 $0xFFFF, v63  }
0xcb: {  	s25 =	simm.s32 $0x0;
	[tilespmem:$0x15B0] =	vst v1  }
0xcc: {  	[tilespmem:s16], [sflag:$0x4] =	stream.indirect.gather [hbm4b:s1+s9], $0x80, s15, s9, $0xb8;
	[tilespmem:$0x1D280] =	vst v63  }
.LBB2_5:
0xcd: {  	_ =	swait.ge [sflag:s17], $0x2000  }
0xce: {  	[sflag:s17] =	ssyncset.done $0x0  }
0xcf: {  	s26 =	sshra.s32 s25, $0x2;
	[sflag:s17] =	ssyncadd.s32 $0xFFFFE000  }
0xd0: {  	v1 =	vld [tilespmem:s26+$0x0];
	_ =	sdelay $0x4  }
0xd1: {  	v1 =	vshrl.u32 v1, $0x10  }
0xd2: {  	[tilespmem:$0x1600] =	vst v1  }
0xd3: {  	v1 =	vld [tilespmem:s26+$0x10];
	_ =	sdelay $0x4  }
0xd4: {  	v1 =	vshrl.u32 v1, $0x10  }
0xd5: {  	[tilespmem:$0x1610] =	vst v1  }
0xd6: {  	v1 =	vld [tilespmem:s26+$0x20];
	_ =	sdelay $0x4  }
0xd7: {  	v1 =	vshrl.u32 v1, $0x10  }
0xd8: {  	[tilespmem:$0x1620] =	vst v1  }
0xd9: {  	v1 =	vld [tilespmem:s26+$0x30];
	_ =	sdelay $0x4  }
0xda: {  	v1 =	vshrl.u32 v1, $0x10  }
0xdb: {  	[tilespmem:$0x1630] =	vst v1  }
0xdc: {  	[spmem:s2] =	stream.indirect.scatter.add.f32 [tilespmem:s3], [sflag:$0x5], $0x80, s19, s9, $0xb8;
	[tilespmem:$0x1D280] =	vst v63  }
0xdd: {  	_ =	swait.ge [sflag:s8], $0x2000  }
0xde: {  	p1 =	seq.s32 s25, $0x4800;
	[sflag:s8] =	ssyncset.done $0x0  }
0xdf: {  	s28 =	sshra.s32 @!p1 s25, $0x2;
	[sflag:s8] =	ssyncadd.s32 $0xFFFFE000  }
0xe0: {  	v1 =	vld @!p1 [tilespmem:s28+$0x200];
	_ =	sdelay $0x4  }
0xe1: {  	v1 =	vand.u32 @!p1 $0xFFFF, v1  }
0xe2: {  	[tilespmem:$0x1400] =	vst @!p1 v1  }
0xe3: {  	v1 =	vld @!p1 [tilespmem:s28+$0x210];
	_ =	sdelay $0x4  }
0xe4: {  	v1 =	vand.u32 @!p1 $0xFFFF, v1  }
0xe5: {  	[tilespmem:$0x1410] =	vst @!p1 v1  }
0xe6: {  	v1 =	vld @!p1 [tilespmem:s28+$0x220];
	_ =	sdelay $0x4  }
0xe7: {  	v1 =	vand.u32 @!p1 $0xFFFF, v1  }
0xe8: {  	[tilespmem:$0x1420] =	vst @!p1 v1  }
0xe9: {  	v1 =	vld @!p1 [tilespmem:s28+$0x230];
	_ =	sdelay $0x4  }
0xea: {  	v1 =	vand.u32 @!p1 $0xFFFF, v1  }
0xeb: {  	s29 =	simm.s32 @!p1 $0x40;
	s30 =	simm.s32 @!p1 $0x1400;
	s31 =	simm.s32 @!p1 $0x1680;
	[tilespmem:$0x1430] =	vst @!p1 v1  }
0xec: {  	[tilespmem:s31], [sflag:$0x1] =	stream.indirect.gather @!p1 [hbm4b:s1+s29], $0x80, s30, s29, $0xb8;
	[tilespmem:$0x1D280] =	vst v63  }
0xed: {  	_ =	swait.ge [sflag:s20], $0x2000  }
0xee: {  	[sflag:s20] =	ssyncset.done $0x0  }
0xef: {  	[sflag:s20] =	ssyncadd.s32 $0xFFFFE000  }
0xf0: {  	v1 =	vld [tilespmem:s26+$0x80];
	_ =	sdelay $0x4  }
0xf1: {  	v1 =	vshrl.u32 v1, $0x10  }
0xf2: {  	[tilespmem:$0x1600] =	vst v1  }
0xf3: {  	v1 =	vld [tilespmem:s26+$0x90];
	_ =	sdelay $0x4  }
0xf4: {  	v1 =	vshrl.u32 v1, $0x10  }
0xf5: {  	[tilespmem:$0x1610] =	vst v1  }
0xf6: {  	v1 =	vld [tilespmem:s26+$0xA0];
	_ =	sdelay $0x4  }
0xf7: {  	v1 =	vshrl.u32 v1, $0x10  }
0xf8: {  	[tilespmem:$0x1620] =	vst v1  }
0xf9: {  	v1 =	vld [tilespmem:s26+$0xB0];
	_ =	sdelay $0x4  }
0xfa: {  	v1 =	vshrl.u32 v1, $0x10  }
0xfb: {  	[tilespmem:$0x1630] =	vst v1  }
0xfc: {  	[spmem:s2] =	stream.indirect.scatter.add.f32 [tilespmem:s12], [sflag:$0x5], $0x80, s19, s9, $0xb8;
	[tilespmem:$0x1D280] =	vst v63  }
0xfd: {  	_ =	swait.ge [sflag:s8], $0x2000  }
0xfe: {  	[sflag:s8] =	ssyncset.done $0x0  }
0xff: {  	[sflag:s8] =	ssyncadd.s32 $0xFFFFE000  }
0x100: {  	v1 =	vld @!p1 [tilespmem:s28+$0x280];
	_ =	sdelay $0x4  }
0x101: {  	v1 =	vand.u32 @!p1 $0xFFFF, v1  }
0x102: {  	[tilespmem:$0x1480] =	vst @!p1 v1  }
0x103: {  	v1 =	vld @!p1 [tilespmem:s28+$0x290];
	_ =	sdelay $0x4  }
0x104: {  	v1 =	vand.u32 @!p1 $0xFFFF, v1  }
0x105: {  	[tilespmem:$0x1490] =	vst @!p1 v1  }
0x106: {  	v1 =	vld @!p1 [tilespmem:s28+$0x2A0];
	_ =	sdelay $0x4  }
0x107: {  	v1 =	vand.u32 @!p1 $0xFFFF, v1  }
0x108: {  	[tilespmem:$0x14A0] =	vst @!p1 v1  }
0x109: {  	v1 =	vld @!p1 [tilespmem:s28+$0x2B0];
	_ =	sdelay $0x4  }
0x10a: {  	v1 =	vand.u32 @!p1 $0xFFFF, v1  }
0x10b: {  	s30 =	simm.s32 @!p1 $0x1480;
	s31 =	simm.s32 @!p1 $0x3680;
	[tilespmem:$0x14B0] =	vst @!p1 v1  }
0x10c: {  	[tilespmem:s31], [sflag:$0x2] =	stream.indirect.gather @!p1 [hbm4b:s1+s29], $0x80, s30, s29, $0xb8;
	[tilespmem:$0x1D280] =	vst v63  }
0x10d: {  	_ =	swait.ge [sflag:s21], $0x2000  }
0x10e: {  	[sflag:s21] =	ssyncset.done $0x0  }
0x10f: {  	[sflag:s21] =	ssyncadd.s32 $0xFFFFE000  }
0x110: {  	v1 =	vld [tilespmem:s26+$0x100];
	_ =	sdelay $0x4  }
0x111: {  	v1 =	vshrl.u32 v1, $0x10  }
0x112: {  	[tilespmem:$0x1600] =	vst v1  }
0x113: {  	v1 =	vld [tilespmem:s26+$0x110];
	_ =	sdelay $0x4  }
0x114: {  	v1 =	vshrl.u32 v1, $0x10  }
0x115: {  	[tilespmem:$0x1610] =	vst v1  }
0x116: {  	v1 =	vld [tilespmem:s26+$0x120];
	_ =	sdelay $0x4  }
0x117: {  	v1 =	vshrl.u32 v1, $0x10  }
0x118: {  	[tilespmem:$0x1620] =	vst v1  }
0x119: {  	v1 =	vld [tilespmem:s26+$0x130];
	_ =	sdelay $0x4  }
0x11a: {  	v1 =	vshrl.u32 v1, $0x10  }
0x11b: {  	[tilespmem:$0x1630] =	vst v1  }
0x11c: {  	[spmem:s2] =	stream.indirect.scatter.add.f32 [tilespmem:s14], [sflag:$0x5], $0x80, s19, s9, $0xb8;
	[tilespmem:$0x1D280] =	vst v63  }
0x11d: {  	_ =	swait.ge [sflag:s8], $0x2000  }
0x11e: {  	[sflag:s8] =	ssyncset.done $0x0  }
0x11f: {  	[sflag:s8] =	ssyncadd.s32 $0xFFFFE000  }
0x120: {  	v1 =	vld @!p1 [tilespmem:s28+$0x300];
	_ =	sdelay $0x4  }
0x121: {  	v1 =	vand.u32 @!p1 $0xFFFF, v1  }
0x122: {  	[tilespmem:$0x1500] =	vst @!p1 v1  }
0x123: {  	v1 =	vld @!p1 [tilespmem:s28+$0x310];
	_ =	sdelay $0x4  }
0x124: {  	v1 =	vand.u32 @!p1 $0xFFFF, v1  }
0x125: {  	[tilespmem:$0x1510] =	vst @!p1 v1  }
0x126: {  	v1 =	vld @!p1 [tilespmem:s28+$0x320];
	_ =	sdelay $0x4  }
0x127: {  	v1 =	vand.u32 @!p1 $0xFFFF, v1  }
0x128: {  	[tilespmem:$0x1520] =	vst @!p1 v1  }
0x129: {  	v1 =	vld @!p1 [tilespmem:s28+$0x330];
	_ =	sdelay $0x4  }
0x12a: {  	v1 =	vand.u32 @!p1 $0xFFFF, v1  }
0x12b: {  	s30 =	simm.s32 @!p1 $0x5680;
	s28 =	simm.s32 @!p1 $0x1500;
	[tilespmem:$0x1530] =	vst @!p1 v1  }
0x12c: {  	[tilespmem:s30], [sflag:$0x3] =	stream.indirect.gather @!p1 [hbm4b:s1+s29], $0x80, s28, s29, $0xb8;
	[tilespmem:$0x1D280] =	vst v63  }
0x12d: {  	_ =	swait.ge [sflag:s22], $0x2000  }
0x12e: {  	[sflag:s22] =	ssyncset.done $0x0  }
0x12f: {  	[sflag:s22] =	ssyncadd.s32 $0xFFFFE000  }
0x130: {  	v1 =	vld [tilespmem:s26+$0x180];
	_ =	sdelay $0x4  }
0x131: {  	v1 =	vshrl.u32 v1, $0x10  }
0x132: {  	[tilespmem:$0x1600] =	vst v1  }
0x133: {  	v1 =	vld [tilespmem:s26+$0x190];
	_ =	sdelay $0x4  }
0x134: {  	v1 =	vshrl.u32 v1, $0x10  }
0x135: {  	[tilespmem:$0x1610] =	vst v1  }
0x136: {  	v1 =	vld [tilespmem:s26+$0x1A0];
	_ =	sdelay $0x4  }
0x137: {  	v1 =	vshrl.u32 v1, $0x10  }
0x138: {  	[tilespmem:$0x1620] =	vst v1  }
0x139: {  	v1 =	vld [tilespmem:s26+$0x1B0];
	_ =	sdelay $0x4  }
0x13a: {  	v1 =	vshrl.u32 v1, $0x10  }
.Ltmp5:
0x13b: {  	[tilespmem:$0x1630] =	vst v1;
	(pc) =	sbr.rel @p1 .LBB2_7-.Ltmp5, $4  }
0x13c: {  	[spmem:s2] =	stream.indirect.scatter.add.f32 [tilespmem:s16], [sflag:$0x5], $0x80, s19, s9, $0xb8;
	[tilespmem:$0x1D280] =	vst v63  }
0x13d: {  	_ =	swait.ge [sflag:s8], $0x2000  }
0x13e: {  	[sflag:s8] =	ssyncset.done $0x0  }
0x13f: {  	[sflag:s8] =	ssyncadd.s32 $0xFFFFE000  }
0x140: {  	v1 =	vld [tilespmem:s26+$0x380];
	_ =	sdelay $0x4  }
0x141: {  	v1 =	vand.u32 $0xFFFF, v1  }
0x142: {  	[tilespmem:$0x1580] =	vst v1  }
0x143: {  	v1 =	vld [tilespmem:s26+$0x390];
	_ =	sdelay $0x4  }
0x144: {  	v1 =	vand.u32 $0xFFFF, v1  }
0x145: {  	[tilespmem:$0x1590] =	vst v1  }
0x146: {  	v1 =	vld [tilespmem:s26+$0x3A0];
	_ =	sdelay $0x4  }
0x147: {  	v1 =	vand.u32 $0xFFFF, v1  }
0x148: {  	[tilespmem:$0x15A0] =	vst v1  }
0x149: {  	v1 =	vld [tilespmem:s26+$0x3B0];
	_ =	sdelay $0x2  }
.Ltmp6:
0x14a: {  	_ = 	snop;
	(pc) =	sbr.rel .LBB2_5-.Ltmp6, $4  }
0x14b: {  	_ = 	snop  }
0x14c: {  	v1 =	vand.u32 $0xFFFF, v1  }
0x14d: {  	s25 =	sadd.s32 $0x800, s25;
	[tilespmem:$0x15B0] =	vst v1  }
0x14e: {  	[tilespmem:s16], [sflag:$0x4] =	stream.indirect.gather [hbm4b:s1+s9], $0x80, s15, s9, $0xb8;
	[tilespmem:$0x1D280] =	vst v63  }
.LBB2_9:
0x14f: {  	_ =	sfence.sel $0x180000  }
0x150: {  	[bflag:$0x0] =	sbarrier.arrive $0xFFFF  }
0x151: {  	_ =	strace $0x9000004A  }
0x152: {  	s0 =	stileid.u32;
	[bflag:$0x2] =	sbarrier.arrive $0xFFFF  }
0x153: {  	p0 =	sne.s32 s0, $0x0;
	s0 =	rddreg [dreg:$0x3]  }
0x154: {  	s0 =	sadd.s32 @!p0 $0x100000, s0  }
0x155: {  	[sflag:s0] =	ssyncadd.tile.s32 @!p0 $0x1;
	_ =	shalt  }
.Lfunc_end2:
_tile_overlayer_lowered:
.L_overlay_start_2:
0x156: {  	(tag) =	ssettag $0x2  }
0x157: {  	s0 =	rddreg [dreg:$0x0];
	s2 =	stileid.u32  }
0x158: {  	s1 =	rddreg [dreg:$0x1];
	p0 =	sne.s32 s2, $0x0  }
0x159: {  	s3 =	rddreg [dreg:$0x2];
	[bflag:$0x3] =	sbarrier.arrive $0xFFFF;
	s2 =	simm.s32 @!p0 $0x1C05  }
0x15a: {  	[timem:s3], [sflag:s2] =	dma.local @!p0 [hbm:s0], s1  }
0x15b: {  	s0 =	simm.s32 @!p0 $0x5  }
0x15c: {  	_ =	swait.ge @!p0 [sflag:s0], s1  }
0x15d: {  	s1 =	ssub.s32 @!p0 $0x0, s1;
	[sflag:s0] =	ssyncset.done @!p0 $0x0  }
0x15e: {  	[sflag:s0] =	ssyncadd.s32 @!p0 s1  }
0x15f: {  	[bflag:$0x3] =	sbarrier.arrive $0xFFFF  }
0x160: {  	_ =	shalt  }

// kernel: kernel.14.cloned.1.call-start
scs
__scs_entry_jumppad:
0x0: {  	(pc) =	sbr.rel $0x88, $3  }
0x1: {  	(tag) =	ssettag $0x0;
	lr =	simm.s32 $0x1  }
0x2: {  	[smem:$0x3F9B] =	sst lr;
	_ =	strace $0xD0000000  }
0x3: {  	_ = 	snop  }
0x4: {  	_ = 	snop  }
0x5: {  	_ = 	snop  }
0x6: {  	_ = 	snop  }
0x7: {  	_ = 	snop  }
__scs_overlays_trampoline_lowered:
0x8: {  	[smem:$0x3FAA] =	sst s0  }
0x9: {  	[smem:$0x3FAB] =	sst s1  }
0xa: {  	[smem:$0x3FAC] =	sst s2  }
0xb: {  	[smem:$0x3FAD] =	sst s3  }
0xc: {  	[smem:$0x3FAE] =	sst s4  }
0xd: {  	[smem:$0x3FAF] =	sst s5  }
0xe: {  	[smem:$0x3FB0] =	sst s6  }
0xf: {  	[smem:$0x3FB1] =	sst s7  }
0x10: {  	[smem:$0x3FB2] =	sst s8  }
0x11: {  	[smem:$0x3FB3] =	sst s9;
	s0 =	simm.s32 @!p0 $0x0  }
0x12: {  	s1 =	sld [smem:$0x3F99];
	s0 =	simm.s32 @p0 $0x1  }
0x13: {  	[smem:$0x3FB4] =	sst s0;
	s0 =	simm.s32 @!p1 $0x0  }
0x14: {  	s2 =	sld [smem:$0x3F98];
	s0 =	simm.s32 @p1 $0x1  }
0x15: {  	[smem:$0x3FB5] =	sst s0;
	s0 =	simm.s32 @!p2 $0x0  }
0x16: {  	s3 =	sld [smem:$0x3FDB];
	s0 =	simm.s32 @p2 $0x1  }
0x17: {  	s4 =	simm.s32 $0x1BF5;
	[smem:$0x3FB7] =	sst s0  }
0x18: {  	s0 =	sld [smem:$0x3F9A];
	_ =	swait.ge [sflag:s4], $0x0  }
0x19: {  	s7 =	sld [smem:$0x3F9B]  }
0x1a: {  	s8 =	sadd.s32 $0xFFFFE003, lr  }
0x1b: {  	s9 =	sadd.s32 $0xFFFFFEF7, lr;
	s5 =	simm.s32 $0xFFFFFFFF;
	p2 =	slt.u32 s8, $0xFFFFF086  }
0x1c: {  	p1 =	slt.u32 s9, $0xF7A;
	s5 =	simm.s32 @!p2 $0x0  }
0x1d: {  	s5 =	simm.s32 @p1 $0x1;
	p0 =	seq.s32 s7, s2  }
0x1e: {  	s7 =	smul.u32 @!p0 $0xF7A, s2;
	p2 =	seq.s32 @!p0 s5, $0x0  }
0x1f: {  	s9 =	smul.u32 $0xF7A, s1;
	s8 =	simm.s32 @!p0 $0x1BF5;
	p2 =	por !p2, p0  }
0x20: {  	[sflag:s8] =	ssyncset.s32 @!p0 $0xFFFFF086;
	s6 =	sadd.s32 @!p0 s3, s7;
	s7 =	simm.s32 @!p0 $0x108  }
0x21: {  	s3 =	sadd.s32 s3, s9;
	s6 =	sadd.s32 @!p0 $0x88, s6;
	s7 =	simm.s32 @p2 $0x1082  }
0x22: {  	[simem:s7], [sflag:s8] =	dma.local @!p0 [hbm:s6], $0xF7A  }
0x23: {  	s9 =	sor.u32 $0xD0000000, s2;
	s6 =	simm.s32 $0x108;
	_ =	swait.ge @!p0 [sflag:s8], $0x0  }
0x24: {  	s3 =	sadd.s32 $0x88, s3;
	s6 =	simm.s32 @!p1 $0x1082;
	[sflag:s4] =	ssyncset.s32 $0xFFFFF086  }
0x25: {  	[simem:s6], [sflag:s4] =	dma.local [hbm:s3], $0xF7A  }
0x26: {  	[smem:$0x3F9B] =	sst s1;
	(tag) =	ssettag s2;
	_ =	strace s9  }
0x27: {  	s1 =	sld [smem:$0x3FAB]  }
0x28: {  	s2 =	sld [smem:$0x3FAC]  }
0x29: {  	s4 =	sld [smem:$0x3FAE]  }
0x2a: {  	p0 =	seq.s32 s5, $0x0;
	s5 =	sld [smem:$0x3FAF]  }
0x2b: {  	s6 =	sld [smem:$0x3FB0]  }
0x2c: {  	s7 =	sld [smem:$0x3FB1]  }
0x2d: {  	s3 =	simm.s32 $0x108;
	s8 =	sld [smem:$0x3FB2]  }
0x2e: {  	s3 =	simm.s32 @!p0 $0x1082;
	s9 =	sld [smem:$0x3FB3]  }
0x2f: {  	lr =	sadd.s32 s0, s3;
	s0 =	sld [smem:$0x3FAA]  }
0x30: {  	s3 =	sld [smem:$0x3FAD]  }
0x31: {  	[smem:$0x3FB6] =	sst s10  }
0x32: {  	s10 =	sld [smem:$0x3FB4];
	_ =	sdelay $0x3  }
0x33: {  	p0 =	seq.s32 s10, $0x1;
	s10 =	sld [smem:$0x3FB6];
	_ =	sdelay $0x3  }
0x34: {  	[smem:$0x3FB6] =	sst s10  }
0x35: {  	s10 =	sld [smem:$0x3FB5];
	_ =	sdelay $0x3  }
0x36: {  	p1 =	seq.s32 s10, $0x1;
	s10 =	sld [smem:$0x3FB6];
	_ =	sdelay $0x3  }
0x37: {  	[smem:$0x3FB6] =	sst s10  }
0x38: {  	s10 =	sld [smem:$0x3FB7]  }
0x39: {  	_ = 	snop;
	(pc) =	sbr.ind lr, $3  }
0x3a: {  	_ = 	snop  }
0x3b: {  	_ = 	snop  }
0x3c: {  	p2 =	seq.s32 s10, $0x1;
	s10 =	sld [smem:$0x3FB6]  }
0x3d: {  	_ =	shalt  }
0x3e: {  	_ =	shalt  }
0x3f: {  	_ =	shalt  }
0x40: {  	_ =	shalt  }
0x41: {  	_ =	shalt  }
0x42: {  	_ =	shalt  }
0x43: {  	_ =	shalt  }
0x44: {  	_ =	shalt  }
0x45: {  	_ =	shalt  }
0x46: {  	_ =	shalt  }
0x47: {  	_ =	shalt  }
0x48: {  	_ =	shalt  }
0x49: {  	_ =	shalt  }
0x4a: {  	_ =	shalt  }
0x4b: {  	_ =	shalt  }
0x4c: {  	_ =	shalt  }
0x4d: {  	_ =	shalt  }
0x4e: {  	_ =	shalt  }
0x4f: {  	_ =	shalt  }
0x50: {  	_ =	shalt  }
0x51: {  	_ =	shalt  }
0x52: {  	_ =	shalt  }
0x53: {  	_ =	shalt  }
0x54: {  	_ =	shalt  }
0x55: {  	_ =	shalt  }
0x56: {  	_ =	shalt  }
0x57: {  	_ =	shalt  }
0x58: {  	_ =	shalt  }
0x59: {  	_ =	shalt  }
0x5a: {  	_ =	shalt  }
0x5b: {  	_ =	shalt  }
0x5c: {  	_ =	shalt  }
0x5d: {  	_ =	shalt  }
0x5e: {  	_ =	shalt  }
0x5f: {  	_ =	shalt  }
0x60: {  	_ =	shalt  }
0x61: {  	_ =	shalt  }
0x62: {  	_ =	shalt  }
0x63: {  	_ =	shalt  }
0x64: {  	_ =	shalt  }
0x65: {  	_ =	shalt  }
0x66: {  	_ =	shalt  }
0x67: {  	_ =	shalt  }
0x68: {  	_ =	shalt  }
0x69: {  	_ =	shalt  }
0x6a: {  	_ =	shalt  }
0x6b: {  	_ =	shalt  }
0x6c: {  	_ =	shalt  }
0x6d: {  	_ =	shalt  }
0x6e: {  	_ =	shalt  }
0x6f: {  	_ =	shalt  }
0x70: {  	_ =	shalt  }
0x71: {  	_ =	shalt  }
0x72: {  	_ =	shalt  }
0x73: {  	_ =	shalt  }
0x74: {  	_ =	shalt  }
0x75: {  	_ =	shalt  }
0x76: {  	_ =	shalt  }
0x77: {  	_ =	shalt  }
0x78: {  	_ =	shalt  }
0x79: {  	_ =	shalt  }
0x7a: {  	_ =	shalt  }
0x7b: {  	_ =	shalt  }
0x7c: {  	_ =	shalt  }
0x7d: {  	_ =	shalt  }
0x7e: {  	_ =	shalt  }
0x7f: {  	_ =	shalt  }
0x80: {  	_ =	shalt  }
0x81: {  	_ =	shalt  }
0x82: {  	_ =	shalt  }
0x83: {  	_ =	shalt  }
0x84: {  	_ =	shalt  }
0x85: {  	_ =	shalt  }
0x86: {  	_ =	shalt  }
0x87: {  	_ =	shalt  }
.Lfunc_end0:
.L_simem_size_0:
called_computation.2_lowered:
.L_overlay_start_0:
0x88: {  	s2 =	sld [smem:$0x3FD9]  }
0x89: {  	s3 =	sld [smem:$0x3FFE];
	_ =	sdelay $0x1  }
0x8a: {  	s1 =	srdreg.scid  }
0x8b: {  	s0 =	sand.u32 $0x1, s1  }
0x8c: {  	s17 =	sshll.u32 s0, $0xA;
	s2 =	sadd.s32 s3, s2  }
0x8d: {  	s2 =	sadd.s32 s2, s17  }
0x8e: {  	[smem:$0x3FC2] =	sst s2  }
0x8f: {  	_ = 	snop  }
0x90: {  	s2 =	sld [smem:$0x3FD0];
	(tm) =	ssettm $0x1  }
0x91: {  	s18 =	sld [smem:$0x3FFB];
	_ =	sdelay $0x3  }
0x92: {  	_ =	strace s18  }
0x93: {  	s3 =	sld [smem:$0x3FFC];
	_ =	sdelay $0x3  }
0x94: {  	_ =	strace s3  }
0x95: {  	s3 =	sld [smem:$0x3FFD];
	_ =	sdelay $0x3  }
0x96: {  	_ =	strace s3  }
0x97: {  	_ =	strace $0x8FFFFFFF  }
0x98: {  	s19 =	sld [smem:$0x3FDB];
	_ =	sdelay $0x1  }
0x99: {  	s4 =	simm.s32 $_scs_section_size  }
0x9a: {  	s5 =	simm.s32 $_size__tile_overlayer_lowered;
	s6 =	simm.s32 $_tile_overlayer_lowered  }
0x9b: {  	s22 =	simm.s32 $0x1BFF;
	s21 =	sshll.u32 s6, $0x1;
	s3 =	sadd.s32 s4, s19  }
0x9c: {  	s7 =	simm.s32 $0x0;
	s20 =	sshll.u32 s5, $0x1;
	s5 =	sadd.s32 s21, s3  }
0x9d: {  	[timem:s7], [sflag:s22] =	dma.local [hbm:s5], s20  }
0x9e: {  	_ =	swait.ge [sflag:s22], s20  }
0x9f: {  	s4 =	ssub.s32 $0x0, s20;
	[sflag:s22] =	ssyncset.done $0x0  }
0xa0: {  	[sflag:s22] =	ssyncadd.s32 s4;
	_ =	sdelay $0x1  }
0xa1: {  	s23 =	simm.s32 $0x1B8B  }
0xa2: {  	_ =	swait.ge [sflag:s23], $0x1  }
0xa3: {  	[sflag:s23] =	ssyncset.done $0x0  }
0xa4: {  	s25 =	simm.s32 $0x1B8E;
	s24 =	sld [smem:$0x3FFE];
	[sflag:s23] =	ssyncadd.s32 $0xFFFFFFFF  }
0xa5: {  	s26 =	simm.s32 $execute0_lowered;
	[smem:$0x3FD2] =	sst s25  }
0xa6: {  	s5 =	sshll.u32 s26, $0x1;
	_ =	strace $0x8000004C;
	[dreg:$0x1] =	wrdreg $0xFFFFFFFF  }
0xa7: {  	s28 =	simm.s32 $_size_execute0_lowered;
	s3 =	sadd.s32 s3, s5;
	[dreg:$0x0] =	wrdreg $0x0  }
0xa8: {  	s5 =	sshll.u32 s28, $0x1;
	[dreg:$0x2] =	wrdreg s3  }
0xa9: {  	[dreg:$0x3] =	wrdreg s5  }
0xaa: {  	[dreg:$0x4] =	wrdreg $0xC0  }
0xab: {  	_ =	task [dreg:s7], $0x5FFFF  }
0xac: {  	[dreg:$0x1] =	wrdreg $0xFFFFFFFF  }
0xad: {  	[dreg:$0x0] =	wrdreg $0x60  }
0xae: {  	[dreg:$0x2] =	wrdreg s2  }
0xaf: {  	[dreg:$0x3] =	wrdreg s24  }
0xb0: {  	[dreg:$0x4] =	wrdreg $0x96800  }
0xb1: {  	[dreg:$0x5] =	wrdreg $0x9  }
0xb2: {  	_ =	task.clear_ibuf [dreg:s7], $0x6FFFF;
	_ =	strace $0x9000004C  }
0xb3: {  	s29 =	simm.s32 $0x9;
	_ =	strace $0x8000004E  }
0xb4: {  	_ =	swait.ge [sflag:s29], $0x1  }
0xb5: {  	[sflag:s29] =	ssyncadd.s32 $0xFFFFFFFF  }
0xb6: {  	_ =	strace $0x9000004E  }
0xb7: {  	_ =	sfence  }
0xb8: {  	s30 =	sld [smem:$0x0];
	_ =	sdelay $0x2  }
0xb9: {  	s31 =	sshll.u32 s1, $0xD;
	s1 =	sshrl.u32 s1, $0x2  }
0xba: {  	s3 =	sand.u32 $0x4000, s31;
	s1 =	sadd.s32 s1, s30  }
0xbb: {  	s0 =	sor.u32 s3, s0;
	s1 =	sshll.u32 s1, $0x11  }
0xbc: {  	s0 =	sor.u32 s1, s0  }
0xbd: {  	s0 =	sadd.s32 $0x8F2B, s0  }
0xbe: {  	[sflag:s0] =	ssyncadd.remote.s32 $0x1  }
0xbf: {  	_ =	sfence.sel $0xFFFF  }
0xc0: {  	[dreg:$0x0] =	wrdreg $0xFFFFFFFF;
	(pc) =	sbr.abs _section_cstart, $3  }
0xc1: {  	[dreg:$0x1] =	wrdreg $0xFFFFFFFF  }
0xc2: {  	_ =	task.clear_ibuf [dreg:s7], $0x2FFFF;
	_ =	strace $0x9FFFFFFF  }
0xc3: {  	(tm) =	ssettm $0x7FFFFFFF  }
tec
execute0_lowered:
.L_overlay_start_1:
0x0: {  	(tag) =	ssettag $0x1  }
0x1: {  	s1 =	rddreg [dreg:$0x0]  }
0x2: {  	s0 =	rddreg [dreg:$0x1];
	s12 =	stileid.u32  }
0x3: {  	s2 =	rddreg [dreg:$0x2];
	s7 =	smul.u32 $0x4F000, s12  }
0x4: {  	s4 =	simm.s32 $0x0;
	s3 =	srdreg.scid;
	s9 =	smul.u32 $0x13C00, s12  }
0x5: {  	[smem:$0x7FF] =	sst s4;
	s3 =	sand.u32 $0x1, s3;
	s19 =	smul.u32 $0x28, s12  }
0x6: {  	s5 =	sadd.s32 $0x3400, s0;
	s0 =	sadd.s32 $0x17400, s0;
	s12 =	smul.u32 $0x118, s12  }
0x7: {  	_ =	strace $0x8000004D;
	s6 =	ssub.s32 $0x2, s3;
	s10 =	smul.u32 $0x13C000, s3  }
0x8: {  	p0 =	seq.s32 s3, $0x0;
	s8 =	sshrl.u32 s6, $0x1;
	s18 =	sshrl.u32 s7, $0x2  }
0x9: {  	s11 =	sadd.s32 $0xA000, s9;
	s7 =	sadd.s32 $0x1180, s19;
	s14 =	sadd.s32 $0x2800, s9  }
0xa: {  	s22 =	sadd.s32 $0x5000, s9;
	s15 =	sadd.s32 $0x7800, s9;
	s26 =	sadd.s32 $0xC800, s9  }
0xb: {  	s28 =	sadd.s32 $0xF000, s9;
	s8 =	ssub.s32 s6, s8;
	s6 =	sadd.s32 s18, s2  }
0xc: {  	s13 =	sadd.s32 s9, s10;
	s7 =	smov.u32 @p0 s12;
	s21 =	sadd.s32 s10, s14  }
0xd: {  	s23 =	sadd.s32 s10, s22;
	s16 =	sadd.s32 s10, s15;
	s17 =	sadd.s32 s10, s11  }
0xe: {  	s29 =	sadd.s32 s10, s26;
	s18 =	sadd.s32 s10, s28;
	s9 =	sadd.s32 $0x11800, s9  }
0xf: {  	p0 =	sne.s32 s3, $0x0;
	s19 =	sadd.s32 s26, s2;
	s3 =	simm.s32 $0x1680  }
0x10: {  	s13 =	sshrl.u32 s13, $0x3;
	s12 =	sshrl.u32 s21, $0x3;
	s16 =	sshrl.u32 s16, $0x3  }
0x11: {  	s25 =	sshrl.u32 s17, $0x3;
	s17 =	sshrl.u32 s29, $0x3;
	s18 =	sshrl.u32 s18, $0x3  }
0x12: {  	s10 =	sadd.s32 s10, s9;
	s31 =	sadd.s32 $0x2000, s6;
	s9 =	sadd.s32 s9, s2  }
0x13: {  	s8 =	smax.u32 s8, $0x1;
	s26 =	sadd.s32 $0x6000, s6;
	[dreg:$0xc] =	wrdreg s31  }
0x14: {  	s29 =	sadd.s32 $0xC000, s6;
	s20 =	sadd.s32 s0, s13;
	[dreg:$0xe] =	wrdreg s8  }
0x15: {  	s12 =	sadd.s32 s0, s12;
	s24 =	sadd.s32 s0, s16;
	[dreg:$0x15] =	wrdreg s26  }
0x16: {  	s17 =	sadd.s32 s0, s17;
	s30 =	sadd.s32 s0, s18;
	[dreg:$0x17] =	wrdreg s29  }
0x17: {  	s10 =	sshrl.u32 s10, $0x3;
	s18 =	sadd.s32 s11, s2;
	[dreg:$0x4] =	wrdreg s20  }
0x18: {  	s11 =	sadd.s32 s14, s2;
	s14 =	sadd.s32 s22, s2;
	[dreg:$0x5] =	wrdreg s12  }
0x19: {  	s31 =	sadd.s32 $0x10000, s6;
	s8 =	simm.s32 $0x5;
	[dreg:$0x7] =	wrdreg s24  }
0x1a: {  	s13 =	simm.s32 $0x1500;
	s16 =	simm.s32 $0x7680;
	[dreg:$0x9] =	wrdreg s17  }
0x1b: {  	s12 =	sshrl.u32 s23, $0x3;
	[dreg:$0xa] =	wrdreg s30;
	s17 =	sadd.s32 s15, s2  }
0x1c: {  	s20 =	sadd.s32 s28, s2;
	s21 =	sshrl.u32 s14, $0x3;
	[dreg:$0x19] =	wrdreg s31  }
0x1d: {  	s23 =	sshrl.u32 s19, $0x3;
	s28 =	sadd.s32 $0x8000, s6;
	[dreg:$0x10] =	wrdreg s21  }
0x1e: {  	s30 =	sadd.s32 $0xE000, s6;
	s14 =	simm.s32 $0x5680;
	[dreg:$0x12] =	wrdreg s23  }
0x1f: {  	s15 =	simm.s32 $0x1580;
	s19 =	simm.s32 $0x1600;
	[dreg:$0x16] =	wrdreg s28  }
0x20: {  	s12 =	sadd.s32 s0, s12;
	s22 =	sshrl.u32 s17, $0x3;
	[dreg:$0x18] =	wrdreg s30  }
0x21: {  	s24 =	sshrl.u32 s20, $0x3;
	s17 =	simm.s32 $0x1;
	[dreg:$0x6] =	wrdreg s12  }
0x22: {  	s20 =	simm.s32 $0x2;
	s21 =	simm.s32 $0x3;
	[dreg:$0x11] =	wrdreg s22  }
0x23: {  	s12 =	sadd.s32 s0, s25;
	s0 =	sadd.s32 s0, s10;
	[dreg:$0x13] =	wrdreg s24  }
.Ltmp0:
0x24: {  	s10 =	sadd.s32 $0x4000, s6;
	[dreg:$0x8] =	wrdreg s12;
	(pc) =	sbr.rel .LBB2_1-.Ltmp0, $4  }
0x25: {  	s25 =	sshrl.u32 s9, $0x3;
	s9 =	simm.s32 $0x40;
	[dreg:$0xb] =	wrdreg s0  }
0x26: {  	s22 =	simm.s32 $0x4;
	[dreg:$0xd] =	wrdreg s10;
	s0 =	sshrl.u32 s11, $0x3  }
0x27: {  	[dreg:$0x14] =	wrdreg s25;
	s10 =	simm.s32 $0x1400;
	s11 =	simm.s32 $0x1480  }
0x28: {  	v0 =	vimm.f32 $0.0e+00;
	s12 =	simm.s32 $0x3680;
	[dreg:$0xf] =	wrdreg s0;
	s0 =	sadd.s32 $0x12000, s6  }
.LBB2_8:
0x29: {  	s23 =	stileid.u32  }
0x2a: {  	[bflag:$0x0] =	sbarrier.arrive $0xFFFF;
	s23 =	sshll.u32 s23, $0x6  }
0x2b: {  	s25 =	sshrl.u32 s6, $0x3;
	s26 =	rddreg [dreg:$0x4];
	s24 =	sor.u32 $0x1C01, s23  }
0x2c: {  	[hbm:s26], [sflag:s24] =	dma.local [spmem:s25], $0x500  }
0x2d: {  	s26 =	rddreg [dreg:$0x5]  }
0x2e: {  	s25 =	sor.u32 $0x1C02, s23;
	s28 =	rddreg [dreg:$0xf]  }
0x2f: {  	[hbm:s26], [sflag:s25] =	dma.local [spmem:s28], $0x500  }
0x30: {  	s28 =	rddreg [dreg:$0x6]  }
0x31: {  	s31 =	sor.u32 $0x1C03, s23;
	s29 =	rddreg [dreg:$0x10]  }
0x32: {  	[hbm:s28], [sflag:s31] =	dma.local [spmem:s29], $0x500  }
0x33: {  	s28 =	rddreg [dreg:$0x7]  }
0x34: {  	s23 =	sor.u32 $0x1C04, s23;
	s29 =	rddreg [dreg:$0x11]  }
0x35: {  	[hbm:s28], [sflag:s23] =	dma.local [spmem:s29], $0x500  }
0x36: {  	s30 =	sshrl.u32 s18, $0x3;
	s29 =	rddreg [dreg:$0x8]  }
0x37: {  	[hbm:s29], [sflag:s24] =	dma.local [spmem:s30], $0x500  }
0x38: {  	s24 =	rddreg [dreg:$0x9]  }
0x39: {  	s28 =	rddreg [dreg:$0x12]  }
0x3a: {  	[hbm:s24], [sflag:s25] =	dma.local [spmem:s28], $0x500  }
0x3b: {  	s24 =	rddreg [dreg:$0xa]  }
0x3c: {  	s25 =	rddreg [dreg:$0x13]  }
0x3d: {  	[hbm:s24], [sflag:s31] =	dma.local [spmem:s25], $0x500  }
0x3e: {  	s24 =	rddreg [dreg:$0xb]  }
0x3f: {  	s25 =	rddreg [dreg:$0x14]  }
0x40: {  	[hbm:s24], [sflag:s23] =	dma.local [spmem:s25], $0x480  }
0x41: {  	_ =	swait.ge [sflag:s17], $0x500  }
0x42: {  	[sflag:s17] =	ssyncset.done $0x0  }
0x43: {  	[sflag:s17] =	ssyncadd.s32 $0xFFFFFB00  }
0x44: {  	_ =	swait.ge [sflag:s20], $0x500  }
0x45: {  	[sflag:s20] =	ssyncset.done $0x0  }
0x46: {  	[sflag:s20] =	ssyncadd.s32 $0xFFFFFB00  }
0x47: {  	_ =	swait.ge [sflag:s21], $0x500  }
0x48: {  	[sflag:s21] =	ssyncset.done $0x0  }
0x49: {  	[sflag:s21] =	ssyncadd.s32 $0xFFFFFB00  }
0x4a: {  	_ =	swait.ge [sflag:s22], $0x500  }
0x4b: {  	[sflag:s22] =	ssyncset.done $0x0  }
0x4c: {  	[sflag:s22] =	ssyncadd.s32 $0xFFFFFB00  }
0x4d: {  	_ =	swait.ge [sflag:s17], $0x500  }
0x4e: {  	[sflag:s17] =	ssyncset.done $0x0  }
0x4f: {  	[sflag:s17] =	ssyncadd.s32 $0xFFFFFB00  }
0x50: {  	_ =	swait.ge [sflag:s20], $0x500  }
0x51: {  	[sflag:s20] =	ssyncset.done $0x0  }
0x52: {  	[sflag:s20] =	ssyncadd.s32 $0xFFFFFB00  }
0x53: {  	_ =	swait.ge [sflag:s21], $0x500  }
0x54: {  	[sflag:s21] =	ssyncset.done $0x0  }
0x55: {  	[sflag:s21] =	ssyncadd.s32 $0xFFFFFB00  }
0x56: {  	_ =	swait.ge [sflag:s22], $0x480  }
0x57: {  	s4 =	sadd.s32 $0x1, s4;
	s31 =	rddreg [dreg:$0xe]  }
0x58: {  	p1 =	sne.s32 s4, s31  }
.Ltmp1:
0x59: {  	_ = 	snop;
	(pc) =	sbr.rel @!p1 .LBB2_9-.Ltmp1, $3  }
0x5a: {  	_ =	sdelay $0x1  }
0x5b: {  	[sflag:s22] =	ssyncset.done $0x0  }
0x5c: {  	[sflag:s22] =	ssyncadd.s32 $0xFFFFFB80  }
.LBB2_1:
0x5d: {  	s23 =	simm.s32 $0x0;
	s24 =	simm.s32 $0x200  }
.LBB2_2:
0x5e: {  	p1 =	sne.s32 s24, $0x7E00;
	[tilespmem:s23+$0x16F0] =	vst v0  }
0x5f: {  	[tilespmem:s23+$0x1680] =	vst v0  }
0x60: {  	[tilespmem:s23+$0x1690] =	vst v0  }
.Ltmp2:
0x61: {  	[tilespmem:s23+$0x16A0] =	vst v0;
	(pc) =	sbr.rel @p1 .LBB2_2-.Ltmp2, $4  }
0x62: {  	[tilespmem:s23+$0x16B0] =	vst v0  }
0x63: {  	[tilespmem:s23+$0x16C0] =	vst v0  }
0x64: {  	[tilespmem:s23+$0x16D0] =	vst v0  }
0x65: {  	[tilespmem:s23+$0x16E0] =	vst v0;
	s23 =	sshra.s32 s24, $0x2;
	s24 =	sadd.s32 $0x200, s24  }
0x66: {  	[tilespmem:s23+$0x16F0] =	vst v0  }
0x67: {  	[tilespmem:s23+$0x1680] =	vst v0  }
0x68: {  	[tilespmem:s23+$0x1690] =	vst v0  }
0x69: {  	[tilespmem:s23+$0x16A0] =	vst v0  }
0x6a: {  	[tilespmem:s23+$0x16B0] =	vst v0  }
0x6b: {  	[tilespmem:s23+$0x16C0] =	vst v0  }
0x6c: {  	[tilespmem:s23+$0x16D0] =	vst v0  }
0x6d: {  	[tilespmem:s23+$0x16E0] =	vst v0  }
0x6e: {  	[spmem:s6] =	stream.linear.scatter [tilespmem:s3], [sflag:$0x5], $0x2000, $0x38;
	[tilespmem:$0x1D280] =	vst v63  }
0x6f: {  	_ =	swait.ge [sflag:s8], $0x2000  }
0x70: {  	[sflag:s8] =	ssyncset.done $0x0  }
0x71: {  	s24 =	rddreg [dreg:$0xc];
	[sflag:s8] =	ssyncadd.s32 $0xFFFFE000  }
0x72: {  	[spmem:s24] =	stream.linear.scatter [tilespmem:s3], [sflag:$0x5], $0x2000, $0x38;
	[tilespmem:$0x1D280] =	vst v63  }
0x73: {  	_ =	swait.ge [sflag:s8], $0x2000  }
0x74: {  	[sflag:s8] =	ssyncset.done $0x0  }
0x75: {  	s25 =	rddreg [dreg:$0xd];
	[sflag:s8] =	ssyncadd.s32 $0xFFFFE000  }
0x76: {  	[spmem:s25] =	stream.linear.scatter [tilespmem:s3], [sflag:$0x5], $0x2000, $0x38;
	[tilespmem:$0x1D280] =	vst v63  }
0x77: {  	_ =	swait.ge [sflag:s8], $0x2000  }
0x78: {  	[sflag:s8] =	ssyncset.done $0x0  }
0x79: {  	s26 =	rddreg [dreg:$0x15];
	[sflag:s8] =	ssyncadd.s32 $0xFFFFE000  }
0x7a: {  	[spmem:s26] =	stream.linear.scatter [tilespmem:s3], [sflag:$0x5], $0x2000, $0x38;
	[tilespmem:$0x1D280] =	vst v63  }
0x7b: {  	_ =	swait.ge [sflag:s8], $0x2000  }
0x7c: {  	[sflag:s8] =	ssyncset.done $0x0  }
0x7d: {  	s28 =	rddreg [dreg:$0x16];
	[sflag:s8] =	ssyncadd.s32 $0xFFFFE000  }
0x7e: {  	[spmem:s28] =	stream.linear.scatter [tilespmem:s3], [sflag:$0x5], $0x2000, $0x38;
	[tilespmem:$0x1D280] =	vst v63  }
0x7f: {  	_ =	swait.ge [sflag:s8], $0x2000  }
0x80: {  	[sflag:s8] =	ssyncset.done $0x0  }
0x81: {  	[sflag:s8] =	ssyncadd.s32 $0xFFFFE000  }
0x82: {  	[spmem:s18] =	stream.linear.scatter [tilespmem:s3], [sflag:$0x5], $0x2000, $0x38;
	[tilespmem:$0x1D280] =	vst v63  }
0x83: {  	_ =	swait.ge [sflag:s8], $0x2000  }
0x84: {  	[sflag:s8] =	ssyncset.done $0x0  }
0x85: {  	s29 =	rddreg [dreg:$0x17];
	[sflag:s8] =	ssyncadd.s32 $0xFFFFE000  }
0x86: {  	[spmem:s29] =	stream.linear.scatter [tilespmem:s3], [sflag:$0x5], $0x2000, $0x38;
	[tilespmem:$0x1D280] =	vst v63  }
0x87: {  	_ =	swait.ge [sflag:s8], $0x2000  }
0x88: {  	[sflag:s8] =	ssyncset.done $0x0  }
0x89: {  	s30 =	rddreg [dreg:$0x18];
	[sflag:s8] =	ssyncadd.s32 $0xFFFFE000  }
0x8a: {  	[spmem:s30] =	stream.linear.scatter [tilespmem:s3], [sflag:$0x5], $0x2000, $0x38;
	[tilespmem:$0x1D280] =	vst v63  }
0x8b: {  	_ =	swait.ge [sflag:s8], $0x2000  }
0x8c: {  	[sflag:s8] =	ssyncset.done $0x0  }
0x8d: {  	s31 =	rddreg [dreg:$0x19];
	[sflag:s8] =	ssyncadd.s32 $0xFFFFE000  }
0x8e: {  	[spmem:s31] =	stream.linear.scatter [tilespmem:s3], [sflag:$0x5], $0x2000, $0x38;
	[tilespmem:$0x1D280] =	vst v63  }
0x8f: {  	_ =	swait.ge [sflag:s8], $0x2000  }
0x90: {  	[sflag:s8] =	ssyncset.done $0x0  }
0x91: {  	[sflag:s8] =	ssyncadd.s32 $0xFFFFE000  }
0x92: {  	[spmem:s0] =	stream.linear.scatter [tilespmem:s3], [sflag:$0x5], $0x1C00, $0x38;
	[tilespmem:$0x1D280] =	vst v63  }
.Ltmp3:
0x93: {  	_ =	swait.ge [sflag:s8], $0x1C00;
	(pc) =	sbr.rel .LBB2_4-.Ltmp3, $4  }
0x94: {  	[sflag:s8] =	ssyncset.done $0x0  }
0x95: {  	[sflag:s8] =	ssyncadd.s32 $0xFFFFE400  }
0x96: {  	[bflag:$0x0] =	sbarrier.arrive $0xFFFF  }
0x97: {  	s23 =	simm.s32 $0x0;
	s24 =	simm.s32 $0x0  }
.LBB2_7:
0x98: {  	p1 =	slt.u32 @!p0 s24, $0x6  }
0x99: {  	p1 =	por p0, !p1  }
.Ltmp4:
0x9a: {  	_ = 	snop;
	(pc) =	sbr.rel @p1 .LBB2_8-.Ltmp4, $2  }
0x9b: {  	_ =	sdelay $0x2  }
0x9c: {  	s24 =	sadd.s32 $0x1, s24  }
.LBB2_4:
0x9d: {  	s25 =	smul.u32 $0x28, s24;
	_ =	sdelay $0x1  }
0x9e: {  	s25 =	sadd.s32 s7, s25  }
0x9f: {  	s25 =	sshll.u32 s25, $0x4  }
0xa0: {  	s25 =	sadd.s32 s5, s25  }
0xa1: {  	[tilespmem:s23], [sflag:$0x5] =	stream.linear.gather [hbm4b:s25+s23], $0x1400, $0x38;
	[tilespmem:$0x1D280] =	vst v63  }
0xa2: {  	_ =	swait.ge [sflag:s8], $0x1400  }
0xa3: {  	[sflag:s8] =	ssyncset.done $0x0  }
0xa4: {  	[sflag:s8] =	ssyncadd.s32 $0xFFFFEC00  }
0xa5: {  	v1 =	vld [tilespmem:$0x0]  }
0xa6: {  	v2 =	vld [tilespmem:$0x10]  }
0xa7: {  	v3 =	vld [tilespmem:$0x20]  }
0xa8: {  	v4 =	vld [tilespmem:$0x30];
	_ =	sdelay $0x1  }
0xa9: {  	v1 =	vand.u32 $0xFFFF, v1  }
0xaa: {  	[tilespmem:$0x1400] =	vst v1;
	v1 =	vand.u32 $0xFFFF, v2  }
0xab: {  	[tilespmem:$0x1410] =	vst v1;
	v1 =	vand.u32 $0xFFFF, v3  }
0xac: {  	[tilespmem:$0x1420] =	vst v1;
	v1 =	vand.u32 $0xFFFF, v4  }
0xad: {  	[tilespmem:$0x1430] =	vst v1  }
0xae: {  	[tilespmem:s3], [sflag:$0x1] =	stream.indirect.gather [hbm4b:s1+s9], $0x80, s10, s9, $0xb8;
	[tilespmem:$0x1D280] =	vst v63  }
0xaf: {  	v1 =	vld [tilespmem:$0x80]  }
0xb0: {  	v2 =	vld [tilespmem:$0x90]  }
0xb1: {  	v3 =	vld [tilespmem:$0xA0]  }
0xb2: {  	v61 =	vld [tilespmem:$0xB0];
	_ =	sdelay $0x1  }
0xb3: {  	v1 =	vand.u32 $0xFFFF, v1  }
0xb4: {  	[tilespmem:$0x1480] =	vst v1;
	v1 =	vand.u32 $0xFFFF, v2  }
0xb5: {  	[tilespmem:$0x1490] =	vst v1;
	v1 =	vand.u32 $0xFFFF, v3  }
0xb6: {  	[tilespmem:$0x14A0] =	vst v1;
	v1 =	vand.u32 $0xFFFF, v61  }
0xb7: {  	[tilespmem:$0x14B0] =	vst v1  }
0xb8: {  	[tilespmem:s12], [sflag:$0x2] =	stream.indirect.gather [hbm4b:s1+s9], $0x80, s11, s9, $0xb8;
	[tilespmem:$0x1D280] =	vst v63  }
0xb9: {  	v1 =	vld [tilespmem:$0x100]  }
0xba: {  	v2 =	vld [tilespmem:$0x110]  }
0xbb: {  	v3 =	vld [tilespmem:$0x120]  }
0xbc: {  	v62 =	vld [tilespmem:$0x130];
	_ =	sdelay $0x1  }
0xbd: {  	v1 =	vand.u32 $0xFFFF, v1  }
0xbe: {  	[tilespmem:$0x1500] =	vst v1;
	v1 =	vand.u32 $0xFFFF, v2  }
0xbf: {  	[tilespmem:$0x1510] =	vst v1;
	v1 =	vand.u32 $0xFFFF, v3  }
0xc0: {  	[tilespmem:$0x1520] =	vst v1;
	v1 =	vand.u32 $0xFFFF, v62  }
0xc1: {  	[tilespmem:$0x1530] =	vst v1  }
0xc2: {  	[tilespmem:s14], [sflag:$0x3] =	stream.indirect.gather [hbm4b:s1+s9], $0x80, s13, s9, $0xb8;
	[tilespmem:$0x1D280] =	vst v63  }
0xc3: {  	v1 =	vld [tilespmem:$0x180]  }
0xc4: {  	v2 =	vld [tilespmem:$0x190]  }
0xc5: {  	v3 =	vld [tilespmem:$0x1A0]  }
0xc6: {  	v63 =	vld [tilespmem:$0x1B0];
	_ =	sdelay $0x1  }
0xc7: {  	v1 =	vand.u32 $0xFFFF, v1  }
0xc8: {  	[tilespmem:$0x1580] =	vst v1;
	v1 =	vand.u32 $0xFFFF, v2  }
0xc9: {  	[tilespmem:$0x1590] =	vst v1;
	v1 =	vand.u32 $0xFFFF, v3  }
0xca: {  	[tilespmem:$0x15A0] =	vst v1;
	v1 =	vand.u32 $0xFFFF, v63  }
0xcb: {  	s25 =	simm.s32 $0x0;
	[tilespmem:$0x15B0] =	vst v1  }
0xcc: {  	[tilespmem:s16], [sflag:$0x4] =	stream.indirect.gather [hbm4b:s1+s9], $0x80, s15, s9, $0xb8;
	[tilespmem:$0x1D280] =	vst v63  }
.LBB2_5:
0xcd: {  	_ =	swait.ge [sflag:s17], $0x2000  }
0xce: {  	[sflag:s17] =	ssyncset.done $0x0  }
0xcf: {  	s26 =	sshra.s32 s25, $0x2;
	[sflag:s17] =	ssyncadd.s32 $0xFFFFE000  }
0xd0: {  	v1 =	vld [tilespmem:s26+$0x0];
	_ =	sdelay $0x4  }
0xd1: {  	v1 =	vshrl.u32 v1, $0x10  }
0xd2: {  	[tilespmem:$0x1600] =	vst v1  }
0xd3: {  	v1 =	vld [tilespmem:s26+$0x10];
	_ =	sdelay $0x4  }
0xd4: {  	v1 =	vshrl.u32 v1, $0x10  }
0xd5: {  	[tilespmem:$0x1610] =	vst v1  }
0xd6: {  	v1 =	vld [tilespmem:s26+$0x20];
	_ =	sdelay $0x4  }
0xd7: {  	v1 =	vshrl.u32 v1, $0x10  }
0xd8: {  	[tilespmem:$0x1620] =	vst v1  }
0xd9: {  	v1 =	vld [tilespmem:s26+$0x30];
	_ =	sdelay $0x4  }
0xda: {  	v1 =	vshrl.u32 v1, $0x10  }
0xdb: {  	[tilespmem:$0x1630] =	vst v1  }
0xdc: {  	[spmem:s2] =	stream.indirect.scatter.add.f32 [tilespmem:s3], [sflag:$0x5], $0x80, s19, s9, $0xb8;
	[tilespmem:$0x1D280] =	vst v63  }
0xdd: {  	_ =	swait.ge [sflag:s8], $0x2000  }
0xde: {  	p1 =	seq.s32 s25, $0x4800;
	[sflag:s8] =	ssyncset.done $0x0  }
0xdf: {  	s28 =	sshra.s32 @!p1 s25, $0x2;
	[sflag:s8] =	ssyncadd.s32 $0xFFFFE000  }
0xe0: {  	v1 =	vld @!p1 [tilespmem:s28+$0x200];
	_ =	sdelay $0x4  }
0xe1: {  	v1 =	vand.u32 @!p1 $0xFFFF, v1  }
0xe2: {  	[tilespmem:$0x1400] =	vst @!p1 v1  }
0xe3: {  	v1 =	vld @!p1 [tilespmem:s28+$0x210];
	_ =	sdelay $0x4  }
0xe4: {  	v1 =	vand.u32 @!p1 $0xFFFF, v1  }
0xe5: {  	[tilespmem:$0x1410] =	vst @!p1 v1  }
0xe6: {  	v1 =	vld @!p1 [tilespmem:s28+$0x220];
	_ =	sdelay $0x4  }
0xe7: {  	v1 =	vand.u32 @!p1 $0xFFFF, v1  }
0xe8: {  	[tilespmem:$0x1420] =	vst @!p1 v1  }
0xe9: {  	v1 =	vld @!p1 [tilespmem:s28+$0x230];
	_ =	sdelay $0x4  }
0xea: {  	v1 =	vand.u32 @!p1 $0xFFFF, v1  }
0xeb: {  	s29 =	simm.s32 @!p1 $0x40;
	s30 =	simm.s32 @!p1 $0x1400;
	s31 =	simm.s32 @!p1 $0x1680;
	[tilespmem:$0x1430] =	vst @!p1 v1  }
0xec: {  	[tilespmem:s31], [sflag:$0x1] =	stream.indirect.gather @!p1 [hbm4b:s1+s29], $0x80, s30, s29, $0xb8;
	[tilespmem:$0x1D280] =	vst v63  }
0xed: {  	_ =	swait.ge [sflag:s20], $0x2000  }
0xee: {  	[sflag:s20] =	ssyncset.done $0x0  }
0xef: {  	[sflag:s20] =	ssyncadd.s32 $0xFFFFE000  }
0xf0: {  	v1 =	vld [tilespmem:s26+$0x80];
	_ =	sdelay $0x4  }
0xf1: {  	v1 =	vshrl.u32 v1, $0x10  }
0xf2: {  	[tilespmem:$0x1600] =	vst v1  }
0xf3: {  	v1 =	vld [tilespmem:s26+$0x90];
	_ =	sdelay $0x4  }
0xf4: {  	v1 =	vshrl.u32 v1, $0x10  }
0xf5: {  	[tilespmem:$0x1610] =	vst v1  }
0xf6: {  	v1 =	vld [tilespmem:s26+$0xA0];
	_ =	sdelay $0x4  }
0xf7: {  	v1 =	vshrl.u32 v1, $0x10  }
0xf8: {  	[tilespmem:$0x1620] =	vst v1  }
0xf9: {  	v1 =	vld [tilespmem:s26+$0xB0];
	_ =	sdelay $0x4  }
0xfa: {  	v1 =	vshrl.u32 v1, $0x10  }
0xfb: {  	[tilespmem:$0x1630] =	vst v1  }
0xfc: {  	[spmem:s2] =	stream.indirect.scatter.add.f32 [tilespmem:s12], [sflag:$0x5], $0x80, s19, s9, $0xb8;
	[tilespmem:$0x1D280] =	vst v63  }
0xfd: {  	_ =	swait.ge [sflag:s8], $0x2000  }
0xfe: {  	[sflag:s8] =	ssyncset.done $0x0  }
0xff: {  	[sflag:s8] =	ssyncadd.s32 $0xFFFFE000  }
0x100: {  	v1 =	vld @!p1 [tilespmem:s28+$0x280];
	_ =	sdelay $0x4  }
0x101: {  	v1 =	vand.u32 @!p1 $0xFFFF, v1  }
0x102: {  	[tilespmem:$0x1480] =	vst @!p1 v1  }
0x103: {  	v1 =	vld @!p1 [tilespmem:s28+$0x290];
	_ =	sdelay $0x4  }
0x104: {  	v1 =	vand.u32 @!p1 $0xFFFF, v1  }
0x105: {  	[tilespmem:$0x1490] =	vst @!p1 v1  }
0x106: {  	v1 =	vld @!p1 [tilespmem:s28+$0x2A0];
	_ =	sdelay $0x4  }
0x107: {  	v1 =	vand.u32 @!p1 $0xFFFF, v1  }
0x108: {  	[tilespmem:$0x14A0] =	vst @!p1 v1  }
0x109: {  	v1 =	vld @!p1 [tilespmem:s28+$0x2B0];
	_ =	sdelay $0x4  }
0x10a: {  	v1 =	vand.u32 @!p1 $0xFFFF, v1  }
0x10b: {  	s30 =	simm.s32 @!p1 $0x1480;
	s31 =	simm.s32 @!p1 $0x3680;
	[tilespmem:$0x14B0] =	vst @!p1 v1  }
0x10c: {  	[tilespmem:s31], [sflag:$0x2] =	stream.indirect.gather @!p1 [hbm4b:s1+s29], $0x80, s30, s29, $0xb8;
	[tilespmem:$0x1D280] =	vst v63  }
0x10d: {  	_ =	swait.ge [sflag:s21], $0x2000  }
0x10e: {  	[sflag:s21] =	ssyncset.done $0x0  }
0x10f: {  	[sflag:s21] =	ssyncadd.s32 $0xFFFFE000  }
0x110: {  	v1 =	vld [tilespmem:s26+$0x100];
	_ =	sdelay $0x4  }
0x111: {  	v1 =	vshrl.u32 v1, $0x10  }
0x112: {  	[tilespmem:$0x1600] =	vst v1  }
0x113: {  	v1 =	vld [tilespmem:s26+$0x110];
	_ =	sdelay $0x4  }
0x114: {  	v1 =	vshrl.u32 v1, $0x10  }
0x115: {  	[tilespmem:$0x1610] =	vst v1  }
0x116: {  	v1 =	vld [tilespmem:s26+$0x120];
	_ =	sdelay $0x4  }
0x117: {  	v1 =	vshrl.u32 v1, $0x10  }
0x118: {  	[tilespmem:$0x1620] =	vst v1  }
0x119: {  	v1 =	vld [tilespmem:s26+$0x130];
	_ =	sdelay $0x4  }
0x11a: {  	v1 =	vshrl.u32 v1, $0x10  }
0x11b: {  	[tilespmem:$0x1630] =	vst v1  }
0x11c: {  	[spmem:s2] =	stream.indirect.scatter.add.f32 [tilespmem:s14], [sflag:$0x5], $0x80, s19, s9, $0xb8;
	[tilespmem:$0x1D280] =	vst v63  }
0x11d: {  	_ =	swait.ge [sflag:s8], $0x2000  }
0x11e: {  	[sflag:s8] =	ssyncset.done $0x0  }
0x11f: {  	[sflag:s8] =	ssyncadd.s32 $0xFFFFE000  }
0x120: {  	v1 =	vld @!p1 [tilespmem:s28+$0x300];
	_ =	sdelay $0x4  }
0x121: {  	v1 =	vand.u32 @!p1 $0xFFFF, v1  }
0x122: {  	[tilespmem:$0x1500] =	vst @!p1 v1  }
0x123: {  	v1 =	vld @!p1 [tilespmem:s28+$0x310];
	_ =	sdelay $0x4  }
0x124: {  	v1 =	vand.u32 @!p1 $0xFFFF, v1  }
0x125: {  	[tilespmem:$0x1510] =	vst @!p1 v1  }
0x126: {  	v1 =	vld @!p1 [tilespmem:s28+$0x320];
	_ =	sdelay $0x4  }
0x127: {  	v1 =	vand.u32 @!p1 $0xFFFF, v1  }
0x128: {  	[tilespmem:$0x1520] =	vst @!p1 v1  }
0x129: {  	v1 =	vld @!p1 [tilespmem:s28+$0x330];
	_ =	sdelay $0x4  }
0x12a: {  	v1 =	vand.u32 @!p1 $0xFFFF, v1  }
0x12b: {  	s30 =	simm.s32 @!p1 $0x5680;
	s28 =	simm.s32 @!p1 $0x1500;
	[tilespmem:$0x1530] =	vst @!p1 v1  }
0x12c: {  	[tilespmem:s30], [sflag:$0x3] =	stream.indirect.gather @!p1 [hbm4b:s1+s29], $0x80, s28, s29, $0xb8;
	[tilespmem:$0x1D280] =	vst v63  }
0x12d: {  	_ =	swait.ge [sflag:s22], $0x2000  }
0x12e: {  	[sflag:s22] =	ssyncset.done $0x0  }
0x12f: {  	[sflag:s22] =	ssyncadd.s32 $0xFFFFE000  }
0x130: {  	v1 =	vld [tilespmem:s26+$0x180];
	_ =	sdelay $0x4  }
0x131: {  	v1 =	vshrl.u32 v1, $0x10  }
0x132: {  	[tilespmem:$0x1600] =	vst v1  }
0x133: {  	v1 =	vld [tilespmem:s26+$0x190];
	_ =	sdelay $0x4  }
0x134: {  	v1 =	vshrl.u32 v1, $0x10  }
0x135: {  	[tilespmem:$0x1610] =	vst v1  }
0x136: {  	v1 =	vld [tilespmem:s26+$0x1A0];
	_ =	sdelay $0x4  }
0x137: {  	v1 =	vshrl.u32 v1, $0x10  }
0x138: {  	[tilespmem:$0x1620] =	vst v1  }
0x139: {  	v1 =	vld [tilespmem:s26+$0x1B0];
	_ =	sdelay $0x4  }
0x13a: {  	v1 =	vshrl.u32 v1, $0x10  }
.Ltmp5:
0x13b: {  	[tilespmem:$0x1630] =	vst v1;
	(pc) =	sbr.rel @p1 .LBB2_7-.Ltmp5, $4  }
0x13c: {  	[spmem:s2] =	stream.indirect.scatter.add.f32 [tilespmem:s16], [sflag:$0x5], $0x80, s19, s9, $0xb8;
	[tilespmem:$0x1D280] =	vst v63  }
0x13d: {  	_ =	swait.ge [sflag:s8], $0x2000  }
0x13e: {  	[sflag:s8] =	ssyncset.done $0x0  }
0x13f: {  	[sflag:s8] =	ssyncadd.s32 $0xFFFFE000  }
0x140: {  	v1 =	vld [tilespmem:s26+$0x380];
	_ =	sdelay $0x4  }
0x141: {  	v1 =	vand.u32 $0xFFFF, v1  }
0x142: {  	[tilespmem:$0x1580] =	vst v1  }
0x143: {  	v1 =	vld [tilespmem:s26+$0x390];
	_ =	sdelay $0x4  }
0x144: {  	v1 =	vand.u32 $0xFFFF, v1  }
0x145: {  	[tilespmem:$0x1590] =	vst v1  }
0x146: {  	v1 =	vld [tilespmem:s26+$0x3A0];
	_ =	sdelay $0x4  }
0x147: {  	v1 =	vand.u32 $0xFFFF, v1  }
0x148: {  	[tilespmem:$0x15A0] =	vst v1  }
0x149: {  	v1 =	vld [tilespmem:s26+$0x3B0];
	_ =	sdelay $0x2  }
.Ltmp6:
0x14a: {  	_ = 	snop;
	(pc) =	sbr.rel .LBB2_5-.Ltmp6, $4  }
0x14b: {  	_ = 	snop  }
0x14c: {  	v1 =	vand.u32 $0xFFFF, v1  }
0x14d: {  	s25 =	sadd.s32 $0x800, s25;
	[tilespmem:$0x15B0] =	vst v1  }
0x14e: {  	[tilespmem:s16], [sflag:$0x4] =	stream.indirect.gather [hbm4b:s1+s9], $0x80, s15, s9, $0xb8;
	[tilespmem:$0x1D280] =	vst v63  }
.LBB2_9:
0x14f: {  	_ =	sfence.sel $0x180000  }
0x150: {  	[bflag:$0x0] =	sbarrier.arrive $0xFFFF  }
0x151: {  	_ =	strace $0x9000004D  }
0x152: {  	s0 =	stileid.u32;
	[bflag:$0x2] =	sbarrier.arrive $0xFFFF  }
0x153: {  	p0 =	sne.s32 s0, $0x0;
	s0 =	rddreg [dreg:$0x3]  }
0x154: {  	s0 =	sadd.s32 @!p0 $0x100000, s0  }
0x155: {  	[sflag:s0] =	ssyncadd.tile.s32 @!p0 $0x1;
	_ =	shalt  }
.Lfunc_end2:
_tile_overlayer_lowered:
.L_overlay_start_2:
0x156: {  	(tag) =	ssettag $0x2  }
0x157: {  	s0 =	rddreg [dreg:$0x0];
	s2 =	stileid.u32  }
0x158: {  	s1 =	rddreg [dreg:$0x1];
	p0 =	sne.s32 s2, $0x0  }
0x159: {  	s3 =	rddreg [dreg:$0x2];
	[bflag:$0x3] =	sbarrier.arrive $0xFFFF;
	s2 =	simm.s32 @!p0 $0x1C05  }
0x15a: {  	[timem:s3], [sflag:s2] =	dma.local @!p0 [hbm:s0], s1  }
0x15b: {  	s0 =	simm.s32 @!p0 $0x5  }
0x15c: {  	_ =	swait.ge @!p0 [sflag:s0], s1  }
0x15d: {  	s1 =	ssub.s32 @!p0 $0x0, s1;
	[sflag:s0] =	ssyncset.done @!p0 $0x0  }
0x15e: {  	[sflag:s0] =	ssyncadd.s32 @!p0 s1  }
0x15f: {  	[bflag:$0x3] =	sbarrier.arrive $0xFFFF  }
0x160: {  	_ =	shalt  }

// kernel: kernel.8.cloned.1.call-start
scs
__scs_entry_jumppad:
0x0: {  	(pc) =	sbr.rel $0x88, $3  }
0x1: {  	(tag) =	ssettag $0x0;
	lr =	simm.s32 $0x1  }
0x2: {  	[smem:$0x3F9B] =	sst lr;
	_ =	strace $0xD0000000  }
0x3: {  	_ = 	snop  }
0x4: {  	_ = 	snop  }
0x5: {  	_ = 	snop  }
0x6: {  	_ = 	snop  }
0x7: {  	_ = 	snop  }
__scs_overlays_trampoline_lowered:
0x8: {  	[smem:$0x3FAA] =	sst s0  }
0x9: {  	[smem:$0x3FAB] =	sst s1  }
0xa: {  	[smem:$0x3FAC] =	sst s2  }
0xb: {  	[smem:$0x3FAD] =	sst s3  }
0xc: {  	[smem:$0x3FAE] =	sst s4  }
0xd: {  	[smem:$0x3FAF] =	sst s5  }
0xe: {  	[smem:$0x3FB0] =	sst s6  }
0xf: {  	[smem:$0x3FB1] =	sst s7  }
0x10: {  	[smem:$0x3FB2] =	sst s8  }
0x11: {  	[smem:$0x3FB3] =	sst s9;
	s0 =	simm.s32 @!p0 $0x0  }
0x12: {  	s1 =	sld [smem:$0x3F99];
	s0 =	simm.s32 @p0 $0x1  }
0x13: {  	[smem:$0x3FB4] =	sst s0;
	s0 =	simm.s32 @!p1 $0x0  }
0x14: {  	s2 =	sld [smem:$0x3F98];
	s0 =	simm.s32 @p1 $0x1  }
0x15: {  	[smem:$0x3FB5] =	sst s0;
	s0 =	simm.s32 @!p2 $0x0  }
0x16: {  	s3 =	sld [smem:$0x3FDB];
	s0 =	simm.s32 @p2 $0x1  }
0x17: {  	s4 =	simm.s32 $0x1BF5;
	[smem:$0x3FB7] =	sst s0  }
0x18: {  	s0 =	sld [smem:$0x3F9A];
	_ =	swait.ge [sflag:s4], $0x0  }
0x19: {  	s7 =	sld [smem:$0x3F9B]  }
0x1a: {  	s8 =	sadd.s32 $0xFFFFE003, lr  }
0x1b: {  	s9 =	sadd.s32 $0xFFFFFEF7, lr;
	s5 =	simm.s32 $0xFFFFFFFF;
	p2 =	slt.u32 s8, $0xFFFFF086  }
0x1c: {  	p1 =	slt.u32 s9, $0xF7A;
	s5 =	simm.s32 @!p2 $0x0  }
0x1d: {  	s5 =	simm.s32 @p1 $0x1;
	p0 =	seq.s32 s7, s2  }
0x1e: {  	s7 =	smul.u32 @!p0 $0xF7A, s2;
	p2 =	seq.s32 @!p0 s5, $0x0  }
0x1f: {  	s9 =	smul.u32 $0xF7A, s1;
	s8 =	simm.s32 @!p0 $0x1BF5;
	p2 =	por !p2, p0  }
0x20: {  	[sflag:s8] =	ssyncset.s32 @!p0 $0xFFFFF086;
	s6 =	sadd.s32 @!p0 s3, s7;
	s7 =	simm.s32 @!p0 $0x108  }
0x21: {  	s3 =	sadd.s32 s3, s9;
	s6 =	sadd.s32 @!p0 $0x88, s6;
	s7 =	simm.s32 @p2 $0x1082  }
0x22: {  	[simem:s7], [sflag:s8] =	dma.local @!p0 [hbm:s6], $0xF7A  }
0x23: {  	s9 =	sor.u32 $0xD0000000, s2;
	s6 =	simm.s32 $0x108;
	_ =	swait.ge @!p0 [sflag:s8], $0x0  }
0x24: {  	s3 =	sadd.s32 $0x88, s3;
	s6 =	simm.s32 @!p1 $0x1082;
	[sflag:s4] =	ssyncset.s32 $0xFFFFF086  }
0x25: {  	[simem:s6], [sflag:s4] =	dma.local [hbm:s3], $0xF7A  }
0x26: {  	[smem:$0x3F9B] =	sst s1;
	(tag) =	ssettag s2;
	_ =	strace s9  }
0x27: {  	s1 =	sld [smem:$0x3FAB]  }
0x28: {  	s2 =	sld [smem:$0x3FAC]  }
0x29: {  	s4 =	sld [smem:$0x3FAE]  }
0x2a: {  	p0 =	seq.s32 s5, $0x0;
	s5 =	sld [smem:$0x3FAF]  }
0x2b: {  	s6 =	sld [smem:$0x3FB0]  }
0x2c: {  	s7 =	sld [smem:$0x3FB1]  }
0x2d: {  	s3 =	simm.s32 $0x108;
	s8 =	sld [smem:$0x3FB2]  }
0x2e: {  	s3 =	simm.s32 @!p0 $0x1082;
	s9 =	sld [smem:$0x3FB3]  }
0x2f: {  	lr =	sadd.s32 s0, s3;
	s0 =	sld [smem:$0x3FAA]  }
0x30: {  	s3 =	sld [smem:$0x3FAD]  }
0x31: {  	[smem:$0x3FB6] =	sst s10  }
0x32: {  	s10 =	sld [smem:$0x3FB4];
	_ =	sdelay $0x3  }
0x33: {  	p0 =	seq.s32 s10, $0x1;
	s10 =	sld [smem:$0x3FB6];
	_ =	sdelay $0x3  }
0x34: {  	[smem:$0x3FB6] =	sst s10  }
0x35: {  	s10 =	sld [smem:$0x3FB5];
	_ =	sdelay $0x3  }
0x36: {  	p1 =	seq.s32 s10, $0x1;
	s10 =	sld [smem:$0x3FB6];
	_ =	sdelay $0x3  }
0x37: {  	[smem:$0x3FB6] =	sst s10  }
0x38: {  	s10 =	sld [smem:$0x3FB7]  }
0x39: {  	_ = 	snop;
	(pc) =	sbr.ind lr, $3  }
0x3a: {  	_ = 	snop  }
0x3b: {  	_ = 	snop  }
0x3c: {  	p2 =	seq.s32 s10, $0x1;
	s10 =	sld [smem:$0x3FB6]  }
0x3d: {  	_ =	shalt  }
0x3e: {  	_ =	shalt  }
0x3f: {  	_ =	shalt  }
0x40: {  	_ =	shalt  }
0x41: {  	_ =	shalt  }
0x42: {  	_ =	shalt  }
0x43: {  	_ =	shalt  }
0x44: {  	_ =	shalt  }
0x45: {  	_ =	shalt  }
0x46: {  	_ =	shalt  }
0x47: {  	_ =	shalt  }
0x48: {  	_ =	shalt  }
0x49: {  	_ =	shalt  }
0x4a: {  	_ =	shalt  }
0x4b: {  	_ =	shalt  }
0x4c: {  	_ =	shalt  }
0x4d: {  	_ =	shalt  }
0x4e: {  	_ =	shalt  }
0x4f: {  	_ =	shalt  }
0x50: {  	_ =	shalt  }
0x51: {  	_ =	shalt  }
0x52: {  	_ =	shalt  }
0x53: {  	_ =	shalt  }
0x54: {  	_ =	shalt  }
0x55: {  	_ =	shalt  }
0x56: {  	_ =	shalt  }
0x57: {  	_ =	shalt  }
0x58: {  	_ =	shalt  }
0x59: {  	_ =	shalt  }
0x5a: {  	_ =	shalt  }
0x5b: {  	_ =	shalt  }
0x5c: {  	_ =	shalt  }
0x5d: {  	_ =	shalt  }
0x5e: {  	_ =	shalt  }
0x5f: {  	_ =	shalt  }
0x60: {  	_ =	shalt  }
0x61: {  	_ =	shalt  }
0x62: {  	_ =	shalt  }
0x63: {  	_ =	shalt  }
0x64: {  	_ =	shalt  }
0x65: {  	_ =	shalt  }
0x66: {  	_ =	shalt  }
0x67: {  	_ =	shalt  }
0x68: {  	_ =	shalt  }
0x69: {  	_ =	shalt  }
0x6a: {  	_ =	shalt  }
0x6b: {  	_ =	shalt  }
0x6c: {  	_ =	shalt  }
0x6d: {  	_ =	shalt  }
0x6e: {  	_ =	shalt  }
0x6f: {  	_ =	shalt  }
0x70: {  	_ =	shalt  }
0x71: {  	_ =	shalt  }
0x72: {  	_ =	shalt  }
0x73: {  	_ =	shalt  }
0x74: {  	_ =	shalt  }
0x75: {  	_ =	shalt  }
0x76: {  	_ =	shalt  }
0x77: {  	_ =	shalt  }
0x78: {  	_ =	shalt  }
0x79: {  	_ =	shalt  }
0x7a: {  	_ =	shalt  }
0x7b: {  	_ =	shalt  }
0x7c: {  	_ =	shalt  }
0x7d: {  	_ =	shalt  }
0x7e: {  	_ =	shalt  }
0x7f: {  	_ =	shalt  }
0x80: {  	_ =	shalt  }
0x81: {  	_ =	shalt  }
0x82: {  	_ =	shalt  }
0x83: {  	_ =	shalt  }
0x84: {  	_ =	shalt  }
0x85: {  	_ =	shalt  }
0x86: {  	_ =	shalt  }
0x87: {  	_ =	shalt  }
.Lfunc_end0:
.L_simem_size_0:
called_computation_lowered:
.L_overlay_start_0:
0x88: {  	s2 =	sld [smem:$0x3FD9]  }
0x89: {  	s3 =	sld [smem:$0x3FFE];
	_ =	sdelay $0x1  }
0x8a: {  	s1 =	srdreg.scid  }
0x8b: {  	s0 =	sand.u32 $0x1, s1  }
0x8c: {  	s17 =	sshll.u32 s0, $0xA;
	s2 =	sadd.s32 s3, s2  }
0x8d: {  	s2 =	sadd.s32 s2, s17  }
0x8e: {  	[smem:$0x3FC2] =	sst s2  }
0x8f: {  	_ = 	snop  }
0x90: {  	s2 =	sld [smem:$0x3FD0];
	(tm) =	ssettm $0x1  }
0x91: {  	s18 =	sld [smem:$0x3FFB];
	_ =	sdelay $0x3  }
0x92: {  	_ =	strace s18  }
0x93: {  	s3 =	sld [smem:$0x3FFC];
	_ =	sdelay $0x3  }
0x94: {  	_ =	strace s3  }
0x95: {  	s3 =	sld [smem:$0x3FFD];
	_ =	sdelay $0x3  }
0x96: {  	_ =	strace s3  }
0x97: {  	_ =	strace $0x8FFFFFFF  }
0x98: {  	s19 =	sld [smem:$0x3FDB];
	_ =	sdelay $0x1  }
0x99: {  	s4 =	simm.s32 $_scs_section_size  }
0x9a: {  	s5 =	simm.s32 $_size__tile_overlayer_lowered;
	s6 =	simm.s32 $_tile_overlayer_lowered  }
0x9b: {  	s22 =	simm.s32 $0x1BFF;
	s21 =	sshll.u32 s6, $0x1;
	s3 =	sadd.s32 s4, s19  }
0x9c: {  	s7 =	simm.s32 $0x0;
	s20 =	sshll.u32 s5, $0x1;
	s5 =	sadd.s32 s21, s3  }
0x9d: {  	[timem:s7], [sflag:s22] =	dma.local [hbm:s5], s20  }
0x9e: {  	_ =	swait.ge [sflag:s22], s20  }
0x9f: {  	s4 =	ssub.s32 $0x0, s20;
	[sflag:s22] =	ssyncset.done $0x0  }
0xa0: {  	[sflag:s22] =	ssyncadd.s32 s4;
	_ =	sdelay $0x1  }
0xa1: {  	s23 =	simm.s32 $0x1B8B  }
0xa2: {  	_ =	swait.ge [sflag:s23], $0x1  }
0xa3: {  	[sflag:s23] =	ssyncset.done $0x0  }
0xa4: {  	s25 =	simm.s32 $0x1B8E;
	s24 =	sld [smem:$0x3FFE];
	[sflag:s23] =	ssyncadd.s32 $0xFFFFFFFF  }
0xa5: {  	s26 =	simm.s32 $execute0_lowered;
	[smem:$0x3FD2] =	sst s25  }
0xa6: {  	s5 =	sshll.u32 s26, $0x1;
	_ =	strace $0x80000046;
	[dreg:$0x1] =	wrdreg $0xFFFFFFFF  }
0xa7: {  	s28 =	simm.s32 $_size_execute0_lowered;
	s3 =	sadd.s32 s3, s5;
	[dreg:$0x0] =	wrdreg $0x0  }
0xa8: {  	s5 =	sshll.u32 s28, $0x1;
	[dreg:$0x2] =	wrdreg s3  }
0xa9: {  	[dreg:$0x3] =	wrdreg s5  }
0xaa: {  	[dreg:$0x4] =	wrdreg $0xC0  }
0xab: {  	_ =	task [dreg:s7], $0x5FFFF  }
0xac: {  	[dreg:$0x1] =	wrdreg $0xFFFFFFFF  }
0xad: {  	[dreg:$0x0] =	wrdreg $0x60  }
0xae: {  	[dreg:$0x2] =	wrdreg s2  }
0xaf: {  	[dreg:$0x3] =	wrdreg s24  }
0xb0: {  	[dreg:$0x4] =	wrdreg $0x7A800  }
0xb1: {  	[dreg:$0x5] =	wrdreg $0x9  }
0xb2: {  	_ =	task.clear_ibuf [dreg:s7], $0x6FFFF;
	_ =	strace $0x90000046  }
0xb3: {  	s29 =	simm.s32 $0x9;
	_ =	strace $0x80000048  }
0xb4: {  	_ =	swait.ge [sflag:s29], $0x1  }
0xb5: {  	[sflag:s29] =	ssyncadd.s32 $0xFFFFFFFF  }
0xb6: {  	_ =	strace $0x90000048  }
0xb7: {  	_ =	sfence  }
0xb8: {  	s30 =	sld [smem:$0x0];
	_ =	sdelay $0x2  }
0xb9: {  	s31 =	sshll.u32 s1, $0xD;
	s1 =	sshrl.u32 s1, $0x2  }
0xba: {  	s3 =	sand.u32 $0x4000, s31;
	s1 =	sadd.s32 s1, s30  }
0xbb: {  	s0 =	sor.u32 s3, s0;
	s1 =	sshll.u32 s1, $0x11  }
0xbc: {  	s0 =	sor.u32 s1, s0  }
0xbd: {  	s0 =	sadd.s32 $0x8F2B, s0  }
0xbe: {  	[sflag:s0] =	ssyncadd.remote.s32 $0x1  }
0xbf: {  	_ =	sfence.sel $0xFFFF  }
0xc0: {  	[dreg:$0x0] =	wrdreg $0xFFFFFFFF;
	(pc) =	sbr.abs _section_cstart, $3  }
0xc1: {  	[dreg:$0x1] =	wrdreg $0xFFFFFFFF  }
0xc2: {  	_ =	task.clear_ibuf [dreg:s7], $0x2FFFF;
	_ =	strace $0x9FFFFFFF  }
0xc3: {  	(tm) =	ssettm $0x7FFFFFFF  }
tec
execute0_lowered:
.L_overlay_start_1:
0x0: {  	(tag) =	ssettag $0x1  }
0x1: {  	s3 =	rddreg [dreg:$0x0]  }
0x2: {  	s4 =	rddreg [dreg:$0x1]  }
0x3: {  	s5 =	rddreg [dreg:$0x2]  }
0x4: {  	s0 =	rddreg [dreg:$0x3]  }
0x5: {  	s6 =	srdreg.scid;
	s1 =	stileid.u32;
	s2 =	simm.s32 $0x0  }
0x6: {  	s12 =	simm.s32 $0x1400;
	s13 =	simm.s32 $0x14000;
	s14 =	simm.s32 $0x5000  }
0x7: {  	s15 =	simm.s32 $0x100;
	s16 =	simm.s32 $0x7800;
	s6 =	sand.u32 $0x1, s6  }
0x8: {  	s7 =	smul.u32 $0x500, s1;
	[smem:$0x7FF] =	sst s2;
	s25 =	sshll.u32 s1, $0x1  }
0x9: {  	s9 =	sshrl.u32 s1, $0x3;
	s29 =	sshll.u32 s1, $0x7;
	s11 =	smul.u32 $0x5000, s1  }
0xa: {  	s8 =	sshll.u32 s6, $0x7;
	_ =	strace $0x80000047;
	s10 =	ssub.s32 $0x2, s6  }
0xb: {  	s6 =	sor.u32 s6, s25;
	s26 =	smul.u32 $0x50000, s9;
	s30 =	sand.u32 $0x380, s29  }
0xc: {  	s9 =	simm.s32 $0x2800;
	s7 =	sor.u32 s8, s7;
	s28 =	sshrl.u32 s10, $0x1  }
0xd: {  	s6 =	smul.u32 $0x500, s6;
	s31 =	sshrl.u32 s11, $0x2;
	s11 =	simm.s32 $0x400  }
0xe: {  	s7 =	sshrl.u32 s7, $0x3;
	s8 =	sshrl.u32 s26, $0x2;
	s10 =	ssub.s32 s10, s28  }
0xf: {  	s7 =	sadd.s32 s7, s4;
	s8 =	sadd.s32 s8, s5;
	s3 =	sadd.s32 s3, s6  }
0x10: {  	s5 =	sadd.s32 s31, s5;
	s4 =	sadd.s32 s30, s8;
	s6 =	sadd.s32 $0x2A00, s7  }
0x11: {  	v0 =	vimm.f32 $0.0e+00;
	v1 =	vimm.f32 $1.000000000e+00;
	s7 =	smax.u32 s10, $0x1;
	s8 =	simm.s32 $0x1;
	s10 =	simm.s32 $0x80  }
.LBB2_1:
0x12: {  	s17 =	simm.s32 $0x40;
	s18 =	simm.s32 $0x0  }
.LBB2_2:
0x13: {  	p0 =	sne.s32 s17, $0x9FC0;
	[tilespmem:s18+$0x2800] =	vst v0;
	s18 =	smov.u32 s17;
	s17 =	sadd.s32 $0x40, s17  }
.Ltmp0:
0x14: {  	(pc) =	sbr.rel @p0 .LBB2_2-.Ltmp0, $2  }
0x15: {  	_ =	sdelay $0x2  }
0x16: {  	s18 =	sshra.s32 s18, $0x2  }
0x17: {  	[tilespmem:s18+$0x2800] =	vst v0;
	s17 =	simm.s32 $0x0  }
0x18: {  	[tilespmem:s17], [sflag:$0x1] =	stream.linear.gather [hbm4b:s3+s17], $0x2800, $0x38;
	[tilespmem:$0xA280] =	vst v63  }
0x19: {  	_ =	swait.ge [sflag:s8], $0x2800  }
0x1a: {  	[sflag:s8] =	ssyncset.done $0x0  }
0x1b: {  	s18 =	simm.s32 $0x0;
	s17 =	simm.s32 $0x40;
	[sflag:s8] =	ssyncadd.s32 $0xFFFFD800  }
.LBB2_4:
0x1c: {  	p0 =	sne.s32 s17, $0x9FC0;
	v2 =	vld [tilespmem:s18+$0x0];
	_ =	sdelay $0x3  }
.Ltmp1:
0x1d: {  	(pc) =	sbr.rel @p0 .LBB2_4-.Ltmp1, $2  }
0x1e: {  	_ =	sdelay $0x2  }
0x1f: {  	s18 =	sshra.s32 s17, $0x2;
	s17 =	sadd.s32 $0x40, s17;
	[tilespmem:v2+s9+$0x0] =	vst.idx.add.f32.msk $0xffff, v1  }
0x20: {  	v2 =	vld [tilespmem:s18+$0x0];
	_ =	sdelay $0x7  }
0x21: {  	[tilespmem:v2+s9+$0x0] =	vst.idx.add.f32.msk $0xffff, v1  }
0x22: {  	[spmem:s4] =	stream.strided.scatter [tilespmem:s9], [sflag:$0x1], $0x2800, s11, s10, $0x38;
	[tilespmem:$0xA280] =	vst v63  }
0x23: {  	_ =	swait.ge [sflag:s8], $0x2800  }
0x24: {  	[sflag:s8] =	ssyncset.done $0x0  }
0x25: {  	[sflag:s8] =	ssyncadd.s32 $0xFFFFD800  }
0x26: {  	[bflag:$0x0] =	sbarrier.arrive $0xFFFF  }
0x27: {  	[tilespmem:s14], [sflag:$0x1] =	stream.strided.gather [spmem:s5], $0x2800, s13, s12, $0x38;
	[tilespmem:$0xA280] =	vst v63  }
0x28: {  	s17 =	simm.s32 $0x0;
	_ =	swait.ge [sflag:s8], $0x2800  }
0x29: {  	s30 =	sand.u32 $0x70, s17;
	s17 =	sand.u32 $0x1C00, s17;
	[sflag:s8] =	ssyncset.done $0x0  }
0x2a: {  	s17 =	sor.u32 s30, s17;
	[sflag:s8] =	ssyncadd.s32 $0xFFFFD800  }
0x2b: {  	v2 =	vld [tilespmem:s17+$0x5080]  }
0x2c: {  	v3 =	vld [tilespmem:s17+$0x5000];
	_ =	sdelay $0x1  }
0x2d: {  	v4 =	vld [tilespmem:s17+$0x5100];
	_ =	sdelay $0x1  }
0x2e: {  	v5 =	vld [tilespmem:s17+$0x5180]  }
0x2f: {  	v2 =	vadd.f32 v2, v3  }
0x30: {  	v3 =	vld [tilespmem:s17+$0x5200]  }
0x31: {  	v2 =	vadd.f32 v4, v2  }
0x32: {  	v56 =	vld [tilespmem:s17+$0x5280]  }
0x33: {  	v2 =	vadd.f32 v5, v2  }
0x34: {  	v57 =	vld [tilespmem:s17+$0x5300]  }
0x35: {  	v2 =	vadd.f32 v3, v2  }
0x36: {  	v3 =	vld [tilespmem:s17+$0x5380]  }
0x37: {  	v2 =	vadd.f32 v56, v2  }
0x38: {  	v58 =	vld [tilespmem:s17+$0x6400]  }
0x39: {  	v2 =	vadd.f32 v57, v2  }
0x3a: {  	v59 =	vld [tilespmem:s17+$0x6480]  }
0x3b: {  	v2 =	vadd.f32 v3, v2  }
0x3c: {  	v3 =	vld [tilespmem:s17+$0x6500]  }
0x3d: {  	v2 =	vadd.f32 v58, v2  }
0x3e: {  	v60 =	vld [tilespmem:s17+$0x6580]  }
0x3f: {  	v2 =	vadd.f32 v59, v2  }
0x40: {  	v61 =	vld [tilespmem:s17+$0x6600]  }
0x41: {  	v2 =	vadd.f32 v3, v2  }
0x42: {  	v3 =	vld [tilespmem:s17+$0x6680]  }
0x43: {  	v2 =	vadd.f32 v60, v2  }
0x44: {  	v62 =	vld [tilespmem:s17+$0x6700]  }
0x45: {  	v2 =	vadd.f32 v61, v2  }
0x46: {  	v63 =	vld [tilespmem:s17+$0x6780]  }
0x47: {  	v2 =	vadd.f32 v3, v2;
	_ =	sdelay $0x1  }
0x48: {  	v2 =	vadd.f32 v62, v2;
	_ =	sdelay $0x1  }
0x49: {  	s31 =	simm.s32 $0x10;
	s19 =	simm.s32 $0x80;
	v2 =	vadd.f32 v63, v2  }
0x4a: {  	s18 =	sand.u32 $0x70, s31;
	s20 =	sand.u32 $0x1C00, s19;
	s17 =	simm.s32 $0x7800  }
0x4b: {  	s18 =	sor.u32 s18, s20;
	s20 =	simm.s32 $0x20;
	[tilespmem:s17+$0x0] =	vst v2  }
.LBB2_6:
0x4c: {  	p0 =	sne.s32 s20, $0x270;
	v2 =	vld [tilespmem:s18+$0x5080]  }
0x4d: {  	v3 =	vld [tilespmem:s18+$0x5000];
	_ =	sdelay $0x1  }
0x4e: {  	v4 =	vld [tilespmem:s18+$0x5100];
	_ =	sdelay $0x1  }
0x4f: {  	v5 =	vld [tilespmem:s18+$0x5180]  }
0x50: {  	v2 =	vadd.f32 v2, v3  }
0x51: {  	v3 =	vld [tilespmem:s18+$0x5200]  }
0x52: {  	v2 =	vadd.f32 v4, v2  }
0x53: {  	v4 =	vld [tilespmem:s18+$0x5280]  }
0x54: {  	v2 =	vadd.f32 v5, v2  }
0x55: {  	v5 =	vld [tilespmem:s18+$0x5300]  }
0x56: {  	v2 =	vadd.f32 v3, v2  }
0x57: {  	v3 =	vld [tilespmem:s18+$0x5380]  }
0x58: {  	v2 =	vadd.f32 v4, v2  }
0x59: {  	v4 =	vld [tilespmem:s18+$0x6400]  }
0x5a: {  	v2 =	vadd.f32 v5, v2  }
0x5b: {  	v5 =	vld [tilespmem:s18+$0x6480]  }
0x5c: {  	v2 =	vadd.f32 v3, v2  }
0x5d: {  	v3 =	vld [tilespmem:s18+$0x6500]  }
0x5e: {  	v2 =	vadd.f32 v4, v2  }
0x5f: {  	v4 =	vld [tilespmem:s18+$0x6580]  }
0x60: {  	v2 =	vadd.f32 v5, v2  }
0x61: {  	v5 =	vld [tilespmem:s18+$0x6600]  }
0x62: {  	v2 =	vadd.f32 v3, v2  }
0x63: {  	v3 =	vld [tilespmem:s18+$0x6680]  }
0x64: {  	v2 =	vadd.f32 v4, v2  }
0x65: {  	v4 =	vld [tilespmem:s18+$0x6700]  }
0x66: {  	v2 =	vadd.f32 v5, v2  }
0x67: {  	v5 =	vld [tilespmem:s18+$0x6780]  }
0x68: {  	v2 =	vadd.f32 v3, v2;
	_ =	sdelay $0x1  }
.Ltmp2:
0x69: {  	v2 =	vadd.f32 v4, v2;
	(pc) =	sbr.rel @p0 .LBB2_6-.Ltmp2, $4  }
0x6a: {  	_ = 	snop  }
0x6b: {  	s19 =	sadd.s32 $0x80, s19;
	v2 =	vadd.f32 v5, v2  }
0x6c: {  	s17 =	sadd.s32 $0x10, s17;
	s21 =	sand.u32 $0x1C00, s19;
	s18 =	sand.u32 $0x70, s20  }
0x6d: {  	s20 =	sadd.s32 $0x10, s20;
	s18 =	sor.u32 s18, s21;
	[tilespmem:s17+$0x0] =	vst v2  }
0x6e: {  	v2 =	vld [tilespmem:s18+$0x5080]  }
0x6f: {  	v3 =	vld [tilespmem:s18+$0x5000];
	_ =	sdelay $0x1  }
0x70: {  	v4 =	vld [tilespmem:s18+$0x5100];
	_ =	sdelay $0x1  }
0x71: {  	v5 =	vld [tilespmem:s18+$0x5180]  }
0x72: {  	v2 =	vadd.f32 v2, v3  }
0x73: {  	v3 =	vld [tilespmem:s18+$0x5200]  }
0x74: {  	v2 =	vadd.f32 v4, v2  }
0x75: {  	v56 =	vld [tilespmem:s18+$0x5280]  }
0x76: {  	v2 =	vadd.f32 v5, v2  }
0x77: {  	v57 =	vld [tilespmem:s18+$0x5300]  }
0x78: {  	v2 =	vadd.f32 v3, v2  }
0x79: {  	v3 =	vld [tilespmem:s18+$0x5380]  }
0x7a: {  	v2 =	vadd.f32 v56, v2  }
0x7b: {  	v58 =	vld [tilespmem:s18+$0x6400]  }
0x7c: {  	v2 =	vadd.f32 v57, v2  }
0x7d: {  	v59 =	vld [tilespmem:s18+$0x6480]  }
0x7e: {  	v2 =	vadd.f32 v3, v2  }
0x7f: {  	v3 =	vld [tilespmem:s18+$0x6500]  }
0x80: {  	v2 =	vadd.f32 v58, v2  }
0x81: {  	v60 =	vld [tilespmem:s18+$0x6580]  }
0x82: {  	v2 =	vadd.f32 v59, v2  }
0x83: {  	v61 =	vld [tilespmem:s18+$0x6600]  }
0x84: {  	v2 =	vadd.f32 v3, v2  }
0x85: {  	v3 =	vld [tilespmem:s18+$0x6680]  }
0x86: {  	v2 =	vadd.f32 v60, v2  }
0x87: {  	v62 =	vld [tilespmem:s18+$0x6700]  }
0x88: {  	v2 =	vadd.f32 v61, v2  }
0x89: {  	v63 =	vld [tilespmem:s18+$0x6780]  }
0x8a: {  	v2 =	vadd.f32 v3, v2;
	_ =	sdelay $0x1  }
0x8b: {  	v2 =	vadd.f32 v62, v2;
	_ =	sdelay $0x1  }
0x8c: {  	s2 =	sadd.s32 $0x1, s2;
	v2 =	vadd.f32 v63, v2  }
0x8d: {  	s17 =	sadd.s32 $0x10, s17;
	p0 =	sne.s32 s2, s7  }
.Ltmp3:
0x8e: {  	[tilespmem:s17+$0x0] =	vst v2;
	(pc) =	sbr.rel @p0 .LBB2_1-.Ltmp3, $4  }
0x8f: {  	[hbm4b:s6+s10] =	stream.strided.scatter [tilespmem:s16], [sflag:$0x1], $0x280, s15, s10, $0x38;
	[tilespmem:$0xA280] =	vst v63  }
0x90: {  	_ =	swait.ge [sflag:s8], $0x280  }
0x91: {  	[sflag:s8] =	ssyncset.done $0x0  }
0x92: {  	[sflag:s8] =	ssyncadd.s32 $0xFFFFFD80  }
0x93: {  	_ =	sfence.sel $0x180000  }
0x94: {  	[bflag:$0x0] =	sbarrier.arrive $0xFFFF  }
0x95: {  	p0 =	sne.s32 s1, $0x0;
	_ =	strace $0x90000047  }
0x96: {  	s0 =	sadd.s32 @!p0 $0x100000, s0;
	[bflag:$0x2] =	sbarrier.arrive $0xFFFF  }
0x97: {  	[sflag:s0] =	ssyncadd.tile.s32 @!p0 $0x1;
	_ =	shalt  }
.Lfunc_end2:
_tile_overlayer_lowered:
.L_overlay_start_2:
0x98: {  	(tag) =	ssettag $0x2  }
0x99: {  	s0 =	rddreg [dreg:$0x0];
	s2 =	stileid.u32  }
0x9a: {  	s1 =	rddreg [dreg:$0x1];
	p0 =	sne.s32 s2, $0x0  }
0x9b: {  	s3 =	rddreg [dreg:$0x2];
	[bflag:$0x3] =	sbarrier.arrive $0xFFFF;
	s2 =	simm.s32 @!p0 $0x1C01  }
0x9c: {  	[timem:s3], [sflag:s2] =	dma.local @!p0 [hbm:s0], s1  }
0x9d: {  	s0 =	simm.s32 @!p0 $0x1  }
0x9e: {  	_ =	swait.ge @!p0 [sflag:s0], s1  }
0x9f: {  	s1 =	ssub.s32 @!p0 $0x0, s1;
	[sflag:s0] =	ssyncset.done @!p0 $0x0  }
0xa0: {  	[sflag:s0] =	ssyncadd.s32 @!p0 s1  }
0xa1: {  	[bflag:$0x3] =	sbarrier.arrive $0xFFFF  }
0xa2: {  	_ =	shalt  }

</sc_bundles>
